<compile_context>
chip_gen: v7x
topology: tpu7x:2x2x1
jax: 0.10.2.dev20260603
libtpu: 0.0.44.dev20260713+nightly
codegen_flags: <defaults>
</compile_context>

<pallas_src>
import jax
import jax.numpy as jnp
from jax import lax
from jax.experimental import pallas as pl
from jax.experimental.pallas import tpu as pltpu
from jax.experimental.pallas import tpu_sc as plsc

N = 10000
E = 320000
D = 128
NID = 1000
MLP_H = 256
C_OUT = 6

NC = 2
NS = 16
NW = NC * NS
CH = 125
EPW = E // NW
NCHUNK = EPW // CH
GCH = 8
NGROUP = NCHUNK // GCH
NP = 10240
ROWS_PER_TILE = NP // NS

import functools


@functools.cache
def _mesh():
    return plsc.VectorSubcoreMesh(
        core_axis_name="c", subcore_axis_name="s",
        num_cores=NC, num_subcores=NS)


NSUPER = NCHUNK // 16


def _make_seg(with_deg):
    def body(*args):
        if with_deg:
            (h_hbm, edge_hbm, zeros_hbm, agg_out, deg_out,
             ies, ied, ios, iod, rba, rbb,
             semga, semgb, semsa, semsb, acc, hist) = args
        else:
            (h_hbm, edge_hbm, zeros_hbm, agg_out,
             ies, ied, ios, iod, rba, rbb,
             semga, semgb, semsa, semsb, acc) = args

        cid = lax.axis_index("c")
        sid = lax.axis_index("s")
        wid = sid * NC + cid
        r0 = sid * ROWS_PER_TILE
        base = wid * NCHUNK

        pltpu.sync_copy(zeros_hbm.at[pl.ds(r0, ROWS_PER_TILE)],
                        acc.at[pl.ds(r0, ROWS_PER_TILE)])
        if with_deg:
            zv = jnp.zeros((16,), jnp.float32)

            def z(i, c):
                hist[pl.ds(i * 16, 16)] = zv
                return c

            lax.fori_loop(0, NP // 16, z, 0)
        plsc.subcore_barrier()

        ones = jnp.ones((16,), jnp.float32)
        tmask = jnp.arange(16, dtype=jnp.int32) >= 3

        def stage(g, bs, bd):
            pltpu.sync_copy(edge_hbm.at[pl.ds(base + g * GCH, GCH)], bs)
            pltpu.sync_copy(
                edge_hbm.at[pl.ds(NW * NCHUNK + base + g * GCH, GCH)], bd)

        def start_g(rb, sem, bs, row):
            pltpu.async_copy(h_hbm.at[bs.at[row]], rb, sem)

        def wait_g(rb, sem):
            pltpu.make_async_copy(h_hbm.at[ies.at[0]], rb, sem).wait()

        def issue_s(rb, sem, bd, row):
            pltpu.async_copy(rb, acc.at[bd.at[row]], sem, add=True)

        def wait_s(sem):
            pltpu.make_async_copy(rba, acc.at[ied.at[0]], sem).wait()

        def hist_upd(bd, row):
            for k in range(7):
                plsc.addupdate_scatter(
                    hist, [bd[row, pl.ds(k * 16, 16)]], ones)
            plsc.addupdate_scatter(
                hist, [bd[row, pl.ds(CH - 16, 16)]], ones, mask=tmask)

        def step(j, cur_rb, cur_semg, cur_sems, oth_rb, oth_semg, oth_sems,
                 bs_cur, srow, bd_prev, prow):
            @pl.when(j >= 2)
            def _():
                wait_s(cur_sems)

            start_g(cur_rb, cur_semg, bs_cur, srow)

            @pl.when(j >= 1)
            def _():
                wait_g(oth_rb, oth_semg)
                issue_s(oth_rb, oth_sems, bd_prev, prow)

            if with_deg:
                @pl.when(j >= 1)
                def _():
                    hist_upd(bd_prev, prow)

        bufs = ((rba, semga, semsa), (rbb, semgb, semsb))

        def super_body(sg, carry):
            stage(2 * sg, ies, ied)
            for local in range(16):
                j = 16 * sg + local
                if local == 8:
                    stage(2 * sg + 1, ios, iod)
                cur = bufs[local % 2]
                oth = bufs[1 - local % 2]
                bs_cur, srow = (ies, local) if local < 8 else (ios, local - 8)
                if local == 0:
                    bd_prev, prow = iod, 7
                elif local <= 8:
                    bd_prev, prow = ied, local - 1
                else:
                    bd_prev, prow = iod, local - 9
                step(j, *cur, *oth, bs_cur, srow, bd_prev, prow)
            return carry

        lax.fori_loop(0, NSUPER, super_body, 0)

        wait_g(rbb, semgb)
        issue_s(rbb, semsb, iod, 7)
        if with_deg:
            hist_upd(iod, 7)
        wait_s(semsa)
        wait_s(semsb)
        plsc.subcore_barrier()

        pltpu.sync_copy(acc.at[pl.ds(r0, ROWS_PER_TILE)],
                        agg_out.at[pl.ds(cid * NP + r0, ROWS_PER_TILE)])
        if with_deg:
            pltpu.sync_copy(hist, deg_out.at[pl.ds(wid * NP, NP)])

    out_type = [jax.ShapeDtypeStruct((NC * NP, D), jnp.float32)]
    if with_deg:
        out_type.append(jax.ShapeDtypeStruct((NW * NP,), jnp.float32))
    scratch = [
        pltpu.VMEM((GCH, CH), jnp.int32),
        pltpu.VMEM((GCH, CH), jnp.int32),
        pltpu.VMEM((GCH, CH), jnp.int32),
        pltpu.VMEM((GCH, CH), jnp.int32),
        pltpu.VMEM((CH, D), jnp.float32),
        pltpu.VMEM((CH, D), jnp.float32),
        pltpu.SemaphoreType.DMA,
        pltpu.SemaphoreType.DMA,
        pltpu.SemaphoreType.DMA,
        pltpu.SemaphoreType.DMA,
        pltpu.VMEM_SHARED((NP, D), jnp.float32),
    ]
    if with_deg:
        scratch.append(pltpu.VMEM((NP,), jnp.float32))
    return pl.kernel(
        body,
        out_type=tuple(out_type),
        mesh=_mesh(),
        compiler_params=pltpu.CompilerParams(needs_layout_passes=False),
        scratch_types=scratch,
    )


@functools.cache
def _seg_sum_deg():
    return _make_seg(True)


@functools.cache
def _seg_sum():
    return _make_seg(False)


BLK = 2048


def _id_mask(i, id_ref):
    rows = i * BLK + lax.broadcasted_iota(jnp.int32, (BLK, 1), 0)
    m = None
    for k in range(id_ref.shape[0]):
        eq = rows == id_ref[k, :][None, :]
        mk = jnp.any(eq, axis=1, keepdims=True)
        m = mk if m is None else (m | mk)
    return m


def _pre_body(x_ref, id_ref, ws_ref, wi_ref, b_ref, o_ref):
    i = pl.program_id(0)
    h = x_ref[...]
    st = jnp.dot(h, ws_ref[...], preferred_element_type=jnp.float32)
    it = jnp.dot(h, wi_ref[...], preferred_element_type=jnp.float32)
    o_ref[...] = jnp.where(_id_mask(i, id_ref), it, st) + b_ref[...]


def _agg_mean(agg_ref, deg_ref):
    agg = agg_ref[0] + agg_ref[1]
    deg = lax.dot_general(deg_ref[...], jnp.ones((NW, 1), jnp.float32),
                          (((0,), (0,)), ((), ())),
                          preferred_element_type=jnp.float32)
    return agg / jnp.maximum(deg, 1.0)


def _post_body(sel_ref, agg_ref, deg_ref, wn_ref, o_ref):
    nb = jnp.dot(_agg_mean(agg_ref, deg_ref), wn_ref[...],
                 preferred_element_type=jnp.float32)
    o_ref[...] = jnp.maximum(sel_ref[...] + nb, 0.0)


def _post_mlp_body(sel_ref, agg_ref, deg_ref, wn_ref, w1_ref, b1_ref,
                   w2_ref, b2_ref, o_ref):
    nb = jnp.dot(_agg_mean(agg_ref, deg_ref), wn_ref[...],
                 preferred_element_type=jnp.float32)
    h2 = jnp.maximum(sel_ref[...] + nb, 0.0)
    z = jnp.maximum(
        jnp.dot(h2, w1_ref[...], preferred_element_type=jnp.float32)
        + b1_ref[...], 0.0)
    o_ref[...] = jnp.dot(z, w2_ref[...],
                         preferred_element_type=jnp.float32) + b2_ref[...]


def _row_spec(width):
    return pl.BlockSpec((BLK, width), lambda i: (i, 0))


def _full_spec(shape):
    nd = len(shape)
    return pl.BlockSpec(shape, lambda i, _n=nd: (0,) * _n)


_pre = pl.pallas_call(
    _pre_body,
    grid=(NP // BLK,),
    in_specs=[
        _row_spec(D),
        _full_spec((8, 128)),
        _full_spec((D, D)),
        _full_spec((D, D)),
        _full_spec((1, D)),
    ],
    out_specs=_row_spec(D),
    out_shape=jax.ShapeDtypeStruct((NP, D), jnp.float32),
)

_POST_SPECS = [
    _row_spec(D),
    pl.BlockSpec((NC, BLK, D), lambda i: (0, i, 0)),
    pl.BlockSpec((NW, BLK), lambda i: (0, i)),
    _full_spec((D, D)),
]

_post = pl.pallas_call(
    _post_body,
    grid=(NP // BLK,),
    in_specs=_POST_SPECS,
    out_specs=_row_spec(D),
    out_shape=jax.ShapeDtypeStruct((NP, D), jnp.float32),
)

_post_mlp = pl.pallas_call(
    _post_mlp_body,
    grid=(NP // BLK,),
    in_specs=_POST_SPECS + [
        _full_spec((D, MLP_H)),
        _full_spec((1, MLP_H)),
        _full_spec((MLP_H, 128)),
        _full_spec((1, 128)),
    ],
    out_specs=_row_spec(128),
    out_shape=jax.ShapeDtypeStruct((NP, 128), jnp.float32),
)


def kernel(x, edge_index, id_index, extra, W_self_0, W_id_0, W_nb_0, b_0,
           W_self_1, W_id_1, W_nb_1, b_1, W_mlp1, b_mlp1, W_mlp2, b_mlp2):
    f32 = jnp.float32
    edges = edge_index.reshape(2 * NW * NCHUNK, CH)
    zeros_nd = jnp.zeros((NP, D), f32)
    x_pad = jnp.zeros((NP, D), f32).at[:N].set(x)
    idp = jnp.full((1024,), -1, jnp.int32).at[:NID].set(id_index).reshape(8, 128)
    W2p = jnp.zeros((MLP_H, 128), f32).at[:, :C_OUT].set(W_mlp2)
    b2p = jnp.zeros((1, 128), f32).at[0, :C_OUT].set(b_mlp2)

    sel1 = _pre(x_pad, idp, W_self_0, W_id_0, b_0.reshape(1, D))
    agg0, deghist = _seg_sum_deg()(x_pad, edges, zeros_nd)
    deg = deghist.reshape(NW, NP)
    h1 = _post(sel1, agg0.reshape(NC, NP, D), deg, W_nb_0)
    sel2 = _pre(h1, idp, W_self_1, W_id_1, b_1.reshape(1, D))
    (agg1,) = _seg_sum()(h1, edges, zeros_nd)
    out_pad = _post_mlp(sel2, agg1.reshape(NC, NP, D), deg, W_nb_1,
                        W_mlp1, b_mlp1.reshape(1, MLP_H), W2p, b2p)
    return out_pad[:N, :C_OUT]

# --- scband reference (transcript-rebuilt; emitter-appended) ---
"""Pipeline reference for scband-idsagemodel-10986526343327 (READ-ONLY COPY).

The authoritative reference and input builder live on the scoring server;
editing this copy changes nothing except your own understanding.
"""

import jax, jax.numpy as jnp
import numpy as np

N = 10000
E = 320000
D = 128
H = 128
NID = 1000
MLP_H = 256
C = 6


def _glorot(key, shape):
    lim = float(np.sqrt(6.0 / (shape[0] + shape[1])))
    return jax.random.uniform(key, shape, jnp.float32, -lim, lim)


def setup_inputs(seed: int = 0):
    key = jax.random.key(seed)
    ks = jax.random.split(key, 16)
    inp = {}
    inp['x'] = jax.random.normal(ks[0], (N, D), jnp.float32)
    inp['edge_index'] = jax.random.randint(ks[1], (2, E), 0, N, jnp.int32)
    inp['id_index'] = jax.random.randint(ks[2], (NID,), 0, N, jnp.int32)
    inp['extra'] = jnp.zeros((1,), jnp.int32)
    inp['W_self_0'] = _glorot(ks[3], (D, H))
    inp['W_id_0'] = _glorot(ks[4], (D, H))
    inp['W_nb_0'] = _glorot(ks[5], (D, H))
    inp['b_0'] = jnp.zeros((H,), jnp.float32)
    inp['W_self_1'] = _glorot(ks[6], (H, H))
    inp['W_id_1'] = _glorot(ks[7], (H, H))
    inp['W_nb_1'] = _glorot(ks[8], (H, H))
    inp['b_1'] = jnp.zeros((H,), jnp.float32)
    inp['W_mlp1'] = _glorot(ks[9], (H, MLP_H))
    inp['b_mlp1'] = jnp.zeros((MLP_H,), jnp.float32)
    inp['W_mlp2'] = _glorot(ks[10], (MLP_H, C))
    inp['b_mlp2'] = jnp.zeros((C,), jnp.float32)
    return inp


def _sage(h, edge_index, id_index, Ws, Wi, Wn, b):
    src = edge_index[0]
    dst = edge_index[1]
    # mean aggregation of neighbor messages (gather + scatter-add)
    agg = jax.ops.segment_sum(h[src], dst, num_segments=h.shape[0])
    deg = jax.ops.segment_sum(jnp.ones((src.shape[0], 1), h.dtype), dst, num_segments=h.shape[0])
    agg = agg / jnp.maximum(deg, 1.0)
    # ID-GNN: identity-colored nodes use a distinct self-transform
    self_t = h @ Ws
    self_t = self_t.at[id_index].set(h[id_index] @ Wi)
    return jax.nn.relu(self_t + agg @ Wn + b)


def reference(x, edge_index, id_index, extra, W_self_0, W_id_0, W_nb_0, b_0, W_self_1, W_id_1, W_nb_1, b_1, W_mlp1, b_mlp1, W_mlp2, b_mlp2):
    h = _sage(x, edge_index, id_index, W_self_0, W_id_0, W_nb_0, b_0)
    h = _sage(h, edge_index, id_index, W_self_1, W_id_1, W_nb_1, b_1)
    h = jax.nn.relu(h @ W_mlp1 + b_mlp1)
    out = h @ W_mlp2 + b_mlp2
    return out

if __name__ == "__main__":
    import jax
    _d = setup_inputs()
    print(jax.jit(kernel)(*tuple(_d.values())))

</pallas_src>

<mosaic_0001>
#map = affine_map<(d0, d1) -> (0, 0)>
module attributes {stable_mosaic.version = 14 : i64} {
  func.func @body(%arg0: i32, %arg1: i32, %arg2: memref<10240x128xf32, #tpu.memory_space<hbm>>, %arg3: memref<5120x125xi32, #tpu.memory_space<hbm>>, %arg4: memref<10240x128xf32, #tpu.memory_space<hbm>>, %arg5: memref<20480x128xf32, #tpu.memory_space<hbm>>, %arg6: memref<8x125xi32, #tpu.memory_space<vmem>>, %arg7: memref<8x125xi32, #tpu.memory_space<vmem>>, %arg8: memref<8x125xi32, #tpu.memory_space<vmem>>, %arg9: memref<8x125xi32, #tpu.memory_space<vmem>>, %arg10: memref<125x128xf32, #tpu.memory_space<vmem>>, %arg11: memref<125x128xf32, #tpu.memory_space<vmem>>, %arg12: memref<!tpu.dma_semaphore, #tpu.memory_space<semaphore_mem>>, %arg13: memref<!tpu.dma_semaphore, #tpu.memory_space<semaphore_mem>>, %arg14: memref<!tpu.dma_semaphore, #tpu.memory_space<semaphore_mem>>, %arg15: memref<!tpu.dma_semaphore, #tpu.memory_space<semaphore_mem>>, %arg16: memref<10240x128xf32, #tpu.memory_space<vmem_shared>>) attributes {dimension_semantics = [#tpu.dimension_semantics<core_parallel>, #tpu.dimension_semantics<subcore_parallel>], iteration_bounds = array<i64: 2, 16>, scalar_prefetch = 0 : i64, scratch_operands = 11 : i64, tpu.core_type = #tpu.core_type<sc_vector_subcore>, window_params = [{transform_indices = #map}, {transform_indices = #map}, {transform_indices = #map}, {transform_indices = #map}]} {
    %mul3A = arith.constant 2 : i32
    %mul3A_0 = arith.muli %arg1, %mul3A : i32
    %add3A = arith.addi %mul3A_0, %arg0 : i32
    %mul3A_1 = arith.constant 640 : i32
    %mul3A_2 = arith.muli %arg1, %mul3A_1 : i32
    %mul3A_3 = arith.constant 80 : i32
    %mul3A_4 = arith.muli %add3A, %mul3A_3 : i32
    "tpu.region"() ({
      %run_scoped3A = tpu.sem_alloc : memref<!tpu.dma_semaphore, #tpu.memory_space<semaphore_mem>>
      %dma_start3A_43 = arith.constant 0 : i32
      %dma_start3A_44 = tpu.memref_slice %arg16[%mul3A_2, %dma_start3A_43] : memref<10240x128xf32, #tpu.memory_space<vmem_shared>> -> memref<640x128xf32, #tpu.memory_space<vmem_shared>>
      %dma_start3A_45 = arith.constant 0 : i32
      %dma_start3A_46 = tpu.memref_slice %arg4[%mul3A_2, %dma_start3A_45] : memref<10240x128xf32, #tpu.memory_space<hbm>> -> memref<640x128xf32, #tpu.memory_space<hbm>>
      tpu.enqueue_dma source(%dma_start3A_46 : memref<640x128xf32, #tpu.memory_space<hbm>>) target(%dma_start3A_44 : memref<640x128xf32, #tpu.memory_space<vmem_shared>>) target_semaphore(%run_scoped3A : memref<!tpu.dma_semaphore, #tpu.memory_space<semaphore_mem>>)
      %dma_wait3A_47 = arith.constant 0 : i32
      %dma_wait3A_48 = tpu.memref_slice %arg16[%mul3A_2, %dma_wait3A_47] : memref<10240x128xf32, #tpu.memory_space<vmem_shared>> -> memref<640x128xf32, #tpu.memory_space<vmem_shared>>
      %dma_wait3A_49 = arith.constant 0 : i32
      %dma_wait3A_50 = tpu.memref_slice %arg4[%mul3A_2, %dma_wait3A_49] : memref<10240x128xf32, #tpu.memory_space<hbm>> -> memref<640x128xf32, #tpu.memory_space<hbm>>
      tpu.wait_dma2 semaphore(%run_scoped3A : memref<!tpu.dma_semaphore, #tpu.memory_space<semaphore_mem>>) src(%dma_wait3A_50 : memref<640x128xf32, #tpu.memory_space<hbm>>) dst(%dma_wait3A_48 : memref<640x128xf32, #tpu.memory_space<vmem_shared>>)
      tpu.yield
    }) : () -> ()
    %barrier3A = arith.constant 0 : index
    tpu.barrier barrier_id(%barrier3A)
    %broadcast_in_dim3A = arith.constant 1.000000e+00 : f32
    %broadcast_in_dim3A_5 = vector.broadcast %broadcast_in_dim3A : f32 to vector<16xf32>
    %iota3A = tpu.iota {dimensions = array<i32: 0>} : vector<16xi32>
    %ge3A = arith.constant 3 : i32
    %ge3A_6 = vector.broadcast %ge3A : i32 to vector<16xi32>
    %ge3A_7 = arith.cmpi sge, %iota3A, %ge3A_6 : vector<16xi32>
    %scan3A = arith.constant 0 : i32
    %scan3A_8 = arith.constant 0 : i32
    %scan3A_9 = arith.constant 5 : i32
    %scan3A_10 = arith.addi %scan3A_8, %scan3A_9 : i32
    %scan3A_11 = arith.constant 1 : i32
    scf.for %scan3A_43 = %scan3A_8 to %scan3A_10 step %scan3A_11  : i32 {
      %mul3A_44 = arith.constant 2 : i32
      %mul3A_45 = arith.muli %mul3A_44, %scan3A_43 : i32
      %mul3A_46 = arith.constant 8 : i32
      %mul3A_47 = arith.muli %mul3A_45, %mul3A_46 : i32
      %add3A_48 = arith.addi %mul3A_4, %mul3A_47 : i32
      "tpu.region"() ({
        %run_scoped3A = tpu.sem_alloc : memref<!tpu.dma_semaphore, #tpu.memory_space<semaphore_mem>>
        %dma_start3A_400 = arith.constant 0 : i32
        %dma_start3A_401 = tpu.memref_slice %arg3[%add3A_48, %dma_start3A_400] : memref<5120x125xi32, #tpu.memory_space<hbm>> -> memref<8x125xi32, #tpu.memory_space<hbm>>
        %dma_start3A_402 = arith.constant 0 : i32
        %dma_start3A_403 = tpu.memref_slice %arg3[%add3A_48, %dma_start3A_402] : memref<5120x125xi32, #tpu.memory_space<hbm>> -> memref<8x125xi32, #tpu.memory_space<hbm>>
        tpu.enqueue_dma source(%dma_start3A_403 : memref<8x125xi32, #tpu.memory_space<hbm>>) target(%arg6 : memref<8x125xi32, #tpu.memory_space<vmem>>) target_semaphore(%run_scoped3A : memref<!tpu.dma_semaphore, #tpu.memory_space<semaphore_mem>>)
        %dma_wait3A_404 = arith.constant 0 : i32
        %dma_wait3A_405 = tpu.memref_slice %arg3[%add3A_48, %dma_wait3A_404] : memref<5120x125xi32, #tpu.memory_space<hbm>> -> memref<8x125xi32, #tpu.memory_space<hbm>>
        %dma_wait3A_406 = arith.constant 0 : i32
        %dma_wait3A_407 = tpu.memref_slice %arg3[%add3A_48, %dma_wait3A_406] : memref<5120x125xi32, #tpu.memory_space<hbm>> -> memref<8x125xi32, #tpu.memory_space<hbm>>
        tpu.wait_dma2 semaphore(%run_scoped3A : memref<!tpu.dma_semaphore, #tpu.memory_space<semaphore_mem>>) src(%dma_wait3A_407 : memref<8x125xi32, #tpu.memory_space<hbm>>) dst(%arg6 : memref<8x125xi32, #tpu.memory_space<vmem>>)
        tpu.yield
      }) : () -> ()
      %add3A_49 = arith.constant 2560 : i32
      %add3A_50 = arith.addi %add3A_49, %mul3A_4 : i32
      %mul3A_51 = arith.constant 8 : i32
      %mul3A_52 = arith.muli %mul3A_45, %mul3A_51 : i32
      %add3A_53 = arith.addi %add3A_50, %mul3A_52 : i32
      "tpu.region"() ({
        %run_scoped3A = tpu.sem_alloc : memref<!tpu.dma_semaphore, #tpu.memory_space<semaphore_mem>>
        %dma_start3A_400 = arith.constant 0 : i32
        %dma_start3A_401 = tpu.memref_slice %arg3[%add3A_53, %dma_start3A_400] : memref<5120x125xi32, #tpu.memory_space<hbm>> -> memref<8x125xi32, #tpu.memory_space<hbm>>
        %dma_start3A_402 = arith.constant 0 : i32
        %dma_start3A_403 = tpu.memref_slice %arg3[%add3A_53, %dma_start3A_402] : memref<5120x125xi32, #tpu.memory_space<hbm>> -> memref<8x125xi32, #tpu.memory_space<hbm>>
        tpu.enqueue_dma source(%dma_start3A_403 : memref<8x125xi32, #tpu.memory_space<hbm>>) target(%arg7 : memref<8x125xi32, #tpu.memory_space<vmem>>) target_semaphore(%run_scoped3A : memref<!tpu.dma_semaphore, #tpu.memory_space<semaphore_mem>>)
        %dma_wait3A_404 = arith.constant 0 : i32
        %dma_wait3A_405 = tpu.memref_slice %arg3[%add3A_53, %dma_wait3A_404] : memref<5120x125xi32, #tpu.memory_space<hbm>> -> memref<8x125xi32, #tpu.memory_space<hbm>>
        %dma_wait3A_406 = arith.constant 0 : i32
        %dma_wait3A_407 = tpu.memref_slice %arg3[%add3A_53, %dma_wait3A_406] : memref<5120x125xi32, #tpu.memory_space<hbm>> -> memref<8x125xi32, #tpu.memory_space<hbm>>
        tpu.wait_dma2 semaphore(%run_scoped3A : memref<!tpu.dma_semaphore, #tpu.memory_space<semaphore_mem>>) src(%dma_wait3A_407 : memref<8x125xi32, #tpu.memory_space<hbm>>) dst(%arg7 : memref<8x125xi32, #tpu.memory_space<vmem>>)
        tpu.yield
      }) : () -> ()
      %mul3A_54 = arith.constant 16 : i32
      %mul3A_55 = arith.muli %mul3A_54, %scan3A_43 : i32
      %add3A_56 = arith.constant 0 : i32
      %add3A_57 = arith.addi %mul3A_55, %add3A_56 : i32
      %ge3A_58 = arith.constant 2 : i32
      %ge3A_59 = arith.cmpi sge, %add3A_57, %ge3A_58 : i32
      %convert_element_type3A = arith.extui %ge3A_59 : i1 to i32
      %cond3A = arith.constant 0 : i32
      %cond3A_60 = arith.cmpi ne, %convert_element_type3A, %cond3A : i32
      scf.if %cond3A_60 {
        %dma_wait3A_400 = arith.constant 0 : i32
        %dma_wait3A_401 = arith.constant 0 : i32
        %dma_wait3A_402 = tpu.memref_slice %arg7[%dma_wait3A_400, %dma_wait3A_401] : memref<8x125xi32, #tpu.memory_space<vmem>> -> memref<1x125xi32, #tpu.memory_space<vmem>>
        %dma_wait3A_403 = tpu.memref_squeeze %dma_wait3A_402 : memref<1x125xi32, #tpu.memory_space<vmem>> -> memref<125xi32, #tpu.memory_space<vmem>>
        %dma_wait3A_404 = arith.constant 0 : i32
        %dma_wait3A_405 = arith.constant 0 : i32
        %dma_wait3A_406 = tpu.memref_slice %arg16[%dma_wait3A_404, %dma_wait3A_405] : memref<10240x128xf32, #tpu.memory_space<vmem_shared>> -> memref<10240x128xf32, #tpu.memory_space<vmem_shared>>
        tpu.wait_indirect_dma semaphore(%arg14 : memref<!tpu.dma_semaphore, #tpu.memory_space<semaphore_mem>>) src(%arg10 : memref<125x128xf32, #tpu.memory_space<vmem>>) dst(%dma_wait3A_406 : memref<10240x128xf32, #tpu.memory_space<vmem_shared>>)
      } else {
      }
      %dma_start3A_61 = arith.constant 0 : i32
      %dma_start3A_62 = arith.constant 0 : i32
      %dma_start3A_63 = tpu.memref_slice %arg6[%dma_start3A_61, %dma_start3A_62] : memref<8x125xi32, #tpu.memory_space<vmem>> -> memref<1x125xi32, #tpu.memory_space<vmem>>
      %dma_start3A_64 = tpu.memref_squeeze %dma_start3A_63 : memref<1x125xi32, #tpu.memory_space<vmem>> -> memref<125xi32, #tpu.memory_space<vmem>>
      %dma_start3A_65 = arith.constant 0 : i32
      %dma_start3A_66 = arith.constant 0 : i32
      %dma_start3A_67 = tpu.memref_slice %arg2[%dma_start3A_65, %dma_start3A_66] : memref<10240x128xf32, #tpu.memory_space<hbm>> -> memref<10240x128xf32, #tpu.memory_space<hbm>>
      tpu.enqueue_indirect_dma source(%dma_start3A_67 : memref<10240x128xf32, #tpu.memory_space<hbm>>) target(%arg10 : memref<125x128xf32, #tpu.memory_space<vmem>>) offsets(%dma_start3A_64 : memref<125xi32, #tpu.memory_space<vmem>>) semaphore(%arg12 : memref<!tpu.dma_semaphore, #tpu.memory_space<semaphore_mem>>)
      %ge3A_68 = arith.constant 1 : i32
      %ge3A_69 = arith.cmpi sge, %add3A_57, %ge3A_68 : i32
      %convert_element_type3A_70 = arith.extui %ge3A_69 : i1 to i32
      %cond3A_71 = arith.constant 0 : i32
      %cond3A_72 = arith.cmpi ne, %convert_element_type3A_70, %cond3A_71 : i32
      scf.if %cond3A_72 {
        %dma_wait3A_400 = arith.constant 0 : i32
        %dma_wait3A_401 = arith.constant 0 : i32
        %dma_wait3A_402 = tpu.memref_slice %arg6[%dma_wait3A_400, %dma_wait3A_401] : memref<8x125xi32, #tpu.memory_space<vmem>> -> memref<1x125xi32, #tpu.memory_space<vmem>>
        %dma_wait3A_403 = tpu.memref_squeeze %dma_wait3A_402 : memref<1x125xi32, #tpu.memory_space<vmem>> -> memref<125xi32, #tpu.memory_space<vmem>>
        %dma_wait3A_404 = arith.constant 0 : i32
        %dma_wait3A_405 = arith.constant 0 : i32
        %dma_wait3A_406 = tpu.memref_slice %arg2[%dma_wait3A_404, %dma_wait3A_405] : memref<10240x128xf32, #tpu.memory_space<hbm>> -> memref<10240x128xf32, #tpu.memory_space<hbm>>
        tpu.wait_indirect_dma semaphore(%arg13 : memref<!tpu.dma_semaphore, #tpu.memory_space<semaphore_mem>>) src(%dma_wait3A_406 : memref<10240x128xf32, #tpu.memory_space<hbm>>) dst(%arg11 : memref<125x128xf32, #tpu.memory_space<vmem>>)
        %dma_start3A_407 = arith.constant 7 : i32
        %dma_start3A_408 = arith.constant 0 : i32
        %dma_start3A_409 = tpu.memref_slice %arg9[%dma_start3A_407, %dma_start3A_408] : memref<8x125xi32, #tpu.memory_space<vmem>> -> memref<1x125xi32, #tpu.memory_space<vmem>>
        %dma_start3A_410 = tpu.memref_squeeze %dma_start3A_409 : memref<1x125xi32, #tpu.memory_space<vmem>> -> memref<125xi32, #tpu.memory_space<vmem>>
        %dma_start3A_411 = arith.constant 0 : i32
        %dma_start3A_412 = arith.constant 0 : i32
        %dma_start3A_413 = tpu.memref_slice %arg16[%dma_start3A_411, %dma_start3A_412] : memref<10240x128xf32, #tpu.memory_space<vmem_shared>> -> memref<10240x128xf32, #tpu.memory_space<vmem_shared>>
        tpu.enqueue_indirect_dma source(%arg11 : memref<125x128xf32, #tpu.memory_space<vmem>>) target(%dma_start3A_413 : memref<10240x128xf32, #tpu.memory_space<vmem_shared>>) offsets(%dma_start3A_410 : memref<125xi32, #tpu.memory_space<vmem>>) semaphore(%arg15 : memref<!tpu.dma_semaphore, #tpu.memory_space<semaphore_mem>>) {add = true}
      } else {
      }
      %mul3A_73 = arith.constant 16 : i32
      %mul3A_74 = arith.muli %mul3A_73, %scan3A_43 : i32
      %add3A_75 = arith.constant 1 : i32
      %add3A_76 = arith.addi %mul3A_74, %add3A_75 : i32
      %ge3A_77 = arith.constant 2 : i32
      %ge3A_78 = arith.cmpi sge, %add3A_76, %ge3A_77 : i32
      %convert_element_type3A_79 = arith.extui %ge3A_78 : i1 to i32
      %cond3A_80 = arith.constant 0 : i32
      %cond3A_81 = arith.cmpi ne, %convert_element_type3A_79, %cond3A_80 : i32
      scf.if %cond3A_81 {
        %dma_wait3A_400 = arith.constant 0 : i32
        %dma_wait3A_401 = arith.constant 0 : i32
        %dma_wait3A_402 = tpu.memref_slice %arg7[%dma_wait3A_400, %dma_wait3A_401] : memref<8x125xi32, #tpu.memory_space<vmem>> -> memref<1x125xi32, #tpu.memory_space<vmem>>
        %dma_wait3A_403 = tpu.memref_squeeze %dma_wait3A_402 : memref<1x125xi32, #tpu.memory_space<vmem>> -> memref<125xi32, #tpu.memory_space<vmem>>
        %dma_wait3A_404 = arith.constant 0 : i32
        %dma_wait3A_405 = arith.constant 0 : i32
        %dma_wait3A_406 = tpu.memref_slice %arg16[%dma_wait3A_404, %dma_wait3A_405] : memref<10240x128xf32, #tpu.memory_space<vmem_shared>> -> memref<10240x128xf32, #tpu.memory_space<vmem_shared>>
        tpu.wait_indirect_dma semaphore(%arg15 : memref<!tpu.dma_semaphore, #tpu.memory_space<semaphore_mem>>) src(%arg10 : memref<125x128xf32, #tpu.memory_space<vmem>>) dst(%dma_wait3A_406 : memref<10240x128xf32, #tpu.memory_space<vmem_shared>>)
      } else {
      }
      %dma_start3A_82 = arith.constant 1 : i32
      %dma_start3A_83 = arith.constant 0 : i32
      %dma_start3A_84 = tpu.memref_slice %arg6[%dma_start3A_82, %dma_start3A_83] : memref<8x125xi32, #tpu.memory_space<vmem>> -> memref<1x125xi32, #tpu.memory_space<vmem>>
      %dma_start3A_85 = tpu.memref_squeeze %dma_start3A_84 : memref<1x125xi32, #tpu.memory_space<vmem>> -> memref<125xi32, #tpu.memory_space<vmem>>
      %dma_start3A_86 = arith.constant 0 : i32
      %dma_start3A_87 = arith.constant 0 : i32
      %dma_start3A_88 = tpu.memref_slice %arg2[%dma_start3A_86, %dma_start3A_87] : memref<10240x128xf32, #tpu.memory_space<hbm>> -> memref<10240x128xf32, #tpu.memory_space<hbm>>
      tpu.enqueue_indirect_dma source(%dma_start3A_88 : memref<10240x128xf32, #tpu.memory_space<hbm>>) target(%arg11 : memref<125x128xf32, #tpu.memory_space<vmem>>) offsets(%dma_start3A_85 : memref<125xi32, #tpu.memory_space<vmem>>) semaphore(%arg13 : memref<!tpu.dma_semaphore, #tpu.memory_space<semaphore_mem>>)
      %ge3A_89 = arith.constant 1 : i32
      %ge3A_90 = arith.cmpi sge, %add3A_76, %ge3A_89 : i32
      %convert_element_type3A_91 = arith.extui %ge3A_90 : i1 to i32
      %cond3A_92 = arith.constant 0 : i32
      %cond3A_93 = arith.cmpi ne, %convert_element_type3A_91, %cond3A_92 : i32
      scf.if %cond3A_93 {
        %dma_wait3A_400 = arith.constant 0 : i32
        %dma_wait3A_401 = arith.constant 0 : i32
        %dma_wait3A_402 = tpu.memref_slice %arg6[%dma_wait3A_400, %dma_wait3A_401] : memref<8x125xi32, #tpu.memory_space<vmem>> -> memref<1x125xi32, #tpu.memory_space<vmem>>
        %dma_wait3A_403 = tpu.memref_squeeze %dma_wait3A_402 : memref<1x125xi32, #tpu.memory_space<vmem>> -> memref<125xi32, #tpu.memory_space<vmem>>
        %dma_wait3A_404 = arith.constant 0 : i32
        %dma_wait3A_405 = arith.constant 0 : i32
        %dma_wait3A_406 = tpu.memref_slice %arg2[%dma_wait3A_404, %dma_wait3A_405] : memref<10240x128xf32, #tpu.memory_space<hbm>> -> memref<10240x128xf32, #tpu.memory_space<hbm>>
        tpu.wait_indirect_dma semaphore(%arg12 : memref<!tpu.dma_semaphore, #tpu.memory_space<semaphore_mem>>) src(%dma_wait3A_406 : memref<10240x128xf32, #tpu.memory_space<hbm>>) dst(%arg10 : memref<125x128xf32, #tpu.memory_space<vmem>>)
        %dma_start3A_407 = arith.constant 0 : i32
        %dma_start3A_408 = arith.constant 0 : i32
        %dma_start3A_409 = tpu.memref_slice %arg7[%dma_start3A_407, %dma_start3A_408] : memref<8x125xi32, #tpu.memory_space<vmem>> -> memref<1x125xi32, #tpu.memory_space<vmem>>
        %dma_start3A_410 = tpu.memref_squeeze %dma_start3A_409 : memref<1x125xi32, #tpu.memory_space<vmem>> -> memref<125xi32, #tpu.memory_space<vmem>>
        %dma_start3A_411 = arith.constant 0 : i32
        %dma_start3A_412 = arith.constant 0 : i32
        %dma_start3A_413 = tpu.memref_slice %arg16[%dma_start3A_411, %dma_start3A_412] : memref<10240x128xf32, #tpu.memory_space<vmem_shared>> -> memref<10240x128xf32, #tpu.memory_space<vmem_shared>>
        tpu.enqueue_indirect_dma source(%arg10 : memref<125x128xf32, #tpu.memory_space<vmem>>) target(%dma_start3A_413 : memref<10240x128xf32, #tpu.memory_space<vmem_shared>>) offsets(%dma_start3A_410 : memref<125xi32, #tpu.memory_space<vmem>>) semaphore(%arg14 : memref<!tpu.dma_semaphore, #tpu.memory_space<semaphore_mem>>) {add = true}
      } else {
      }
      %mul3A_94 = arith.constant 16 : i32
      %mul3A_95 = arith.muli %mul3A_94, %scan3A_43 : i32
      %add3A_96 = arith.constant 2 : i32
      %add3A_97 = arith.addi %mul3A_95, %add3A_96 : i32
      %ge3A_98 = arith.constant 2 : i32
      %ge3A_99 = arith.cmpi sge, %add3A_97, %ge3A_98 : i32
      %convert_element_type3A_100 = arith.extui %ge3A_99 : i1 to i32
      %cond3A_101 = arith.constant 0 : i32
      %cond3A_102 = arith.cmpi ne, %convert_element_type3A_100, %cond3A_101 : i32
      scf.if %cond3A_102 {
        %dma_wait3A_400 = arith.constant 0 : i32
        %dma_wait3A_401 = arith.constant 0 : i32
        %dma_wait3A_402 = tpu.memref_slice %arg7[%dma_wait3A_400, %dma_wait3A_401] : memref<8x125xi32, #tpu.memory_space<vmem>> -> memref<1x125xi32, #tpu.memory_space<vmem>>
        %dma_wait3A_403 = tpu.memref_squeeze %dma_wait3A_402 : memref<1x125xi32, #tpu.memory_space<vmem>> -> memref<125xi32, #tpu.memory_space<vmem>>
        %dma_wait3A_404 = arith.constant 0 : i32
        %dma_wait3A_405 = arith.constant 0 : i32
        %dma_wait3A_406 = tpu.memref_slice %arg16[%dma_wait3A_404, %dma_wait3A_405] : memref<10240x128xf32, #tpu.memory_space<vmem_shared>> -> memref<10240x128xf32, #tpu.memory_space<vmem_shared>>
        tpu.wait_indirect_dma semaphore(%arg14 : memref<!tpu.dma_semaphore, #tpu.memory_space<semaphore_mem>>) src(%arg10 : memref<125x128xf32, #tpu.memory_space<vmem>>) dst(%dma_wait3A_406 : memref<10240x128xf32, #tpu.memory_space<vmem_shared>>)
      } else {
      }
      %dma_start3A_103 = arith.constant 2 : i32
      %dma_start3A_104 = arith.constant 0 : i32
      %dma_start3A_105 = tpu.memref_slice %arg6[%dma_start3A_103, %dma_start3A_104] : memref<8x125xi32, #tpu.memory_space<vmem>> -> memref<1x125xi32, #tpu.memory_space<vmem>>
      %dma_start3A_106 = tpu.memref_squeeze %dma_start3A_105 : memref<1x125xi32, #tpu.memory_space<vmem>> -> memref<125xi32, #tpu.memory_space<vmem>>
      %dma_start3A_107 = arith.constant 0 : i32
      %dma_start3A_108 = arith.constant 0 : i32
      %dma_start3A_109 = tpu.memref_slice %arg2[%dma_start3A_107, %dma_start3A_108] : memref<10240x128xf32, #tpu.memory_space<hbm>> -> memref<10240x128xf32, #tpu.memory_space<hbm>>
      tpu.enqueue_indirect_dma source(%dma_start3A_109 : memref<10240x128xf32, #tpu.memory_space<hbm>>) target(%arg10 : memref<125x128xf32, #tpu.memory_space<vmem>>) offsets(%dma_start3A_106 : memref<125xi32, #tpu.memory_space<vmem>>) semaphore(%arg12 : memref<!tpu.dma_semaphore, #tpu.memory_space<semaphore_mem>>)
      %ge3A_110 = arith.constant 1 : i32
      %ge3A_111 = arith.cmpi sge, %add3A_97, %ge3A_110 : i32
      %convert_element_type3A_112 = arith.extui %ge3A_111 : i1 to i32
      %cond3A_113 = arith.constant 0 : i32
      %cond3A_114 = arith.cmpi ne, %convert_element_type3A_112, %cond3A_113 : i32
      scf.if %cond3A_114 {
        %dma_wait3A_400 = arith.constant 0 : i32
        %dma_wait3A_401 = arith.constant 0 : i32
        %dma_wait3A_402 = tpu.memref_slice %arg6[%dma_wait3A_400, %dma_wait3A_401] : memref<8x125xi32, #tpu.memory_space<vmem>> -> memref<1x125xi32, #tpu.memory_space<vmem>>
        %dma_wait3A_403 = tpu.memref_squeeze %dma_wait3A_402 : memref<1x125xi32, #tpu.memory_space<vmem>> -> memref<125xi32, #tpu.memory_space<vmem>>
        %dma_wait3A_404 = arith.constant 0 : i32
        %dma_wait3A_405 = arith.constant 0 : i32
        %dma_wait3A_406 = tpu.memref_slice %arg2[%dma_wait3A_404, %dma_wait3A_405] : memref<10240x128xf32, #tpu.memory_space<hbm>> -> memref<10240x128xf32, #tpu.memory_space<hbm>>
        tpu.wait_indirect_dma semaphore(%arg13 : memref<!tpu.dma_semaphore, #tpu.memory_space<semaphore_mem>>) src(%dma_wait3A_406 : memref<10240x128xf32, #tpu.memory_space<hbm>>) dst(%arg11 : memref<125x128xf32, #tpu.memory_space<vmem>>)
        %dma_start3A_407 = arith.constant 1 : i32
        %dma_start3A_408 = arith.constant 0 : i32
        %dma_start3A_409 = tpu.memref_slice %arg7[%dma_start3A_407, %dma_start3A_408] : memref<8x125xi32, #tpu.memory_space<vmem>> -> memref<1x125xi32, #tpu.memory_space<vmem>>
        %dma_start3A_410 = tpu.memref_squeeze %dma_start3A_409 : memref<1x125xi32, #tpu.memory_space<vmem>> -> memref<125xi32, #tpu.memory_space<vmem>>
        %dma_start3A_411 = arith.constant 0 : i32
        %dma_start3A_412 = arith.constant 0 : i32
        %dma_start3A_413 = tpu.memref_slice %arg16[%dma_start3A_411, %dma_start3A_412] : memref<10240x128xf32, #tpu.memory_space<vmem_shared>> -> memref<10240x128xf32, #tpu.memory_space<vmem_shared>>
        tpu.enqueue_indirect_dma source(%arg11 : memref<125x128xf32, #tpu.memory_space<vmem>>) target(%dma_start3A_413 : memref<10240x128xf32, #tpu.memory_space<vmem_shared>>) offsets(%dma_start3A_410 : memref<125xi32, #tpu.memory_space<vmem>>) semaphore(%arg15 : memref<!tpu.dma_semaphore, #tpu.memory_space<semaphore_mem>>) {add = true}
      } else {
      }
      %mul3A_115 = arith.constant 16 : i32
      %mul3A_116 = arith.muli %mul3A_115, %scan3A_43 : i32
      %add3A_117 = arith.constant 3 : i32
      %add3A_118 = arith.addi %mul3A_116, %add3A_117 : i32
      %ge3A_119 = arith.constant 2 : i32
      %ge3A_120 = arith.cmpi sge, %add3A_118, %ge3A_119 : i32
      %convert_element_type3A_121 = arith.extui %ge3A_120 : i1 to i32
      %cond3A_122 = arith.constant 0 : i32
      %cond3A_123 = arith.cmpi ne, %convert_element_type3A_121, %cond3A_122 : i32
      scf.if %cond3A_123 {
        %dma_wait3A_400 = arith.constant 0 : i32
        %dma_wait3A_401 = arith.constant 0 : i32
        %dma_wait3A_402 = tpu.memref_slice %arg7[%dma_wait3A_400, %dma_wait3A_401] : memref<8x125xi32, #tpu.memory_space<vmem>> -> memref<1x125xi32, #tpu.memory_space<vmem>>
        %dma_wait3A_403 = tpu.memref_squeeze %dma_wait3A_402 : memref<1x125xi32, #tpu.memory_space<vmem>> -> memref<125xi32, #tpu.memory_space<vmem>>
        %dma_wait3A_404 = arith.constant 0 : i32
        %dma_wait3A_405 = arith.constant 0 : i32
        %dma_wait3A_406 = tpu.memref_slice %arg16[%dma_wait3A_404, %dma_wait3A_405] : memref<10240x128xf32, #tpu.memory_space<vmem_shared>> -> memref<10240x128xf32, #tpu.memory_space<vmem_shared>>
        tpu.wait_indirect_dma semaphore(%arg15 : memref<!tpu.dma_semaphore, #tpu.memory_space<semaphore_mem>>) src(%arg10 : memref<125x128xf32, #tpu.memory_space<vmem>>) dst(%dma_wait3A_406 : memref<10240x128xf32, #tpu.memory_space<vmem_shared>>)
      } else {
      }
      %dma_start3A_124 = arith.constant 3 : i32
      %dma_start3A_125 = arith.constant 0 : i32
      %dma_start3A_126 = tpu.memref_slice %arg6[%dma_start3A_124, %dma_start3A_125] : memref<8x125xi32, #tpu.memory_space<vmem>> -> memref<1x125xi32, #tpu.memory_space<vmem>>
      %dma_start3A_127 = tpu.memref_squeeze %dma_start3A_126 : memref<1x125xi32, #tpu.memory_space<vmem>> -> memref<125xi32, #tpu.memory_space<vmem>>
      %dma_start3A_128 = arith.constant 0 : i32
      %dma_start3A_129 = arith.constant 0 : i32
      %dma_start3A_130 = tpu.memref_slice %arg2[%dma_start3A_128, %dma_start3A_129] : memref<10240x128xf32, #tpu.memory_space<hbm>> -> memref<10240x128xf32, #tpu.memory_space<hbm>>
      tpu.enqueue_indirect_dma source(%dma_start3A_130 : memref<10240x128xf32, #tpu.memory_space<hbm>>) target(%arg11 : memref<125x128xf32, #tpu.memory_space<vmem>>) offsets(%dma_start3A_127 : memref<125xi32, #tpu.memory_space<vmem>>) semaphore(%arg13 : memref<!tpu.dma_semaphore, #tpu.memory_space<semaphore_mem>>)
      %ge3A_131 = arith.constant 1 : i32
      %ge3A_132 = arith.cmpi sge, %add3A_118, %ge3A_131 : i32
      %convert_element_type3A_133 = arith.extui %ge3A_132 : i1 to i32
      %cond3A_134 = arith.constant 0 : i32
      %cond3A_135 = arith.cmpi ne, %convert_element_type3A_133, %cond3A_134 : i32
      scf.if %cond3A_135 {
        %dma_wait3A_400 = arith.constant 0 : i32
        %dma_wait3A_401 = arith.constant 0 : i32
        %dma_wait3A_402 = tpu.memref_slice %arg6[%dma_wait3A_400, %dma_wait3A_401] : memref<8x125xi32, #tpu.memory_space<vmem>> -> memref<1x125xi32, #tpu.memory_space<vmem>>
        %dma_wait3A_403 = tpu.memref_squeeze %dma_wait3A_402 : memref<1x125xi32, #tpu.memory_space<vmem>> -> memref<125xi32, #tpu.memory_space<vmem>>
        %dma_wait3A_404 = arith.constant 0 : i32
        %dma_wait3A_405 = arith.constant 0 : i32
        %dma_wait3A_406 = tpu.memref_slice %arg2[%dma_wait3A_404, %dma_wait3A_405] : memref<10240x128xf32, #tpu.memory_space<hbm>> -> memref<10240x128xf32, #tpu.memory_space<hbm>>
        tpu.wait_indirect_dma semaphore(%arg12 : memref<!tpu.dma_semaphore, #tpu.memory_space<semaphore_mem>>) src(%dma_wait3A_406 : memref<10240x128xf32, #tpu.memory_space<hbm>>) dst(%arg10 : memref<125x128xf32, #tpu.memory_space<vmem>>)
        %dma_start3A_407 = arith.constant 2 : i32
        %dma_start3A_408 = arith.constant 0 : i32
        %dma_start3A_409 = tpu.memref_slice %arg7[%dma_start3A_407, %dma_start3A_408] : memref<8x125xi32, #tpu.memory_space<vmem>> -> memref<1x125xi32, #tpu.memory_space<vmem>>
        %dma_start3A_410 = tpu.memref_squeeze %dma_start3A_409 : memref<1x125xi32, #tpu.memory_space<vmem>> -> memref<125xi32, #tpu.memory_space<vmem>>
        %dma_start3A_411 = arith.constant 0 : i32
        %dma_start3A_412 = arith.constant 0 : i32
        %dma_start3A_413 = tpu.memref_slice %arg16[%dma_start3A_411, %dma_start3A_412] : memref<10240x128xf32, #tpu.memory_space<vmem_shared>> -> memref<10240x128xf32, #tpu.memory_space<vmem_shared>>
        tpu.enqueue_indirect_dma source(%arg10 : memref<125x128xf32, #tpu.memory_space<vmem>>) target(%dma_start3A_413 : memref<10240x128xf32, #tpu.memory_space<vmem_shared>>) offsets(%dma_start3A_410 : memref<125xi32, #tpu.memory_space<vmem>>) semaphore(%arg14 : memref<!tpu.dma_semaphore, #tpu.memory_space<semaphore_mem>>) {add = true}
      } else {
      }
      %mul3A_136 = arith.constant 16 : i32
      %mul3A_137 = arith.muli %mul3A_136, %scan3A_43 : i32
      %add3A_138 = arith.constant 4 : i32
      %add3A_139 = arith.addi %mul3A_137, %add3A_138 : i32
      %ge3A_140 = arith.constant 2 : i32
      %ge3A_141 = arith.cmpi sge, %add3A_139, %ge3A_140 : i32
      %convert_element_type3A_142 = arith.extui %ge3A_141 : i1 to i32
      %cond3A_143 = arith.constant 0 : i32
      %cond3A_144 = arith.cmpi ne, %convert_element_type3A_142, %cond3A_143 : i32
      scf.if %cond3A_144 {
        %dma_wait3A_400 = arith.constant 0 : i32
        %dma_wait3A_401 = arith.constant 0 : i32
        %dma_wait3A_402 = tpu.memref_slice %arg7[%dma_wait3A_400, %dma_wait3A_401] : memref<8x125xi32, #tpu.memory_space<vmem>> -> memref<1x125xi32, #tpu.memory_space<vmem>>
        %dma_wait3A_403 = tpu.memref_squeeze %dma_wait3A_402 : memref<1x125xi32, #tpu.memory_space<vmem>> -> memref<125xi32, #tpu.memory_space<vmem>>
        %dma_wait3A_404 = arith.constant 0 : i32
        %dma_wait3A_405 = arith.constant 0 : i32
        %dma_wait3A_406 = tpu.memref_slice %arg16[%dma_wait3A_404, %dma_wait3A_405] : memref<10240x128xf32, #tpu.memory_space<vmem_shared>> -> memref<10240x128xf32, #tpu.memory_space<vmem_shared>>
        tpu.wait_indirect_dma semaphore(%arg14 : memref<!tpu.dma_semaphore, #tpu.memory_space<semaphore_mem>>) src(%arg10 : memref<125x128xf32, #tpu.memory_space<vmem>>) dst(%dma_wait3A_406 : memref<10240x128xf32, #tpu.memory_space<vmem_shared>>)
      } else {
      }
      %dma_start3A_145 = arith.constant 4 : i32
      %dma_start3A_146 = arith.constant 0 : i32
      %dma_start3A_147 = tpu.memref_slice %arg6[%dma_start3A_145, %dma_start3A_146] : memref<8x125xi32, #tpu.memory_space<vmem>> -> memref<1x125xi32, #tpu.memory_space<vmem>>
      %dma_start3A_148 = tpu.memref_squeeze %dma_start3A_147 : memref<1x125xi32, #tpu.memory_space<vmem>> -> memref<125xi32, #tpu.memory_space<vmem>>
      %dma_start3A_149 = arith.constant 0 : i32
      %dma_start3A_150 = arith.constant 0 : i32
      %dma_start3A_151 = tpu.memref_slice %arg2[%dma_start3A_149, %dma_start3A_150] : memref<10240x128xf32, #tpu.memory_space<hbm>> -> memref<10240x128xf32, #tpu.memory_space<hbm>>
      tpu.enqueue_indirect_dma source(%dma_start3A_151 : memref<10240x128xf32, #tpu.memory_space<hbm>>) target(%arg10 : memref<125x128xf32, #tpu.memory_space<vmem>>) offsets(%dma_start3A_148 : memref<125xi32, #tpu.memory_space<vmem>>) semaphore(%arg12 : memref<!tpu.dma_semaphore, #tpu.memory_space<semaphore_mem>>)
      %ge3A_152 = arith.constant 1 : i32
      %ge3A_153 = arith.cmpi sge, %add3A_139, %ge3A_152 : i32
      %convert_element_type3A_154 = arith.extui %ge3A_153 : i1 to i32
      %cond3A_155 = arith.constant 0 : i32
      %cond3A_156 = arith.cmpi ne, %convert_element_type3A_154, %cond3A_155 : i32
      scf.if %cond3A_156 {
        %dma_wait3A_400 = arith.constant 0 : i32
        %dma_wait3A_401 = arith.constant 0 : i32
        %dma_wait3A_402 = tpu.memref_slice %arg6[%dma_wait3A_400, %dma_wait3A_401] : memref<8x125xi32, #tpu.memory_space<vmem>> -> memref<1x125xi32, #tpu.memory_space<vmem>>
        %dma_wait3A_403 = tpu.memref_squeeze %dma_wait3A_402 : memref<1x125xi32, #tpu.memory_space<vmem>> -> memref<125xi32, #tpu.memory_space<vmem>>
        %dma_wait3A_404 = arith.constant 0 : i32
        %dma_wait3A_405 = arith.constant 0 : i32
        %dma_wait3A_406 = tpu.memref_slice %arg2[%dma_wait3A_404, %dma_wait3A_405] : memref<10240x128xf32, #tpu.memory_space<hbm>> -> memref<10240x128xf32, #tpu.memory_space<hbm>>
        tpu.wait_indirect_dma semaphore(%arg13 : memref<!tpu.dma_semaphore, #tpu.memory_space<semaphore_mem>>) src(%dma_wait3A_406 : memref<10240x128xf32, #tpu.memory_space<hbm>>) dst(%arg11 : memref<125x128xf32, #tpu.memory_space<vmem>>)
        %dma_start3A_407 = arith.constant 3 : i32
        %dma_start3A_408 = arith.constant 0 : i32
        %dma_start3A_409 = tpu.memref_slice %arg7[%dma_start3A_407, %dma_start3A_408] : memref<8x125xi32, #tpu.memory_space<vmem>> -> memref<1x125xi32, #tpu.memory_space<vmem>>
        %dma_start3A_410 = tpu.memref_squeeze %dma_start3A_409 : memref<1x125xi32, #tpu.memory_space<vmem>> -> memref<125xi32, #tpu.memory_space<vmem>>
        %dma_start3A_411 = arith.constant 0 : i32
        %dma_start3A_412 = arith.constant 0 : i32
        %dma_start3A_413 = tpu.memref_slice %arg16[%dma_start3A_411, %dma_start3A_412] : memref<10240x128xf32, #tpu.memory_space<vmem_shared>> -> memref<10240x128xf32, #tpu.memory_space<vmem_shared>>
        tpu.enqueue_indirect_dma source(%arg11 : memref<125x128xf32, #tpu.memory_space<vmem>>) target(%dma_start3A_413 : memref<10240x128xf32, #tpu.memory_space<vmem_shared>>) offsets(%dma_start3A_410 : memref<125xi32, #tpu.memory_space<vmem>>) semaphore(%arg15 : memref<!tpu.dma_semaphore, #tpu.memory_space<semaphore_mem>>) {add = true}
      } else {
      }
      %mul3A_157 = arith.constant 16 : i32
      %mul3A_158 = arith.muli %mul3A_157, %scan3A_43 : i32
      %add3A_159 = arith.constant 5 : i32
      %add3A_160 = arith.addi %mul3A_158, %add3A_159 : i32
      %ge3A_161 = arith.constant 2 : i32
      %ge3A_162 = arith.cmpi sge, %add3A_160, %ge3A_161 : i32
      %convert_element_type3A_163 = arith.extui %ge3A_162 : i1 to i32
      %cond3A_164 = arith.constant 0 : i32
      %cond3A_165 = arith.cmpi ne, %convert_element_type3A_163, %cond3A_164 : i32
      scf.if %cond3A_165 {
        %dma_wait3A_400 = arith.constant 0 : i32
        %dma_wait3A_401 = arith.constant 0 : i32
        %dma_wait3A_402 = tpu.memref_slice %arg7[%dma_wait3A_400, %dma_wait3A_401] : memref<8x125xi32, #tpu.memory_space<vmem>> -> memref<1x125xi32, #tpu.memory_space<vmem>>
        %dma_wait3A_403 = tpu.memref_squeeze %dma_wait3A_402 : memref<1x125xi32, #tpu.memory_space<vmem>> -> memref<125xi32, #tpu.memory_space<vmem>>
        %dma_wait3A_404 = arith.constant 0 : i32
        %dma_wait3A_405 = arith.constant 0 : i32
        %dma_wait3A_406 = tpu.memref_slice %arg16[%dma_wait3A_404, %dma_wait3A_405] : memref<10240x128xf32, #tpu.memory_space<vmem_shared>> -> memref<10240x128xf32, #tpu.memory_space<vmem_shared>>
        tpu.wait_indirect_dma semaphore(%arg15 : memref<!tpu.dma_semaphore, #tpu.memory_space<semaphore_mem>>) src(%arg10 : memref<125x128xf32, #tpu.memory_space<vmem>>) dst(%dma_wait3A_406 : memref<10240x128xf32, #tpu.memory_space<vmem_shared>>)
      } else {
      }
      %dma_start3A_166 = arith.constant 5 : i32
      %dma_start3A_167 = arith.constant 0 : i32
      %dma_start3A_168 = tpu.memref_slice %arg6[%dma_start3A_166, %dma_start3A_167] : memref<8x125xi32, #tpu.memory_space<vmem>> -> memref<1x125xi32, #tpu.memory_space<vmem>>
      %dma_start3A_169 = tpu.memref_squeeze %dma_start3A_168 : memref<1x125xi32, #tpu.memory_space<vmem>> -> memref<125xi32, #tpu.memory_space<vmem>>
      %dma_start3A_170 = arith.constant 0 : i32
      %dma_start3A_171 = arith.constant 0 : i32
      %dma_start3A_172 = tpu.memref_slice %arg2[%dma_start3A_170, %dma_start3A_171] : memref<10240x128xf32, #tpu.memory_space<hbm>> -> memref<10240x128xf32, #tpu.memory_space<hbm>>
      tpu.enqueue_indirect_dma source(%dma_start3A_172 : memref<10240x128xf32, #tpu.memory_space<hbm>>) target(%arg11 : memref<125x128xf32, #tpu.memory_space<vmem>>) offsets(%dma_start3A_169 : memref<125xi32, #tpu.memory_space<vmem>>) semaphore(%arg13 : memref<!tpu.dma_semaphore, #tpu.memory_space<semaphore_mem>>)
      %ge3A_173 = arith.constant 1 : i32
      %ge3A_174 = arith.cmpi sge, %add3A_160, %ge3A_173 : i32
      %convert_element_type3A_175 = arith.extui %ge3A_174 : i1 to i32
      %cond3A_176 = arith.constant 0 : i32
      %cond3A_177 = arith.cmpi ne, %convert_element_type3A_175, %cond3A_176 : i32
      scf.if %cond3A_177 {
        %dma_wait3A_400 = arith.constant 0 : i32
        %dma_wait3A_401 = arith.constant 0 : i32
        %dma_wait3A_402 = tpu.memref_slice %arg6[%dma_wait3A_400, %dma_wait3A_401] : memref<8x125xi32, #tpu.memory_space<vmem>> -> memref<1x125xi32, #tpu.memory_space<vmem>>
        %dma_wait3A_403 = tpu.memref_squeeze %dma_wait3A_402 : memref<1x125xi32, #tpu.memory_space<vmem>> -> memref<125xi32, #tpu.memory_space<vmem>>
        %dma_wait3A_404 = arith.constant 0 : i32
        %dma_wait3A_405 = arith.constant 0 : i32
        %dma_wait3A_406 = tpu.memref_slice %arg2[%dma_wait3A_404, %dma_wait3A_405] : memref<10240x128xf32, #tpu.memory_space<hbm>> -> memref<10240x128xf32, #tpu.memory_space<hbm>>
        tpu.wait_indirect_dma semaphore(%arg12 : memref<!tpu.dma_semaphore, #tpu.memory_space<semaphore_mem>>) src(%dma_wait3A_406 : memref<10240x128xf32, #tpu.memory_space<hbm>>) dst(%arg10 : memref<125x128xf32, #tpu.memory_space<vmem>>)
        %dma_start3A_407 = arith.constant 4 : i32
        %dma_start3A_408 = arith.constant 0 : i32
        %dma_start3A_409 = tpu.memref_slice %arg7[%dma_start3A_407, %dma_start3A_408] : memref<8x125xi32, #tpu.memory_space<vmem>> -> memref<1x125xi32, #tpu.memory_space<vmem>>
        %dma_start3A_410 = tpu.memref_squeeze %dma_start3A_409 : memref<1x125xi32, #tpu.memory_space<vmem>> -> memref<125xi32, #tpu.memory_space<vmem>>
        %dma_start3A_411 = arith.constant 0 : i32
        %dma_start3A_412 = arith.constant 0 : i32
        %dma_start3A_413 = tpu.memref_slice %arg16[%dma_start3A_411, %dma_start3A_412] : memref<10240x128xf32, #tpu.memory_space<vmem_shared>> -> memref<10240x128xf32, #tpu.memory_space<vmem_shared>>
        tpu.enqueue_indirect_dma source(%arg10 : memref<125x128xf32, #tpu.memory_space<vmem>>) target(%dma_start3A_413 : memref<10240x128xf32, #tpu.memory_space<vmem_shared>>) offsets(%dma_start3A_410 : memref<125xi32, #tpu.memory_space<vmem>>) semaphore(%arg14 : memref<!tpu.dma_semaphore, #tpu.memory_space<semaphore_mem>>) {add = true}
      } else {
      }
      %mul3A_178 = arith.constant 16 : i32
      %mul3A_179 = arith.muli %mul3A_178, %scan3A_43 : i32
      %add3A_180 = arith.constant 6 : i32
      %add3A_181 = arith.addi %mul3A_179, %add3A_180 : i32
      %ge3A_182 = arith.constant 2 : i32
      %ge3A_183 = arith.cmpi sge, %add3A_181, %ge3A_182 : i32
      %convert_element_type3A_184 = arith.extui %ge3A_183 : i1 to i32
      %cond3A_185 = arith.constant 0 : i32
      %cond3A_186 = arith.cmpi ne, %convert_element_type3A_184, %cond3A_185 : i32
      scf.if %cond3A_186 {
        %dma_wait3A_400 = arith.constant 0 : i32
        %dma_wait3A_401 = arith.constant 0 : i32
        %dma_wait3A_402 = tpu.memref_slice %arg7[%dma_wait3A_400, %dma_wait3A_401] : memref<8x125xi32, #tpu.memory_space<vmem>> -> memref<1x125xi32, #tpu.memory_space<vmem>>
        %dma_wait3A_403 = tpu.memref_squeeze %dma_wait3A_402 : memref<1x125xi32, #tpu.memory_space<vmem>> -> memref<125xi32, #tpu.memory_space<vmem>>
        %dma_wait3A_404 = arith.constant 0 : i32
        %dma_wait3A_405 = arith.constant 0 : i32
        %dma_wait3A_406 = tpu.memref_slice %arg16[%dma_wait3A_404, %dma_wait3A_405] : memref<10240x128xf32, #tpu.memory_space<vmem_shared>> -> memref<10240x128xf32, #tpu.memory_space<vmem_shared>>
        tpu.wait_indirect_dma semaphore(%arg14 : memref<!tpu.dma_semaphore, #tpu.memory_space<semaphore_mem>>) src(%arg10 : memref<125x128xf32, #tpu.memory_space<vmem>>) dst(%dma_wait3A_406 : memref<10240x128xf32, #tpu.memory_space<vmem_shared>>)
      } else {
      }
      %dma_start3A_187 = arith.constant 6 : i32
      %dma_start3A_188 = arith.constant 0 : i32
      %dma_start3A_189 = tpu.memref_slice %arg6[%dma_start3A_187, %dma_start3A_188] : memref<8x125xi32, #tpu.memory_space<vmem>> -> memref<1x125xi32, #tpu.memory_space<vmem>>
      %dma_start3A_190 = tpu.memref_squeeze %dma_start3A_189 : memref<1x125xi32, #tpu.memory_space<vmem>> -> memref<125xi32, #tpu.memory_space<vmem>>
      %dma_start3A_191 = arith.constant 0 : i32
      %dma_start3A_192 = arith.constant 0 : i32
      %dma_start3A_193 = tpu.memref_slice %arg2[%dma_start3A_191, %dma_start3A_192] : memref<10240x128xf32, #tpu.memory_space<hbm>> -> memref<10240x128xf32, #tpu.memory_space<hbm>>
      tpu.enqueue_indirect_dma source(%dma_start3A_193 : memref<10240x128xf32, #tpu.memory_space<hbm>>) target(%arg10 : memref<125x128xf32, #tpu.memory_space<vmem>>) offsets(%dma_start3A_190 : memref<125xi32, #tpu.memory_space<vmem>>) semaphore(%arg12 : memref<!tpu.dma_semaphore, #tpu.memory_space<semaphore_mem>>)
      %ge3A_194 = arith.constant 1 : i32
      %ge3A_195 = arith.cmpi sge, %add3A_181, %ge3A_194 : i32
      %convert_element_type3A_196 = arith.extui %ge3A_195 : i1 to i32
      %cond3A_197 = arith.constant 0 : i32
      %cond3A_198 = arith.cmpi ne, %convert_element_type3A_196, %cond3A_197 : i32
      scf.if %cond3A_198 {
        %dma_wait3A_400 = arith.constant 0 : i32
        %dma_wait3A_401 = arith.constant 0 : i32
        %dma_wait3A_402 = tpu.memref_slice %arg6[%dma_wait3A_400, %dma_wait3A_401] : memref<8x125xi32, #tpu.memory_space<vmem>> -> memref<1x125xi32, #tpu.memory_space<vmem>>
        %dma_wait3A_403 = tpu.memref_squeeze %dma_wait3A_402 : memref<1x125xi32, #tpu.memory_space<vmem>> -> memref<125xi32, #tpu.memory_space<vmem>>
        %dma_wait3A_404 = arith.constant 0 : i32
        %dma_wait3A_405 = arith.constant 0 : i32
        %dma_wait3A_406 = tpu.memref_slice %arg2[%dma_wait3A_404, %dma_wait3A_405] : memref<10240x128xf32, #tpu.memory_space<hbm>> -> memref<10240x128xf32, #tpu.memory_space<hbm>>
        tpu.wait_indirect_dma semaphore(%arg13 : memref<!tpu.dma_semaphore, #tpu.memory_space<semaphore_mem>>) src(%dma_wait3A_406 : memref<10240x128xf32, #tpu.memory_space<hbm>>) dst(%arg11 : memref<125x128xf32, #tpu.memory_space<vmem>>)
        %dma_start3A_407 = arith.constant 5 : i32
        %dma_start3A_408 = arith.constant 0 : i32
        %dma_start3A_409 = tpu.memref_slice %arg7[%dma_start3A_407, %dma_start3A_408] : memref<8x125xi32, #tpu.memory_space<vmem>> -> memref<1x125xi32, #tpu.memory_space<vmem>>
        %dma_start3A_410 = tpu.memref_squeeze %dma_start3A_409 : memref<1x125xi32, #tpu.memory_space<vmem>> -> memref<125xi32, #tpu.memory_space<vmem>>
        %dma_start3A_411 = arith.constant 0 : i32
        %dma_start3A_412 = arith.constant 0 : i32
        %dma_start3A_413 = tpu.memref_slice %arg16[%dma_start3A_411, %dma_start3A_412] : memref<10240x128xf32, #tpu.memory_space<vmem_shared>> -> memref<10240x128xf32, #tpu.memory_space<vmem_shared>>
        tpu.enqueue_indirect_dma source(%arg11 : memref<125x128xf32, #tpu.memory_space<vmem>>) target(%dma_start3A_413 : memref<10240x128xf32, #tpu.memory_space<vmem_shared>>) offsets(%dma_start3A_410 : memref<125xi32, #tpu.memory_space<vmem>>) semaphore(%arg15 : memref<!tpu.dma_semaphore, #tpu.memory_space<semaphore_mem>>) {add = true}
      } else {
      }
      %mul3A_199 = arith.constant 16 : i32
      %mul3A_200 = arith.muli %mul3A_199, %scan3A_43 : i32
      %add3A_201 = arith.constant 7 : i32
      %add3A_202 = arith.addi %mul3A_200, %add3A_201 : i32
      %ge3A_203 = arith.constant 2 : i32
      %ge3A_204 = arith.cmpi sge, %add3A_202, %ge3A_203 : i32
      %convert_element_type3A_205 = arith.extui %ge3A_204 : i1 to i32
      %cond3A_206 = arith.constant 0 : i32
      %cond3A_207 = arith.cmpi ne, %convert_element_type3A_205, %cond3A_206 : i32
      scf.if %cond3A_207 {
        %dma_wait3A_400 = arith.constant 0 : i32
        %dma_wait3A_401 = arith.constant 0 : i32
        %dma_wait3A_402 = tpu.memref_slice %arg7[%dma_wait3A_400, %dma_wait3A_401] : memref<8x125xi32, #tpu.memory_space<vmem>> -> memref<1x125xi32, #tpu.memory_space<vmem>>
        %dma_wait3A_403 = tpu.memref_squeeze %dma_wait3A_402 : memref<1x125xi32, #tpu.memory_space<vmem>> -> memref<125xi32, #tpu.memory_space<vmem>>
        %dma_wait3A_404 = arith.constant 0 : i32
        %dma_wait3A_405 = arith.constant 0 : i32
        %dma_wait3A_406 = tpu.memref_slice %arg16[%dma_wait3A_404, %dma_wait3A_405] : memref<10240x128xf32, #tpu.memory_space<vmem_shared>> -> memref<10240x128xf32, #tpu.memory_space<vmem_shared>>
        tpu.wait_indirect_dma semaphore(%arg15 : memref<!tpu.dma_semaphore, #tpu.memory_space<semaphore_mem>>) src(%arg10 : memref<125x128xf32, #tpu.memory_space<vmem>>) dst(%dma_wait3A_406 : memref<10240x128xf32, #tpu.memory_space<vmem_shared>>)
      } else {
      }
      %dma_start3A_208 = arith.constant 7 : i32
      %dma_start3A_209 = arith.constant 0 : i32
      %dma_start3A_210 = tpu.memref_slice %arg6[%dma_start3A_208, %dma_start3A_209] : memref<8x125xi32, #tpu.memory_space<vmem>> -> memref<1x125xi32, #tpu.memory_space<vmem>>
      %dma_start3A_211 = tpu.memref_squeeze %dma_start3A_210 : memref<1x125xi32, #tpu.memory_space<vmem>> -> memref<125xi32, #tpu.memory_space<vmem>>
      %dma_start3A_212 = arith.constant 0 : i32
      %dma_start3A_213 = arith.constant 0 : i32
      %dma_start3A_214 = tpu.memref_slice %arg2[%dma_start3A_212, %dma_start3A_213] : memref<10240x128xf32, #tpu.memory_space<hbm>> -> memref<10240x128xf32, #tpu.memory_space<hbm>>
      tpu.enqueue_indirect_dma source(%dma_start3A_214 : memref<10240x128xf32, #tpu.memory_space<hbm>>) target(%arg11 : memref<125x128xf32, #tpu.memory_space<vmem>>) offsets(%dma_start3A_211 : memref<125xi32, #tpu.memory_space<vmem>>) semaphore(%arg13 : memref<!tpu.dma_semaphore, #tpu.memory_space<semaphore_mem>>)
      %ge3A_215 = arith.constant 1 : i32
      %ge3A_216 = arith.cmpi sge, %add3A_202, %ge3A_215 : i32
      %convert_element_type3A_217 = arith.extui %ge3A_216 : i1 to i32
      %cond3A_218 = arith.constant 0 : i32
      %cond3A_219 = arith.cmpi ne, %convert_element_type3A_217, %cond3A_218 : i32
      scf.if %cond3A_219 {
        %dma_wait3A_400 = arith.constant 0 : i32
        %dma_wait3A_401 = arith.constant 0 : i32
        %dma_wait3A_402 = tpu.memref_slice %arg6[%dma_wait3A_400, %dma_wait3A_401] : memref<8x125xi32, #tpu.memory_space<vmem>> -> memref<1x125xi32, #tpu.memory_space<vmem>>
        %dma_wait3A_403 = tpu.memref_squeeze %dma_wait3A_402 : memref<1x125xi32, #tpu.memory_space<vmem>> -> memref<125xi32, #tpu.memory_space<vmem>>
        %dma_wait3A_404 = arith.constant 0 : i32
        %dma_wait3A_405 = arith.constant 0 : i32
        %dma_wait3A_406 = tpu.memref_slice %arg2[%dma_wait3A_404, %dma_wait3A_405] : memref<10240x128xf32, #tpu.memory_space<hbm>> -> memref<10240x128xf32, #tpu.memory_space<hbm>>
        tpu.wait_indirect_dma semaphore(%arg12 : memref<!tpu.dma_semaphore, #tpu.memory_space<semaphore_mem>>) src(%dma_wait3A_406 : memref<10240x128xf32, #tpu.memory_space<hbm>>) dst(%arg10 : memref<125x128xf32, #tpu.memory_space<vmem>>)
        %dma_start3A_407 = arith.constant 6 : i32
        %dma_start3A_408 = arith.constant 0 : i32
        %dma_start3A_409 = tpu.memref_slice %arg7[%dma_start3A_407, %dma_start3A_408] : memref<8x125xi32, #tpu.memory_space<vmem>> -> memref<1x125xi32, #tpu.memory_space<vmem>>
        %dma_start3A_410 = tpu.memref_squeeze %dma_start3A_409 : memref<1x125xi32, #tpu.memory_space<vmem>> -> memref<125xi32, #tpu.memory_space<vmem>>
        %dma_start3A_411 = arith.constant 0 : i32
        %dma_start3A_412 = arith.constant 0 : i32
        %dma_start3A_413 = tpu.memref_slice %arg16[%dma_start3A_411, %dma_start3A_412] : memref<10240x128xf32, #tpu.memory_space<vmem_shared>> -> memref<10240x128xf32, #tpu.memory_space<vmem_shared>>
        tpu.enqueue_indirect_dma source(%arg10 : memref<125x128xf32, #tpu.memory_space<vmem>>) target(%dma_start3A_413 : memref<10240x128xf32, #tpu.memory_space<vmem_shared>>) offsets(%dma_start3A_410 : memref<125xi32, #tpu.memory_space<vmem>>) semaphore(%arg14 : memref<!tpu.dma_semaphore, #tpu.memory_space<semaphore_mem>>) {add = true}
      } else {
      }
      %mul3A_220 = arith.constant 16 : i32
      %mul3A_221 = arith.muli %mul3A_220, %scan3A_43 : i32
      %add3A_222 = arith.constant 8 : i32
      %add3A_223 = arith.addi %mul3A_221, %add3A_222 : i32
      %mul3A_224 = arith.constant 2 : i32
      %mul3A_225 = arith.muli %mul3A_224, %scan3A_43 : i32
      %add3A_226 = arith.constant 1 : i32
      %add3A_227 = arith.addi %mul3A_225, %add3A_226 : i32
      %mul3A_228 = arith.constant 8 : i32
      %mul3A_229 = arith.muli %add3A_227, %mul3A_228 : i32
      %add3A_230 = arith.addi %mul3A_4, %mul3A_229 : i32
      "tpu.region"() ({
        %run_scoped3A = tpu.sem_alloc : memref<!tpu.dma_semaphore, #tpu.memory_space<semaphore_mem>>
        %dma_start3A_400 = arith.constant 0 : i32
        %dma_start3A_401 = tpu.memref_slice %arg3[%add3A_230, %dma_start3A_400] : memref<5120x125xi32, #tpu.memory_space<hbm>> -> memref<8x125xi32, #tpu.memory_space<hbm>>
        %dma_start3A_402 = arith.constant 0 : i32
        %dma_start3A_403 = tpu.memref_slice %arg3[%add3A_230, %dma_start3A_402] : memref<5120x125xi32, #tpu.memory_space<hbm>> -> memref<8x125xi32, #tpu.memory_space<hbm>>
        tpu.enqueue_dma source(%dma_start3A_403 : memref<8x125xi32, #tpu.memory_space<hbm>>) target(%arg8 : memref<8x125xi32, #tpu.memory_space<vmem>>) target_semaphore(%run_scoped3A : memref<!tpu.dma_semaphore, #tpu.memory_space<semaphore_mem>>)
        %dma_wait3A_404 = arith.constant 0 : i32
        %dma_wait3A_405 = tpu.memref_slice %arg3[%add3A_230, %dma_wait3A_404] : memref<5120x125xi32, #tpu.memory_space<hbm>> -> memref<8x125xi32, #tpu.memory_space<hbm>>
        %dma_wait3A_406 = arith.constant 0 : i32
        %dma_wait3A_407 = tpu.memref_slice %arg3[%add3A_230, %dma_wait3A_406] : memref<5120x125xi32, #tpu.memory_space<hbm>> -> memref<8x125xi32, #tpu.memory_space<hbm>>
        tpu.wait_dma2 semaphore(%run_scoped3A : memref<!tpu.dma_semaphore, #tpu.memory_space<semaphore_mem>>) src(%dma_wait3A_407 : memref<8x125xi32, #tpu.memory_space<hbm>>) dst(%arg8 : memref<8x125xi32, #tpu.memory_space<vmem>>)
        tpu.yield
      }) : () -> ()
      %add3A_231 = arith.constant 2560 : i32
      %add3A_232 = arith.addi %add3A_231, %mul3A_4 : i32
      %mul3A_233 = arith.constant 8 : i32
      %mul3A_234 = arith.muli %add3A_227, %mul3A_233 : i32
      %add3A_235 = arith.addi %add3A_232, %mul3A_234 : i32
      "tpu.region"() ({
        %run_scoped3A = tpu.sem_alloc : memref<!tpu.dma_semaphore, #tpu.memory_space<semaphore_mem>>
        %dma_start3A_400 = arith.constant 0 : i32
        %dma_start3A_401 = tpu.memref_slice %arg3[%add3A_235, %dma_start3A_400] : memref<5120x125xi32, #tpu.memory_space<hbm>> -> memref<8x125xi32, #tpu.memory_space<hbm>>
        %dma_start3A_402 = arith.constant 0 : i32
        %dma_start3A_403 = tpu.memref_slice %arg3[%add3A_235, %dma_start3A_402] : memref<5120x125xi32, #tpu.memory_space<hbm>> -> memref<8x125xi32, #tpu.memory_space<hbm>>
        tpu.enqueue_dma source(%dma_start3A_403 : memref<8x125xi32, #tpu.memory_space<hbm>>) target(%arg9 : memref<8x125xi32, #tpu.memory_space<vmem>>) target_semaphore(%run_scoped3A : memref<!tpu.dma_semaphore, #tpu.memory_space<semaphore_mem>>)
        %dma_wait3A_404 = arith.constant 0 : i32
        %dma_wait3A_405 = tpu.memref_slice %arg3[%add3A_235, %dma_wait3A_404] : memref<5120x125xi32, #tpu.memory_space<hbm>> -> memref<8x125xi32, #tpu.memory_space<hbm>>
        %dma_wait3A_406 = arith.constant 0 : i32
        %dma_wait3A_407 = tpu.memref_slice %arg3[%add3A_235, %dma_wait3A_406] : memref<5120x125xi32, #tpu.memory_space<hbm>> -> memref<8x125xi32, #tpu.memory_space<hbm>>
        tpu.wait_dma2 semaphore(%run_scoped3A : memref<!tpu.dma_semaphore, #tpu.memory_space<semaphore_mem>>) src(%dma_wait3A_407 : memref<8x125xi32, #tpu.memory_space<hbm>>) dst(%arg9 : memref<8x125xi32, #tpu.memory_space<vmem>>)
        tpu.yield
      }) : () -> ()
      %ge3A_236 = arith.constant 2 : i32
      %ge3A_237 = arith.cmpi sge, %add3A_223, %ge3A_236 : i32
      %convert_element_type3A_238 = arith.extui %ge3A_237 : i1 to i32
      %cond3A_239 = arith.constant 0 : i32
      %cond3A_240 = arith.cmpi ne, %convert_element_type3A_238, %cond3A_239 : i32
      scf.if %cond3A_240 {
        %dma_wait3A_400 = arith.constant 0 : i32
        %dma_wait3A_401 = arith.constant 0 : i32
        %dma_wait3A_402 = tpu.memref_slice %arg7[%dma_wait3A_400, %dma_wait3A_401] : memref<8x125xi32, #tpu.memory_space<vmem>> -> memref<1x125xi32, #tpu.memory_space<vmem>>
        %dma_wait3A_403 = tpu.memref_squeeze %dma_wait3A_402 : memref<1x125xi32, #tpu.memory_space<vmem>> -> memref<125xi32, #tpu.memory_space<vmem>>
        %dma_wait3A_404 = arith.constant 0 : i32
        %dma_wait3A_405 = arith.constant 0 : i32
        %dma_wait3A_406 = tpu.memref_slice %arg16[%dma_wait3A_404, %dma_wait3A_405] : memref<10240x128xf32, #tpu.memory_space<vmem_shared>> -> memref<10240x128xf32, #tpu.memory_space<vmem_shared>>
        tpu.wait_indirect_dma semaphore(%arg14 : memref<!tpu.dma_semaphore, #tpu.memory_space<semaphore_mem>>) src(%arg10 : memref<125x128xf32, #tpu.memory_space<vmem>>) dst(%dma_wait3A_406 : memref<10240x128xf32, #tpu.memory_space<vmem_shared>>)
      } else {
      }
      %dma_start3A_241 = arith.constant 0 : i32
      %dma_start3A_242 = arith.constant 0 : i32
      %dma_start3A_243 = tpu.memref_slice %arg8[%dma_start3A_241, %dma_start3A_242] : memref<8x125xi32, #tpu.memory_space<vmem>> -> memref<1x125xi32, #tpu.memory_space<vmem>>
      %dma_start3A_244 = tpu.memref_squeeze %dma_start3A_243 : memref<1x125xi32, #tpu.memory_space<vmem>> -> memref<125xi32, #tpu.memory_space<vmem>>
      %dma_start3A_245 = arith.constant 0 : i32
      %dma_start3A_246 = arith.constant 0 : i32
      %dma_start3A_247 = tpu.memref_slice %arg2[%dma_start3A_245, %dma_start3A_246] : memref<10240x128xf32, #tpu.memory_space<hbm>> -> memref<10240x128xf32, #tpu.memory_space<hbm>>
      tpu.enqueue_indirect_dma source(%dma_start3A_247 : memref<10240x128xf32, #tpu.memory_space<hbm>>) target(%arg10 : memref<125x128xf32, #tpu.memory_space<vmem>>) offsets(%dma_start3A_244 : memref<125xi32, #tpu.memory_space<vmem>>) semaphore(%arg12 : memref<!tpu.dma_semaphore, #tpu.memory_space<semaphore_mem>>)
      %ge3A_248 = arith.constant 1 : i32
      %ge3A_249 = arith.cmpi sge, %add3A_223, %ge3A_248 : i32
      %convert_element_type3A_250 = arith.extui %ge3A_249 : i1 to i32
      %cond3A_251 = arith.constant 0 : i32
      %cond3A_252 = arith.cmpi ne, %convert_element_type3A_250, %cond3A_251 : i32
      scf.if %cond3A_252 {
        %dma_wait3A_400 = arith.constant 0 : i32
        %dma_wait3A_401 = arith.constant 0 : i32
        %dma_wait3A_402 = tpu.memref_slice %arg6[%dma_wait3A_400, %dma_wait3A_401] : memref<8x125xi32, #tpu.memory_space<vmem>> -> memref<1x125xi32, #tpu.memory_space<vmem>>
        %dma_wait3A_403 = tpu.memref_squeeze %dma_wait3A_402 : memref<1x125xi32, #tpu.memory_space<vmem>> -> memref<125xi32, #tpu.memory_space<vmem>>
        %dma_wait3A_404 = arith.constant 0 : i32
        %dma_wait3A_405 = arith.constant 0 : i32
        %dma_wait3A_406 = tpu.memref_slice %arg2[%dma_wait3A_404, %dma_wait3A_405] : memref<10240x128xf32, #tpu.memory_space<hbm>> -> memref<10240x128xf32, #tpu.memory_space<hbm>>
        tpu.wait_indirect_dma semaphore(%arg13 : memref<!tpu.dma_semaphore, #tpu.memory_space<semaphore_mem>>) src(%dma_wait3A_406 : memref<10240x128xf32, #tpu.memory_space<hbm>>) dst(%arg11 : memref<125x128xf32, #tpu.memory_space<vmem>>)
        %dma_start3A_407 = arith.constant 7 : i32
        %dma_start3A_408 = arith.constant 0 : i32
        %dma_start3A_409 = tpu.memref_slice %arg7[%dma_start3A_407, %dma_start3A_408] : memref<8x125xi32, #tpu.memory_space<vmem>> -> memref<1x125xi32, #tpu.memory_space<vmem>>
        %dma_start3A_410 = tpu.memref_squeeze %dma_start3A_409 : memref<1x125xi32, #tpu.memory_space<vmem>> -> memref<125xi32, #tpu.memory_space<vmem>>
        %dma_start3A_411 = arith.constant 0 : i32
        %dma_start3A_412 = arith.constant 0 : i32
        %dma_start3A_413 = tpu.memref_slice %arg16[%dma_start3A_411, %dma_start3A_412] : memref<10240x128xf32, #tpu.memory_space<vmem_shared>> -> memref<10240x128xf32, #tpu.memory_space<vmem_shared>>
        tpu.enqueue_indirect_dma source(%arg11 : memref<125x128xf32, #tpu.memory_space<vmem>>) target(%dma_start3A_413 : memref<10240x128xf32, #tpu.memory_space<vmem_shared>>) offsets(%dma_start3A_410 : memref<125xi32, #tpu.memory_space<vmem>>) semaphore(%arg15 : memref<!tpu.dma_semaphore, #tpu.memory_space<semaphore_mem>>) {add = true}
      } else {
      }
      %mul3A_253 = arith.constant 16 : i32
      %mul3A_254 = arith.muli %mul3A_253, %scan3A_43 : i32
      %add3A_255 = arith.constant 9 : i32
      %add3A_256 = arith.addi %mul3A_254, %add3A_255 : i32
      %ge3A_257 = arith.constant 2 : i32
      %ge3A_258 = arith.cmpi sge, %add3A_256, %ge3A_257 : i32
      %convert_element_type3A_259 = arith.extui %ge3A_258 : i1 to i32
      %cond3A_260 = arith.constant 0 : i32
      %cond3A_261 = arith.cmpi ne, %convert_element_type3A_259, %cond3A_260 : i32
      scf.if %cond3A_261 {
        %dma_wait3A_400 = arith.constant 0 : i32
        %dma_wait3A_401 = arith.constant 0 : i32
        %dma_wait3A_402 = tpu.memref_slice %arg7[%dma_wait3A_400, %dma_wait3A_401] : memref<8x125xi32, #tpu.memory_space<vmem>> -> memref<1x125xi32, #tpu.memory_space<vmem>>
        %dma_wait3A_403 = tpu.memref_squeeze %dma_wait3A_402 : memref<1x125xi32, #tpu.memory_space<vmem>> -> memref<125xi32, #tpu.memory_space<vmem>>
        %dma_wait3A_404 = arith.constant 0 : i32
        %dma_wait3A_405 = arith.constant 0 : i32
        %dma_wait3A_406 = tpu.memref_slice %arg16[%dma_wait3A_404, %dma_wait3A_405] : memref<10240x128xf32, #tpu.memory_space<vmem_shared>> -> memref<10240x128xf32, #tpu.memory_space<vmem_shared>>
        tpu.wait_indirect_dma semaphore(%arg15 : memref<!tpu.dma_semaphore, #tpu.memory_space<semaphore_mem>>) src(%arg10 : memref<125x128xf32, #tpu.memory_space<vmem>>) dst(%dma_wait3A_406 : memref<10240x128xf32, #tpu.memory_space<vmem_shared>>)
      } else {
      }
      %dma_start3A_262 = arith.constant 1 : i32
      %dma_start3A_263 = arith.constant 0 : i32
      %dma_start3A_264 = tpu.memref_slice %arg8[%dma_start3A_262, %dma_start3A_263] : memref<8x125xi32, #tpu.memory_space<vmem>> -> memref<1x125xi32, #tpu.memory_space<vmem>>
      %dma_start3A_265 = tpu.memref_squeeze %dma_start3A_264 : memref<1x125xi32, #tpu.memory_space<vmem>> -> memref<125xi32, #tpu.memory_space<vmem>>
      %dma_start3A_266 = arith.constant 0 : i32
      %dma_start3A_267 = arith.constant 0 : i32
      %dma_start3A_268 = tpu.memref_slice %arg2[%dma_start3A_266, %dma_start3A_267] : memref<10240x128xf32, #tpu.memory_space<hbm>> -> memref<10240x128xf32, #tpu.memory_space<hbm>>
      tpu.enqueue_indirect_dma source(%dma_start3A_268 : memref<10240x128xf32, #tpu.memory_space<hbm>>) target(%arg11 : memref<125x128xf32, #tpu.memory_space<vmem>>) offsets(%dma_start3A_265 : memref<125xi32, #tpu.memory_space<vmem>>) semaphore(%arg13 : memref<!tpu.dma_semaphore, #tpu.memory_space<semaphore_mem>>)
      %ge3A_269 = arith.constant 1 : i32
      %ge3A_270 = arith.cmpi sge, %add3A_256, %ge3A_269 : i32
      %convert_element_type3A_271 = arith.extui %ge3A_270 : i1 to i32
      %cond3A_272 = arith.constant 0 : i32
      %cond3A_273 = arith.cmpi ne, %convert_element_type3A_271, %cond3A_272 : i32
      scf.if %cond3A_273 {
        %dma_wait3A_400 = arith.constant 0 : i32
        %dma_wait3A_401 = arith.constant 0 : i32
        %dma_wait3A_402 = tpu.memref_slice %arg6[%dma_wait3A_400, %dma_wait3A_401] : memref<8x125xi32, #tpu.memory_space<vmem>> -> memref<1x125xi32, #tpu.memory_space<vmem>>
        %dma_wait3A_403 = tpu.memref_squeeze %dma_wait3A_402 : memref<1x125xi32, #tpu.memory_space<vmem>> -> memref<125xi32, #tpu.memory_space<vmem>>
        %dma_wait3A_404 = arith.constant 0 : i32
        %dma_wait3A_405 = arith.constant 0 : i32
        %dma_wait3A_406 = tpu.memref_slice %arg2[%dma_wait3A_404, %dma_wait3A_405] : memref<10240x128xf32, #tpu.memory_space<hbm>> -> memref<10240x128xf32, #tpu.memory_space<hbm>>
        tpu.wait_indirect_dma semaphore(%arg12 : memref<!tpu.dma_semaphore, #tpu.memory_space<semaphore_mem>>) src(%dma_wait3A_406 : memref<10240x128xf32, #tpu.memory_space<hbm>>) dst(%arg10 : memref<125x128xf32, #tpu.memory_space<vmem>>)
        %dma_start3A_407 = arith.constant 0 : i32
        %dma_start3A_408 = arith.constant 0 : i32
        %dma_start3A_409 = tpu.memref_slice %arg9[%dma_start3A_407, %dma_start3A_408] : memref<8x125xi32, #tpu.memory_space<vmem>> -> memref<1x125xi32, #tpu.memory_space<vmem>>
        %dma_start3A_410 = tpu.memref_squeeze %dma_start3A_409 : memref<1x125xi32, #tpu.memory_space<vmem>> -> memref<125xi32, #tpu.memory_space<vmem>>
        %dma_start3A_411 = arith.constant 0 : i32
        %dma_start3A_412 = arith.constant 0 : i32
        %dma_start3A_413 = tpu.memref_slice %arg16[%dma_start3A_411, %dma_start3A_412] : memref<10240x128xf32, #tpu.memory_space<vmem_shared>> -> memref<10240x128xf32, #tpu.memory_space<vmem_shared>>
        tpu.enqueue_indirect_dma source(%arg10 : memref<125x128xf32, #tpu.memory_space<vmem>>) target(%dma_start3A_413 : memref<10240x128xf32, #tpu.memory_space<vmem_shared>>) offsets(%dma_start3A_410 : memref<125xi32, #tpu.memory_space<vmem>>) semaphore(%arg14 : memref<!tpu.dma_semaphore, #tpu.memory_space<semaphore_mem>>) {add = true}
      } else {
      }
      %mul3A_274 = arith.constant 16 : i32
      %mul3A_275 = arith.muli %mul3A_274, %scan3A_43 : i32
      %add3A_276 = arith.constant 10 : i32
      %add3A_277 = arith.addi %mul3A_275, %add3A_276 : i32
      %ge3A_278 = arith.constant 2 : i32
      %ge3A_279 = arith.cmpi sge, %add3A_277, %ge3A_278 : i32
      %convert_element_type3A_280 = arith.extui %ge3A_279 : i1 to i32
      %cond3A_281 = arith.constant 0 : i32
      %cond3A_282 = arith.cmpi ne, %convert_element_type3A_280, %cond3A_281 : i32
      scf.if %cond3A_282 {
        %dma_wait3A_400 = arith.constant 0 : i32
        %dma_wait3A_401 = arith.constant 0 : i32
        %dma_wait3A_402 = tpu.memref_slice %arg7[%dma_wait3A_400, %dma_wait3A_401] : memref<8x125xi32, #tpu.memory_space<vmem>> -> memref<1x125xi32, #tpu.memory_space<vmem>>
        %dma_wait3A_403 = tpu.memref_squeeze %dma_wait3A_402 : memref<1x125xi32, #tpu.memory_space<vmem>> -> memref<125xi32, #tpu.memory_space<vmem>>
        %dma_wait3A_404 = arith.constant 0 : i32
        %dma_wait3A_405 = arith.constant 0 : i32
        %dma_wait3A_406 = tpu.memref_slice %arg16[%dma_wait3A_404, %dma_wait3A_405] : memref<10240x128xf32, #tpu.memory_space<vmem_shared>> -> memref<10240x128xf32, #tpu.memory_space<vmem_shared>>
        tpu.wait_indirect_dma semaphore(%arg14 : memref<!tpu.dma_semaphore, #tpu.memory_space<semaphore_mem>>) src(%arg10 : memref<125x128xf32, #tpu.memory_space<vmem>>) dst(%dma_wait3A_406 : memref<10240x128xf32, #tpu.memory_space<vmem_shared>>)
      } else {
      }
      %dma_start3A_283 = arith.constant 2 : i32
      %dma_start3A_284 = arith.constant 0 : i32
      %dma_start3A_285 = tpu.memref_slice %arg8[%dma_start3A_283, %dma_start3A_284] : memref<8x125xi32, #tpu.memory_space<vmem>> -> memref<1x125xi32, #tpu.memory_space<vmem>>
      %dma_start3A_286 = tpu.memref_squeeze %dma_start3A_285 : memref<1x125xi32, #tpu.memory_space<vmem>> -> memref<125xi32, #tpu.memory_space<vmem>>
      %dma_start3A_287 = arith.constant 0 : i32
      %dma_start3A_288 = arith.constant 0 : i32
      %dma_start3A_289 = tpu.memref_slice %arg2[%dma_start3A_287, %dma_start3A_288] : memref<10240x128xf32, #tpu.memory_space<hbm>> -> memref<10240x128xf32, #tpu.memory_space<hbm>>
      tpu.enqueue_indirect_dma source(%dma_start3A_289 : memref<10240x128xf32, #tpu.memory_space<hbm>>) target(%arg10 : memref<125x128xf32, #tpu.memory_space<vmem>>) offsets(%dma_start3A_286 : memref<125xi32, #tpu.memory_space<vmem>>) semaphore(%arg12 : memref<!tpu.dma_semaphore, #tpu.memory_space<semaphore_mem>>)
      %ge3A_290 = arith.constant 1 : i32
      %ge3A_291 = arith.cmpi sge, %add3A_277, %ge3A_290 : i32
      %convert_element_type3A_292 = arith.extui %ge3A_291 : i1 to i32
      %cond3A_293 = arith.constant 0 : i32
      %cond3A_294 = arith.cmpi ne, %convert_element_type3A_292, %cond3A_293 : i32
      scf.if %cond3A_294 {
        %dma_wait3A_400 = arith.constant 0 : i32
        %dma_wait3A_401 = arith.constant 0 : i32
        %dma_wait3A_402 = tpu.memref_slice %arg6[%dma_wait3A_400, %dma_wait3A_401] : memref<8x125xi32, #tpu.memory_space<vmem>> -> memref<1x125xi32, #tpu.memory_space<vmem>>
        %dma_wait3A_403 = tpu.memref_squeeze %dma_wait3A_402 : memref<1x125xi32, #tpu.memory_space<vmem>> -> memref<125xi32, #tpu.memory_space<vmem>>
        %dma_wait3A_404 = arith.constant 0 : i32
        %dma_wait3A_405 = arith.constant 0 : i32
        %dma_wait3A_406 = tpu.memref_slice %arg2[%dma_wait3A_404, %dma_wait3A_405] : memref<10240x128xf32, #tpu.memory_space<hbm>> -> memref<10240x128xf32, #tpu.memory_space<hbm>>
        tpu.wait_indirect_dma semaphore(%arg13 : memref<!tpu.dma_semaphore, #tpu.memory_space<semaphore_mem>>) src(%dma_wait3A_406 : memref<10240x128xf32, #tpu.memory_space<hbm>>) dst(%arg11 : memref<125x128xf32, #tpu.memory_space<vmem>>)
        %dma_start3A_407 = arith.constant 1 : i32
        %dma_start3A_408 = arith.constant 0 : i32
        %dma_start3A_409 = tpu.memref_slice %arg9[%dma_start3A_407, %dma_start3A_408] : memref<8x125xi32, #tpu.memory_space<vmem>> -> memref<1x125xi32, #tpu.memory_space<vmem>>
        %dma_start3A_410 = tpu.memref_squeeze %dma_start3A_409 : memref<1x125xi32, #tpu.memory_space<vmem>> -> memref<125xi32, #tpu.memory_space<vmem>>
        %dma_start3A_411 = arith.constant 0 : i32
        %dma_start3A_412 = arith.constant 0 : i32
        %dma_start3A_413 = tpu.memref_slice %arg16[%dma_start3A_411, %dma_start3A_412] : memref<10240x128xf32, #tpu.memory_space<vmem_shared>> -> memref<10240x128xf32, #tpu.memory_space<vmem_shared>>
        tpu.enqueue_indirect_dma source(%arg11 : memref<125x128xf32, #tpu.memory_space<vmem>>) target(%dma_start3A_413 : memref<10240x128xf32, #tpu.memory_space<vmem_shared>>) offsets(%dma_start3A_410 : memref<125xi32, #tpu.memory_space<vmem>>) semaphore(%arg15 : memref<!tpu.dma_semaphore, #tpu.memory_space<semaphore_mem>>) {add = true}
      } else {
      }
      %mul3A_295 = arith.constant 16 : i32
      %mul3A_296 = arith.muli %mul3A_295, %scan3A_43 : i32
      %add3A_297 = arith.constant 11 : i32
      %add3A_298 = arith.addi %mul3A_296, %add3A_297 : i32
      %ge3A_299 = arith.constant 2 : i32
      %ge3A_300 = arith.cmpi sge, %add3A_298, %ge3A_299 : i32
      %convert_element_type3A_301 = arith.extui %ge3A_300 : i1 to i32
      %cond3A_302 = arith.constant 0 : i32
      %cond3A_303 = arith.cmpi ne, %convert_element_type3A_301, %cond3A_302 : i32
      scf.if %cond3A_303 {
        %dma_wait3A_400 = arith.constant 0 : i32
        %dma_wait3A_401 = arith.constant 0 : i32
        %dma_wait3A_402 = tpu.memref_slice %arg7[%dma_wait3A_400, %dma_wait3A_401] : memref<8x125xi32, #tpu.memory_space<vmem>> -> memref<1x125xi32, #tpu.memory_space<vmem>>
        %dma_wait3A_403 = tpu.memref_squeeze %dma_wait3A_402 : memref<1x125xi32, #tpu.memory_space<vmem>> -> memref<125xi32, #tpu.memory_space<vmem>>
        %dma_wait3A_404 = arith.constant 0 : i32
        %dma_wait3A_405 = arith.constant 0 : i32
        %dma_wait3A_406 = tpu.memref_slice %arg16[%dma_wait3A_404, %dma_wait3A_405] : memref<10240x128xf32, #tpu.memory_space<vmem_shared>> -> memref<10240x128xf32, #tpu.memory_space<vmem_shared>>
        tpu.wait_indirect_dma semaphore(%arg15 : memref<!tpu.dma_semaphore, #tpu.memory_space<semaphore_mem>>) src(%arg10 : memref<125x128xf32, #tpu.memory_space<vmem>>) dst(%dma_wait3A_406 : memref<10240x128xf32, #tpu.memory_space<vmem_shared>>)
      } else {
      }
      %dma_start3A_304 = arith.constant 3 : i32
      %dma_start3A_305 = arith.constant 0 : i32
      %dma_start3A_306 = tpu.memref_slice %arg8[%dma_start3A_304, %dma_start3A_305] : memref<8x125xi32, #tpu.memory_space<vmem>> -> memref<1x125xi32, #tpu.memory_space<vmem>>
      %dma_start3A_307 = tpu.memref_squeeze %dma_start3A_306 : memref<1x125xi32, #tpu.memory_space<vmem>> -> memref<125xi32, #tpu.memory_space<vmem>>
      %dma_start3A_308 = arith.constant 0 : i32
      %dma_start3A_309 = arith.constant 0 : i32
      %dma_start3A_310 = tpu.memref_slice %arg2[%dma_start3A_308, %dma_start3A_309] : memref<10240x128xf32, #tpu.memory_space<hbm>> -> memref<10240x128xf32, #tpu.memory_space<hbm>>
      tpu.enqueue_indirect_dma source(%dma_start3A_310 : memref<10240x128xf32, #tpu.memory_space<hbm>>) target(%arg11 : memref<125x128xf32, #tpu.memory_space<vmem>>) offsets(%dma_start3A_307 : memref<125xi32, #tpu.memory_space<vmem>>) semaphore(%arg13 : memref<!tpu.dma_semaphore, #tpu.memory_space<semaphore_mem>>)
      %ge3A_311 = arith.constant 1 : i32
      %ge3A_312 = arith.cmpi sge, %add3A_298, %ge3A_311 : i32
      %convert_element_type3A_313 = arith.extui %ge3A_312 : i1 to i32
      %cond3A_314 = arith.constant 0 : i32
      %cond3A_315 = arith.cmpi ne, %convert_element_type3A_313, %cond3A_314 : i32
      scf.if %cond3A_315 {
        %dma_wait3A_400 = arith.constant 0 : i32
        %dma_wait3A_401 = arith.constant 0 : i32
        %dma_wait3A_402 = tpu.memref_slice %arg6[%dma_wait3A_400, %dma_wait3A_401] : memref<8x125xi32, #tpu.memory_space<vmem>> -> memref<1x125xi32, #tpu.memory_space<vmem>>
        %dma_wait3A_403 = tpu.memref_squeeze %dma_wait3A_402 : memref<1x125xi32, #tpu.memory_space<vmem>> -> memref<125xi32, #tpu.memory_space<vmem>>
        %dma_wait3A_404 = arith.constant 0 : i32
        %dma_wait3A_405 = arith.constant 0 : i32
        %dma_wait3A_406 = tpu.memref_slice %arg2[%dma_wait3A_404, %dma_wait3A_405] : memref<10240x128xf32, #tpu.memory_space<hbm>> -> memref<10240x128xf32, #tpu.memory_space<hbm>>
        tpu.wait_indirect_dma semaphore(%arg12 : memref<!tpu.dma_semaphore, #tpu.memory_space<semaphore_mem>>) src(%dma_wait3A_406 : memref<10240x128xf32, #tpu.memory_space<hbm>>) dst(%arg10 : memref<125x128xf32, #tpu.memory_space<vmem>>)
        %dma_start3A_407 = arith.constant 2 : i32
        %dma_start3A_408 = arith.constant 0 : i32
        %dma_start3A_409 = tpu.memref_slice %arg9[%dma_start3A_407, %dma_start3A_408] : memref<8x125xi32, #tpu.memory_space<vmem>> -> memref<1x125xi32, #tpu.memory_space<vmem>>
        %dma_start3A_410 = tpu.memref_squeeze %dma_start3A_409 : memref<1x125xi32, #tpu.memory_space<vmem>> -> memref<125xi32, #tpu.memory_space<vmem>>
        %dma_start3A_411 = arith.constant 0 : i32
        %dma_start3A_412 = arith.constant 0 : i32
        %dma_start3A_413 = tpu.memref_slice %arg16[%dma_start3A_411, %dma_start3A_412] : memref<10240x128xf32, #tpu.memory_space<vmem_shared>> -> memref<10240x128xf32, #tpu.memory_space<vmem_shared>>
        tpu.enqueue_indirect_dma source(%arg10 : memref<125x128xf32, #tpu.memory_space<vmem>>) target(%dma_start3A_413 : memref<10240x128xf32, #tpu.memory_space<vmem_shared>>) offsets(%dma_start3A_410 : memref<125xi32, #tpu.memory_space<vmem>>) semaphore(%arg14 : memref<!tpu.dma_semaphore, #tpu.memory_space<semaphore_mem>>) {add = true}
      } else {
      }
      %mul3A_316 = arith.constant 16 : i32
      %mul3A_317 = arith.muli %mul3A_316, %scan3A_43 : i32
      %add3A_318 = arith.constant 12 : i32
      %add3A_319 = arith.addi %mul3A_317, %add3A_318 : i32
      %ge3A_320 = arith.constant 2 : i32
      %ge3A_321 = arith.cmpi sge, %add3A_319, %ge3A_320 : i32
      %convert_element_type3A_322 = arith.extui %ge3A_321 : i1 to i32
      %cond3A_323 = arith.constant 0 : i32
      %cond3A_324 = arith.cmpi ne, %convert_element_type3A_322, %cond3A_323 : i32
      scf.if %cond3A_324 {
        %dma_wait3A_400 = arith.constant 0 : i32
        %dma_wait3A_401 = arith.constant 0 : i32
        %dma_wait3A_402 = tpu.memref_slice %arg7[%dma_wait3A_400, %dma_wait3A_401] : memref<8x125xi32, #tpu.memory_space<vmem>> -> memref<1x125xi32, #tpu.memory_space<vmem>>
        %dma_wait3A_403 = tpu.memref_squeeze %dma_wait3A_402 : memref<1x125xi32, #tpu.memory_space<vmem>> -> memref<125xi32, #tpu.memory_space<vmem>>
        %dma_wait3A_404 = arith.constant 0 : i32
        %dma_wait3A_405 = arith.constant 0 : i32
        %dma_wait3A_406 = tpu.memref_slice %arg16[%dma_wait3A_404, %dma_wait3A_405] : memref<10240x128xf32, #tpu.memory_space<vmem_shared>> -> memref<10240x128xf32, #tpu.memory_space<vmem_shared>>
        tpu.wait_indirect_dma semaphore(%arg14 : memref<!tpu.dma_semaphore, #tpu.memory_space<semaphore_mem>>) src(%arg10 : memref<125x128xf32, #tpu.memory_space<vmem>>) dst(%dma_wait3A_406 : memref<10240x128xf32, #tpu.memory_space<vmem_shared>>)
      } else {
      }
      %dma_start3A_325 = arith.constant 4 : i32
      %dma_start3A_326 = arith.constant 0 : i32
      %dma_start3A_327 = tpu.memref_slice %arg8[%dma_start3A_325, %dma_start3A_326] : memref<8x125xi32, #tpu.memory_space<vmem>> -> memref<1x125xi32, #tpu.memory_space<vmem>>
      %dma_start3A_328 = tpu.memref_squeeze %dma_start3A_327 : memref<1x125xi32, #tpu.memory_space<vmem>> -> memref<125xi32, #tpu.memory_space<vmem>>
      %dma_start3A_329 = arith.constant 0 : i32
      %dma_start3A_330 = arith.constant 0 : i32
      %dma_start3A_331 = tpu.memref_slice %arg2[%dma_start3A_329, %dma_start3A_330] : memref<10240x128xf32, #tpu.memory_space<hbm>> -> memref<10240x128xf32, #tpu.memory_space<hbm>>
      tpu.enqueue_indirect_dma source(%dma_start3A_331 : memref<10240x128xf32, #tpu.memory_space<hbm>>) target(%arg10 : memref<125x128xf32, #tpu.memory_space<vmem>>) offsets(%dma_start3A_328 : memref<125xi32, #tpu.memory_space<vmem>>) semaphore(%arg12 : memref<!tpu.dma_semaphore, #tpu.memory_space<semaphore_mem>>)
      %ge3A_332 = arith.constant 1 : i32
      %ge3A_333 = arith.cmpi sge, %add3A_319, %ge3A_332 : i32
      %convert_element_type3A_334 = arith.extui %ge3A_333 : i1 to i32
      %cond3A_335 = arith.constant 0 : i32
      %cond3A_336 = arith.cmpi ne, %convert_element_type3A_334, %cond3A_335 : i32
      scf.if %cond3A_336 {
        %dma_wait3A_400 = arith.constant 0 : i32
        %dma_wait3A_401 = arith.constant 0 : i32
        %dma_wait3A_402 = tpu.memref_slice %arg6[%dma_wait3A_400, %dma_wait3A_401] : memref<8x125xi32, #tpu.memory_space<vmem>> -> memref<1x125xi32, #tpu.memory_space<vmem>>
        %dma_wait3A_403 = tpu.memref_squeeze %dma_wait3A_402 : memref<1x125xi32, #tpu.memory_space<vmem>> -> memref<125xi32, #tpu.memory_space<vmem>>
        %dma_wait3A_404 = arith.constant 0 : i32
        %dma_wait3A_405 = arith.constant 0 : i32
        %dma_wait3A_406 = tpu.memref_slice %arg2[%dma_wait3A_404, %dma_wait3A_405] : memref<10240x128xf32, #tpu.memory_space<hbm>> -> memref<10240x128xf32, #tpu.memory_space<hbm>>
        tpu.wait_indirect_dma semaphore(%arg13 : memref<!tpu.dma_semaphore, #tpu.memory_space<semaphore_mem>>) src(%dma_wait3A_406 : memref<10240x128xf32, #tpu.memory_space<hbm>>) dst(%arg11 : memref<125x128xf32, #tpu.memory_space<vmem>>)
        %dma_start3A_407 = arith.constant 3 : i32
        %dma_start3A_408 = arith.constant 0 : i32
        %dma_start3A_409 = tpu.memref_slice %arg9[%dma_start3A_407, %dma_start3A_408] : memref<8x125xi32, #tpu.memory_space<vmem>> -> memref<1x125xi32, #tpu.memory_space<vmem>>
        %dma_start3A_410 = tpu.memref_squeeze %dma_start3A_409 : memref<1x125xi32, #tpu.memory_space<vmem>> -> memref<125xi32, #tpu.memory_space<vmem>>
        %dma_start3A_411 = arith.constant 0 : i32
        %dma_start3A_412 = arith.constant 0 : i32
        %dma_start3A_413 = tpu.memref_slice %arg16[%dma_start3A_411, %dma_start3A_412] : memref<10240x128xf32, #tpu.memory_space<vmem_shared>> -> memref<10240x128xf32, #tpu.memory_space<vmem_shared>>
        tpu.enqueue_indirect_dma source(%arg11 : memref<125x128xf32, #tpu.memory_space<vmem>>) target(%dma_start3A_413 : memref<10240x128xf32, #tpu.memory_space<vmem_shared>>) offsets(%dma_start3A_410 : memref<125xi32, #tpu.memory_space<vmem>>) semaphore(%arg15 : memref<!tpu.dma_semaphore, #tpu.memory_space<semaphore_mem>>) {add = true}
      } else {
      }
      %mul3A_337 = arith.constant 16 : i32
      %mul3A_338 = arith.muli %mul3A_337, %scan3A_43 : i32
      %add3A_339 = arith.constant 13 : i32
      %add3A_340 = arith.addi %mul3A_338, %add3A_339 : i32
      %ge3A_341 = arith.constant 2 : i32
      %ge3A_342 = arith.cmpi sge, %add3A_340, %ge3A_341 : i32
      %convert_element_type3A_343 = arith.extui %ge3A_342 : i1 to i32
      %cond3A_344 = arith.constant 0 : i32
      %cond3A_345 = arith.cmpi ne, %convert_element_type3A_343, %cond3A_344 : i32
      scf.if %cond3A_345 {
        %dma_wait3A_400 = arith.constant 0 : i32
        %dma_wait3A_401 = arith.constant 0 : i32
        %dma_wait3A_402 = tpu.memref_slice %arg7[%dma_wait3A_400, %dma_wait3A_401] : memref<8x125xi32, #tpu.memory_space<vmem>> -> memref<1x125xi32, #tpu.memory_space<vmem>>
        %dma_wait3A_403 = tpu.memref_squeeze %dma_wait3A_402 : memref<1x125xi32, #tpu.memory_space<vmem>> -> memref<125xi32, #tpu.memory_space<vmem>>
        %dma_wait3A_404 = arith.constant 0 : i32
        %dma_wait3A_405 = arith.constant 0 : i32
        %dma_wait3A_406 = tpu.memref_slice %arg16[%dma_wait3A_404, %dma_wait3A_405] : memref<10240x128xf32, #tpu.memory_space<vmem_shared>> -> memref<10240x128xf32, #tpu.memory_space<vmem_shared>>
        tpu.wait_indirect_dma semaphore(%arg15 : memref<!tpu.dma_semaphore, #tpu.memory_space<semaphore_mem>>) src(%arg10 : memref<125x128xf32, #tpu.memory_space<vmem>>) dst(%dma_wait3A_406 : memref<10240x128xf32, #tpu.memory_space<vmem_shared>>)
      } else {
      }
      %dma_start3A_346 = arith.constant 5 : i32
      %dma_start3A_347 = arith.constant 0 : i32
      %dma_start3A_348 = tpu.memref_slice %arg8[%dma_start3A_346, %dma_start3A_347] : memref<8x125xi32, #tpu.memory_space<vmem>> -> memref<1x125xi32, #tpu.memory_space<vmem>>
      %dma_start3A_349 = tpu.memref_squeeze %dma_start3A_348 : memref<1x125xi32, #tpu.memory_space<vmem>> -> memref<125xi32, #tpu.memory_space<vmem>>
      %dma_start3A_350 = arith.constant 0 : i32
      %dma_start3A_351 = arith.constant 0 : i32
      %dma_start3A_352 = tpu.memref_slice %arg2[%dma_start3A_350, %dma_start3A_351] : memref<10240x128xf32, #tpu.memory_space<hbm>> -> memref<10240x128xf32, #tpu.memory_space<hbm>>
      tpu.enqueue_indirect_dma source(%dma_start3A_352 : memref<10240x128xf32, #tpu.memory_space<hbm>>) target(%arg11 : memref<125x128xf32, #tpu.memory_space<vmem>>) offsets(%dma_start3A_349 : memref<125xi32, #tpu.memory_space<vmem>>) semaphore(%arg13 : memref<!tpu.dma_semaphore, #tpu.memory_space<semaphore_mem>>)
      %ge3A_353 = arith.constant 1 : i32
      %ge3A_354 = arith.cmpi sge, %add3A_340, %ge3A_353 : i32
      %convert_element_type3A_355 = arith.extui %ge3A_354 : i1 to i32
      %cond3A_356 = arith.constant 0 : i32
      %cond3A_357 = arith.cmpi ne, %convert_element_type3A_355, %cond3A_356 : i32
      scf.if %cond3A_357 {
        %dma_wait3A_400 = arith.constant 0 : i32
        %dma_wait3A_401 = arith.constant 0 : i32
        %dma_wait3A_402 = tpu.memref_slice %arg6[%dma_wait3A_400, %dma_wait3A_401] : memref<8x125xi32, #tpu.memory_space<vmem>> -> memref<1x125xi32, #tpu.memory_space<vmem>>
        %dma_wait3A_403 = tpu.memref_squeeze %dma_wait3A_402 : memref<1x125xi32, #tpu.memory_space<vmem>> -> memref<125xi32, #tpu.memory_space<vmem>>
        %dma_wait3A_404 = arith.constant 0 : i32
        %dma_wait3A_405 = arith.constant 0 : i32
        %dma_wait3A_406 = tpu.memref_slice %arg2[%dma_wait3A_404, %dma_wait3A_405] : memref<10240x128xf32, #tpu.memory_space<hbm>> -> memref<10240x128xf32, #tpu.memory_space<hbm>>
        tpu.wait_indirect_dma semaphore(%arg12 : memref<!tpu.dma_semaphore, #tpu.memory_space<semaphore_mem>>) src(%dma_wait3A_406 : memref<10240x128xf32, #tpu.memory_space<hbm>>) dst(%arg10 : memref<125x128xf32, #tpu.memory_space<vmem>>)
        %dma_start3A_407 = arith.constant 4 : i32
        %dma_start3A_408 = arith.constant 0 : i32
        %dma_start3A_409 = tpu.memref_slice %arg9[%dma_start3A_407, %dma_start3A_408] : memref<8x125xi32, #tpu.memory_space<vmem>> -> memref<1x125xi32, #tpu.memory_space<vmem>>
        %dma_start3A_410 = tpu.memref_squeeze %dma_start3A_409 : memref<1x125xi32, #tpu.memory_space<vmem>> -> memref<125xi32, #tpu.memory_space<vmem>>
        %dma_start3A_411 = arith.constant 0 : i32
        %dma_start3A_412 = arith.constant 0 : i32
        %dma_start3A_413 = tpu.memref_slice %arg16[%dma_start3A_411, %dma_start3A_412] : memref<10240x128xf32, #tpu.memory_space<vmem_shared>> -> memref<10240x128xf32, #tpu.memory_space<vmem_shared>>
        tpu.enqueue_indirect_dma source(%arg10 : memref<125x128xf32, #tpu.memory_space<vmem>>) target(%dma_start3A_413 : memref<10240x128xf32, #tpu.memory_space<vmem_shared>>) offsets(%dma_start3A_410 : memref<125xi32, #tpu.memory_space<vmem>>) semaphore(%arg14 : memref<!tpu.dma_semaphore, #tpu.memory_space<semaphore_mem>>) {add = true}
      } else {
      }
      %mul3A_358 = arith.constant 16 : i32
      %mul3A_359 = arith.muli %mul3A_358, %scan3A_43 : i32
      %add3A_360 = arith.constant 14 : i32
      %add3A_361 = arith.addi %mul3A_359, %add3A_360 : i32
      %ge3A_362 = arith.constant 2 : i32
      %ge3A_363 = arith.cmpi sge, %add3A_361, %ge3A_362 : i32
      %convert_element_type3A_364 = arith.extui %ge3A_363 : i1 to i32
      %cond3A_365 = arith.constant 0 : i32
      %cond3A_366 = arith.cmpi ne, %convert_element_type3A_364, %cond3A_365 : i32
      scf.if %cond3A_366 {
        %dma_wait3A_400 = arith.constant 0 : i32
        %dma_wait3A_401 = arith.constant 0 : i32
        %dma_wait3A_402 = tpu.memref_slice %arg7[%dma_wait3A_400, %dma_wait3A_401] : memref<8x125xi32, #tpu.memory_space<vmem>> -> memref<1x125xi32, #tpu.memory_space<vmem>>
        %dma_wait3A_403 = tpu.memref_squeeze %dma_wait3A_402 : memref<1x125xi32, #tpu.memory_space<vmem>> -> memref<125xi32, #tpu.memory_space<vmem>>
        %dma_wait3A_404 = arith.constant 0 : i32
        %dma_wait3A_405 = arith.constant 0 : i32
        %dma_wait3A_406 = tpu.memref_slice %arg16[%dma_wait3A_404, %dma_wait3A_405] : memref<10240x128xf32, #tpu.memory_space<vmem_shared>> -> memref<10240x128xf32, #tpu.memory_space<vmem_shared>>
        tpu.wait_indirect_dma semaphore(%arg14 : memref<!tpu.dma_semaphore, #tpu.memory_space<semaphore_mem>>) src(%arg10 : memref<125x128xf32, #tpu.memory_space<vmem>>) dst(%dma_wait3A_406 : memref<10240x128xf32, #tpu.memory_space<vmem_shared>>)
      } else {
      }
      %dma_start3A_367 = arith.constant 6 : i32
      %dma_start3A_368 = arith.constant 0 : i32
      %dma_start3A_369 = tpu.memref_slice %arg8[%dma_start3A_367, %dma_start3A_368] : memref<8x125xi32, #tpu.memory_space<vmem>> -> memref<1x125xi32, #tpu.memory_space<vmem>>
      %dma_start3A_370 = tpu.memref_squeeze %dma_start3A_369 : memref<1x125xi32, #tpu.memory_space<vmem>> -> memref<125xi32, #tpu.memory_space<vmem>>
      %dma_start3A_371 = arith.constant 0 : i32
      %dma_start3A_372 = arith.constant 0 : i32
      %dma_start3A_373 = tpu.memref_slice %arg2[%dma_start3A_371, %dma_start3A_372] : memref<10240x128xf32, #tpu.memory_space<hbm>> -> memref<10240x128xf32, #tpu.memory_space<hbm>>
      tpu.enqueue_indirect_dma source(%dma_start3A_373 : memref<10240x128xf32, #tpu.memory_space<hbm>>) target(%arg10 : memref<125x128xf32, #tpu.memory_space<vmem>>) offsets(%dma_start3A_370 : memref<125xi32, #tpu.memory_space<vmem>>) semaphore(%arg12 : memref<!tpu.dma_semaphore, #tpu.memory_space<semaphore_mem>>)
      %ge3A_374 = arith.constant 1 : i32
      %ge3A_375 = arith.cmpi sge, %add3A_361, %ge3A_374 : i32
      %convert_element_type3A_376 = arith.extui %ge3A_375 : i1 to i32
      %cond3A_377 = arith.constant 0 : i32
      %cond3A_378 = arith.cmpi ne, %convert_element_type3A_376, %cond3A_377 : i32
      scf.if %cond3A_378 {
        %dma_wait3A_400 = arith.constant 0 : i32
        %dma_wait3A_401 = arith.constant 0 : i32
        %dma_wait3A_402 = tpu.memref_slice %arg6[%dma_wait3A_400, %dma_wait3A_401] : memref<8x125xi32, #tpu.memory_space<vmem>> -> memref<1x125xi32, #tpu.memory_space<vmem>>
        %dma_wait3A_403 = tpu.memref_squeeze %dma_wait3A_402 : memref<1x125xi32, #tpu.memory_space<vmem>> -> memref<125xi32, #tpu.memory_space<vmem>>
        %dma_wait3A_404 = arith.constant 0 : i32
        %dma_wait3A_405 = arith.constant 0 : i32
        %dma_wait3A_406 = tpu.memref_slice %arg2[%dma_wait3A_404, %dma_wait3A_405] : memref<10240x128xf32, #tpu.memory_space<hbm>> -> memref<10240x128xf32, #tpu.memory_space<hbm>>
        tpu.wait_indirect_dma semaphore(%arg13 : memref<!tpu.dma_semaphore, #tpu.memory_space<semaphore_mem>>) src(%dma_wait3A_406 : memref<10240x128xf32, #tpu.memory_space<hbm>>) dst(%arg11 : memref<125x128xf32, #tpu.memory_space<vmem>>)
        %dma_start3A_407 = arith.constant 5 : i32
        %dma_start3A_408 = arith.constant 0 : i32
        %dma_start3A_409 = tpu.memref_slice %arg9[%dma_start3A_407, %dma_start3A_408] : memref<8x125xi32, #tpu.memory_space<vmem>> -> memref<1x125xi32, #tpu.memory_space<vmem>>
        %dma_start3A_410 = tpu.memref_squeeze %dma_start3A_409 : memref<1x125xi32, #tpu.memory_space<vmem>> -> memref<125xi32, #tpu.memory_space<vmem>>
        %dma_start3A_411 = arith.constant 0 : i32
        %dma_start3A_412 = arith.constant 0 : i32
        %dma_start3A_413 = tpu.memref_slice %arg16[%dma_start3A_411, %dma_start3A_412] : memref<10240x128xf32, #tpu.memory_space<vmem_shared>> -> memref<10240x128xf32, #tpu.memory_space<vmem_shared>>
        tpu.enqueue_indirect_dma source(%arg11 : memref<125x128xf32, #tpu.memory_space<vmem>>) target(%dma_start3A_413 : memref<10240x128xf32, #tpu.memory_space<vmem_shared>>) offsets(%dma_start3A_410 : memref<125xi32, #tpu.memory_space<vmem>>) semaphore(%arg15 : memref<!tpu.dma_semaphore, #tpu.memory_space<semaphore_mem>>) {add = true}
      } else {
      }
      %mul3A_379 = arith.constant 16 : i32
      %mul3A_380 = arith.muli %mul3A_379, %scan3A_43 : i32
      %add3A_381 = arith.constant 15 : i32
      %add3A_382 = arith.addi %mul3A_380, %add3A_381 : i32
      %ge3A_383 = arith.constant 2 : i32
      %ge3A_384 = arith.cmpi sge, %add3A_382, %ge3A_383 : i32
      %convert_element_type3A_385 = arith.extui %ge3A_384 : i1 to i32
      %cond3A_386 = arith.constant 0 : i32
      %cond3A_387 = arith.cmpi ne, %convert_element_type3A_385, %cond3A_386 : i32
      scf.if %cond3A_387 {
        %dma_wait3A_400 = arith.constant 0 : i32
        %dma_wait3A_401 = arith.constant 0 : i32
        %dma_wait3A_402 = tpu.memref_slice %arg7[%dma_wait3A_400, %dma_wait3A_401] : memref<8x125xi32, #tpu.memory_space<vmem>> -> memref<1x125xi32, #tpu.memory_space<vmem>>
        %dma_wait3A_403 = tpu.memref_squeeze %dma_wait3A_402 : memref<1x125xi32, #tpu.memory_space<vmem>> -> memref<125xi32, #tpu.memory_space<vmem>>
        %dma_wait3A_404 = arith.constant 0 : i32
        %dma_wait3A_405 = arith.constant 0 : i32
        %dma_wait3A_406 = tpu.memref_slice %arg16[%dma_wait3A_404, %dma_wait3A_405] : memref<10240x128xf32, #tpu.memory_space<vmem_shared>> -> memref<10240x128xf32, #tpu.memory_space<vmem_shared>>
        tpu.wait_indirect_dma semaphore(%arg15 : memref<!tpu.dma_semaphore, #tpu.memory_space<semaphore_mem>>) src(%arg10 : memref<125x128xf32, #tpu.memory_space<vmem>>) dst(%dma_wait3A_406 : memref<10240x128xf32, #tpu.memory_space<vmem_shared>>)
      } else {
      }
      %dma_start3A_388 = arith.constant 7 : i32
      %dma_start3A_389 = arith.constant 0 : i32
      %dma_start3A_390 = tpu.memref_slice %arg8[%dma_start3A_388, %dma_start3A_389] : memref<8x125xi32, #tpu.memory_space<vmem>> -> memref<1x125xi32, #tpu.memory_space<vmem>>
      %dma_start3A_391 = tpu.memref_squeeze %dma_start3A_390 : memref<1x125xi32, #tpu.memory_space<vmem>> -> memref<125xi32, #tpu.memory_space<vmem>>
      %dma_start3A_392 = arith.constant 0 : i32
      %dma_start3A_393 = arith.constant 0 : i32
      %dma_start3A_394 = tpu.memref_slice %arg2[%dma_start3A_392, %dma_start3A_393] : memref<10240x128xf32, #tpu.memory_space<hbm>> -> memref<10240x128xf32, #tpu.memory_space<hbm>>
      tpu.enqueue_indirect_dma source(%dma_start3A_394 : memref<10240x128xf32, #tpu.memory_space<hbm>>) target(%arg11 : memref<125x128xf32, #tpu.memory_space<vmem>>) offsets(%dma_start3A_391 : memref<125xi32, #tpu.memory_space<vmem>>) semaphore(%arg13 : memref<!tpu.dma_semaphore, #tpu.memory_space<semaphore_mem>>)
      %ge3A_395 = arith.constant 1 : i32
      %ge3A_396 = arith.cmpi sge, %add3A_382, %ge3A_395 : i32
      %convert_element_type3A_397 = arith.extui %ge3A_396 : i1 to i32
      %cond3A_398 = arith.constant 0 : i32
      %cond3A_399 = arith.cmpi ne, %convert_element_type3A_397, %cond3A_398 : i32
      scf.if %cond3A_399 {
        %dma_wait3A_400 = arith.constant 0 : i32
        %dma_wait3A_401 = arith.constant 0 : i32
        %dma_wait3A_402 = tpu.memref_slice %arg6[%dma_wait3A_400, %dma_wait3A_401] : memref<8x125xi32, #tpu.memory_space<vmem>> -> memref<1x125xi32, #tpu.memory_space<vmem>>
        %dma_wait3A_403 = tpu.memref_squeeze %dma_wait3A_402 : memref<1x125xi32, #tpu.memory_space<vmem>> -> memref<125xi32, #tpu.memory_space<vmem>>
        %dma_wait3A_404 = arith.constant 0 : i32
        %dma_wait3A_405 = arith.constant 0 : i32
        %dma_wait3A_406 = tpu.memref_slice %arg2[%dma_wait3A_404, %dma_wait3A_405] : memref<10240x128xf32, #tpu.memory_space<hbm>> -> memref<10240x128xf32, #tpu.memory_space<hbm>>
        tpu.wait_indirect_dma semaphore(%arg12 : memref<!tpu.dma_semaphore, #tpu.memory_space<semaphore_mem>>) src(%dma_wait3A_406 : memref<10240x128xf32, #tpu.memory_space<hbm>>) dst(%arg10 : memref<125x128xf32, #tpu.memory_space<vmem>>)
        %dma_start3A_407 = arith.constant 6 : i32
        %dma_start3A_408 = arith.constant 0 : i32
        %dma_start3A_409 = tpu.memref_slice %arg9[%dma_start3A_407, %dma_start3A_408] : memref<8x125xi32, #tpu.memory_space<vmem>> -> memref<1x125xi32, #tpu.memory_space<vmem>>
        %dma_start3A_410 = tpu.memref_squeeze %dma_start3A_409 : memref<1x125xi32, #tpu.memory_space<vmem>> -> memref<125xi32, #tpu.memory_space<vmem>>
        %dma_start3A_411 = arith.constant 0 : i32
        %dma_start3A_412 = arith.constant 0 : i32
        %dma_start3A_413 = tpu.memref_slice %arg16[%dma_start3A_411, %dma_start3A_412] : memref<10240x128xf32, #tpu.memory_space<vmem_shared>> -> memref<10240x128xf32, #tpu.memory_space<vmem_shared>>
        tpu.enqueue_indirect_dma source(%arg10 : memref<125x128xf32, #tpu.memory_space<vmem>>) target(%dma_start3A_413 : memref<10240x128xf32, #tpu.memory_space<vmem_shared>>) offsets(%dma_start3A_410 : memref<125xi32, #tpu.memory_space<vmem>>) semaphore(%arg14 : memref<!tpu.dma_semaphore, #tpu.memory_space<semaphore_mem>>) {add = true}
      } else {
      }
    }
    %scan3A_12 = arith.constant 5 : i32
    %dma_wait3A = arith.constant 0 : i32
    %dma_wait3A_13 = arith.constant 0 : i32
    %dma_wait3A_14 = tpu.memref_slice %arg6[%dma_wait3A, %dma_wait3A_13] : memref<8x125xi32, #tpu.memory_space<vmem>> -> memref<1x125xi32, #tpu.memory_space<vmem>>
    %dma_wait3A_15 = tpu.memref_squeeze %dma_wait3A_14 : memref<1x125xi32, #tpu.memory_space<vmem>> -> memref<125xi32, #tpu.memory_space<vmem>>
    %dma_wait3A_16 = arith.constant 0 : i32
    %dma_wait3A_17 = arith.constant 0 : i32
    %dma_wait3A_18 = tpu.memref_slice %arg2[%dma_wait3A_16, %dma_wait3A_17] : memref<10240x128xf32, #tpu.memory_space<hbm>> -> memref<10240x128xf32, #tpu.memory_space<hbm>>
    tpu.wait_indirect_dma semaphore(%arg13 : memref<!tpu.dma_semaphore, #tpu.memory_space<semaphore_mem>>) src(%dma_wait3A_18 : memref<10240x128xf32, #tpu.memory_space<hbm>>) dst(%arg11 : memref<125x128xf32, #tpu.memory_space<vmem>>)
    %dma_start3A = arith.constant 7 : i32
    %dma_start3A_19 = arith.constant 0 : i32
    %dma_start3A_20 = tpu.memref_slice %arg9[%dma_start3A, %dma_start3A_19] : memref<8x125xi32, #tpu.memory_space<vmem>> -> memref<1x125xi32, #tpu.memory_space<vmem>>
    %dma_start3A_21 = tpu.memref_squeeze %dma_start3A_20 : memref<1x125xi32, #tpu.memory_space<vmem>> -> memref<125xi32, #tpu.memory_space<vmem>>
    %dma_start3A_22 = arith.constant 0 : i32
    %dma_start3A_23 = arith.constant 0 : i32
    %dma_start3A_24 = tpu.memref_slice %arg16[%dma_start3A_22, %dma_start3A_23] : memref<10240x128xf32, #tpu.memory_space<vmem_shared>> -> memref<10240x128xf32, #tpu.memory_space<vmem_shared>>
    tpu.enqueue_indirect_dma source(%arg11 : memref<125x128xf32, #tpu.memory_space<vmem>>) target(%dma_start3A_24 : memref<10240x128xf32, #tpu.memory_space<vmem_shared>>) offsets(%dma_start3A_21 : memref<125xi32, #tpu.memory_space<vmem>>) semaphore(%arg15 : memref<!tpu.dma_semaphore, #tpu.memory_space<semaphore_mem>>) {add = true}
    %dma_wait3A_25 = arith.constant 0 : i32
    %dma_wait3A_26 = arith.constant 0 : i32
    %dma_wait3A_27 = tpu.memref_slice %arg7[%dma_wait3A_25, %dma_wait3A_26] : memref<8x125xi32, #tpu.memory_space<vmem>> -> memref<1x125xi32, #tpu.memory_space<vmem>>
    %dma_wait3A_28 = tpu.memref_squeeze %dma_wait3A_27 : memref<1x125xi32, #tpu.memory_space<vmem>> -> memref<125xi32, #tpu.memory_space<vmem>>
    %dma_wait3A_29 = arith.constant 0 : i32
    %dma_wait3A_30 = arith.constant 0 : i32
    %dma_wait3A_31 = tpu.memref_slice %arg16[%dma_wait3A_29, %dma_wait3A_30] : memref<10240x128xf32, #tpu.memory_space<vmem_shared>> -> memref<10240x128xf32, #tpu.memory_space<vmem_shared>>
    tpu.wait_indirect_dma semaphore(%arg14 : memref<!tpu.dma_semaphore, #tpu.memory_space<semaphore_mem>>) src(%arg10 : memref<125x128xf32, #tpu.memory_space<vmem>>) dst(%dma_wait3A_31 : memref<10240x128xf32, #tpu.memory_space<vmem_shared>>)
    %dma_wait3A_32 = arith.constant 0 : i32
    %dma_wait3A_33 = arith.constant 0 : i32
    %dma_wait3A_34 = tpu.memref_slice %arg7[%dma_wait3A_32, %dma_wait3A_33] : memref<8x125xi32, #tpu.memory_space<vmem>> -> memref<1x125xi32, #tpu.memory_space<vmem>>
    %dma_wait3A_35 = tpu.memref_squeeze %dma_wait3A_34 : memref<1x125xi32, #tpu.memory_space<vmem>> -> memref<125xi32, #tpu.memory_space<vmem>>
    %dma_wait3A_36 = arith.constant 0 : i32
    %dma_wait3A_37 = arith.constant 0 : i32
    %dma_wait3A_38 = tpu.memref_slice %arg16[%dma_wait3A_36, %dma_wait3A_37] : memref<10240x128xf32, #tpu.memory_space<vmem_shared>> -> memref<10240x128xf32, #tpu.memory_space<vmem_shared>>
    tpu.wait_indirect_dma semaphore(%arg15 : memref<!tpu.dma_semaphore, #tpu.memory_space<semaphore_mem>>) src(%arg10 : memref<125x128xf32, #tpu.memory_space<vmem>>) dst(%dma_wait3A_38 : memref<10240x128xf32, #tpu.memory_space<vmem_shared>>)
    %barrier3A_39 = arith.constant 0 : index
    tpu.barrier barrier_id(%barrier3A_39)
    %mul3A_40 = arith.constant 10240 : i32
    %mul3A_41 = arith.muli %arg0, %mul3A_40 : i32
    %add3A_42 = arith.addi %mul3A_41, %mul3A_2 : i32
    "tpu.region"() ({
      %run_scoped3A = tpu.sem_alloc : memref<!tpu.dma_semaphore, #tpu.memory_space<semaphore_mem>>
      %dma_start3A_43 = arith.constant 0 : i32
      %dma_start3A_44 = tpu.memref_slice %arg5[%add3A_42, %dma_start3A_43] : memref<20480x128xf32, #tpu.memory_space<hbm>> -> memref<640x128xf32, #tpu.memory_space<hbm>>
      %dma_start3A_45 = arith.constant 0 : i32
      %dma_start3A_46 = tpu.memref_slice %arg16[%mul3A_2, %dma_start3A_45] : memref<10240x128xf32, #tpu.memory_space<vmem_shared>> -> memref<640x128xf32, #tpu.memory_space<vmem_shared>>
      tpu.enqueue_dma source(%dma_start3A_46 : memref<640x128xf32, #tpu.memory_space<vmem_shared>>) target(%dma_start3A_44 : memref<640x128xf32, #tpu.memory_space<hbm>>) target_semaphore(%run_scoped3A : memref<!tpu.dma_semaphore, #tpu.memory_space<semaphore_mem>>)
      %dma_wait3A_47 = arith.constant 0 : i32
      %dma_wait3A_48 = tpu.memref_slice %arg5[%add3A_42, %dma_wait3A_47] : memref<20480x128xf32, #tpu.memory_space<hbm>> -> memref<640x128xf32, #tpu.memory_space<hbm>>
      %dma_wait3A_49 = arith.constant 0 : i32
      %dma_wait3A_50 = tpu.memref_slice %arg16[%mul3A_2, %dma_wait3A_49] : memref<10240x128xf32, #tpu.memory_space<vmem_shared>> -> memref<640x128xf32, #tpu.memory_space<vmem_shared>>
      tpu.wait_dma2 semaphore(%run_scoped3A : memref<!tpu.dma_semaphore, #tpu.memory_space<semaphore_mem>>) src(%dma_wait3A_50 : memref<640x128xf32, #tpu.memory_space<vmem_shared>>) dst(%dma_wait3A_48 : memref<640x128xf32, #tpu.memory_space<hbm>>)
      tpu.yield
    }) : () -> ()
    return
  }
}

#map = affine_map<(d0, d1) -> (0, 0)>
#map1 = affine_map<(d0, d1) -> (0)>
module attributes {stable_mosaic.version = 14 : i64} {
  func.func @body(%arg0: i32, %arg1: i32, %arg2: memref<10240x128xf32, #tpu.memory_space<hbm>>, %arg3: memref<5120x125xi32, #tpu.memory_space<hbm>>, %arg4: memref<10240x128xf32, #tpu.memory_space<hbm>>, %arg5: memref<20480x128xf32, #tpu.memory_space<hbm>>, %arg6: memref<327680xf32, #tpu.memory_space<hbm>>, %arg7: memref<8x125xi32, #tpu.memory_space<vmem>>, %arg8: memref<8x125xi32, #tpu.memory_space<vmem>>, %arg9: memref<8x125xi32, #tpu.memory_space<vmem>>, %arg10: memref<8x125xi32, #tpu.memory_space<vmem>>, %arg11: memref<125x128xf32, #tpu.memory_space<vmem>>, %arg12: memref<125x128xf32, #tpu.memory_space<vmem>>, %arg13: memref<!tpu.dma_semaphore, #tpu.memory_space<semaphore_mem>>, %arg14: memref<!tpu.dma_semaphore, #tpu.memory_space<semaphore_mem>>, %arg15: memref<!tpu.dma_semaphore, #tpu.memory_space<semaphore_mem>>, %arg16: memref<!tpu.dma_semaphore, #tpu.memory_space<semaphore_mem>>, %arg17: memref<10240x128xf32, #tpu.memory_space<vmem_shared>>, %arg18: memref<10240xf32, #tpu.memory_space<vmem>>) attributes {dimension_semantics = [#tpu.dimension_semantics<core_parallel>, #tpu.dimension_semantics<subcore_parallel>], iteration_bounds = array<i64: 2, 16>, scalar_prefetch = 0 : i64, scratch_operands = 12 : i64, tpu.core_type = #tpu.core_type<sc_vector_subcore>, window_params = [{transform_indices = #map}, {transform_indices = #map}, {transform_indices = #map}, {transform_indices = #map}, {transform_indices = #map1}]} {
    %mul3A = arith.constant 2 : i32
    %mul3A_0 = arith.muli %arg1, %mul3A : i32
    %add3A = arith.addi %mul3A_0, %arg0 : i32
    %mul3A_1 = arith.constant 640 : i32
    %mul3A_2 = arith.muli %arg1, %mul3A_1 : i32
    %mul3A_3 = arith.constant 80 : i32
    %mul3A_4 = arith.muli %add3A, %mul3A_3 : i32
    "tpu.region"() ({
      %run_scoped3A = tpu.sem_alloc : memref<!tpu.dma_semaphore, #tpu.memory_space<semaphore_mem>>
      %dma_start3A_84 = arith.constant 0 : i32
      %dma_start3A_85 = tpu.memref_slice %arg17[%mul3A_2, %dma_start3A_84] : memref<10240x128xf32, #tpu.memory_space<vmem_shared>> -> memref<640x128xf32, #tpu.memory_space<vmem_shared>>
      %dma_start3A_86 = arith.constant 0 : i32
      %dma_start3A_87 = tpu.memref_slice %arg4[%mul3A_2, %dma_start3A_86] : memref<10240x128xf32, #tpu.memory_space<hbm>> -> memref<640x128xf32, #tpu.memory_space<hbm>>
      tpu.enqueue_dma source(%dma_start3A_87 : memref<640x128xf32, #tpu.memory_space<hbm>>) target(%dma_start3A_85 : memref<640x128xf32, #tpu.memory_space<vmem_shared>>) target_semaphore(%run_scoped3A : memref<!tpu.dma_semaphore, #tpu.memory_space<semaphore_mem>>)
      %dma_wait3A_88 = arith.constant 0 : i32
      %dma_wait3A_89 = tpu.memref_slice %arg17[%mul3A_2, %dma_wait3A_88] : memref<10240x128xf32, #tpu.memory_space<vmem_shared>> -> memref<640x128xf32, #tpu.memory_space<vmem_shared>>
      %dma_wait3A_90 = arith.constant 0 : i32
      %dma_wait3A_91 = tpu.memref_slice %arg4[%mul3A_2, %dma_wait3A_90] : memref<10240x128xf32, #tpu.memory_space<hbm>> -> memref<640x128xf32, #tpu.memory_space<hbm>>
      tpu.wait_dma2 semaphore(%run_scoped3A : memref<!tpu.dma_semaphore, #tpu.memory_space<semaphore_mem>>) src(%dma_wait3A_91 : memref<640x128xf32, #tpu.memory_space<hbm>>) dst(%dma_wait3A_89 : memref<640x128xf32, #tpu.memory_space<vmem_shared>>)
      tpu.yield
    }) : () -> ()
    %broadcast_in_dim3A = arith.constant 0.000000e+00 : f32
    %broadcast_in_dim3A_5 = vector.broadcast %broadcast_in_dim3A : f32 to vector<16xf32>
    %scan3A = arith.constant 0 : i32
    %scan3A_6 = arith.constant 0 : i32
    %scan3A_7 = arith.constant 640 : i32
    %scan3A_8 = arith.addi %scan3A_6, %scan3A_7 : i32
    %scan3A_9 = arith.constant 1 : i32
    scf.for %scan3A_84 = %scan3A_6 to %scan3A_8 step %scan3A_9  : i32 {
      %mul3A_85 = arith.constant 16 : i32
      %mul3A_86 = arith.muli %scan3A_84, %mul3A_85 : i32
      %swap3A = arith.index_cast %mul3A_86 : i32 to index
      %swap3A_87 = tpu.vector_load %arg18[%swap3A] {strides = array<i32>} : memref<10240xf32, #tpu.memory_space<vmem>>, vector<16xf32>,
      tpu.vector_store %arg18[%swap3A], %broadcast_in_dim3A_5 {strides = array<i32>} : memref<10240xf32, #tpu.memory_space<vmem>>, vector<16xf32>,
    }
    %scan3A_10 = arith.constant 640 : i32
    %barrier3A = arith.constant 0 : index
    tpu.barrier barrier_id(%barrier3A)
    %broadcast_in_dim3A_11 = arith.constant 1.000000e+00 : f32
    %broadcast_in_dim3A_12 = vector.broadcast %broadcast_in_dim3A_11 : f32 to vector<16xf32>
    %iota3A = tpu.iota {dimensions = array<i32: 0>} : vector<16xi32>
    %ge3A = arith.constant 3 : i32
    %ge3A_13 = vector.broadcast %ge3A : i32 to vector<16xi32>
    %ge3A_14 = arith.cmpi sge, %iota3A, %ge3A_13 : vector<16xi32>
    %scan3A_15 = arith.constant 0 : i32
    %scan3A_16 = arith.constant 0 : i32
    %scan3A_17 = arith.constant 5 : i32
    %scan3A_18 = arith.addi %scan3A_16, %scan3A_17 : i32
    %scan3A_19 = arith.constant 1 : i32
    scf.for %scan3A_84 = %scan3A_16 to %scan3A_18 step %scan3A_19  : i32 {
      %mul3A_85 = arith.constant 2 : i32
      %mul3A_86 = arith.muli %mul3A_85, %scan3A_84 : i32
      %mul3A_87 = arith.constant 8 : i32
      %mul3A_88 = arith.muli %mul3A_86, %mul3A_87 : i32
      %add3A_89 = arith.addi %mul3A_4, %mul3A_88 : i32
      "tpu.region"() ({
        %run_scoped3A = tpu.sem_alloc : memref<!tpu.dma_semaphore, #tpu.memory_space<semaphore_mem>>
        %dma_start3A_521 = arith.constant 0 : i32
        %dma_start3A_522 = tpu.memref_slice %arg3[%add3A_89, %dma_start3A_521] : memref<5120x125xi32, #tpu.memory_space<hbm>> -> memref<8x125xi32, #tpu.memory_space<hbm>>
        %dma_start3A_523 = arith.constant 0 : i32
        %dma_start3A_524 = tpu.memref_slice %arg3[%add3A_89, %dma_start3A_523] : memref<5120x125xi32, #tpu.memory_space<hbm>> -> memref<8x125xi32, #tpu.memory_space<hbm>>
        tpu.enqueue_dma source(%dma_start3A_524 : memref<8x125xi32, #tpu.memory_space<hbm>>) target(%arg7 : memref<8x125xi32, #tpu.memory_space<vmem>>) target_semaphore(%run_scoped3A : memref<!tpu.dma_semaphore, #tpu.memory_space<semaphore_mem>>)
        %dma_wait3A_525 = arith.constant 0 : i32
        %dma_wait3A_526 = tpu.memref_slice %arg3[%add3A_89, %dma_wait3A_525] : memref<5120x125xi32, #tpu.memory_space<hbm>> -> memref<8x125xi32, #tpu.memory_space<hbm>>
        %dma_wait3A_527 = arith.constant 0 : i32
        %dma_wait3A_528 = tpu.memref_slice %arg3[%add3A_89, %dma_wait3A_527] : memref<5120x125xi32, #tpu.memory_space<hbm>> -> memref<8x125xi32, #tpu.memory_space<hbm>>
        tpu.wait_dma2 semaphore(%run_scoped3A : memref<!tpu.dma_semaphore, #tpu.memory_space<semaphore_mem>>) src(%dma_wait3A_528 : memref<8x125xi32, #tpu.memory_space<hbm>>) dst(%arg7 : memref<8x125xi32, #tpu.memory_space<vmem>>)
        tpu.yield
      }) : () -> ()
      %add3A_90 = arith.constant 2560 : i32
      %add3A_91 = arith.addi %add3A_90, %mul3A_4 : i32
      %mul3A_92 = arith.constant 8 : i32
      %mul3A_93 = arith.muli %mul3A_86, %mul3A_92 : i32
      %add3A_94 = arith.addi %add3A_91, %mul3A_93 : i32
      "tpu.region"() ({
        %run_scoped3A = tpu.sem_alloc : memref<!tpu.dma_semaphore, #tpu.memory_space<semaphore_mem>>
        %dma_start3A_521 = arith.constant 0 : i32
        %dma_start3A_522 = tpu.memref_slice %arg3[%add3A_94, %dma_start3A_521] : memref<5120x125xi32, #tpu.memory_space<hbm>> -> memref<8x125xi32, #tpu.memory_space<hbm>>
        %dma_start3A_523 = arith.constant 0 : i32
        %dma_start3A_524 = tpu.memref_slice %arg3[%add3A_94, %dma_start3A_523] : memref<5120x125xi32, #tpu.memory_space<hbm>> -> memref<8x125xi32, #tpu.memory_space<hbm>>
        tpu.enqueue_dma source(%dma_start3A_524 : memref<8x125xi32, #tpu.memory_space<hbm>>) target(%arg8 : memref<8x125xi32, #tpu.memory_space<vmem>>) target_semaphore(%run_scoped3A : memref<!tpu.dma_semaphore, #tpu.memory_space<semaphore_mem>>)
        %dma_wait3A_525 = arith.constant 0 : i32
        %dma_wait3A_526 = tpu.memref_slice %arg3[%add3A_94, %dma_wait3A_525] : memref<5120x125xi32, #tpu.memory_space<hbm>> -> memref<8x125xi32, #tpu.memory_space<hbm>>
        %dma_wait3A_527 = arith.constant 0 : i32
        %dma_wait3A_528 = tpu.memref_slice %arg3[%add3A_94, %dma_wait3A_527] : memref<5120x125xi32, #tpu.memory_space<hbm>> -> memref<8x125xi32, #tpu.memory_space<hbm>>
        tpu.wait_dma2 semaphore(%run_scoped3A : memref<!tpu.dma_semaphore, #tpu.memory_space<semaphore_mem>>) src(%dma_wait3A_528 : memref<8x125xi32, #tpu.memory_space<hbm>>) dst(%arg8 : memref<8x125xi32, #tpu.memory_space<vmem>>)
        tpu.yield
      }) : () -> ()
      %mul3A_95 = arith.constant 16 : i32
      %mul3A_96 = arith.muli %mul3A_95, %scan3A_84 : i32
      %add3A_97 = arith.constant 0 : i32
      %add3A_98 = arith.addi %mul3A_96, %add3A_97 : i32
      %ge3A_99 = arith.constant 2 : i32
      %ge3A_100 = arith.cmpi sge, %add3A_98, %ge3A_99 : i32
      %convert_element_type3A = arith.extui %ge3A_100 : i1 to i32
      %cond3A = arith.constant 0 : i32
      %cond3A_101 = arith.cmpi ne, %convert_element_type3A, %cond3A : i32
      scf.if %cond3A_101 {
        %dma_wait3A_521 = arith.constant 0 : i32
        %dma_wait3A_522 = arith.constant 0 : i32
        %dma_wait3A_523 = tpu.memref_slice %arg8[%dma_wait3A_521, %dma_wait3A_522] : memref<8x125xi32, #tpu.memory_space<vmem>> -> memref<1x125xi32, #tpu.memory_space<vmem>>
        %dma_wait3A_524 = tpu.memref_squeeze %dma_wait3A_523 : memref<1x125xi32, #tpu.memory_space<vmem>> -> memref<125xi32, #tpu.memory_space<vmem>>
        %dma_wait3A_525 = arith.constant 0 : i32
        %dma_wait3A_526 = arith.constant 0 : i32
        %dma_wait3A_527 = tpu.memref_slice %arg17[%dma_wait3A_525, %dma_wait3A_526] : memref<10240x128xf32, #tpu.memory_space<vmem_shared>> -> memref<10240x128xf32, #tpu.memory_space<vmem_shared>>
        tpu.wait_indirect_dma semaphore(%arg15 : memref<!tpu.dma_semaphore, #tpu.memory_space<semaphore_mem>>) src(%arg11 : memref<125x128xf32, #tpu.memory_space<vmem>>) dst(%dma_wait3A_527 : memref<10240x128xf32, #tpu.memory_space<vmem_shared>>)
      } else {
      }
      %dma_start3A_102 = arith.constant 0 : i32
      %dma_start3A_103 = arith.constant 0 : i32
      %dma_start3A_104 = tpu.memref_slice %arg7[%dma_start3A_102, %dma_start3A_103] : memref<8x125xi32, #tpu.memory_space<vmem>> -> memref<1x125xi32, #tpu.memory_space<vmem>>
      %dma_start3A_105 = tpu.memref_squeeze %dma_start3A_104 : memref<1x125xi32, #tpu.memory_space<vmem>> -> memref<125xi32, #tpu.memory_space<vmem>>
      %dma_start3A_106 = arith.constant 0 : i32
      %dma_start3A_107 = arith.constant 0 : i32
      %dma_start3A_108 = tpu.memref_slice %arg2[%dma_start3A_106, %dma_start3A_107] : memref<10240x128xf32, #tpu.memory_space<hbm>> -> memref<10240x128xf32, #tpu.memory_space<hbm>>
      tpu.enqueue_indirect_dma source(%dma_start3A_108 : memref<10240x128xf32, #tpu.memory_space<hbm>>) target(%arg11 : memref<125x128xf32, #tpu.memory_space<vmem>>) offsets(%dma_start3A_105 : memref<125xi32, #tpu.memory_space<vmem>>) semaphore(%arg13 : memref<!tpu.dma_semaphore, #tpu.memory_space<semaphore_mem>>)
      %ge3A_109 = arith.constant 1 : i32
      %ge3A_110 = arith.cmpi sge, %add3A_98, %ge3A_109 : i32
      %convert_element_type3A_111 = arith.extui %ge3A_110 : i1 to i32
      %cond3A_112 = arith.constant 0 : i32
      %cond3A_113 = arith.cmpi ne, %convert_element_type3A_111, %cond3A_112 : i32
      scf.if %cond3A_113 {
        %dma_wait3A_521 = arith.constant 0 : i32
        %dma_wait3A_522 = arith.constant 0 : i32
        %dma_wait3A_523 = tpu.memref_slice %arg7[%dma_wait3A_521, %dma_wait3A_522] : memref<8x125xi32, #tpu.memory_space<vmem>> -> memref<1x125xi32, #tpu.memory_space<vmem>>
        %dma_wait3A_524 = tpu.memref_squeeze %dma_wait3A_523 : memref<1x125xi32, #tpu.memory_space<vmem>> -> memref<125xi32, #tpu.memory_space<vmem>>
        %dma_wait3A_525 = arith.constant 0 : i32
        %dma_wait3A_526 = arith.constant 0 : i32
        %dma_wait3A_527 = tpu.memref_slice %arg2[%dma_wait3A_525, %dma_wait3A_526] : memref<10240x128xf32, #tpu.memory_space<hbm>> -> memref<10240x128xf32, #tpu.memory_space<hbm>>
        tpu.wait_indirect_dma semaphore(%arg14 : memref<!tpu.dma_semaphore, #tpu.memory_space<semaphore_mem>>) src(%dma_wait3A_527 : memref<10240x128xf32, #tpu.memory_space<hbm>>) dst(%arg12 : memref<125x128xf32, #tpu.memory_space<vmem>>)
        %dma_start3A_528 = arith.constant 7 : i32
        %dma_start3A_529 = arith.constant 0 : i32
        %dma_start3A_530 = tpu.memref_slice %arg10[%dma_start3A_528, %dma_start3A_529] : memref<8x125xi32, #tpu.memory_space<vmem>> -> memref<1x125xi32, #tpu.memory_space<vmem>>
        %dma_start3A_531 = tpu.memref_squeeze %dma_start3A_530 : memref<1x125xi32, #tpu.memory_space<vmem>> -> memref<125xi32, #tpu.memory_space<vmem>>
        %dma_start3A_532 = arith.constant 0 : i32
        %dma_start3A_533 = arith.constant 0 : i32
        %dma_start3A_534 = tpu.memref_slice %arg17[%dma_start3A_532, %dma_start3A_533] : memref<10240x128xf32, #tpu.memory_space<vmem_shared>> -> memref<10240x128xf32, #tpu.memory_space<vmem_shared>>
        tpu.enqueue_indirect_dma source(%arg12 : memref<125x128xf32, #tpu.memory_space<vmem>>) target(%dma_start3A_534 : memref<10240x128xf32, #tpu.memory_space<vmem_shared>>) offsets(%dma_start3A_531 : memref<125xi32, #tpu.memory_space<vmem>>) semaphore(%arg16 : memref<!tpu.dma_semaphore, #tpu.memory_space<semaphore_mem>>) {add = true}
      } else {
      }
      %ge3A_114 = arith.constant 1 : i32
      %ge3A_115 = arith.cmpi sge, %add3A_98, %ge3A_114 : i32
      %convert_element_type3A_116 = arith.extui %ge3A_115 : i1 to i32
      %cond3A_117 = arith.constant 0 : i32
      %cond3A_118 = arith.cmpi ne, %convert_element_type3A_116, %cond3A_117 : i32
      scf.if %cond3A_118 {
        %get3A_521 = arith.constant 7 : i32
        %get3A_522 = arith.index_cast %get3A_521 : i32 to index
        %get3A_523 = arith.constant 0 : index
        %get3A_524 = tpu.vector_load %arg10[%get3A_522, %get3A_523] {strides = array<i32>} : memref<8x125xi32, #tpu.memory_space<vmem>>, vector<16xi32>,
        tpu.vector_store_idx %arg18[%get3A_524], %broadcast_in_dim3A_12 {add = true} : memref<10240xf32, #tpu.memory_space<vmem>>[vector<16xi32>], vector<16xf32>,
        %get3A_525 = arith.constant 7 : i32
        %get3A_526 = arith.index_cast %get3A_525 : i32 to index
        %get3A_527 = arith.constant 16 : index
        %get3A_528 = tpu.vector_load %arg10[%get3A_526, %get3A_527] {strides = array<i32>} : memref<8x125xi32, #tpu.memory_space<vmem>>, vector<16xi32>,
        tpu.vector_store_idx %arg18[%get3A_528], %broadcast_in_dim3A_12 {add = true} : memref<10240xf32, #tpu.memory_space<vmem>>[vector<16xi32>], vector<16xf32>,
        %get3A_529 = arith.constant 7 : i32
        %get3A_530 = arith.index_cast %get3A_529 : i32 to index
        %get3A_531 = arith.constant 32 : index
        %get3A_532 = tpu.vector_load %arg10[%get3A_530, %get3A_531] {strides = array<i32>} : memref<8x125xi32, #tpu.memory_space<vmem>>, vector<16xi32>,
        tpu.vector_store_idx %arg18[%get3A_532], %broadcast_in_dim3A_12 {add = true} : memref<10240xf32, #tpu.memory_space<vmem>>[vector<16xi32>], vector<16xf32>,
        %get3A_533 = arith.constant 7 : i32
        %get3A_534 = arith.index_cast %get3A_533 : i32 to index
        %get3A_535 = arith.constant 48 : index
        %get3A_536 = tpu.vector_load %arg10[%get3A_534, %get3A_535] {strides = array<i32>} : memref<8x125xi32, #tpu.memory_space<vmem>>, vector<16xi32>,
        tpu.vector_store_idx %arg18[%get3A_536], %broadcast_in_dim3A_12 {add = true} : memref<10240xf32, #tpu.memory_space<vmem>>[vector<16xi32>], vector<16xf32>,
        %get3A_537 = arith.constant 7 : i32
        %get3A_538 = arith.index_cast %get3A_537 : i32 to index
        %get3A_539 = arith.constant 64 : index
        %get3A_540 = tpu.vector_load %arg10[%get3A_538, %get3A_539] {strides = array<i32>} : memref<8x125xi32, #tpu.memory_space<vmem>>, vector<16xi32>,
        tpu.vector_store_idx %arg18[%get3A_540], %broadcast_in_dim3A_12 {add = true} : memref<10240xf32, #tpu.memory_space<vmem>>[vector<16xi32>], vector<16xf32>,
        %get3A_541 = arith.constant 7 : i32
        %get3A_542 = arith.index_cast %get3A_541 : i32 to index
        %get3A_543 = arith.constant 80 : index
        %get3A_544 = tpu.vector_load %arg10[%get3A_542, %get3A_543] {strides = array<i32>} : memref<8x125xi32, #tpu.memory_space<vmem>>, vector<16xi32>,
        tpu.vector_store_idx %arg18[%get3A_544], %broadcast_in_dim3A_12 {add = true} : memref<10240xf32, #tpu.memory_space<vmem>>[vector<16xi32>], vector<16xf32>,
        %get3A_545 = arith.constant 7 : i32
        %get3A_546 = arith.index_cast %get3A_545 : i32 to index
        %get3A_547 = arith.constant 96 : index
        %get3A_548 = tpu.vector_load %arg10[%get3A_546, %get3A_547] {strides = array<i32>} : memref<8x125xi32, #tpu.memory_space<vmem>>, vector<16xi32>,
        tpu.vector_store_idx %arg18[%get3A_548], %broadcast_in_dim3A_12 {add = true} : memref<10240xf32, #tpu.memory_space<vmem>>[vector<16xi32>], vector<16xf32>,
        %get3A_549 = arith.constant 7 : i32
        %get3A_550 = arith.index_cast %get3A_549 : i32 to index
        %get3A_551 = arith.constant 109 : index
        %get3A_552 = tpu.vector_load %arg10[%get3A_550, %get3A_551] {strides = array<i32>} : memref<8x125xi32, #tpu.memory_space<vmem>>, vector<16xi32>,
        tpu.vector_store_idx %arg18[%get3A_552], %broadcast_in_dim3A_12 masked %ge3A_14 {add = true} : memref<10240xf32, #tpu.memory_space<vmem>>[vector<16xi32>], vector<16xf32>, vector<16xi1>
      } else {
      }
      %mul3A_119 = arith.constant 16 : i32
      %mul3A_120 = arith.muli %mul3A_119, %scan3A_84 : i32
      %add3A_121 = arith.constant 1 : i32
      %add3A_122 = arith.addi %mul3A_120, %add3A_121 : i32
      %ge3A_123 = arith.constant 2 : i32
      %ge3A_124 = arith.cmpi sge, %add3A_122, %ge3A_123 : i32
      %convert_element_type3A_125 = arith.extui %ge3A_124 : i1 to i32
      %cond3A_126 = arith.constant 0 : i32
      %cond3A_127 = arith.cmpi ne, %convert_element_type3A_125, %cond3A_126 : i32
      scf.if %cond3A_127 {
        %dma_wait3A_521 = arith.constant 0 : i32
        %dma_wait3A_522 = arith.constant 0 : i32
        %dma_wait3A_523 = tpu.memref_slice %arg8[%dma_wait3A_521, %dma_wait3A_522] : memref<8x125xi32, #tpu.memory_space<vmem>> -> memref<1x125xi32, #tpu.memory_space<vmem>>
        %dma_wait3A_524 = tpu.memref_squeeze %dma_wait3A_523 : memref<1x125xi32, #tpu.memory_space<vmem>> -> memref<125xi32, #tpu.memory_space<vmem>>
        %dma_wait3A_525 = arith.constant 0 : i32
        %dma_wait3A_526 = arith.constant 0 : i32
        %dma_wait3A_527 = tpu.memref_slice %arg17[%dma_wait3A_525, %dma_wait3A_526] : memref<10240x128xf32, #tpu.memory_space<vmem_shared>> -> memref<10240x128xf32, #tpu.memory_space<vmem_shared>>
        tpu.wait_indirect_dma semaphore(%arg16 : memref<!tpu.dma_semaphore, #tpu.memory_space<semaphore_mem>>) src(%arg11 : memref<125x128xf32, #tpu.memory_space<vmem>>) dst(%dma_wait3A_527 : memref<10240x128xf32, #tpu.memory_space<vmem_shared>>)
      } else {
      }
      %dma_start3A_128 = arith.constant 1 : i32
      %dma_start3A_129 = arith.constant 0 : i32
      %dma_start3A_130 = tpu.memref_slice %arg7[%dma_start3A_128, %dma_start3A_129] : memref<8x125xi32, #tpu.memory_space<vmem>> -> memref<1x125xi32, #tpu.memory_space<vmem>>
      %dma_start3A_131 = tpu.memref_squeeze %dma_start3A_130 : memref<1x125xi32, #tpu.memory_space<vmem>> -> memref<125xi32, #tpu.memory_space<vmem>>
      %dma_start3A_132 = arith.constant 0 : i32
      %dma_start3A_133 = arith.constant 0 : i32
      %dma_start3A_134 = tpu.memref_slice %arg2[%dma_start3A_132, %dma_start3A_133] : memref<10240x128xf32, #tpu.memory_space<hbm>> -> memref<10240x128xf32, #tpu.memory_space<hbm>>
      tpu.enqueue_indirect_dma source(%dma_start3A_134 : memref<10240x128xf32, #tpu.memory_space<hbm>>) target(%arg12 : memref<125x128xf32, #tpu.memory_space<vmem>>) offsets(%dma_start3A_131 : memref<125xi32, #tpu.memory_space<vmem>>) semaphore(%arg14 : memref<!tpu.dma_semaphore, #tpu.memory_space<semaphore_mem>>)
      %ge3A_135 = arith.constant 1 : i32
      %ge3A_136 = arith.cmpi sge, %add3A_122, %ge3A_135 : i32
      %convert_element_type3A_137 = arith.extui %ge3A_136 : i1 to i32
      %cond3A_138 = arith.constant 0 : i32
      %cond3A_139 = arith.cmpi ne, %convert_element_type3A_137, %cond3A_138 : i32
      scf.if %cond3A_139 {
        %dma_wait3A_521 = arith.constant 0 : i32
        %dma_wait3A_522 = arith.constant 0 : i32
        %dma_wait3A_523 = tpu.memref_slice %arg7[%dma_wait3A_521, %dma_wait3A_522] : memref<8x125xi32, #tpu.memory_space<vmem>> -> memref<1x125xi32, #tpu.memory_space<vmem>>
        %dma_wait3A_524 = tpu.memref_squeeze %dma_wait3A_523 : memref<1x125xi32, #tpu.memory_space<vmem>> -> memref<125xi32, #tpu.memory_space<vmem>>
        %dma_wait3A_525 = arith.constant 0 : i32
        %dma_wait3A_526 = arith.constant 0 : i32
        %dma_wait3A_527 = tpu.memref_slice %arg2[%dma_wait3A_525, %dma_wait3A_526] : memref<10240x128xf32, #tpu.memory_space<hbm>> -> memref<10240x128xf32, #tpu.memory_space<hbm>>
        tpu.wait_indirect_dma semaphore(%arg13 : memref<!tpu.dma_semaphore, #tpu.memory_space<semaphore_mem>>) src(%dma_wait3A_527 : memref<10240x128xf32, #tpu.memory_space<hbm>>) dst(%arg11 : memref<125x128xf32, #tpu.memory_space<vmem>>)
        %dma_start3A_528 = arith.constant 0 : i32
        %dma_start3A_529 = arith.constant 0 : i32
        %dma_start3A_530 = tpu.memref_slice %arg8[%dma_start3A_528, %dma_start3A_529] : memref<8x125xi32, #tpu.memory_space<vmem>> -> memref<1x125xi32, #tpu.memory_space<vmem>>
        %dma_start3A_531 = tpu.memref_squeeze %dma_start3A_530 : memref<1x125xi32, #tpu.memory_space<vmem>> -> memref<125xi32, #tpu.memory_space<vmem>>
        %dma_start3A_532 = arith.constant 0 : i32
        %dma_start3A_533 = arith.constant 0 : i32
        %dma_start3A_534 = tpu.memref_slice %arg17[%dma_start3A_532, %dma_start3A_533] : memref<10240x128xf32, #tpu.memory_space<vmem_shared>> -> memref<10240x128xf32, #tpu.memory_space<vmem_shared>>
        tpu.enqueue_indirect_dma source(%arg11 : memref<125x128xf32, #tpu.memory_space<vmem>>) target(%dma_start3A_534 : memref<10240x128xf32, #tpu.memory_space<vmem_shared>>) offsets(%dma_start3A_531 : memref<125xi32, #tpu.memory_space<vmem>>) semaphore(%arg15 : memref<!tpu.dma_semaphore, #tpu.memory_space<semaphore_mem>>) {add = true}
      } else {
      }
      %ge3A_140 = arith.constant 1 : i32
      %ge3A_141 = arith.cmpi sge, %add3A_122, %ge3A_140 : i32
      %convert_element_type3A_142 = arith.extui %ge3A_141 : i1 to i32
      %cond3A_143 = arith.constant 0 : i32
      %cond3A_144 = arith.cmpi ne, %convert_element_type3A_142, %cond3A_143 : i32
      scf.if %cond3A_144 {
        %get3A_521 = arith.constant 0 : i32
        %get3A_522 = arith.index_cast %get3A_521 : i32 to index
        %get3A_523 = arith.constant 0 : index
        %get3A_524 = tpu.vector_load %arg8[%get3A_522, %get3A_523] {strides = array<i32>} : memref<8x125xi32, #tpu.memory_space<vmem>>, vector<16xi32>,
        tpu.vector_store_idx %arg18[%get3A_524], %broadcast_in_dim3A_12 {add = true} : memref<10240xf32, #tpu.memory_space<vmem>>[vector<16xi32>], vector<16xf32>,
        %get3A_525 = arith.constant 0 : i32
        %get3A_526 = arith.index_cast %get3A_525 : i32 to index
        %get3A_527 = arith.constant 16 : index
        %get3A_528 = tpu.vector_load %arg8[%get3A_526, %get3A_527] {strides = array<i32>} : memref<8x125xi32, #tpu.memory_space<vmem>>, vector<16xi32>,
        tpu.vector_store_idx %arg18[%get3A_528], %broadcast_in_dim3A_12 {add = true} : memref<10240xf32, #tpu.memory_space<vmem>>[vector<16xi32>], vector<16xf32>,
        %get3A_529 = arith.constant 0 : i32
        %get3A_530 = arith.index_cast %get3A_529 : i32 to index
        %get3A_531 = arith.constant 32 : index
        %get3A_532 = tpu.vector_load %arg8[%get3A_530, %get3A_531] {strides = array<i32>} : memref<8x125xi32, #tpu.memory_space<vmem>>, vector<16xi32>,
        tpu.vector_store_idx %arg18[%get3A_532], %broadcast_in_dim3A_12 {add = true} : memref<10240xf32, #tpu.memory_space<vmem>>[vector<16xi32>], vector<16xf32>,
        %get3A_533 = arith.constant 0 : i32
        %get3A_534 = arith.index_cast %get3A_533 : i32 to index
        %get3A_535 = arith.constant 48 : index
        %get3A_536 = tpu.vector_load %arg8[%get3A_534, %get3A_535] {strides = array<i32>} : memref<8x125xi32, #tpu.memory_space<vmem>>, vector<16xi32>,
        tpu.vector_store_idx %arg18[%get3A_536], %broadcast_in_dim3A_12 {add = true} : memref<10240xf32, #tpu.memory_space<vmem>>[vector<16xi32>], vector<16xf32>,
        %get3A_537 = arith.constant 0 : i32
        %get3A_538 = arith.index_cast %get3A_537 : i32 to index
        %get3A_539 = arith.constant 64 : index
        %get3A_540 = tpu.vector_load %arg8[%get3A_538, %get3A_539] {strides = array<i32>} : memref<8x125xi32, #tpu.memory_space<vmem>>, vector<16xi32>,
        tpu.vector_store_idx %arg18[%get3A_540], %broadcast_in_dim3A_12 {add = true} : memref<10240xf32, #tpu.memory_space<vmem>>[vector<16xi32>], vector<16xf32>,
        %get3A_541 = arith.constant 0 : i32
        %get3A_542 = arith.index_cast %get3A_541 : i32 to index
        %get3A_543 = arith.constant 80 : index
        %get3A_544 = tpu.vector_load %arg8[%get3A_542, %get3A_543] {strides = array<i32>} : memref<8x125xi32, #tpu.memory_space<vmem>>, vector<16xi32>,
        tpu.vector_store_idx %arg18[%get3A_544], %broadcast_in_dim3A_12 {add = true} : memref<10240xf32, #tpu.memory_space<vmem>>[vector<16xi32>], vector<16xf32>,
        %get3A_545 = arith.constant 0 : i32
        %get3A_546 = arith.index_cast %get3A_545 : i32 to index
        %get3A_547 = arith.constant 96 : index
        %get3A_548 = tpu.vector_load %arg8[%get3A_546, %get3A_547] {strides = array<i32>} : memref<8x125xi32, #tpu.memory_space<vmem>>, vector<16xi32>,
        tpu.vector_store_idx %arg18[%get3A_548], %broadcast_in_dim3A_12 {add = true} : memref<10240xf32, #tpu.memory_space<vmem>>[vector<16xi32>], vector<16xf32>,
        %get3A_549 = arith.constant 0 : i32
        %get3A_550 = arith.index_cast %get3A_549 : i32 to index
        %get3A_551 = arith.constant 109 : index
        %get3A_552 = tpu.vector_load %arg8[%get3A_550, %get3A_551] {strides = array<i32>} : memref<8x125xi32, #tpu.memory_space<vmem>>, vector<16xi32>,
        tpu.vector_store_idx %arg18[%get3A_552], %broadcast_in_dim3A_12 masked %ge3A_14 {add = true} : memref<10240xf32, #tpu.memory_space<vmem>>[vector<16xi32>], vector<16xf32>, vector<16xi1>
      } else {
      }
      %mul3A_145 = arith.constant 16 : i32
      %mul3A_146 = arith.muli %mul3A_145, %scan3A_84 : i32
      %add3A_147 = arith.constant 2 : i32
      %add3A_148 = arith.addi %mul3A_146, %add3A_147 : i32
      %ge3A_149 = arith.constant 2 : i32
      %ge3A_150 = arith.cmpi sge, %add3A_148, %ge3A_149 : i32
      %convert_element_type3A_151 = arith.extui %ge3A_150 : i1 to i32
      %cond3A_152 = arith.constant 0 : i32
      %cond3A_153 = arith.cmpi ne, %convert_element_type3A_151, %cond3A_152 : i32
      scf.if %cond3A_153 {
        %dma_wait3A_521 = arith.constant 0 : i32
        %dma_wait3A_522 = arith.constant 0 : i32
        %dma_wait3A_523 = tpu.memref_slice %arg8[%dma_wait3A_521, %dma_wait3A_522] : memref<8x125xi32, #tpu.memory_space<vmem>> -> memref<1x125xi32, #tpu.memory_space<vmem>>
        %dma_wait3A_524 = tpu.memref_squeeze %dma_wait3A_523 : memref<1x125xi32, #tpu.memory_space<vmem>> -> memref<125xi32, #tpu.memory_space<vmem>>
        %dma_wait3A_525 = arith.constant 0 : i32
        %dma_wait3A_526 = arith.constant 0 : i32
        %dma_wait3A_527 = tpu.memref_slice %arg17[%dma_wait3A_525, %dma_wait3A_526] : memref<10240x128xf32, #tpu.memory_space<vmem_shared>> -> memref<10240x128xf32, #tpu.memory_space<vmem_shared>>
        tpu.wait_indirect_dma semaphore(%arg15 : memref<!tpu.dma_semaphore, #tpu.memory_space<semaphore_mem>>) src(%arg11 : memref<125x128xf32, #tpu.memory_space<vmem>>) dst(%dma_wait3A_527 : memref<10240x128xf32, #tpu.memory_space<vmem_shared>>)
      } else {
      }
      %dma_start3A_154 = arith.constant 2 : i32
      %dma_start3A_155 = arith.constant 0 : i32
      %dma_start3A_156 = tpu.memref_slice %arg7[%dma_start3A_154, %dma_start3A_155] : memref<8x125xi32, #tpu.memory_space<vmem>> -> memref<1x125xi32, #tpu.memory_space<vmem>>
      %dma_start3A_157 = tpu.memref_squeeze %dma_start3A_156 : memref<1x125xi32, #tpu.memory_space<vmem>> -> memref<125xi32, #tpu.memory_space<vmem>>
      %dma_start3A_158 = arith.constant 0 : i32
      %dma_start3A_159 = arith.constant 0 : i32
      %dma_start3A_160 = tpu.memref_slice %arg2[%dma_start3A_158, %dma_start3A_159] : memref<10240x128xf32, #tpu.memory_space<hbm>> -> memref<10240x128xf32, #tpu.memory_space<hbm>>
      tpu.enqueue_indirect_dma source(%dma_start3A_160 : memref<10240x128xf32, #tpu.memory_space<hbm>>) target(%arg11 : memref<125x128xf32, #tpu.memory_space<vmem>>) offsets(%dma_start3A_157 : memref<125xi32, #tpu.memory_space<vmem>>) semaphore(%arg13 : memref<!tpu.dma_semaphore, #tpu.memory_space<semaphore_mem>>)
      %ge3A_161 = arith.constant 1 : i32
      %ge3A_162 = arith.cmpi sge, %add3A_148, %ge3A_161 : i32
      %convert_element_type3A_163 = arith.extui %ge3A_162 : i1 to i32
      %cond3A_164 = arith.constant 0 : i32
      %cond3A_165 = arith.cmpi ne, %convert_element_type3A_163, %cond3A_164 : i32
      scf.if %cond3A_165 {
        %dma_wait3A_521 = arith.constant 0 : i32
        %dma_wait3A_522 = arith.constant 0 : i32
        %dma_wait3A_523 = tpu.memref_slice %arg7[%dma_wait3A_521, %dma_wait3A_522] : memref<8x125xi32, #tpu.memory_space<vmem>> -> memref<1x125xi32, #tpu.memory_space<vmem>>
        %dma_wait3A_524 = tpu.memref_squeeze %dma_wait3A_523 : memref<1x125xi32, #tpu.memory_space<vmem>> -> memref<125xi32, #tpu.memory_space<vmem>>
        %dma_wait3A_525 = arith.constant 0 : i32
        %dma_wait3A_526 = arith.constant 0 : i32
        %dma_wait3A_527 = tpu.memref_slice %arg2[%dma_wait3A_525, %dma_wait3A_526] : memref<10240x128xf32, #tpu.memory_space<hbm>> -> memref<10240x128xf32, #tpu.memory_space<hbm>>
        tpu.wait_indirect_dma semaphore(%arg14 : memref<!tpu.dma_semaphore, #tpu.memory_space<semaphore_mem>>) src(%dma_wait3A_527 : memref<10240x128xf32, #tpu.memory_space<hbm>>) dst(%arg12 : memref<125x128xf32, #tpu.memory_space<vmem>>)
        %dma_start3A_528 = arith.constant 1 : i32
        %dma_start3A_529 = arith.constant 0 : i32
        %dma_start3A_530 = tpu.memref_slice %arg8[%dma_start3A_528, %dma_start3A_529] : memref<8x125xi32, #tpu.memory_space<vmem>> -> memref<1x125xi32, #tpu.memory_space<vmem>>
        %dma_start3A_531 = tpu.memref_squeeze %dma_start3A_530 : memref<1x125xi32, #tpu.memory_space<vmem>> -> memref<125xi32, #tpu.memory_space<vmem>>
        %dma_start3A_532 = arith.constant 0 : i32
        %dma_start3A_533 = arith.constant 0 : i32
        %dma_start3A_534 = tpu.memref_slice %arg17[%dma_start3A_532, %dma_start3A_533] : memref<10240x128xf32, #tpu.memory_space<vmem_shared>> -> memref<10240x128xf32, #tpu.memory_space<vmem_shared>>
        tpu.enqueue_indirect_dma source(%arg12 : memref<125x128xf32, #tpu.memory_space<vmem>>) target(%dma_start3A_534 : memref<10240x128xf32, #tpu.memory_space<vmem_shared>>) offsets(%dma_start3A_531 : memref<125xi32, #tpu.memory_space<vmem>>) semaphore(%arg16 : memref<!tpu.dma_semaphore, #tpu.memory_space<semaphore_mem>>) {add = true}
      } else {
      }
      %ge3A_166 = arith.constant 1 : i32
      %ge3A_167 = arith.cmpi sge, %add3A_148, %ge3A_166 : i32
      %convert_element_type3A_168 = arith.extui %ge3A_167 : i1 to i32
      %cond3A_169 = arith.constant 0 : i32
      %cond3A_170 = arith.cmpi ne, %convert_element_type3A_168, %cond3A_169 : i32
      scf.if %cond3A_170 {
        %get3A_521 = arith.constant 1 : i32
        %get3A_522 = arith.index_cast %get3A_521 : i32 to index
        %get3A_523 = arith.constant 0 : index
        %get3A_524 = tpu.vector_load %arg8[%get3A_522, %get3A_523] {strides = array<i32>} : memref<8x125xi32, #tpu.memory_space<vmem>>, vector<16xi32>,
        tpu.vector_store_idx %arg18[%get3A_524], %broadcast_in_dim3A_12 {add = true} : memref<10240xf32, #tpu.memory_space<vmem>>[vector<16xi32>], vector<16xf32>,
        %get3A_525 = arith.constant 1 : i32
        %get3A_526 = arith.index_cast %get3A_525 : i32 to index
        %get3A_527 = arith.constant 16 : index
        %get3A_528 = tpu.vector_load %arg8[%get3A_526, %get3A_527] {strides = array<i32>} : memref<8x125xi32, #tpu.memory_space<vmem>>, vector<16xi32>,
        tpu.vector_store_idx %arg18[%get3A_528], %broadcast_in_dim3A_12 {add = true} : memref<10240xf32, #tpu.memory_space<vmem>>[vector<16xi32>], vector<16xf32>,
        %get3A_529 = arith.constant 1 : i32
        %get3A_530 = arith.index_cast %get3A_529 : i32 to index
        %get3A_531 = arith.constant 32 : index
        %get3A_532 = tpu.vector_load %arg8[%get3A_530, %get3A_531] {strides = array<i32>} : memref<8x125xi32, #tpu.memory_space<vmem>>, vector<16xi32>,
        tpu.vector_store_idx %arg18[%get3A_532], %broadcast_in_dim3A_12 {add = true} : memref<10240xf32, #tpu.memory_space<vmem>>[vector<16xi32>], vector<16xf32>,
        %get3A_533 = arith.constant 1 : i32
        %get3A_534 = arith.index_cast %get3A_533 : i32 to index
        %get3A_535 = arith.constant 48 : index
        %get3A_536 = tpu.vector_load %arg8[%get3A_534, %get3A_535] {strides = array<i32>} : memref<8x125xi32, #tpu.memory_space<vmem>>, vector<16xi32>,
        tpu.vector_store_idx %arg18[%get3A_536], %broadcast_in_dim3A_12 {add = true} : memref<10240xf32, #tpu.memory_space<vmem>>[vector<16xi32>], vector<16xf32>,
        %get3A_537 = arith.constant 1 : i32
        %get3A_538 = arith.index_cast %get3A_537 : i32 to index
        %get3A_539 = arith.constant 64 : index
        %get3A_540 = tpu.vector_load %arg8[%get3A_538, %get3A_539] {strides = array<i32>} : memref<8x125xi32, #tpu.memory_space<vmem>>, vector<16xi32>,
        tpu.vector_store_idx %arg18[%get3A_540], %broadcast_in_dim3A_12 {add = true} : memref<10240xf32, #tpu.memory_space<vmem>>[vector<16xi32>], vector<16xf32>,
        %get3A_541 = arith.constant 1 : i32
        %get3A_542 = arith.index_cast %get3A_541 : i32 to index
        %get3A_543 = arith.constant 80 : index
        %get3A_544 = tpu.vector_load %arg8[%get3A_542, %get3A_543] {strides = array<i32>} : memref<8x125xi32, #tpu.memory_space<vmem>>, vector<16xi32>,
        tpu.vector_store_idx %arg18[%get3A_544], %broadcast_in_dim3A_12 {add = true} : memref<10240xf32, #tpu.memory_space<vmem>>[vector<16xi32>], vector<16xf32>,
        %get3A_545 = arith.constant 1 : i32
        %get3A_546 = arith.index_cast %get3A_545 : i32 to index
        %get3A_547 = arith.constant 96 : index
        %get3A_548 = tpu.vector_load %arg8[%get3A_546, %get3A_547] {strides = array<i32>} : memref<8x125xi32, #tpu.memory_space<vmem>>, vector<16xi32>,
        tpu.vector_store_idx %arg18[%get3A_548], %broadcast_in_dim3A_12 {add = true} : memref<10240xf32, #tpu.memory_space<vmem>>[vector<16xi32>], vector<16xf32>,
        %get3A_549 = arith.constant 1 : i32
        %get3A_550 = arith.index_cast %get3A_549 : i32 to index
        %get3A_551 = arith.constant 109 : index
        %get3A_552 = tpu.vector_load %arg8[%get3A_550, %get3A_551] {strides = array<i32>} : memref<8x125xi32, #tpu.memory_space<vmem>>, vector<16xi32>,
        tpu.vector_store_idx %arg18[%get3A_552], %broadcast_in_dim3A_12 masked %ge3A_14 {add = true} : memref<10240xf32, #tpu.memory_space<vmem>>[vector<16xi32>], vector<16xf32>, vector<16xi1>
      } else {
      }
      %mul3A_171 = arith.constant 16 : i32
      %mul3A_172 = arith.muli %mul3A_171, %scan3A_84 : i32
      %add3A_173 = arith.constant 3 : i32
      %add3A_174 = arith.addi %mul3A_172, %add3A_173 : i32
      %ge3A_175 = arith.constant 2 : i32
      %ge3A_176 = arith.cmpi sge, %add3A_174, %ge3A_175 : i32
      %convert_element_type3A_177 = arith.extui %ge3A_176 : i1 to i32
      %cond3A_178 = arith.constant 0 : i32
      %cond3A_179 = arith.cmpi ne, %convert_element_type3A_177, %cond3A_178 : i32
      scf.if %cond3A_179 {
        %dma_wait3A_521 = arith.constant 0 : i32
        %dma_wait3A_522 = arith.constant 0 : i32
        %dma_wait3A_523 = tpu.memref_slice %arg8[%dma_wait3A_521, %dma_wait3A_522] : memref<8x125xi32, #tpu.memory_space<vmem>> -> memref<1x125xi32, #tpu.memory_space<vmem>>
        %dma_wait3A_524 = tpu.memref_squeeze %dma_wait3A_523 : memref<1x125xi32, #tpu.memory_space<vmem>> -> memref<125xi32, #tpu.memory_space<vmem>>
        %dma_wait3A_525 = arith.constant 0 : i32
        %dma_wait3A_526 = arith.constant 0 : i32
        %dma_wait3A_527 = tpu.memref_slice %arg17[%dma_wait3A_525, %dma_wait3A_526] : memref<10240x128xf32, #tpu.memory_space<vmem_shared>> -> memref<10240x128xf32, #tpu.memory_space<vmem_shared>>
        tpu.wait_indirect_dma semaphore(%arg16 : memref<!tpu.dma_semaphore, #tpu.memory_space<semaphore_mem>>) src(%arg11 : memref<125x128xf32, #tpu.memory_space<vmem>>) dst(%dma_wait3A_527 : memref<10240x128xf32, #tpu.memory_space<vmem_shared>>)
      } else {
      }
      %dma_start3A_180 = arith.constant 3 : i32
      %dma_start3A_181 = arith.constant 0 : i32
      %dma_start3A_182 = tpu.memref_slice %arg7[%dma_start3A_180, %dma_start3A_181] : memref<8x125xi32, #tpu.memory_space<vmem>> -> memref<1x125xi32, #tpu.memory_space<vmem>>
      %dma_start3A_183 = tpu.memref_squeeze %dma_start3A_182 : memref<1x125xi32, #tpu.memory_space<vmem>> -> memref<125xi32, #tpu.memory_space<vmem>>
      %dma_start3A_184 = arith.constant 0 : i32
      %dma_start3A_185 = arith.constant 0 : i32
      %dma_start3A_186 = tpu.memref_slice %arg2[%dma_start3A_184, %dma_start3A_185] : memref<10240x128xf32, #tpu.memory_space<hbm>> -> memref<10240x128xf32, #tpu.memory_space<hbm>>
      tpu.enqueue_indirect_dma source(%dma_start3A_186 : memref<10240x128xf32, #tpu.memory_space<hbm>>) target(%arg12 : memref<125x128xf32, #tpu.memory_space<vmem>>) offsets(%dma_start3A_183 : memref<125xi32, #tpu.memory_space<vmem>>) semaphore(%arg14 : memref<!tpu.dma_semaphore, #tpu.memory_space<semaphore_mem>>)
      %ge3A_187 = arith.constant 1 : i32
      %ge3A_188 = arith.cmpi sge, %add3A_174, %ge3A_187 : i32
      %convert_element_type3A_189 = arith.extui %ge3A_188 : i1 to i32
      %cond3A_190 = arith.constant 0 : i32
      %cond3A_191 = arith.cmpi ne, %convert_element_type3A_189, %cond3A_190 : i32
      scf.if %cond3A_191 {
        %dma_wait3A_521 = arith.constant 0 : i32
        %dma_wait3A_522 = arith.constant 0 : i32
        %dma_wait3A_523 = tpu.memref_slice %arg7[%dma_wait3A_521, %dma_wait3A_522] : memref<8x125xi32, #tpu.memory_space<vmem>> -> memref<1x125xi32, #tpu.memory_space<vmem>>
        %dma_wait3A_524 = tpu.memref_squeeze %dma_wait3A_523 : memref<1x125xi32, #tpu.memory_space<vmem>> -> memref<125xi32, #tpu.memory_space<vmem>>
        %dma_wait3A_525 = arith.constant 0 : i32
        %dma_wait3A_526 = arith.constant 0 : i32
        %dma_wait3A_527 = tpu.memref_slice %arg2[%dma_wait3A_525, %dma_wait3A_526] : memref<10240x128xf32, #tpu.memory_space<hbm>> -> memref<10240x128xf32, #tpu.memory_space<hbm>>
        tpu.wait_indirect_dma semaphore(%arg13 : memref<!tpu.dma_semaphore, #tpu.memory_space<semaphore_mem>>) src(%dma_wait3A_527 : memref<10240x128xf32, #tpu.memory_space<hbm>>) dst(%arg11 : memref<125x128xf32, #tpu.memory_space<vmem>>)
        %dma_start3A_528 = arith.constant 2 : i32
        %dma_start3A_529 = arith.constant 0 : i32
        %dma_start3A_530 = tpu.memref_slice %arg8[%dma_start3A_528, %dma_start3A_529] : memref<8x125xi32, #tpu.memory_space<vmem>> -> memref<1x125xi32, #tpu.memory_space<vmem>>
        %dma_start3A_531 = tpu.memref_squeeze %dma_start3A_530 : memref<1x125xi32, #tpu.memory_space<vmem>> -> memref<125xi32, #tpu.memory_space<vmem>>
        %dma_start3A_532 = arith.constant 0 : i32
        %dma_start3A_533 = arith.constant 0 : i32
        %dma_start3A_534 = tpu.memref_slice %arg17[%dma_start3A_532, %dma_start3A_533] : memref<10240x128xf32, #tpu.memory_space<vmem_shared>> -> memref<10240x128xf32, #tpu.memory_space<vmem_shared>>
        tpu.enqueue_indirect_dma source(%arg11 : memref<125x128xf32, #tpu.memory_space<vmem>>) target(%dma_start3A_534 : memref<10240x128xf32, #tpu.memory_space<vmem_shared>>) offsets(%dma_start3A_531 : memref<125xi32, #tpu.memory_space<vmem>>) semaphore(%arg15 : memref<!tpu.dma_semaphore, #tpu.memory_space<semaphore_mem>>) {add = true}
      } else {
      }
      %ge3A_192 = arith.constant 1 : i32
      %ge3A_193 = arith.cmpi sge, %add3A_174, %ge3A_192 : i32
      %convert_element_type3A_194 = arith.extui %ge3A_193 : i1 to i32
      %cond3A_195 = arith.constant 0 : i32
      %cond3A_196 = arith.cmpi ne, %convert_element_type3A_194, %cond3A_195 : i32
      scf.if %cond3A_196 {
        %get3A_521 = arith.constant 2 : i32
        %get3A_522 = arith.index_cast %get3A_521 : i32 to index
        %get3A_523 = arith.constant 0 : index
        %get3A_524 = tpu.vector_load %arg8[%get3A_522, %get3A_523] {strides = array<i32>} : memref<8x125xi32, #tpu.memory_space<vmem>>, vector<16xi32>,
        tpu.vector_store_idx %arg18[%get3A_524], %broadcast_in_dim3A_12 {add = true} : memref<10240xf32, #tpu.memory_space<vmem>>[vector<16xi32>], vector<16xf32>,
        %get3A_525 = arith.constant 2 : i32
        %get3A_526 = arith.index_cast %get3A_525 : i32 to index
        %get3A_527 = arith.constant 16 : index
        %get3A_528 = tpu.vector_load %arg8[%get3A_526, %get3A_527] {strides = array<i32>} : memref<8x125xi32, #tpu.memory_space<vmem>>, vector<16xi32>,
        tpu.vector_store_idx %arg18[%get3A_528], %broadcast_in_dim3A_12 {add = true} : memref<10240xf32, #tpu.memory_space<vmem>>[vector<16xi32>], vector<16xf32>,
        %get3A_529 = arith.constant 2 : i32
        %get3A_530 = arith.index_cast %get3A_529 : i32 to index
        %get3A_531 = arith.constant 32 : index
        %get3A_532 = tpu.vector_load %arg8[%get3A_530, %get3A_531] {strides = array<i32>} : memref<8x125xi32, #tpu.memory_space<vmem>>, vector<16xi32>,
        tpu.vector_store_idx %arg18[%get3A_532], %broadcast_in_dim3A_12 {add = true} : memref<10240xf32, #tpu.memory_space<vmem>>[vector<16xi32>], vector<16xf32>,
        %get3A_533 = arith.constant 2 : i32
        %get3A_534 = arith.index_cast %get3A_533 : i32 to index
        %get3A_535 = arith.constant 48 : index
        %get3A_536 = tpu.vector_load %arg8[%get3A_534, %get3A_535] {strides = array<i32>} : memref<8x125xi32, #tpu.memory_space<vmem>>, vector<16xi32>,
        tpu.vector_store_idx %arg18[%get3A_536], %broadcast_in_dim3A_12 {add = true} : memref<10240xf32, #tpu.memory_space<vmem>>[vector<16xi32>], vector<16xf32>,
        %get3A_537 = arith.constant 2 : i32
        %get3A_538 = arith.index_cast %get3A_537 : i32 to index
        %get3A_539 = arith.constant 64 : index
        %get3A_540 = tpu.vector_load %arg8[%get3A_538, %get3A_539] {strides = array<i32>} : memref<8x125xi32, #tpu.memory_space<vmem>>, vector<16xi32>,
        tpu.vector_store_idx %arg18[%get3A_540], %broadcast_in_dim3A_12 {add = true} : memref<10240xf32, #tpu.memory_space<vmem>>[vector<16xi32>], vector<16xf32>,
        %get3A_541 = arith.constant 2 : i32
        %get3A_542 = arith.index_cast %get3A_541 : i32 to index
        %get3A_543 = arith.constant 80 : index
        %get3A_544 = tpu.vector_load %arg8[%get3A_542, %get3A_543] {strides = array<i32>} : memref<8x125xi32, #tpu.memory_space<vmem>>, vector<16xi32>,
        tpu.vector_store_idx %arg18[%get3A_544], %broadcast_in_dim3A_12 {add = true} : memref<10240xf32, #tpu.memory_space<vmem>>[vector<16xi32>], vector<16xf32>,
        %get3A_545 = arith.constant 2 : i32
        %get3A_546 = arith.index_cast %get3A_545 : i32 to index
        %get3A_547 = arith.constant 96 : index
        %get3A_548 = tpu.vector_load %arg8[%get3A_546, %get3A_547] {strides = array<i32>} : memref<8x125xi32, #tpu.memory_space<vmem>>, vector<16xi32>,
        tpu.vector_store_idx %arg18[%get3A_548], %broadcast_in_dim3A_12 {add = true} : memref<10240xf32, #tpu.memory_space<vmem>>[vector<16xi32>], vector<16xf32>,
        %get3A_549 = arith.constant 2 : i32
        %get3A_550 = arith.index_cast %get3A_549 : i32 to index
        %get3A_551 = arith.constant 109 : index
        %get3A_552 = tpu.vector_load %arg8[%get3A_550, %get3A_551] {strides = array<i32>} : memref<8x125xi32, #tpu.memory_space<vmem>>, vector<16xi32>,
        tpu.vector_store_idx %arg18[%get3A_552], %broadcast_in_dim3A_12 masked %ge3A_14 {add = true} : memref<10240xf32, #tpu.memory_space<vmem>>[vector<16xi32>], vector<16xf32>, vector<16xi1>
      } else {
      }
      %mul3A_197 = arith.constant 16 : i32
      %mul3A_198 = arith.muli %mul3A_197, %scan3A_84 : i32
      %add3A_199 = arith.constant 4 : i32
      %add3A_200 = arith.addi %mul3A_198, %add3A_199 : i32
      %ge3A_201 = arith.constant 2 : i32
      %ge3A_202 = arith.cmpi sge, %add3A_200, %ge3A_201 : i32
      %convert_element_type3A_203 = arith.extui %ge3A_202 : i1 to i32
      %cond3A_204 = arith.constant 0 : i32
      %cond3A_205 = arith.cmpi ne, %convert_element_type3A_203, %cond3A_204 : i32
      scf.if %cond3A_205 {
        %dma_wait3A_521 = arith.constant 0 : i32
        %dma_wait3A_522 = arith.constant 0 : i32
        %dma_wait3A_523 = tpu.memref_slice %arg8[%dma_wait3A_521, %dma_wait3A_522] : memref<8x125xi32, #tpu.memory_space<vmem>> -> memref<1x125xi32, #tpu.memory_space<vmem>>
        %dma_wait3A_524 = tpu.memref_squeeze %dma_wait3A_523 : memref<1x125xi32, #tpu.memory_space<vmem>> -> memref<125xi32, #tpu.memory_space<vmem>>
        %dma_wait3A_525 = arith.constant 0 : i32
        %dma_wait3A_526 = arith.constant 0 : i32
        %dma_wait3A_527 = tpu.memref_slice %arg17[%dma_wait3A_525, %dma_wait3A_526] : memref<10240x128xf32, #tpu.memory_space<vmem_shared>> -> memref<10240x128xf32, #tpu.memory_space<vmem_shared>>
        tpu.wait_indirect_dma semaphore(%arg15 : memref<!tpu.dma_semaphore, #tpu.memory_space<semaphore_mem>>) src(%arg11 : memref<125x128xf32, #tpu.memory_space<vmem>>) dst(%dma_wait3A_527 : memref<10240x128xf32, #tpu.memory_space<vmem_shared>>)
      } else {
      }
      %dma_start3A_206 = arith.constant 4 : i32
      %dma_start3A_207 = arith.constant 0 : i32
      %dma_start3A_208 = tpu.memref_slice %arg7[%dma_start3A_206, %dma_start3A_207] : memref<8x125xi32, #tpu.memory_space<vmem>> -> memref<1x125xi32, #tpu.memory_space<vmem>>
      %dma_start3A_209 = tpu.memref_squeeze %dma_start3A_208 : memref<1x125xi32, #tpu.memory_space<vmem>> -> memref<125xi32, #tpu.memory_space<vmem>>
      %dma_start3A_210 = arith.constant 0 : i32
      %dma_start3A_211 = arith.constant 0 : i32
      %dma_start3A_212 = tpu.memref_slice %arg2[%dma_start3A_210, %dma_start3A_211] : memref<10240x128xf32, #tpu.memory_space<hbm>> -> memref<10240x128xf32, #tpu.memory_space<hbm>>
      tpu.enqueue_indirect_dma source(%dma_start3A_212 : memref<10240x128xf32, #tpu.memory_space<hbm>>) target(%arg11 : memref<125x128xf32, #tpu.memory_space<vmem>>) offsets(%dma_start3A_209 : memref<125xi32, #tpu.memory_space<vmem>>) semaphore(%arg13 : memref<!tpu.dma_semaphore, #tpu.memory_space<semaphore_mem>>)
      %ge3A_213 = arith.constant 1 : i32
      %ge3A_214 = arith.cmpi sge, %add3A_200, %ge3A_213 : i32
      %convert_element_type3A_215 = arith.extui %ge3A_214 : i1 to i32
      %cond3A_216 = arith.constant 0 : i32
      %cond3A_217 = arith.cmpi ne, %convert_element_type3A_215, %cond3A_216 : i32
      scf.if %cond3A_217 {
        %dma_wait3A_521 = arith.constant 0 : i32
        %dma_wait3A_522 = arith.constant 0 : i32
        %dma_wait3A_523 = tpu.memref_slice %arg7[%dma_wait3A_521, %dma_wait3A_522] : memref<8x125xi32, #tpu.memory_space<vmem>> -> memref<1x125xi32, #tpu.memory_space<vmem>>
        %dma_wait3A_524 = tpu.memref_squeeze %dma_wait3A_523 : memref<1x125xi32, #tpu.memory_space<vmem>> -> memref<125xi32, #tpu.memory_space<vmem>>
        %dma_wait3A_525 = arith.constant 0 : i32
        %dma_wait3A_526 = arith.constant 0 : i32
        %dma_wait3A_527 = tpu.memref_slice %arg2[%dma_wait3A_525, %dma_wait3A_526] : memref<10240x128xf32, #tpu.memory_space<hbm>> -> memref<10240x128xf32, #tpu.memory_space<hbm>>
        tpu.wait_indirect_dma semaphore(%arg14 : memref<!tpu.dma_semaphore, #tpu.memory_space<semaphore_mem>>) src(%dma_wait3A_527 : memref<10240x128xf32, #tpu.memory_space<hbm>>) dst(%arg12 : memref<125x128xf32, #tpu.memory_space<vmem>>)
        %dma_start3A_528 = arith.constant 3 : i32
        %dma_start3A_529 = arith.constant 0 : i32
        %dma_start3A_530 = tpu.memref_slice %arg8[%dma_start3A_528, %dma_start3A_529] : memref<8x125xi32, #tpu.memory_space<vmem>> -> memref<1x125xi32, #tpu.memory_space<vmem>>
        %dma_start3A_531 = tpu.memref_squeeze %dma_start3A_530 : memref<1x125xi32, #tpu.memory_space<vmem>> -> memref<125xi32, #tpu.memory_space<vmem>>
        %dma_start3A_532 = arith.constant 0 : i32
        %dma_start3A_533 = arith.constant 0 : i32
        %dma_start3A_534 = tpu.memref_slice %arg17[%dma_start3A_532, %dma_start3A_533] : memref<10240x128xf32, #tpu.memory_space<vmem_shared>> -> memref<10240x128xf32, #tpu.memory_space<vmem_shared>>
        tpu.enqueue_indirect_dma source(%arg12 : memref<125x128xf32, #tpu.memory_space<vmem>>) target(%dma_start3A_534 : memref<10240x128xf32, #tpu.memory_space<vmem_shared>>) offsets(%dma_start3A_531 : memref<125xi32, #tpu.memory_space<vmem>>) semaphore(%arg16 : memref<!tpu.dma_semaphore, #tpu.memory_space<semaphore_mem>>) {add = true}
      } else {
      }
      %ge3A_218 = arith.constant 1 : i32
      %ge3A_219 = arith.cmpi sge, %add3A_200, %ge3A_218 : i32
      %convert_element_type3A_220 = arith.extui %ge3A_219 : i1 to i32
      %cond3A_221 = arith.constant 0 : i32
      %cond3A_222 = arith.cmpi ne, %convert_element_type3A_220, %cond3A_221 : i32
      scf.if %cond3A_222 {
        %get3A_521 = arith.constant 3 : i32
        %get3A_522 = arith.index_cast %get3A_521 : i32 to index
        %get3A_523 = arith.constant 0 : index
        %get3A_524 = tpu.vector_load %arg8[%get3A_522, %get3A_523] {strides = array<i32>} : memref<8x125xi32, #tpu.memory_space<vmem>>, vector<16xi32>,
        tpu.vector_store_idx %arg18[%get3A_524], %broadcast_in_dim3A_12 {add = true} : memref<10240xf32, #tpu.memory_space<vmem>>[vector<16xi32>], vector<16xf32>,
        %get3A_525 = arith.constant 3 : i32
        %get3A_526 = arith.index_cast %get3A_525 : i32 to index
        %get3A_527 = arith.constant 16 : index
        %get3A_528 = tpu.vector_load %arg8[%get3A_526, %get3A_527] {strides = array<i32>} : memref<8x125xi32, #tpu.memory_space<vmem>>, vector<16xi32>,
        tpu.vector_store_idx %arg18[%get3A_528], %broadcast_in_dim3A_12 {add = true} : memref<10240xf32, #tpu.memory_space<vmem>>[vector<16xi32>], vector<16xf32>,
        %get3A_529 = arith.constant 3 : i32
        %get3A_530 = arith.index_cast %get3A_529 : i32 to index
        %get3A_531 = arith.constant 32 : index
        %get3A_532 = tpu.vector_load %arg8[%get3A_530, %get3A_531] {strides = array<i32>} : memref<8x125xi32, #tpu.memory_space<vmem>>, vector<16xi32>,
        tpu.vector_store_idx %arg18[%get3A_532], %broadcast_in_dim3A_12 {add = true} : memref<10240xf32, #tpu.memory_space<vmem>>[vector<16xi32>], vector<16xf32>,
        %get3A_533 = arith.constant 3 : i32
        %get3A_534 = arith.index_cast %get3A_533 : i32 to index
        %get3A_535 = arith.constant 48 : index
        %get3A_536 = tpu.vector_load %arg8[%get3A_534, %get3A_535] {strides = array<i32>} : memref<8x125xi32, #tpu.memory_space<vmem>>, vector<16xi32>,
        tpu.vector_store_idx %arg18[%get3A_536], %broadcast_in_dim3A_12 {add = true} : memref<10240xf32, #tpu.memory_space<vmem>>[vector<16xi32>], vector<16xf32>,
        %get3A_537 = arith.constant 3 : i32
        %get3A_538 = arith.index_cast %get3A_537 : i32 to index
        %get3A_539 = arith.constant 64 : index
        %get3A_540 = tpu.vector_load %arg8[%get3A_538, %get3A_539] {strides = array<i32>} : memref<8x125xi32, #tpu.memory_space<vmem>>, vector<16xi32>,
        tpu.vector_store_idx %arg18[%get3A_540], %broadcast_in_dim3A_12 {add = true} : memref<10240xf32, #tpu.memory_space<vmem>>[vector<16xi32>], vector<16xf32>,
        %get3A_541 = arith.constant 3 : i32
        %get3A_542 = arith.index_cast %get3A_541 : i32 to index
        %get3A_543 = arith.constant 80 : index
        %get3A_544 = tpu.vector_load %arg8[%get3A_542, %get3A_543] {strides = array<i32>} : memref<8x125xi32, #tpu.memory_space<vmem>>, vector<16xi32>,
        tpu.vector_store_idx %arg18[%get3A_544], %broadcast_in_dim3A_12 {add = true} : memref<10240xf32, #tpu.memory_space<vmem>>[vector<16xi32>], vector<16xf32>,
        %get3A_545 = arith.constant 3 : i32
        %get3A_546 = arith.index_cast %get3A_545 : i32 to index
        %get3A_547 = arith.constant 96 : index
        %get3A_548 = tpu.vector_load %arg8[%get3A_546, %get3A_547] {strides = array<i32>} : memref<8x125xi32, #tpu.memory_space<vmem>>, vector<16xi32>,
        tpu.vector_store_idx %arg18[%get3A_548], %broadcast_in_dim3A_12 {add = true} : memref<10240xf32, #tpu.memory_space<vmem>>[vector<16xi32>], vector<16xf32>,
        %get3A_549 = arith.constant 3 : i32
        %get3A_550 = arith.index_cast %get3A_549 : i32 to index
        %get3A_551 = arith.constant 109 : index
        %get3A_552 = tpu.vector_load %arg8[%get3A_550, %get3A_551] {strides = array<i32>} : memref<8x125xi32, #tpu.memory_space<vmem>>, vector<16xi32>,
        tpu.vector_store_idx %arg18[%get3A_552], %broadcast_in_dim3A_12 masked %ge3A_14 {add = true} : memref<10240xf32, #tpu.memory_space<vmem>>[vector<16xi32>], vector<16xf32>, vector<16xi1>
      } else {
      }
      %mul3A_223 = arith.constant 16 : i32
      %mul3A_224 = arith.muli %mul3A_223, %scan3A_84 : i32
      %add3A_225 = arith.constant 5 : i32
      %add3A_226 = arith.addi %mul3A_224, %add3A_225 : i32
      %ge3A_227 = arith.constant 2 : i32
      %ge3A_228 = arith.cmpi sge, %add3A_226, %ge3A_227 : i32
      %convert_element_type3A_229 = arith.extui %ge3A_228 : i1 to i32
      %cond3A_230 = arith.constant 0 : i32
      %cond3A_231 = arith.cmpi ne, %convert_element_type3A_229, %cond3A_230 : i32
      scf.if %cond3A_231 {
        %dma_wait3A_521 = arith.constant 0 : i32
        %dma_wait3A_522 = arith.constant 0 : i32
        %dma_wait3A_523 = tpu.memref_slice %arg8[%dma_wait3A_521, %dma_wait3A_522] : memref<8x125xi32, #tpu.memory_space<vmem>> -> memref<1x125xi32, #tpu.memory_space<vmem>>
        %dma_wait3A_524 = tpu.memref_squeeze %dma_wait3A_523 : memref<1x125xi32, #tpu.memory_space<vmem>> -> memref<125xi32, #tpu.memory_space<vmem>>
        %dma_wait3A_525 = arith.constant 0 : i32
        %dma_wait3A_526 = arith.constant 0 : i32
        %dma_wait3A_527 = tpu.memref_slice %arg17[%dma_wait3A_525, %dma_wait3A_526] : memref<10240x128xf32, #tpu.memory_space<vmem_shared>> -> memref<10240x128xf32, #tpu.memory_space<vmem_shared>>
        tpu.wait_indirect_dma semaphore(%arg16 : memref<!tpu.dma_semaphore, #tpu.memory_space<semaphore_mem>>) src(%arg11 : memref<125x128xf32, #tpu.memory_space<vmem>>) dst(%dma_wait3A_527 : memref<10240x128xf32, #tpu.memory_space<vmem_shared>>)
      } else {
      }
      %dma_start3A_232 = arith.constant 5 : i32
      %dma_start3A_233 = arith.constant 0 : i32
      %dma_start3A_234 = tpu.memref_slice %arg7[%dma_start3A_232, %dma_start3A_233] : memref<8x125xi32, #tpu.memory_space<vmem>> -> memref<1x125xi32, #tpu.memory_space<vmem>>
      %dma_start3A_235 = tpu.memref_squeeze %dma_start3A_234 : memref<1x125xi32, #tpu.memory_space<vmem>> -> memref<125xi32, #tpu.memory_space<vmem>>
      %dma_start3A_236 = arith.constant 0 : i32
      %dma_start3A_237 = arith.constant 0 : i32
      %dma_start3A_238 = tpu.memref_slice %arg2[%dma_start3A_236, %dma_start3A_237] : memref<10240x128xf32, #tpu.memory_space<hbm>> -> memref<10240x128xf32, #tpu.memory_space<hbm>>
      tpu.enqueue_indirect_dma source(%dma_start3A_238 : memref<10240x128xf32, #tpu.memory_space<hbm>>) target(%arg12 : memref<125x128xf32, #tpu.memory_space<vmem>>) offsets(%dma_start3A_235 : memref<125xi32, #tpu.memory_space<vmem>>) semaphore(%arg14 : memref<!tpu.dma_semaphore, #tpu.memory_space<semaphore_mem>>)
      %ge3A_239 = arith.constant 1 : i32
      %ge3A_240 = arith.cmpi sge, %add3A_226, %ge3A_239 : i32
      %convert_element_type3A_241 = arith.extui %ge3A_240 : i1 to i32
      %cond3A_242 = arith.constant 0 : i32
      %cond3A_243 = arith.cmpi ne, %convert_element_type3A_241, %cond3A_242 : i32
      scf.if %cond3A_243 {
        %dma_wait3A_521 = arith.constant 0 : i32
        %dma_wait3A_522 = arith.constant 0 : i32
        %dma_wait3A_523 = tpu.memref_slice %arg7[%dma_wait3A_521, %dma_wait3A_522] : memref<8x125xi32, #tpu.memory_space<vmem>> -> memref<1x125xi32, #tpu.memory_space<vmem>>
        %dma_wait3A_524 = tpu.memref_squeeze %dma_wait3A_523 : memref<1x125xi32, #tpu.memory_space<vmem>> -> memref<125xi32, #tpu.memory_space<vmem>>
        %dma_wait3A_525 = arith.constant 0 : i32
        %dma_wait3A_526 = arith.constant 0 : i32
        %dma_wait3A_527 = tpu.memref_slice %arg2[%dma_wait3A_525, %dma_wait3A_526] : memref<10240x128xf32, #tpu.memory_space<hbm>> -> memref<10240x128xf32, #tpu.memory_space<hbm>>
        tpu.wait_indirect_dma semaphore(%arg13 : memref<!tpu.dma_semaphore, #tpu.memory_space<semaphore_mem>>) src(%dma_wait3A_527 : memref<10240x128xf32, #tpu.memory_space<hbm>>) dst(%arg11 : memref<125x128xf32, #tpu.memory_space<vmem>>)
        %dma_start3A_528 = arith.constant 4 : i32
        %dma_start3A_529 = arith.constant 0 : i32
        %dma_start3A_530 = tpu.memref_slice %arg8[%dma_start3A_528, %dma_start3A_529] : memref<8x125xi32, #tpu.memory_space<vmem>> -> memref<1x125xi32, #tpu.memory_space<vmem>>
        %dma_start3A_531 = tpu.memref_squeeze %dma_start3A_530 : memref<1x125xi32, #tpu.memory_space<vmem>> -> memref<125xi32, #tpu.memory_space<vmem>>
        %dma_start3A_532 = arith.constant 0 : i32
        %dma_start3A_533 = arith.constant 0 : i32
        %dma_start3A_534 = tpu.memref_slice %arg17[%dma_start3A_532, %dma_start3A_533] : memref<10240x128xf32, #tpu.memory_space<vmem_shared>> -> memref<10240x128xf32, #tpu.memory_space<vmem_shared>>
        tpu.enqueue_indirect_dma source(%arg11 : memref<125x128xf32, #tpu.memory_space<vmem>>) target(%dma_start3A_534 : memref<10240x128xf32, #tpu.memory_space<vmem_shared>>) offsets(%dma_start3A_531 : memref<125xi32, #tpu.memory_space<vmem>>) semaphore(%arg15 : memref<!tpu.dma_semaphore, #tpu.memory_space<semaphore_mem>>) {add = true}
      } else {
      }
      %ge3A_244 = arith.constant 1 : i32
      %ge3A_245 = arith.cmpi sge, %add3A_226, %ge3A_244 : i32
      %convert_element_type3A_246 = arith.extui %ge3A_245 : i1 to i32
      %cond3A_247 = arith.constant 0 : i32
      %cond3A_248 = arith.cmpi ne, %convert_element_type3A_246, %cond3A_247 : i32
      scf.if %cond3A_248 {
        %get3A_521 = arith.constant 4 : i32
        %get3A_522 = arith.index_cast %get3A_521 : i32 to index
        %get3A_523 = arith.constant 0 : index
        %get3A_524 = tpu.vector_load %arg8[%get3A_522, %get3A_523] {strides = array<i32>} : memref<8x125xi32, #tpu.memory_space<vmem>>, vector<16xi32>,
        tpu.vector_store_idx %arg18[%get3A_524], %broadcast_in_dim3A_12 {add = true} : memref<10240xf32, #tpu.memory_space<vmem>>[vector<16xi32>], vector<16xf32>,
        %get3A_525 = arith.constant 4 : i32
        %get3A_526 = arith.index_cast %get3A_525 : i32 to index
        %get3A_527 = arith.constant 16 : index
        %get3A_528 = tpu.vector_load %arg8[%get3A_526, %get3A_527] {strides = array<i32>} : memref<8x125xi32, #tpu.memory_space<vmem>>, vector<16xi32>,
        tpu.vector_store_idx %arg18[%get3A_528], %broadcast_in_dim3A_12 {add = true} : memref<10240xf32, #tpu.memory_space<vmem>>[vector<16xi32>], vector<16xf32>,
        %get3A_529 = arith.constant 4 : i32
        %get3A_530 = arith.index_cast %get3A_529 : i32 to index
        %get3A_531 = arith.constant 32 : index
        %get3A_532 = tpu.vector_load %arg8[%get3A_530, %get3A_531] {strides = array<i32>} : memref<8x125xi32, #tpu.memory_space<vmem>>, vector<16xi32>,
        tpu.vector_store_idx %arg18[%get3A_532], %broadcast_in_dim3A_12 {add = true} : memref<10240xf32, #tpu.memory_space<vmem>>[vector<16xi32>], vector<16xf32>,
        %get3A_533 = arith.constant 4 : i32
        %get3A_534 = arith.index_cast %get3A_533 : i32 to index
        %get3A_535 = arith.constant 48 : index
        %get3A_536 = tpu.vector_load %arg8[%get3A_534, %get3A_535] {strides = array<i32>} : memref<8x125xi32, #tpu.memory_space<vmem>>, vector<16xi32>,
        tpu.vector_store_idx %arg18[%get3A_536], %broadcast_in_dim3A_12 {add = true} : memref<10240xf32, #tpu.memory_space<vmem>>[vector<16xi32>], vector<16xf32>,
        %get3A_537 = arith.constant 4 : i32
        %get3A_538 = arith.index_cast %get3A_537 : i32 to index
        %get3A_539 = arith.constant 64 : index
        %get3A_540 = tpu.vector_load %arg8[%get3A_538, %get3A_539] {strides = array<i32>} : memref<8x125xi32, #tpu.memory_space<vmem>>, vector<16xi32>,
        tpu.vector_store_idx %arg18[%get3A_540], %broadcast_in_dim3A_12 {add = true} : memref<10240xf32, #tpu.memory_space<vmem>>[vector<16xi32>], vector<16xf32>,
        %get3A_541 = arith.constant 4 : i32
        %get3A_542 = arith.index_cast %get3A_541 : i32 to index
        %get3A_543 = arith.constant 80 : index
        %get3A_544 = tpu.vector_load %arg8[%get3A_542, %get3A_543] {strides = array<i32>} : memref<8x125xi32, #tpu.memory_space<vmem>>, vector<16xi32>,
        tpu.vector_store_idx %arg18[%get3A_544], %broadcast_in_dim3A_12 {add = true} : memref<10240xf32, #tpu.memory_space<vmem>>[vector<16xi32>], vector<16xf32>,
        %get3A_545 = arith.constant 4 : i32
        %get3A_546 = arith.index_cast %get3A_545 : i32 to index
        %get3A_547 = arith.constant 96 : index
        %get3A_548 = tpu.vector_load %arg8[%get3A_546, %get3A_547] {strides = array<i32>} : memref<8x125xi32, #tpu.memory_space<vmem>>, vector<16xi32>,
        tpu.vector_store_idx %arg18[%get3A_548], %broadcast_in_dim3A_12 {add = true} : memref<10240xf32, #tpu.memory_space<vmem>>[vector<16xi32>], vector<16xf32>,
        %get3A_549 = arith.constant 4 : i32
        %get3A_550 = arith.index_cast %get3A_549 : i32 to index
        %get3A_551 = arith.constant 109 : index
        %get3A_552 = tpu.vector_load %arg8[%get3A_550, %get3A_551] {strides = array<i32>} : memref<8x125xi32, #tpu.memory_space<vmem>>, vector<16xi32>,
        tpu.vector_store_idx %arg18[%get3A_552], %broadcast_in_dim3A_12 masked %ge3A_14 {add = true} : memref<10240xf32, #tpu.memory_space<vmem>>[vector<16xi32>], vector<16xf32>, vector<16xi1>
      } else {
      }
      %mul3A_249 = arith.constant 16 : i32
      %mul3A_250 = arith.muli %mul3A_249, %scan3A_84 : i32
      %add3A_251 = arith.constant 6 : i32
      %add3A_252 = arith.addi %mul3A_250, %add3A_251 : i32
      %ge3A_253 = arith.constant 2 : i32
      %ge3A_254 = arith.cmpi sge, %add3A_252, %ge3A_253 : i32
      %convert_element_type3A_255 = arith.extui %ge3A_254 : i1 to i32
      %cond3A_256 = arith.constant 0 : i32
      %cond3A_257 = arith.cmpi ne, %convert_element_type3A_255, %cond3A_256 : i32
      scf.if %cond3A_257 {
        %dma_wait3A_521 = arith.constant 0 : i32
        %dma_wait3A_522 = arith.constant 0 : i32
        %dma_wait3A_523 = tpu.memref_slice %arg8[%dma_wait3A_521, %dma_wait3A_522] : memref<8x125xi32, #tpu.memory_space<vmem>> -> memref<1x125xi32, #tpu.memory_space<vmem>>
        %dma_wait3A_524 = tpu.memref_squeeze %dma_wait3A_523 : memref<1x125xi32, #tpu.memory_space<vmem>> -> memref<125xi32, #tpu.memory_space<vmem>>
        %dma_wait3A_525 = arith.constant 0 : i32
        %dma_wait3A_526 = arith.constant 0 : i32
        %dma_wait3A_527 = tpu.memref_slice %arg17[%dma_wait3A_525, %dma_wait3A_526] : memref<10240x128xf32, #tpu.memory_space<vmem_shared>> -> memref<10240x128xf32, #tpu.memory_space<vmem_shared>>
        tpu.wait_indirect_dma semaphore(%arg15 : memref<!tpu.dma_semaphore, #tpu.memory_space<semaphore_mem>>) src(%arg11 : memref<125x128xf32, #tpu.memory_space<vmem>>) dst(%dma_wait3A_527 : memref<10240x128xf32, #tpu.memory_space<vmem_shared>>)
      } else {
      }
      %dma_start3A_258 = arith.constant 6 : i32
      %dma_start3A_259 = arith.constant 0 : i32
      %dma_start3A_260 = tpu.memref_slice %arg7[%dma_start3A_258, %dma_start3A_259] : memref<8x125xi32, #tpu.memory_space<vmem>> -> memref<1x125xi32, #tpu.memory_space<vmem>>
      %dma_start3A_261 = tpu.memref_squeeze %dma_start3A_260 : memref<1x125xi32, #tpu.memory_space<vmem>> -> memref<125xi32, #tpu.memory_space<vmem>>
      %dma_start3A_262 = arith.constant 0 : i32
      %dma_start3A_263 = arith.constant 0 : i32
      %dma_start3A_264 = tpu.memref_slice %arg2[%dma_start3A_262, %dma_start3A_263] : memref<10240x128xf32, #tpu.memory_space<hbm>> -> memref<10240x128xf32, #tpu.memory_space<hbm>>
      tpu.enqueue_indirect_dma source(%dma_start3A_264 : memref<10240x128xf32, #tpu.memory_space<hbm>>) target(%arg11 : memref<125x128xf32, #tpu.memory_space<vmem>>) offsets(%dma_start3A_261 : memref<125xi32, #tpu.memory_space<vmem>>) semaphore(%arg13 : memref<!tpu.dma_semaphore, #tpu.memory_space<semaphore_mem>>)
      %ge3A_265 = arith.constant 1 : i32
      %ge3A_266 = arith.cmpi sge, %add3A_252, %ge3A_265 : i32
      %convert_element_type3A_267 = arith.extui %ge3A_266 : i1 to i32
      %cond3A_268 = arith.constant 0 : i32
      %cond3A_269 = arith.cmpi ne, %convert_element_type3A_267, %cond3A_268 : i32
      scf.if %cond3A_269 {
        %dma_wait3A_521 = arith.constant 0 : i32
        %dma_wait3A_522 = arith.constant 0 : i32
        %dma_wait3A_523 = tpu.memref_slice %arg7[%dma_wait3A_521, %dma_wait3A_522] : memref<8x125xi32, #tpu.memory_space<vmem>> -> memref<1x125xi32, #tpu.memory_space<vmem>>
        %dma_wait3A_524 = tpu.memref_squeeze %dma_wait3A_523 : memref<1x125xi32, #tpu.memory_space<vmem>> -> memref<125xi32, #tpu.memory_space<vmem>>
        %dma_wait3A_525 = arith.constant 0 : i32
        %dma_wait3A_526 = arith.constant 0 : i32
        %dma_wait3A_527 = tpu.memref_slice %arg2[%dma_wait3A_525, %dma_wait3A_526] : memref<10240x128xf32, #tpu.memory_space<hbm>> -> memref<10240x128xf32, #tpu.memory_space<hbm>>
        tpu.wait_indirect_dma semaphore(%arg14 : memref<!tpu.dma_semaphore, #tpu.memory_space<semaphore_mem>>) src(%dma_wait3A_527 : memref<10240x128xf32, #tpu.memory_space<hbm>>) dst(%arg12 : memref<125x128xf32, #tpu.memory_space<vmem>>)
        %dma_start3A_528 = arith.constant 5 : i32
        %dma_start3A_529 = arith.constant 0 : i32
        %dma_start3A_530 = tpu.memref_slice %arg8[%dma_start3A_528, %dma_start3A_529] : memref<8x125xi32, #tpu.memory_space<vmem>> -> memref<1x125xi32, #tpu.memory_space<vmem>>
        %dma_start3A_531 = tpu.memref_squeeze %dma_start3A_530 : memref<1x125xi32, #tpu.memory_space<vmem>> -> memref<125xi32, #tpu.memory_space<vmem>>
        %dma_start3A_532 = arith.constant 0 : i32
        %dma_start3A_533 = arith.constant 0 : i32
        %dma_start3A_534 = tpu.memref_slice %arg17[%dma_start3A_532, %dma_start3A_533] : memref<10240x128xf32, #tpu.memory_space<vmem_shared>> -> memref<10240x128xf32, #tpu.memory_space<vmem_shared>>
        tpu.enqueue_indirect_dma source(%arg12 : memref<125x128xf32, #tpu.memory_space<vmem>>) target(%dma_start3A_534 : memref<10240x128xf32, #tpu.memory_space<vmem_shared>>) offsets(%dma_start3A_531 : memref<125xi32, #tpu.memory_space<vmem>>) semaphore(%arg16 : memref<!tpu.dma_semaphore, #tpu.memory_space<semaphore_mem>>) {add = true}
      } else {
      }
      %ge3A_270 = arith.constant 1 : i32
      %ge3A_271 = arith.cmpi sge, %add3A_252, %ge3A_270 : i32
      %convert_element_type3A_272 = arith.extui %ge3A_271 : i1 to i32
      %cond3A_273 = arith.constant 0 : i32
      %cond3A_274 = arith.cmpi ne, %convert_element_type3A_272, %cond3A_273 : i32
      scf.if %cond3A_274 {
        %get3A_521 = arith.constant 5 : i32
        %get3A_522 = arith.index_cast %get3A_521 : i32 to index
        %get3A_523 = arith.constant 0 : index
        %get3A_524 = tpu.vector_load %arg8[%get3A_522, %get3A_523] {strides = array<i32>} : memref<8x125xi32, #tpu.memory_space<vmem>>, vector<16xi32>,
        tpu.vector_store_idx %arg18[%get3A_524], %broadcast_in_dim3A_12 {add = true} : memref<10240xf32, #tpu.memory_space<vmem>>[vector<16xi32>], vector<16xf32>,
        %get3A_525 = arith.constant 5 : i32
        %get3A_526 = arith.index_cast %get3A_525 : i32 to index
        %get3A_527 = arith.constant 16 : index
        %get3A_528 = tpu.vector_load %arg8[%get3A_526, %get3A_527] {strides = array<i32>} : memref<8x125xi32, #tpu.memory_space<vmem>>, vector<16xi32>,
        tpu.vector_store_idx %arg18[%get3A_528], %broadcast_in_dim3A_12 {add = true} : memref<10240xf32, #tpu.memory_space<vmem>>[vector<16xi32>], vector<16xf32>,
        %get3A_529 = arith.constant 5 : i32
        %get3A_530 = arith.index_cast %get3A_529 : i32 to index
        %get3A_531 = arith.constant 32 : index
        %get3A_532 = tpu.vector_load %arg8[%get3A_530, %get3A_531] {strides = array<i32>} : memref<8x125xi32, #tpu.memory_space<vmem>>, vector<16xi32>,
        tpu.vector_store_idx %arg18[%get3A_532], %broadcast_in_dim3A_12 {add = true} : memref<10240xf32, #tpu.memory_space<vmem>>[vector<16xi32>], vector<16xf32>,
        %get3A_533 = arith.constant 5 : i32
        %get3A_534 = arith.index_cast %get3A_533 : i32 to index
        %get3A_535 = arith.constant 48 : index
        %get3A_536 = tpu.vector_load %arg8[%get3A_534, %get3A_535] {strides = array<i32>} : memref<8x125xi32, #tpu.memory_space<vmem>>, vector<16xi32>,
        tpu.vector_store_idx %arg18[%get3A_536], %broadcast_in_dim3A_12 {add = true} : memref<10240xf32, #tpu.memory_space<vmem>>[vector<16xi32>], vector<16xf32>,
        %get3A_537 = arith.constant 5 : i32
        %get3A_538 = arith.index_cast %get3A_537 : i32 to index
        %get3A_539 = arith.constant 64 : index
        %get3A_540 = tpu.vector_load %arg8[%get3A_538, %get3A_539] {strides = array<i32>} : memref<8x125xi32, #tpu.memory_space<vmem>>, vector<16xi32>,
        tpu.vector_store_idx %arg18[%get3A_540], %broadcast_in_dim3A_12 {add = true} : memref<10240xf32, #tpu.memory_space<vmem>>[vector<16xi32>], vector<16xf32>,
        %get3A_541 = arith.constant 5 : i32
        %get3A_542 = arith.index_cast %get3A_541 : i32 to index
        %get3A_543 = arith.constant 80 : index
        %get3A_544 = tpu.vector_load %arg8[%get3A_542, %get3A_543] {strides = array<i32>} : memref<8x125xi32, #tpu.memory_space<vmem>>, vector<16xi32>,
        tpu.vector_store_idx %arg18[%get3A_544], %broadcast_in_dim3A_12 {add = true} : memref<10240xf32, #tpu.memory_space<vmem>>[vector<16xi32>], vector<16xf32>,
        %get3A_545 = arith.constant 5 : i32
        %get3A_546 = arith.index_cast %get3A_545 : i32 to index
        %get3A_547 = arith.constant 96 : index
        %get3A_548 = tpu.vector_load %arg8[%get3A_546, %get3A_547] {strides = array<i32>} : memref<8x125xi32, #tpu.memory_space<vmem>>, vector<16xi32>,
        tpu.vector_store_idx %arg18[%get3A_548], %broadcast_in_dim3A_12 {add = true} : memref<10240xf32, #tpu.memory_space<vmem>>[vector<16xi32>], vector<16xf32>,
        %get3A_549 = arith.constant 5 : i32
        %get3A_550 = arith.index_cast %get3A_549 : i32 to index
        %get3A_551 = arith.constant 109 : index
        %get3A_552 = tpu.vector_load %arg8[%get3A_550, %get3A_551] {strides = array<i32>} : memref<8x125xi32, #tpu.memory_space<vmem>>, vector<16xi32>,
        tpu.vector_store_idx %arg18[%get3A_552], %broadcast_in_dim3A_12 masked %ge3A_14 {add = true} : memref<10240xf32, #tpu.memory_space<vmem>>[vector<16xi32>], vector<16xf32>, vector<16xi1>
      } else {
      }
      %mul3A_275 = arith.constant 16 : i32
      %mul3A_276 = arith.muli %mul3A_275, %scan3A_84 : i32
      %add3A_277 = arith.constant 7 : i32
      %add3A_278 = arith.addi %mul3A_276, %add3A_277 : i32
      %ge3A_279 = arith.constant 2 : i32
      %ge3A_280 = arith.cmpi sge, %add3A_278, %ge3A_279 : i32
      %convert_element_type3A_281 = arith.extui %ge3A_280 : i1 to i32
      %cond3A_282 = arith.constant 0 : i32
      %cond3A_283 = arith.cmpi ne, %convert_element_type3A_281, %cond3A_282 : i32
      scf.if %cond3A_283 {
        %dma_wait3A_521 = arith.constant 0 : i32
        %dma_wait3A_522 = arith.constant 0 : i32
        %dma_wait3A_523 = tpu.memref_slice %arg8[%dma_wait3A_521, %dma_wait3A_522] : memref<8x125xi32, #tpu.memory_space<vmem>> -> memref<1x125xi32, #tpu.memory_space<vmem>>
        %dma_wait3A_524 = tpu.memref_squeeze %dma_wait3A_523 : memref<1x125xi32, #tpu.memory_space<vmem>> -> memref<125xi32, #tpu.memory_space<vmem>>
        %dma_wait3A_525 = arith.constant 0 : i32
        %dma_wait3A_526 = arith.constant 0 : i32
        %dma_wait3A_527 = tpu.memref_slice %arg17[%dma_wait3A_525, %dma_wait3A_526] : memref<10240x128xf32, #tpu.memory_space<vmem_shared>> -> memref<10240x128xf32, #tpu.memory_space<vmem_shared>>
        tpu.wait_indirect_dma semaphore(%arg16 : memref<!tpu.dma_semaphore, #tpu.memory_space<semaphore_mem>>) src(%arg11 : memref<125x128xf32, #tpu.memory_space<vmem>>) dst(%dma_wait3A_527 : memref<10240x128xf32, #tpu.memory_space<vmem_shared>>)
      } else {
      }
      %dma_start3A_284 = arith.constant 7 : i32
      %dma_start3A_285 = arith.constant 0 : i32
      %dma_start3A_286 = tpu.memref_slice %arg7[%dma_start3A_284, %dma_start3A_285] : memref<8x125xi32, #tpu.memory_space<vmem>> -> memref<1x125xi32, #tpu.memory_space<vmem>>
      %dma_start3A_287 = tpu.memref_squeeze %dma_start3A_286 : memref<1x125xi32, #tpu.memory_space<vmem>> -> memref<125xi32, #tpu.memory_space<vmem>>
      %dma_start3A_288 = arith.constant 0 : i32
      %dma_start3A_289 = arith.constant 0 : i32
      %dma_start3A_290 = tpu.memref_slice %arg2[%dma_start3A_288, %dma_start3A_289] : memref<10240x128xf32, #tpu.memory_space<hbm>> -> memref<10240x128xf32, #tpu.memory_space<hbm>>
      tpu.enqueue_indirect_dma source(%dma_start3A_290 : memref<10240x128xf32, #tpu.memory_space<hbm>>) target(%arg12 : memref<125x128xf32, #tpu.memory_space<vmem>>) offsets(%dma_start3A_287 : memref<125xi32, #tpu.memory_space<vmem>>) semaphore(%arg14 : memref<!tpu.dma_semaphore, #tpu.memory_space<semaphore_mem>>)
      %ge3A_291 = arith.constant 1 : i32
      %ge3A_292 = arith.cmpi sge, %add3A_278, %ge3A_291 : i32
      %convert_element_type3A_293 = arith.extui %ge3A_292 : i1 to i32
      %cond3A_294 = arith.constant 0 : i32
      %cond3A_295 = arith.cmpi ne, %convert_element_type3A_293, %cond3A_294 : i32
      scf.if %cond3A_295 {
        %dma_wait3A_521 = arith.constant 0 : i32
        %dma_wait3A_522 = arith.constant 0 : i32
        %dma_wait3A_523 = tpu.memref_slice %arg7[%dma_wait3A_521, %dma_wait3A_522] : memref<8x125xi32, #tpu.memory_space<vmem>> -> memref<1x125xi32, #tpu.memory_space<vmem>>
        %dma_wait3A_524 = tpu.memref_squeeze %dma_wait3A_523 : memref<1x125xi32, #tpu.memory_space<vmem>> -> memref<125xi32, #tpu.memory_space<vmem>>
        %dma_wait3A_525 = arith.constant 0 : i32
        %dma_wait3A_526 = arith.constant 0 : i32
        %dma_wait3A_527 = tpu.memref_slice %arg2[%dma_wait3A_525, %dma_wait3A_526] : memref<10240x128xf32, #tpu.memory_space<hbm>> -> memref<10240x128xf32, #tpu.memory_space<hbm>>
        tpu.wait_indirect_dma semaphore(%arg13 : memref<!tpu.dma_semaphore, #tpu.memory_space<semaphore_mem>>) src(%dma_wait3A_527 : memref<10240x128xf32, #tpu.memory_space<hbm>>) dst(%arg11 : memref<125x128xf32, #tpu.memory_space<vmem>>)
        %dma_start3A_528 = arith.constant 6 : i32
        %dma_start3A_529 = arith.constant 0 : i32
        %dma_start3A_530 = tpu.memref_slice %arg8[%dma_start3A_528, %dma_start3A_529] : memref<8x125xi32, #tpu.memory_space<vmem>> -> memref<1x125xi32, #tpu.memory_space<vmem>>
        %dma_start3A_531 = tpu.memref_squeeze %dma_start3A_530 : memref<1x125xi32, #tpu.memory_space<vmem>> -> memref<125xi32, #tpu.memory_space<vmem>>
        %dma_start3A_532 = arith.constant 0 : i32
        %dma_start3A_533 = arith.constant 0 : i32
        %dma_start3A_534 = tpu.memref_slice %arg17[%dma_start3A_532, %dma_start3A_533] : memref<10240x128xf32, #tpu.memory_space<vmem_shared>> -> memref<10240x128xf32, #tpu.memory_space<vmem_shared>>
        tpu.enqueue_indirect_dma source(%arg11 : memref<125x128xf32, #tpu.memory_space<vmem>>) target(%dma_start3A_534 : memref<10240x128xf32, #tpu.memory_space<vmem_shared>>) offsets(%dma_start3A_531 : memref<125xi32, #tpu.memory_space<vmem>>) semaphore(%arg15 : memref<!tpu.dma_semaphore, #tpu.memory_space<semaphore_mem>>) {add = true}
      } else {
      }
      %ge3A_296 = arith.constant 1 : i32
      %ge3A_297 = arith.cmpi sge, %add3A_278, %ge3A_296 : i32
      %convert_element_type3A_298 = arith.extui %ge3A_297 : i1 to i32
      %cond3A_299 = arith.constant 0 : i32
      %cond3A_300 = arith.cmpi ne, %convert_element_type3A_298, %cond3A_299 : i32
      scf.if %cond3A_300 {
        %get3A_521 = arith.constant 6 : i32
        %get3A_522 = arith.index_cast %get3A_521 : i32 to index
        %get3A_523 = arith.constant 0 : index
        %get3A_524 = tpu.vector_load %arg8[%get3A_522, %get3A_523] {strides = array<i32>} : memref<8x125xi32, #tpu.memory_space<vmem>>, vector<16xi32>,
        tpu.vector_store_idx %arg18[%get3A_524], %broadcast_in_dim3A_12 {add = true} : memref<10240xf32, #tpu.memory_space<vmem>>[vector<16xi32>], vector<16xf32>,
        %get3A_525 = arith.constant 6 : i32
        %get3A_526 = arith.index_cast %get3A_525 : i32 to index
        %get3A_527 = arith.constant 16 : index
        %get3A_528 = tpu.vector_load %arg8[%get3A_526, %get3A_527] {strides = array<i32>} : memref<8x125xi32, #tpu.memory_space<vmem>>, vector<16xi32>,
        tpu.vector_store_idx %arg18[%get3A_528], %broadcast_in_dim3A_12 {add = true} : memref<10240xf32, #tpu.memory_space<vmem>>[vector<16xi32>], vector<16xf32>,
        %get3A_529 = arith.constant 6 : i32
        %get3A_530 = arith.index_cast %get3A_529 : i32 to index
        %get3A_531 = arith.constant 32 : index
        %get3A_532 = tpu.vector_load %arg8[%get3A_530, %get3A_531] {strides = array<i32>} : memref<8x125xi32, #tpu.memory_space<vmem>>, vector<16xi32>,
        tpu.vector_store_idx %arg18[%get3A_532], %broadcast_in_dim3A_12 {add = true} : memref<10240xf32, #tpu.memory_space<vmem>>[vector<16xi32>], vector<16xf32>,
        %get3A_533 = arith.constant 6 : i32
        %get3A_534 = arith.index_cast %get3A_533 : i32 to index
        %get3A_535 = arith.constant 48 : index
        %get3A_536 = tpu.vector_load %arg8[%get3A_534, %get3A_535] {strides = array<i32>} : memref<8x125xi32, #tpu.memory_space<vmem>>, vector<16xi32>,
        tpu.vector_store_idx %arg18[%get3A_536], %broadcast_in_dim3A_12 {add = true} : memref<10240xf32, #tpu.memory_space<vmem>>[vector<16xi32>], vector<16xf32>,
        %get3A_537 = arith.constant 6 : i32
        %get3A_538 = arith.index_cast %get3A_537 : i32 to index
        %get3A_539 = arith.constant 64 : index
        %get3A_540 = tpu.vector_load %arg8[%get3A_538, %get3A_539] {strides = array<i32>} : memref<8x125xi32, #tpu.memory_space<vmem>>, vector<16xi32>,
        tpu.vector_store_idx %arg18[%get3A_540], %broadcast_in_dim3A_12 {add = true} : memref<10240xf32, #tpu.memory_space<vmem>>[vector<16xi32>], vector<16xf32>,
        %get3A_541 = arith.constant 6 : i32
        %get3A_542 = arith.index_cast %get3A_541 : i32 to index
        %get3A_543 = arith.constant 80 : index
        %get3A_544 = tpu.vector_load %arg8[%get3A_542, %get3A_543] {strides = array<i32>} : memref<8x125xi32, #tpu.memory_space<vmem>>, vector<16xi32>,
        tpu.vector_store_idx %arg18[%get3A_544], %broadcast_in_dim3A_12 {add = true} : memref<10240xf32, #tpu.memory_space<vmem>>[vector<16xi32>], vector<16xf32>,
        %get3A_545 = arith.constant 6 : i32
        %get3A_546 = arith.index_cast %get3A_545 : i32 to index
        %get3A_547 = arith.constant 96 : index
        %get3A_548 = tpu.vector_load %arg8[%get3A_546, %get3A_547] {strides = array<i32>} : memref<8x125xi32, #tpu.memory_space<vmem>>, vector<16xi32>,
        tpu.vector_store_idx %arg18[%get3A_548], %broadcast_in_dim3A_12 {add = true} : memref<10240xf32, #tpu.memory_space<vmem>>[vector<16xi32>], vector<16xf32>,
        %get3A_549 = arith.constant 6 : i32
        %get3A_550 = arith.index_cast %get3A_549 : i32 to index
        %get3A_551 = arith.constant 109 : index
        %get3A_552 = tpu.vector_load %arg8[%get3A_550, %get3A_551] {strides = array<i32>} : memref<8x125xi32, #tpu.memory_space<vmem>>, vector<16xi32>,
        tpu.vector_store_idx %arg18[%get3A_552], %broadcast_in_dim3A_12 masked %ge3A_14 {add = true} : memref<10240xf32, #tpu.memory_space<vmem>>[vector<16xi32>], vector<16xf32>, vector<16xi1>
      } else {
      }
      %mul3A_301 = arith.constant 16 : i32
      %mul3A_302 = arith.muli %mul3A_301, %scan3A_84 : i32
      %add3A_303 = arith.constant 8 : i32
      %add3A_304 = arith.addi %mul3A_302, %add3A_303 : i32
      %mul3A_305 = arith.constant 2 : i32
      %mul3A_306 = arith.muli %mul3A_305, %scan3A_84 : i32
      %add3A_307 = arith.constant 1 : i32
      %add3A_308 = arith.addi %mul3A_306, %add3A_307 : i32
      %mul3A_309 = arith.constant 8 : i32
      %mul3A_310 = arith.muli %add3A_308, %mul3A_309 : i32
      %add3A_311 = arith.addi %mul3A_4, %mul3A_310 : i32
      "tpu.region"() ({
        %run_scoped3A = tpu.sem_alloc : memref<!tpu.dma_semaphore, #tpu.memory_space<semaphore_mem>>
        %dma_start3A_521 = arith.constant 0 : i32
        %dma_start3A_522 = tpu.memref_slice %arg3[%add3A_311, %dma_start3A_521] : memref<5120x125xi32, #tpu.memory_space<hbm>> -> memref<8x125xi32, #tpu.memory_space<hbm>>
        %dma_start3A_523 = arith.constant 0 : i32
        %dma_start3A_524 = tpu.memref_slice %arg3[%add3A_311, %dma_start3A_523] : memref<5120x125xi32, #tpu.memory_space<hbm>> -> memref<8x125xi32, #tpu.memory_space<hbm>>
        tpu.enqueue_dma source(%dma_start3A_524 : memref<8x125xi32, #tpu.memory_space<hbm>>) target(%arg9 : memref<8x125xi32, #tpu.memory_space<vmem>>) target_semaphore(%run_scoped3A : memref<!tpu.dma_semaphore, #tpu.memory_space<semaphore_mem>>)
        %dma_wait3A_525 = arith.constant 0 : i32
        %dma_wait3A_526 = tpu.memref_slice %arg3[%add3A_311, %dma_wait3A_525] : memref<5120x125xi32, #tpu.memory_space<hbm>> -> memref<8x125xi32, #tpu.memory_space<hbm>>
        %dma_wait3A_527 = arith.constant 0 : i32
        %dma_wait3A_528 = tpu.memref_slice %arg3[%add3A_311, %dma_wait3A_527] : memref<5120x125xi32, #tpu.memory_space<hbm>> -> memref<8x125xi32, #tpu.memory_space<hbm>>
        tpu.wait_dma2 semaphore(%run_scoped3A : memref<!tpu.dma_semaphore, #tpu.memory_space<semaphore_mem>>) src(%dma_wait3A_528 : memref<8x125xi32, #tpu.memory_space<hbm>>) dst(%arg9 : memref<8x125xi32, #tpu.memory_space<vmem>>)
        tpu.yield
      }) : () -> ()
      %add3A_312 = arith.constant 2560 : i32
      %add3A_313 = arith.addi %add3A_312, %mul3A_4 : i32
      %mul3A_314 = arith.constant 8 : i32
      %mul3A_315 = arith.muli %add3A_308, %mul3A_314 : i32
      %add3A_316 = arith.addi %add3A_313, %mul3A_315 : i32
      "tpu.region"() ({
        %run_scoped3A = tpu.sem_alloc : memref<!tpu.dma_semaphore, #tpu.memory_space<semaphore_mem>>
        %dma_start3A_521 = arith.constant 0 : i32
        %dma_start3A_522 = tpu.memref_slice %arg3[%add3A_316, %dma_start3A_521] : memref<5120x125xi32, #tpu.memory_space<hbm>> -> memref<8x125xi32, #tpu.memory_space<hbm>>
        %dma_start3A_523 = arith.constant 0 : i32
        %dma_start3A_524 = tpu.memref_slice %arg3[%add3A_316, %dma_start3A_523] : memref<5120x125xi32, #tpu.memory_space<hbm>> -> memref<8x125xi32, #tpu.memory_space<hbm>>
        tpu.enqueue_dma source(%dma_start3A_524 : memref<8x125xi32, #tpu.memory_space<hbm>>) target(%arg10 : memref<8x125xi32, #tpu.memory_space<vmem>>) target_semaphore(%run_scoped3A : memref<!tpu.dma_semaphore, #tpu.memory_space<semaphore_mem>>)
        %dma_wait3A_525 = arith.constant 0 : i32
        %dma_wait3A_526 = tpu.memref_slice %arg3[%add3A_316, %dma_wait3A_525] : memref<5120x125xi32, #tpu.memory_space<hbm>> -> memref<8x125xi32, #tpu.memory_space<hbm>>
        %dma_wait3A_527 = arith.constant 0 : i32
        %dma_wait3A_528 = tpu.memref_slice %arg3[%add3A_316, %dma_wait3A_527] : memref<5120x125xi32, #tpu.memory_space<hbm>> -> memref<8x125xi32, #tpu.memory_space<hbm>>
        tpu.wait_dma2 semaphore(%run_scoped3A : memref<!tpu.dma_semaphore, #tpu.memory_space<semaphore_mem>>) src(%dma_wait3A_528 : memref<8x125xi32, #tpu.memory_space<hbm>>) dst(%arg10 : memref<8x125xi32, #tpu.memory_space<vmem>>)
        tpu.yield
      }) : () -> ()
      %ge3A_317 = arith.constant 2 : i32
      %ge3A_318 = arith.cmpi sge, %add3A_304, %ge3A_317 : i32
      %convert_element_type3A_319 = arith.extui %ge3A_318 : i1 to i32
      %cond3A_320 = arith.constant 0 : i32
      %cond3A_321 = arith.cmpi ne, %convert_element_type3A_319, %cond3A_320 : i32
      scf.if %cond3A_321 {
        %dma_wait3A_521 = arith.constant 0 : i32
        %dma_wait3A_522 = arith.constant 0 : i32
        %dma_wait3A_523 = tpu.memref_slice %arg8[%dma_wait3A_521, %dma_wait3A_522] : memref<8x125xi32, #tpu.memory_space<vmem>> -> memref<1x125xi32, #tpu.memory_space<vmem>>
        %dma_wait3A_524 = tpu.memref_squeeze %dma_wait3A_523 : memref<1x125xi32, #tpu.memory_space<vmem>> -> memref<125xi32, #tpu.memory_space<vmem>>
        %dma_wait3A_525 = arith.constant 0 : i32
        %dma_wait3A_526 = arith.constant 0 : i32
        %dma_wait3A_527 = tpu.memref_slice %arg17[%dma_wait3A_525, %dma_wait3A_526] : memref<10240x128xf32, #tpu.memory_space<vmem_shared>> -> memref<10240x128xf32, #tpu.memory_space<vmem_shared>>
        tpu.wait_indirect_dma semaphore(%arg15 : memref<!tpu.dma_semaphore, #tpu.memory_space<semaphore_mem>>) src(%arg11 : memref<125x128xf32, #tpu.memory_space<vmem>>) dst(%dma_wait3A_527 : memref<10240x128xf32, #tpu.memory_space<vmem_shared>>)
      } else {
      }
      %dma_start3A_322 = arith.constant 0 : i32
      %dma_start3A_323 = arith.constant 0 : i32
      %dma_start3A_324 = tpu.memref_slice %arg9[%dma_start3A_322, %dma_start3A_323] : memref<8x125xi32, #tpu.memory_space<vmem>> -> memref<1x125xi32, #tpu.memory_space<vmem>>
      %dma_start3A_325 = tpu.memref_squeeze %dma_start3A_324 : memref<1x125xi32, #tpu.memory_space<vmem>> -> memref<125xi32, #tpu.memory_space<vmem>>
      %dma_start3A_326 = arith.constant 0 : i32
      %dma_start3A_327 = arith.constant 0 : i32
      %dma_start3A_328 = tpu.memref_slice %arg2[%dma_start3A_326, %dma_start3A_327] : memref<10240x128xf32, #tpu.memory_space<hbm>> -> memref<10240x128xf32, #tpu.memory_space<hbm>>
      tpu.enqueue_indirect_dma source(%dma_start3A_328 : memref<10240x128xf32, #tpu.memory_space<hbm>>) target(%arg11 : memref<125x128xf32, #tpu.memory_space<vmem>>) offsets(%dma_start3A_325 : memref<125xi32, #tpu.memory_space<vmem>>) semaphore(%arg13 : memref<!tpu.dma_semaphore, #tpu.memory_space<semaphore_mem>>)
      %ge3A_329 = arith.constant 1 : i32
      %ge3A_330 = arith.cmpi sge, %add3A_304, %ge3A_329 : i32
      %convert_element_type3A_331 = arith.extui %ge3A_330 : i1 to i32
      %cond3A_332 = arith.constant 0 : i32
      %cond3A_333 = arith.cmpi ne, %convert_element_type3A_331, %cond3A_332 : i32
      scf.if %cond3A_333 {
        %dma_wait3A_521 = arith.constant 0 : i32
        %dma_wait3A_522 = arith.constant 0 : i32
        %dma_wait3A_523 = tpu.memref_slice %arg7[%dma_wait3A_521, %dma_wait3A_522] : memref<8x125xi32, #tpu.memory_space<vmem>> -> memref<1x125xi32, #tpu.memory_space<vmem>>
        %dma_wait3A_524 = tpu.memref_squeeze %dma_wait3A_523 : memref<1x125xi32, #tpu.memory_space<vmem>> -> memref<125xi32, #tpu.memory_space<vmem>>
        %dma_wait3A_525 = arith.constant 0 : i32
        %dma_wait3A_526 = arith.constant 0 : i32
        %dma_wait3A_527 = tpu.memref_slice %arg2[%dma_wait3A_525, %dma_wait3A_526] : memref<10240x128xf32, #tpu.memory_space<hbm>> -> memref<10240x128xf32, #tpu.memory_space<hbm>>
        tpu.wait_indirect_dma semaphore(%arg14 : memref<!tpu.dma_semaphore, #tpu.memory_space<semaphore_mem>>) src(%dma_wait3A_527 : memref<10240x128xf32, #tpu.memory_space<hbm>>) dst(%arg12 : memref<125x128xf32, #tpu.memory_space<vmem>>)
        %dma_start3A_528 = arith.constant 7 : i32
        %dma_start3A_529 = arith.constant 0 : i32
        %dma_start3A_530 = tpu.memref_slice %arg8[%dma_start3A_528, %dma_start3A_529] : memref<8x125xi32, #tpu.memory_space<vmem>> -> memref<1x125xi32, #tpu.memory_space<vmem>>
        %dma_start3A_531 = tpu.memref_squeeze %dma_start3A_530 : memref<1x125xi32, #tpu.memory_space<vmem>> -> memref<125xi32, #tpu.memory_space<vmem>>
        %dma_start3A_532 = arith.constant 0 : i32
        %dma_start3A_533 = arith.constant 0 : i32
        %dma_start3A_534 = tpu.memref_slice %arg17[%dma_start3A_532, %dma_start3A_533] : memref<10240x128xf32, #tpu.memory_space<vmem_shared>> -> memref<10240x128xf32, #tpu.memory_space<vmem_shared>>
        tpu.enqueue_indirect_dma source(%arg12 : memref<125x128xf32, #tpu.memory_space<vmem>>) target(%dma_start3A_534 : memref<10240x128xf32, #tpu.memory_space<vmem_shared>>) offsets(%dma_start3A_531 : memref<125xi32, #tpu.memory_space<vmem>>) semaphore(%arg16 : memref<!tpu.dma_semaphore, #tpu.memory_space<semaphore_mem>>) {add = true}
      } else {
      }
      %ge3A_334 = arith.constant 1 : i32
      %ge3A_335 = arith.cmpi sge, %add3A_304, %ge3A_334 : i32
      %convert_element_type3A_336 = arith.extui %ge3A_335 : i1 to i32
      %cond3A_337 = arith.constant 0 : i32
      %cond3A_338 = arith.cmpi ne, %convert_element_type3A_336, %cond3A_337 : i32
      scf.if %cond3A_338 {
        %get3A_521 = arith.constant 7 : i32
        %get3A_522 = arith.index_cast %get3A_521 : i32 to index
        %get3A_523 = arith.constant 0 : index
        %get3A_524 = tpu.vector_load %arg8[%get3A_522, %get3A_523] {strides = array<i32>} : memref<8x125xi32, #tpu.memory_space<vmem>>, vector<16xi32>,
        tpu.vector_store_idx %arg18[%get3A_524], %broadcast_in_dim3A_12 {add = true} : memref<10240xf32, #tpu.memory_space<vmem>>[vector<16xi32>], vector<16xf32>,
        %get3A_525 = arith.constant 7 : i32
        %get3A_526 = arith.index_cast %get3A_525 : i32 to index
        %get3A_527 = arith.constant 16 : index
        %get3A_528 = tpu.vector_load %arg8[%get3A_526, %get3A_527] {strides = array<i32>} : memref<8x125xi32, #tpu.memory_space<vmem>>, vector<16xi32>,
        tpu.vector_store_idx %arg18[%get3A_528], %broadcast_in_dim3A_12 {add = true} : memref<10240xf32, #tpu.memory_space<vmem>>[vector<16xi32>], vector<16xf32>,
        %get3A_529 = arith.constant 7 : i32
        %get3A_530 = arith.index_cast %get3A_529 : i32 to index
        %get3A_531 = arith.constant 32 : index
        %get3A_532 = tpu.vector_load %arg8[%get3A_530, %get3A_531] {strides = array<i32>} : memref<8x125xi32, #tpu.memory_space<vmem>>, vector<16xi32>,
        tpu.vector_store_idx %arg18[%get3A_532], %broadcast_in_dim3A_12 {add = true} : memref<10240xf32, #tpu.memory_space<vmem>>[vector<16xi32>], vector<16xf32>,
        %get3A_533 = arith.constant 7 : i32
        %get3A_534 = arith.index_cast %get3A_533 : i32 to index
        %get3A_535 = arith.constant 48 : index
        %get3A_536 = tpu.vector_load %arg8[%get3A_534, %get3A_535] {strides = array<i32>} : memref<8x125xi32, #tpu.memory_space<vmem>>, vector<16xi32>,
        tpu.vector_store_idx %arg18[%get3A_536], %broadcast_in_dim3A_12 {add = true} : memref<10240xf32, #tpu.memory_space<vmem>>[vector<16xi32>], vector<16xf32>,
        %get3A_537 = arith.constant 7 : i32
        %get3A_538 = arith.index_cast %get3A_537 : i32 to index
        %get3A_539 = arith.constant 64 : index
        %get3A_540 = tpu.vector_load %arg8[%get3A_538, %get3A_539] {strides = array<i32>} : memref<8x125xi32, #tpu.memory_space<vmem>>, vector<16xi32>,
        tpu.vector_store_idx %arg18[%get3A_540], %broadcast_in_dim3A_12 {add = true} : memref<10240xf32, #tpu.memory_space<vmem>>[vector<16xi32>], vector<16xf32>,
        %get3A_541 = arith.constant 7 : i32
        %get3A_542 = arith.index_cast %get3A_541 : i32 to index
        %get3A_543 = arith.constant 80 : index
        %get3A_544 = tpu.vector_load %arg8[%get3A_542, %get3A_543] {strides = array<i32>} : memref<8x125xi32, #tpu.memory_space<vmem>>, vector<16xi32>,
        tpu.vector_store_idx %arg18[%get3A_544], %broadcast_in_dim3A_12 {add = true} : memref<10240xf32, #tpu.memory_space<vmem>>[vector<16xi32>], vector<16xf32>,
        %get3A_545 = arith.constant 7 : i32
        %get3A_546 = arith.index_cast %get3A_545 : i32 to index
        %get3A_547 = arith.constant 96 : index
        %get3A_548 = tpu.vector_load %arg8[%get3A_546, %get3A_547] {strides = array<i32>} : memref<8x125xi32, #tpu.memory_space<vmem>>, vector<16xi32>,
        tpu.vector_store_idx %arg18[%get3A_548], %broadcast_in_dim3A_12 {add = true} : memref<10240xf32, #tpu.memory_space<vmem>>[vector<16xi32>], vector<16xf32>,
        %get3A_549 = arith.constant 7 : i32
        %get3A_550 = arith.index_cast %get3A_549 : i32 to index
        %get3A_551 = arith.constant 109 : index
        %get3A_552 = tpu.vector_load %arg8[%get3A_550, %get3A_551] {strides = array<i32>} : memref<8x125xi32, #tpu.memory_space<vmem>>, vector<16xi32>,
        tpu.vector_store_idx %arg18[%get3A_552], %broadcast_in_dim3A_12 masked %ge3A_14 {add = true} : memref<10240xf32, #tpu.memory_space<vmem>>[vector<16xi32>], vector<16xf32>, vector<16xi1>
      } else {
      }
      %mul3A_339 = arith.constant 16 : i32
      %mul3A_340 = arith.muli %mul3A_339, %scan3A_84 : i32
      %add3A_341 = arith.constant 9 : i32
      %add3A_342 = arith.addi %mul3A_340, %add3A_341 : i32
      %ge3A_343 = arith.constant 2 : i32
      %ge3A_344 = arith.cmpi sge, %add3A_342, %ge3A_343 : i32
      %convert_element_type3A_345 = arith.extui %ge3A_344 : i1 to i32
      %cond3A_346 = arith.constant 0 : i32
      %cond3A_347 = arith.cmpi ne, %convert_element_type3A_345, %cond3A_346 : i32
      scf.if %cond3A_347 {
        %dma_wait3A_521 = arith.constant 0 : i32
        %dma_wait3A_522 = arith.constant 0 : i32
        %dma_wait3A_523 = tpu.memref_slice %arg8[%dma_wait3A_521, %dma_wait3A_522] : memref<8x125xi32, #tpu.memory_space<vmem>> -> memref<1x125xi32, #tpu.memory_space<vmem>>
        %dma_wait3A_524 = tpu.memref_squeeze %dma_wait3A_523 : memref<1x125xi32, #tpu.memory_space<vmem>> -> memref<125xi32, #tpu.memory_space<vmem>>
        %dma_wait3A_525 = arith.constant 0 : i32
        %dma_wait3A_526 = arith.constant 0 : i32
        %dma_wait3A_527 = tpu.memref_slice %arg17[%dma_wait3A_525, %dma_wait3A_526] : memref<10240x128xf32, #tpu.memory_space<vmem_shared>> -> memref<10240x128xf32, #tpu.memory_space<vmem_shared>>
        tpu.wait_indirect_dma semaphore(%arg16 : memref<!tpu.dma_semaphore, #tpu.memory_space<semaphore_mem>>) src(%arg11 : memref<125x128xf32, #tpu.memory_space<vmem>>) dst(%dma_wait3A_527 : memref<10240x128xf32, #tpu.memory_space<vmem_shared>>)
      } else {
      }
      %dma_start3A_348 = arith.constant 1 : i32
      %dma_start3A_349 = arith.constant 0 : i32
      %dma_start3A_350 = tpu.memref_slice %arg9[%dma_start3A_348, %dma_start3A_349] : memref<8x125xi32, #tpu.memory_space<vmem>> -> memref<1x125xi32, #tpu.memory_space<vmem>>
      %dma_start3A_351 = tpu.memref_squeeze %dma_start3A_350 : memref<1x125xi32, #tpu.memory_space<vmem>> -> memref<125xi32, #tpu.memory_space<vmem>>
      %dma_start3A_352 = arith.constant 0 : i32
      %dma_start3A_353 = arith.constant 0 : i32
      %dma_start3A_354 = tpu.memref_slice %arg2[%dma_start3A_352, %dma_start3A_353] : memref<10240x128xf32, #tpu.memory_space<hbm>> -> memref<10240x128xf32, #tpu.memory_space<hbm>>
      tpu.enqueue_indirect_dma source(%dma_start3A_354 : memref<10240x128xf32, #tpu.memory_space<hbm>>) target(%arg12 : memref<125x128xf32, #tpu.memory_space<vmem>>) offsets(%dma_start3A_351 : memref<125xi32, #tpu.memory_space<vmem>>) semaphore(%arg14 : memref<!tpu.dma_semaphore, #tpu.memory_space<semaphore_mem>>)
      %ge3A_355 = arith.constant 1 : i32
      %ge3A_356 = arith.cmpi sge, %add3A_342, %ge3A_355 : i32
      %convert_element_type3A_357 = arith.extui %ge3A_356 : i1 to i32
      %cond3A_358 = arith.constant 0 : i32
      %cond3A_359 = arith.cmpi ne, %convert_element_type3A_357, %cond3A_358 : i32
      scf.if %cond3A_359 {
        %dma_wait3A_521 = arith.constant 0 : i32
        %dma_wait3A_522 = arith.constant 0 : i32
        %dma_wait3A_523 = tpu.memref_slice %arg7[%dma_wait3A_521, %dma_wait3A_522] : memref<8x125xi32, #tpu.memory_space<vmem>> -> memref<1x125xi32, #tpu.memory_space<vmem>>
        %dma_wait3A_524 = tpu.memref_squeeze %dma_wait3A_523 : memref<1x125xi32, #tpu.memory_space<vmem>> -> memref<125xi32, #tpu.memory_space<vmem>>
        %dma_wait3A_525 = arith.constant 0 : i32
        %dma_wait3A_526 = arith.constant 0 : i32
        %dma_wait3A_527 = tpu.memref_slice %arg2[%dma_wait3A_525, %dma_wait3A_526] : memref<10240x128xf32, #tpu.memory_space<hbm>> -> memref<10240x128xf32, #tpu.memory_space<hbm>>
        tpu.wait_indirect_dma semaphore(%arg13 : memref<!tpu.dma_semaphore, #tpu.memory_space<semaphore_mem>>) src(%dma_wait3A_527 : memref<10240x128xf32, #tpu.memory_space<hbm>>) dst(%arg11 : memref<125x128xf32, #tpu.memory_space<vmem>>)
        %dma_start3A_528 = arith.constant 0 : i32
        %dma_start3A_529 = arith.constant 0 : i32
        %dma_start3A_530 = tpu.memref_slice %arg10[%dma_start3A_528, %dma_start3A_529] : memref<8x125xi32, #tpu.memory_space<vmem>> -> memref<1x125xi32, #tpu.memory_space<vmem>>
        %dma_start3A_531 = tpu.memref_squeeze %dma_start3A_530 : memref<1x125xi32, #tpu.memory_space<vmem>> -> memref<125xi32, #tpu.memory_space<vmem>>
        %dma_start3A_532 = arith.constant 0 : i32
        %dma_start3A_533 = arith.constant 0 : i32
        %dma_start3A_534 = tpu.memref_slice %arg17[%dma_start3A_532, %dma_start3A_533] : memref<10240x128xf32, #tpu.memory_space<vmem_shared>> -> memref<10240x128xf32, #tpu.memory_space<vmem_shared>>
        tpu.enqueue_indirect_dma source(%arg11 : memref<125x128xf32, #tpu.memory_space<vmem>>) target(%dma_start3A_534 : memref<10240x128xf32, #tpu.memory_space<vmem_shared>>) offsets(%dma_start3A_531 : memref<125xi32, #tpu.memory_space<vmem>>) semaphore(%arg15 : memref<!tpu.dma_semaphore, #tpu.memory_space<semaphore_mem>>) {add = true}
      } else {
      }
      %ge3A_360 = arith.constant 1 : i32
      %ge3A_361 = arith.cmpi sge, %add3A_342, %ge3A_360 : i32
      %convert_element_type3A_362 = arith.extui %ge3A_361 : i1 to i32
      %cond3A_363 = arith.constant 0 : i32
      %cond3A_364 = arith.cmpi ne, %convert_element_type3A_362, %cond3A_363 : i32
      scf.if %cond3A_364 {
        %get3A_521 = arith.constant 0 : i32
        %get3A_522 = arith.index_cast %get3A_521 : i32 to index
        %get3A_523 = arith.constant 0 : index
        %get3A_524 = tpu.vector_load %arg10[%get3A_522, %get3A_523] {strides = array<i32>} : memref<8x125xi32, #tpu.memory_space<vmem>>, vector<16xi32>,
        tpu.vector_store_idx %arg18[%get3A_524], %broadcast_in_dim3A_12 {add = true} : memref<10240xf32, #tpu.memory_space<vmem>>[vector<16xi32>], vector<16xf32>,
        %get3A_525 = arith.constant 0 : i32
        %get3A_526 = arith.index_cast %get3A_525 : i32 to index
        %get3A_527 = arith.constant 16 : index
        %get3A_528 = tpu.vector_load %arg10[%get3A_526, %get3A_527] {strides = array<i32>} : memref<8x125xi32, #tpu.memory_space<vmem>>, vector<16xi32>,
        tpu.vector_store_idx %arg18[%get3A_528], %broadcast_in_dim3A_12 {add = true} : memref<10240xf32, #tpu.memory_space<vmem>>[vector<16xi32>], vector<16xf32>,
        %get3A_529 = arith.constant 0 : i32
        %get3A_530 = arith.index_cast %get3A_529 : i32 to index
        %get3A_531 = arith.constant 32 : index
        %get3A_532 = tpu.vector_load %arg10[%get3A_530, %get3A_531] {strides = array<i32>} : memref<8x125xi32, #tpu.memory_space<vmem>>, vector<16xi32>,
        tpu.vector_store_idx %arg18[%get3A_532], %broadcast_in_dim3A_12 {add = true} : memref<10240xf32, #tpu.memory_space<vmem>>[vector<16xi32>], vector<16xf32>,
        %get3A_533 = arith.constant 0 : i32
        %get3A_534 = arith.index_cast %get3A_533 : i32 to index
        %get3A_535 = arith.constant 48 : index
        %get3A_536 = tpu.vector_load %arg10[%get3A_534, %get3A_535] {strides = array<i32>} : memref<8x125xi32, #tpu.memory_space<vmem>>, vector<16xi32>,
        tpu.vector_store_idx %arg18[%get3A_536], %broadcast_in_dim3A_12 {add = true} : memref<10240xf32, #tpu.memory_space<vmem>>[vector<16xi32>], vector<16xf32>,
        %get3A_537 = arith.constant 0 : i32
        %get3A_538 = arith.index_cast %get3A_537 : i32 to index
        %get3A_539 = arith.constant 64 : index
        %get3A_540 = tpu.vector_load %arg10[%get3A_538, %get3A_539] {strides = array<i32>} : memref<8x125xi32, #tpu.memory_space<vmem>>, vector<16xi32>,
        tpu.vector_store_idx %arg18[%get3A_540], %broadcast_in_dim3A_12 {add = true} : memref<10240xf32, #tpu.memory_space<vmem>>[vector<16xi32>], vector<16xf32>,
        %get3A_541 = arith.constant 0 : i32
        %get3A_542 = arith.index_cast %get3A_541 : i32 to index
        %get3A_543 = arith.constant 80 : index
        %get3A_544 = tpu.vector_load %arg10[%get3A_542, %get3A_543] {strides = array<i32>} : memref<8x125xi32, #tpu.memory_space<vmem>>, vector<16xi32>,
        tpu.vector_store_idx %arg18[%get3A_544], %broadcast_in_dim3A_12 {add = true} : memref<10240xf32, #tpu.memory_space<vmem>>[vector<16xi32>], vector<16xf32>,
        %get3A_545 = arith.constant 0 : i32
        %get3A_546 = arith.index_cast %get3A_545 : i32 to index
        %get3A_547 = arith.constant 96 : index
        %get3A_548 = tpu.vector_load %arg10[%get3A_546, %get3A_547] {strides = array<i32>} : memref<8x125xi32, #tpu.memory_space<vmem>>, vector<16xi32>,
        tpu.vector_store_idx %arg18[%get3A_548], %broadcast_in_dim3A_12 {add = true} : memref<10240xf32, #tpu.memory_space<vmem>>[vector<16xi32>], vector<16xf32>,
        %get3A_549 = arith.constant 0 : i32
        %get3A_550 = arith.index_cast %get3A_549 : i32 to index
        %get3A_551 = arith.constant 109 : index
        %get3A_552 = tpu.vector_load %arg10[%get3A_550, %get3A_551] {strides = array<i32>} : memref<8x125xi32, #tpu.memory_space<vmem>>, vector<16xi32>,
        tpu.vector_store_idx %arg18[%get3A_552], %broadcast_in_dim3A_12 masked %ge3A_14 {add = true} : memref<10240xf32, #tpu.memory_space<vmem>>[vector<16xi32>], vector<16xf32>, vector<16xi1>
      } else {
      }
      %mul3A_365 = arith.constant 16 : i32
      %mul3A_366 = arith.muli %mul3A_365, %scan3A_84 : i32
      %add3A_367 = arith.constant 10 : i32
      %add3A_368 = arith.addi %mul3A_366, %add3A_367 : i32
      %ge3A_369 = arith.constant 2 : i32
      %ge3A_370 = arith.cmpi sge, %add3A_368, %ge3A_369 : i32
      %convert_element_type3A_371 = arith.extui %ge3A_370 : i1 to i32
      %cond3A_372 = arith.constant 0 : i32
      %cond3A_373 = arith.cmpi ne, %convert_element_type3A_371, %cond3A_372 : i32
      scf.if %cond3A_373 {
        %dma_wait3A_521 = arith.constant 0 : i32
        %dma_wait3A_522 = arith.constant 0 : i32
        %dma_wait3A_523 = tpu.memref_slice %arg8[%dma_wait3A_521, %dma_wait3A_522] : memref<8x125xi32, #tpu.memory_space<vmem>> -> memref<1x125xi32, #tpu.memory_space<vmem>>
        %dma_wait3A_524 = tpu.memref_squeeze %dma_wait3A_523 : memref<1x125xi32, #tpu.memory_space<vmem>> -> memref<125xi32, #tpu.memory_space<vmem>>
        %dma_wait3A_525 = arith.constant 0 : i32
        %dma_wait3A_526 = arith.constant 0 : i32
        %dma_wait3A_527 = tpu.memref_slice %arg17[%dma_wait3A_525, %dma_wait3A_526] : memref<10240x128xf32, #tpu.memory_space<vmem_shared>> -> memref<10240x128xf32, #tpu.memory_space<vmem_shared>>
        tpu.wait_indirect_dma semaphore(%arg15 : memref<!tpu.dma_semaphore, #tpu.memory_space<semaphore_mem>>) src(%arg11 : memref<125x128xf32, #tpu.memory_space<vmem>>) dst(%dma_wait3A_527 : memref<10240x128xf32, #tpu.memory_space<vmem_shared>>)
      } else {
      }
      %dma_start3A_374 = arith.constant 2 : i32
      %dma_start3A_375 = arith.constant 0 : i32
      %dma_start3A_376 = tpu.memref_slice %arg9[%dma_start3A_374, %dma_start3A_375] : memref<8x125xi32, #tpu.memory_space<vmem>> -> memref<1x125xi32, #tpu.memory_space<vmem>>
      %dma_start3A_377 = tpu.memref_squeeze %dma_start3A_376 : memref<1x125xi32, #tpu.memory_space<vmem>> -> memref<125xi32, #tpu.memory_space<vmem>>
      %dma_start3A_378 = arith.constant 0 : i32
      %dma_start3A_379 = arith.constant 0 : i32
      %dma_start3A_380 = tpu.memref_slice %arg2[%dma_start3A_378, %dma_start3A_379] : memref<10240x128xf32, #tpu.memory_space<hbm>> -> memref<10240x128xf32, #tpu.memory_space<hbm>>
      tpu.enqueue_indirect_dma source(%dma_start3A_380 : memref<10240x128xf32, #tpu.memory_space<hbm>>) target(%arg11 : memref<125x128xf32, #tpu.memory_space<vmem>>) offsets(%dma_start3A_377 : memref<125xi32, #tpu.memory_space<vmem>>) semaphore(%arg13 : memref<!tpu.dma_semaphore, #tpu.memory_space<semaphore_mem>>)
      %ge3A_381 = arith.constant 1 : i32
      %ge3A_382 = arith.cmpi sge, %add3A_368, %ge3A_381 : i32
      %convert_element_type3A_383 = arith.extui %ge3A_382 : i1 to i32
      %cond3A_384 = arith.constant 0 : i32
      %cond3A_385 = arith.cmpi ne, %convert_element_type3A_383, %cond3A_384 : i32
      scf.if %cond3A_385 {
        %dma_wait3A_521 = arith.constant 0 : i32
        %dma_wait3A_522 = arith.constant 0 : i32
        %dma_wait3A_523 = tpu.memref_slice %arg7[%dma_wait3A_521, %dma_wait3A_522] : memref<8x125xi32, #tpu.memory_space<vmem>> -> memref<1x125xi32, #tpu.memory_space<vmem>>
        %dma_wait3A_524 = tpu.memref_squeeze %dma_wait3A_523 : memref<1x125xi32, #tpu.memory_space<vmem>> -> memref<125xi32, #tpu.memory_space<vmem>>
        %dma_wait3A_525 = arith.constant 0 : i32
        %dma_wait3A_526 = arith.constant 0 : i32
        %dma_wait3A_527 = tpu.memref_slice %arg2[%dma_wait3A_525, %dma_wait3A_526] : memref<10240x128xf32, #tpu.memory_space<hbm>> -> memref<10240x128xf32, #tpu.memory_space<hbm>>
        tpu.wait_indirect_dma semaphore(%arg14 : memref<!tpu.dma_semaphore, #tpu.memory_space<semaphore_mem>>) src(%dma_wait3A_527 : memref<10240x128xf32, #tpu.memory_space<hbm>>) dst(%arg12 : memref<125x128xf32, #tpu.memory_space<vmem>>)
        %dma_start3A_528 = arith.constant 1 : i32
        %dma_start3A_529 = arith.constant 0 : i32
        %dma_start3A_530 = tpu.memref_slice %arg10[%dma_start3A_528, %dma_start3A_529] : memref<8x125xi32, #tpu.memory_space<vmem>> -> memref<1x125xi32, #tpu.memory_space<vmem>>
        %dma_start3A_531 = tpu.memref_squeeze %dma_start3A_530 : memref<1x125xi32, #tpu.memory_space<vmem>> -> memref<125xi32, #tpu.memory_space<vmem>>
        %dma_start3A_532 = arith.constant 0 : i32
        %dma_start3A_533 = arith.constant 0 : i32
        %dma_start3A_534 = tpu.memref_slice %arg17[%dma_start3A_532, %dma_start3A_533] : memref<10240x128xf32, #tpu.memory_space<vmem_shared>> -> memref<10240x128xf32, #tpu.memory_space<vmem_shared>>
        tpu.enqueue_indirect_dma source(%arg12 : memref<125x128xf32, #tpu.memory_space<vmem>>) target(%dma_start3A_534 : memref<10240x128xf32, #tpu.memory_space<vmem_shared>>) offsets(%dma_start3A_531 : memref<125xi32, #tpu.memory_space<vmem>>) semaphore(%arg16 : memref<!tpu.dma_semaphore, #tpu.memory_space<semaphore_mem>>) {add = true}
      } else {
      }
      %ge3A_386 = arith.constant 1 : i32
      %ge3A_387 = arith.cmpi sge, %add3A_368, %ge3A_386 : i32
      %convert_element_type3A_388 = arith.extui %ge3A_387 : i1 to i32
      %cond3A_389 = arith.constant 0 : i32
      %cond3A_390 = arith.cmpi ne, %convert_element_type3A_388, %cond3A_389 : i32
      scf.if %cond3A_390 {
        %get3A_521 = arith.constant 1 : i32
        %get3A_522 = arith.index_cast %get3A_521 : i32 to index
        %get3A_523 = arith.constant 0 : index
        %get3A_524 = tpu.vector_load %arg10[%get3A_522, %get3A_523] {strides = array<i32>} : memref<8x125xi32, #tpu.memory_space<vmem>>, vector<16xi32>,
        tpu.vector_store_idx %arg18[%get3A_524], %broadcast_in_dim3A_12 {add = true} : memref<10240xf32, #tpu.memory_space<vmem>>[vector<16xi32>], vector<16xf32>,
        %get3A_525 = arith.constant 1 : i32
        %get3A_526 = arith.index_cast %get3A_525 : i32 to index
        %get3A_527 = arith.constant 16 : index
        %get3A_528 = tpu.vector_load %arg10[%get3A_526, %get3A_527] {strides = array<i32>} : memref<8x125xi32, #tpu.memory_space<vmem>>, vector<16xi32>,
        tpu.vector_store_idx %arg18[%get3A_528], %broadcast_in_dim3A_12 {add = true} : memref<10240xf32, #tpu.memory_space<vmem>>[vector<16xi32>], vector<16xf32>,
        %get3A_529 = arith.constant 1 : i32
        %get3A_530 = arith.index_cast %get3A_529 : i32 to index
        %get3A_531 = arith.constant 32 : index
        %get3A_532 = tpu.vector_load %arg10[%get3A_530, %get3A_531] {strides = array<i32>} : memref<8x125xi32, #tpu.memory_space<vmem>>, vector<16xi32>,
        tpu.vector_store_idx %arg18[%get3A_532], %broadcast_in_dim3A_12 {add = true} : memref<10240xf32, #tpu.memory_space<vmem>>[vector<16xi32>], vector<16xf32>,
        %get3A_533 = arith.constant 1 : i32
        %get3A_534 = arith.index_cast %get3A_533 : i32 to index
        %get3A_535 = arith.constant 48 : index
        %get3A_536 = tpu.vector_load %arg10[%get3A_534, %get3A_535] {strides = array<i32>} : memref<8x125xi32, #tpu.memory_space<vmem>>, vector<16xi32>,
        tpu.vector_store_idx %arg18[%get3A_536], %broadcast_in_dim3A_12 {add = true} : memref<10240xf32, #tpu.memory_space<vmem>>[vector<16xi32>], vector<16xf32>,
        %get3A_537 = arith.constant 1 : i32
        %get3A_538 = arith.index_cast %get3A_537 : i32 to index
        %get3A_539 = arith.constant 64 : index
        %get3A_540 = tpu.vector_load %arg10[%get3A_538, %get3A_539] {strides = array<i32>} : memref<8x125xi32, #tpu.memory_space<vmem>>, vector<16xi32>,
        tpu.vector_store_idx %arg18[%get3A_540], %broadcast_in_dim3A_12 {add = true} : memref<10240xf32, #tpu.memory_space<vmem>>[vector<16xi32>], vector<16xf32>,
        %get3A_541 = arith.constant 1 : i32
        %get3A_542 = arith.index_cast %get3A_541 : i32 to index
        %get3A_543 = arith.constant 80 : index
        %get3A_544 = tpu.vector_load %arg10[%get3A_542, %get3A_543] {strides = array<i32>} : memref<8x125xi32, #tpu.memory_space<vmem>>, vector<16xi32>,
        tpu.vector_store_idx %arg18[%get3A_544], %broadcast_in_dim3A_12 {add = true} : memref<10240xf32, #tpu.memory_space<vmem>>[vector<16xi32>], vector<16xf32>,
        %get3A_545 = arith.constant 1 : i32
        %get3A_546 = arith.index_cast %get3A_545 : i32 to index
        %get3A_547 = arith.constant 96 : index
        %get3A_548 = tpu.vector_load %arg10[%get3A_546, %get3A_547] {strides = array<i32>} : memref<8x125xi32, #tpu.memory_space<vmem>>, vector<16xi32>,
        tpu.vector_store_idx %arg18[%get3A_548], %broadcast_in_dim3A_12 {add = true} : memref<10240xf32, #tpu.memory_space<vmem>>[vector<16xi32>], vector<16xf32>,
        %get3A_549 = arith.constant 1 : i32
        %get3A_550 = arith.index_cast %get3A_549 : i32 to index
        %get3A_551 = arith.constant 109 : index
        %get3A_552 = tpu.vector_load %arg10[%get3A_550, %get3A_551] {strides = array<i32>} : memref<8x125xi32, #tpu.memory_space<vmem>>, vector<16xi32>,
        tpu.vector_store_idx %arg18[%get3A_552], %broadcast_in_dim3A_12 masked %ge3A_14 {add = true} : memref<10240xf32, #tpu.memory_space<vmem>>[vector<16xi32>], vector<16xf32>, vector<16xi1>
      } else {
      }
      %mul3A_391 = arith.constant 16 : i32
      %mul3A_392 = arith.muli %mul3A_391, %scan3A_84 : i32
      %add3A_393 = arith.constant 11 : i32
      %add3A_394 = arith.addi %mul3A_392, %add3A_393 : i32
      %ge3A_395 = arith.constant 2 : i32
      %ge3A_396 = arith.cmpi sge, %add3A_394, %ge3A_395 : i32
      %convert_element_type3A_397 = arith.extui %ge3A_396 : i1 to i32
      %cond3A_398 = arith.constant 0 : i32
      %cond3A_399 = arith.cmpi ne, %convert_element_type3A_397, %cond3A_398 : i32
      scf.if %cond3A_399 {
        %dma_wait3A_521 = arith.constant 0 : i32
        %dma_wait3A_522 = arith.constant 0 : i32
        %dma_wait3A_523 = tpu.memref_slice %arg8[%dma_wait3A_521, %dma_wait3A_522] : memref<8x125xi32, #tpu.memory_space<vmem>> -> memref<1x125xi32, #tpu.memory_space<vmem>>
        %dma_wait3A_524 = tpu.memref_squeeze %dma_wait3A_523 : memref<1x125xi32, #tpu.memory_space<vmem>> -> memref<125xi32, #tpu.memory_space<vmem>>
        %dma_wait3A_525 = arith.constant 0 : i32
        %dma_wait3A_526 = arith.constant 0 : i32
        %dma_wait3A_527 = tpu.memref_slice %arg17[%dma_wait3A_525, %dma_wait3A_526] : memref<10240x128xf32, #tpu.memory_space<vmem_shared>> -> memref<10240x128xf32, #tpu.memory_space<vmem_shared>>
        tpu.wait_indirect_dma semaphore(%arg16 : memref<!tpu.dma_semaphore, #tpu.memory_space<semaphore_mem>>) src(%arg11 : memref<125x128xf32, #tpu.memory_space<vmem>>) dst(%dma_wait3A_527 : memref<10240x128xf32, #tpu.memory_space<vmem_shared>>)
      } else {
      }
      %dma_start3A_400 = arith.constant 3 : i32
      %dma_start3A_401 = arith.constant 0 : i32
      %dma_start3A_402 = tpu.memref_slice %arg9[%dma_start3A_400, %dma_start3A_401] : memref<8x125xi32, #tpu.memory_space<vmem>> -> memref<1x125xi32, #tpu.memory_space<vmem>>
      %dma_start3A_403 = tpu.memref_squeeze %dma_start3A_402 : memref<1x125xi32, #tpu.memory_space<vmem>> -> memref<125xi32, #tpu.memory_space<vmem>>
      %dma_start3A_404 = arith.constant 0 : i32
      %dma_start3A_405 = arith.constant 0 : i32
      %dma_start3A_406 = tpu.memref_slice %arg2[%dma_start3A_404, %dma_start3A_405] : memref<10240x128xf32, #tpu.memory_space<hbm>> -> memref<10240x128xf32, #tpu.memory_space<hbm>>
      tpu.enqueue_indirect_dma source(%dma_start3A_406 : memref<10240x128xf32, #tpu.memory_space<hbm>>) target(%arg12 : memref<125x128xf32, #tpu.memory_space<vmem>>) offsets(%dma_start3A_403 : memref<125xi32, #tpu.memory_space<vmem>>) semaphore(%arg14 : memref<!tpu.dma_semaphore, #tpu.memory_space<semaphore_mem>>)
      %ge3A_407 = arith.constant 1 : i32
      %ge3A_408 = arith.cmpi sge, %add3A_394, %ge3A_407 : i32
      %convert_element_type3A_409 = arith.extui %ge3A_408 : i1 to i32
      %cond3A_410 = arith.constant 0 : i32
      %cond3A_411 = arith.cmpi ne, %convert_element_type3A_409, %cond3A_410 : i32
      scf.if %cond3A_411 {
        %dma_wait3A_521 = arith.constant 0 : i32
        %dma_wait3A_522 = arith.constant 0 : i32
        %dma_wait3A_523 = tpu.memref_slice %arg7[%dma_wait3A_521, %dma_wait3A_522] : memref<8x125xi32, #tpu.memory_space<vmem>> -> memref<1x125xi32, #tpu.memory_space<vmem>>
        %dma_wait3A_524 = tpu.memref_squeeze %dma_wait3A_523 : memref<1x125xi32, #tpu.memory_space<vmem>> -> memref<125xi32, #tpu.memory_space<vmem>>
        %dma_wait3A_525 = arith.constant 0 : i32
        %dma_wait3A_526 = arith.constant 0 : i32
        %dma_wait3A_527 = tpu.memref_slice %arg2[%dma_wait3A_525, %dma_wait3A_526] : memref<10240x128xf32, #tpu.memory_space<hbm>> -> memref<10240x128xf32, #tpu.memory_space<hbm>>
        tpu.wait_indirect_dma semaphore(%arg13 : memref<!tpu.dma_semaphore, #tpu.memory_space<semaphore_mem>>) src(%dma_wait3A_527 : memref<10240x128xf32, #tpu.memory_space<hbm>>) dst(%arg11 : memref<125x128xf32, #tpu.memory_space<vmem>>)
        %dma_start3A_528 = arith.constant 2 : i32
        %dma_start3A_529 = arith.constant 0 : i32
        %dma_start3A_530 = tpu.memref_slice %arg10[%dma_start3A_528, %dma_start3A_529] : memref<8x125xi32, #tpu.memory_space<vmem>> -> memref<1x125xi32, #tpu.memory_space<vmem>>
        %dma_start3A_531 = tpu.memref_squeeze %dma_start3A_530 : memref<1x125xi32, #tpu.memory_space<vmem>> -> memref<125xi32, #tpu.memory_space<vmem>>
        %dma_start3A_532 = arith.constant 0 : i32
        %dma_start3A_533 = arith.constant 0 : i32
        %dma_start3A_534 = tpu.memref_slice %arg17[%dma_start3A_532, %dma_start3A_533] : memref<10240x128xf32, #tpu.memory_space<vmem_shared>> -> memref<10240x128xf32, #tpu.memory_space<vmem_shared>>
        tpu.enqueue_indirect_dma source(%arg11 : memref<125x128xf32, #tpu.memory_space<vmem>>) target(%dma_start3A_534 : memref<10240x128xf32, #tpu.memory_space<vmem_shared>>) offsets(%dma_start3A_531 : memref<125xi32, #tpu.memory_space<vmem>>) semaphore(%arg15 : memref<!tpu.dma_semaphore, #tpu.memory_space<semaphore_mem>>) {add = true}
      } else {
      }
      %ge3A_412 = arith.constant 1 : i32
      %ge3A_413 = arith.cmpi sge, %add3A_394, %ge3A_412 : i32
      %convert_element_type3A_414 = arith.extui %ge3A_413 : i1 to i32
      %cond3A_415 = arith.constant 0 : i32
      %cond3A_416 = arith.cmpi ne, %convert_element_type3A_414, %cond3A_415 : i32
      scf.if %cond3A_416 {
        %get3A_521 = arith.constant 2 : i32
        %get3A_522 = arith.index_cast %get3A_521 : i32 to index
        %get3A_523 = arith.constant 0 : index
        %get3A_524 = tpu.vector_load %arg10[%get3A_522, %get3A_523] {strides = array<i32>} : memref<8x125xi32, #tpu.memory_space<vmem>>, vector<16xi32>,
        tpu.vector_store_idx %arg18[%get3A_524], %broadcast_in_dim3A_12 {add = true} : memref<10240xf32, #tpu.memory_space<vmem>>[vector<16xi32>], vector<16xf32>,
        %get3A_525 = arith.constant 2 : i32
        %get3A_526 = arith.index_cast %get3A_525 : i32 to index
        %get3A_527 = arith.constant 16 : index
        %get3A_528 = tpu.vector_load %arg10[%get3A_526, %get3A_527] {strides = array<i32>} : memref<8x125xi32, #tpu.memory_space<vmem>>, vector<16xi32>,
        tpu.vector_store_idx %arg18[%get3A_528], %broadcast_in_dim3A_12 {add = true} : memref<10240xf32, #tpu.memory_space<vmem>>[vector<16xi32>], vector<16xf32>,
        %get3A_529 = arith.constant 2 : i32
        %get3A_530 = arith.index_cast %get3A_529 : i32 to index
        %get3A_531 = arith.constant 32 : index
        %get3A_532 = tpu.vector_load %arg10[%get3A_530, %get3A_531] {strides = array<i32>} : memref<8x125xi32, #tpu.memory_space<vmem>>, vector<16xi32>,
        tpu.vector_store_idx %arg18[%get3A_532], %broadcast_in_dim3A_12 {add = true} : memref<10240xf32, #tpu.memory_space<vmem>>[vector<16xi32>], vector<16xf32>,
        %get3A_533 = arith.constant 2 : i32
        %get3A_534 = arith.index_cast %get3A_533 : i32 to index
        %get3A_535 = arith.constant 48 : index
        %get3A_536 = tpu.vector_load %arg10[%get3A_534, %get3A_535] {strides = array<i32>} : memref<8x125xi32, #tpu.memory_space<vmem>>, vector<16xi32>,
        tpu.vector_store_idx %arg18[%get3A_536], %broadcast_in_dim3A_12 {add = true} : memref<10240xf32, #tpu.memory_space<vmem>>[vector<16xi32>], vector<16xf32>,
        %get3A_537 = arith.constant 2 : i32
        %get3A_538 = arith.index_cast %get3A_537 : i32 to index
        %get3A_539 = arith.constant 64 : index
        %get3A_540 = tpu.vector_load %arg10[%get3A_538, %get3A_539] {strides = array<i32>} : memref<8x125xi32, #tpu.memory_space<vmem>>, vector<16xi32>,
        tpu.vector_store_idx %arg18[%get3A_540], %broadcast_in_dim3A_12 {add = true} : memref<10240xf32, #tpu.memory_space<vmem>>[vector<16xi32>], vector<16xf32>,
        %get3A_541 = arith.constant 2 : i32
        %get3A_542 = arith.index_cast %get3A_541 : i32 to index
        %get3A_543 = arith.constant 80 : index
        %get3A_544 = tpu.vector_load %arg10[%get3A_542, %get3A_543] {strides = array<i32>} : memref<8x125xi32, #tpu.memory_space<vmem>>, vector<16xi32>,
        tpu.vector_store_idx %arg18[%get3A_544], %broadcast_in_dim3A_12 {add = true} : memref<10240xf32, #tpu.memory_space<vmem>>[vector<16xi32>], vector<16xf32>,
        %get3A_545 = arith.constant 2 : i32
        %get3A_546 = arith.index_cast %get3A_545 : i32 to index
        %get3A_547 = arith.constant 96 : index
        %get3A_548 = tpu.vector_load %arg10[%get3A_546, %get3A_547] {strides = array<i32>} : memref<8x125xi32, #tpu.memory_space<vmem>>, vector<16xi32>,
        tpu.vector_store_idx %arg18[%get3A_548], %broadcast_in_dim3A_12 {add = true} : memref<10240xf32, #tpu.memory_space<vmem>>[vector<16xi32>], vector<16xf32>,
        %get3A_549 = arith.constant 2 : i32
        %get3A_550 = arith.index_cast %get3A_549 : i32 to index
        %get3A_551 = arith.constant 109 : index
        %get3A_552 = tpu.vector_load %arg10[%get3A_550, %get3A_551] {strides = array<i32>} : memref<8x125xi32, #tpu.memory_space<vmem>>, vector<16xi32>,
        tpu.vector_store_idx %arg18[%get3A_552], %broadcast_in_dim3A_12 masked %ge3A_14 {add = true} : memref<10240xf32, #tpu.memory_space<vmem>>[vector<16xi32>], vector<16xf32>, vector<16xi1>
      } else {
      }
      %mul3A_417 = arith.constant 16 : i32
      %mul3A_418 = arith.muli %mul3A_417, %scan3A_84 : i32
      %add3A_419 = arith.constant 12 : i32
      %add3A_420 = arith.addi %mul3A_418, %add3A_419 : i32
      %ge3A_421 = arith.constant 2 : i32
      %ge3A_422 = arith.cmpi sge, %add3A_420, %ge3A_421 : i32
      %convert_element_type3A_423 = arith.extui %ge3A_422 : i1 to i32
      %cond3A_424 = arith.constant 0 : i32
      %cond3A_425 = arith.cmpi ne, %convert_element_type3A_423, %cond3A_424 : i32
      scf.if %cond3A_425 {
        %dma_wait3A_521 = arith.constant 0 : i32
        %dma_wait3A_522 = arith.constant 0 : i32
        %dma_wait3A_523 = tpu.memref_slice %arg8[%dma_wait3A_521, %dma_wait3A_522] : memref<8x125xi32, #tpu.memory_space<vmem>> -> memref<1x125xi32, #tpu.memory_space<vmem>>
        %dma_wait3A_524 = tpu.memref_squeeze %dma_wait3A_523 : memref<1x125xi32, #tpu.memory_space<vmem>> -> memref<125xi32, #tpu.memory_space<vmem>>
        %dma_wait3A_525 = arith.constant 0 : i32
        %dma_wait3A_526 = arith.constant 0 : i32
        %dma_wait3A_527 = tpu.memref_slice %arg17[%dma_wait3A_525, %dma_wait3A_526] : memref<10240x128xf32, #tpu.memory_space<vmem_shared>> -> memref<10240x128xf32, #tpu.memory_space<vmem_shared>>
        tpu.wait_indirect_dma semaphore(%arg15 : memref<!tpu.dma_semaphore, #tpu.memory_space<semaphore_mem>>) src(%arg11 : memref<125x128xf32, #tpu.memory_space<vmem>>) dst(%dma_wait3A_527 : memref<10240x128xf32, #tpu.memory_space<vmem_shared>>)
      } else {
      }
      %dma_start3A_426 = arith.constant 4 : i32
      %dma_start3A_427 = arith.constant 0 : i32
      %dma_start3A_428 = tpu.memref_slice %arg9[%dma_start3A_426, %dma_start3A_427] : memref<8x125xi32, #tpu.memory_space<vmem>> -> memref<1x125xi32, #tpu.memory_space<vmem>>
      %dma_start3A_429 = tpu.memref_squeeze %dma_start3A_428 : memref<1x125xi32, #tpu.memory_space<vmem>> -> memref<125xi32, #tpu.memory_space<vmem>>
      %dma_start3A_430 = arith.constant 0 : i32
      %dma_start3A_431 = arith.constant 0 : i32
      %dma_start3A_432 = tpu.memref_slice %arg2[%dma_start3A_430, %dma_start3A_431] : memref<10240x128xf32, #tpu.memory_space<hbm>> -> memref<10240x128xf32, #tpu.memory_space<hbm>>
      tpu.enqueue_indirect_dma source(%dma_start3A_432 : memref<10240x128xf32, #tpu.memory_space<hbm>>) target(%arg11 : memref<125x128xf32, #tpu.memory_space<vmem>>) offsets(%dma_start3A_429 : memref<125xi32, #tpu.memory_space<vmem>>) semaphore(%arg13 : memref<!tpu.dma_semaphore, #tpu.memory_space<semaphore_mem>>)
      %ge3A_433 = arith.constant 1 : i32
      %ge3A_434 = arith.cmpi sge, %add3A_420, %ge3A_433 : i32
      %convert_element_type3A_435 = arith.extui %ge3A_434 : i1 to i32
      %cond3A_436 = arith.constant 0 : i32
      %cond3A_437 = arith.cmpi ne, %convert_element_type3A_435, %cond3A_436 : i32
      scf.if %cond3A_437 {
        %dma_wait3A_521 = arith.constant 0 : i32
        %dma_wait3A_522 = arith.constant 0 : i32
        %dma_wait3A_523 = tpu.memref_slice %arg7[%dma_wait3A_521, %dma_wait3A_522] : memref<8x125xi32, #tpu.memory_space<vmem>> -> memref<1x125xi32, #tpu.memory_space<vmem>>
        %dma_wait3A_524 = tpu.memref_squeeze %dma_wait3A_523 : memref<1x125xi32, #tpu.memory_space<vmem>> -> memref<125xi32, #tpu.memory_space<vmem>>
        %dma_wait3A_525 = arith.constant 0 : i32
        %dma_wait3A_526 = arith.constant 0 : i32
        %dma_wait3A_527 = tpu.memref_slice %arg2[%dma_wait3A_525, %dma_wait3A_526] : memref<10240x128xf32, #tpu.memory_space<hbm>> -> memref<10240x128xf32, #tpu.memory_space<hbm>>
        tpu.wait_indirect_dma semaphore(%arg14 : memref<!tpu.dma_semaphore, #tpu.memory_space<semaphore_mem>>) src(%dma_wait3A_527 : memref<10240x128xf32, #tpu.memory_space<hbm>>) dst(%arg12 : memref<125x128xf32, #tpu.memory_space<vmem>>)
        %dma_start3A_528 = arith.constant 3 : i32
        %dma_start3A_529 = arith.constant 0 : i32
        %dma_start3A_530 = tpu.memref_slice %arg10[%dma_start3A_528, %dma_start3A_529] : memref<8x125xi32, #tpu.memory_space<vmem>> -> memref<1x125xi32, #tpu.memory_space<vmem>>
        %dma_start3A_531 = tpu.memref_squeeze %dma_start3A_530 : memref<1x125xi32, #tpu.memory_space<vmem>> -> memref<125xi32, #tpu.memory_space<vmem>>
        %dma_start3A_532 = arith.constant 0 : i32
        %dma_start3A_533 = arith.constant 0 : i32
        %dma_start3A_534 = tpu.memref_slice %arg17[%dma_start3A_532, %dma_start3A_533] : memref<10240x128xf32, #tpu.memory_space<vmem_shared>> -> memref<10240x128xf32, #tpu.memory_space<vmem_shared>>
        tpu.enqueue_indirect_dma source(%arg12 : memref<125x128xf32, #tpu.memory_space<vmem>>) target(%dma_start3A_534 : memref<10240x128xf32, #tpu.memory_space<vmem_shared>>) offsets(%dma_start3A_531 : memref<125xi32, #tpu.memory_space<vmem>>) semaphore(%arg16 : memref<!tpu.dma_semaphore, #tpu.memory_space<semaphore_mem>>) {add = true}
      } else {
      }
      %ge3A_438 = arith.constant 1 : i32
      %ge3A_439 = arith.cmpi sge, %add3A_420, %ge3A_438 : i32
      %convert_element_type3A_440 = arith.extui %ge3A_439 : i1 to i32
      %cond3A_441 = arith.constant 0 : i32
      %cond3A_442 = arith.cmpi ne, %convert_element_type3A_440, %cond3A_441 : i32
      scf.if %cond3A_442 {
        %get3A_521 = arith.constant 3 : i32
        %get3A_522 = arith.index_cast %get3A_521 : i32 to index
        %get3A_523 = arith.constant 0 : index
        %get3A_524 = tpu.vector_load %arg10[%get3A_522, %get3A_523] {strides = array<i32>} : memref<8x125xi32, #tpu.memory_space<vmem>>, vector<16xi32>,
        tpu.vector_store_idx %arg18[%get3A_524], %broadcast_in_dim3A_12 {add = true} : memref<10240xf32, #tpu.memory_space<vmem>>[vector<16xi32>], vector<16xf32>,
        %get3A_525 = arith.constant 3 : i32
        %get3A_526 = arith.index_cast %get3A_525 : i32 to index
        %get3A_527 = arith.constant 16 : index
        %get3A_528 = tpu.vector_load %arg10[%get3A_526, %get3A_527] {strides = array<i32>} : memref<8x125xi32, #tpu.memory_space<vmem>>, vector<16xi32>,
        tpu.vector_store_idx %arg18[%get3A_528], %broadcast_in_dim3A_12 {add = true} : memref<10240xf32, #tpu.memory_space<vmem>>[vector<16xi32>], vector<16xf32>,
        %get3A_529 = arith.constant 3 : i32
        %get3A_530 = arith.index_cast %get3A_529 : i32 to index
        %get3A_531 = arith.constant 32 : index
        %get3A_532 = tpu.vector_load %arg10[%get3A_530, %get3A_531] {strides = array<i32>} : memref<8x125xi32, #tpu.memory_space<vmem>>, vector<16xi32>,
        tpu.vector_store_idx %arg18[%get3A_532], %broadcast_in_dim3A_12 {add = true} : memref<10240xf32, #tpu.memory_space<vmem>>[vector<16xi32>], vector<16xf32>,
        %get3A_533 = arith.constant 3 : i32
        %get3A_534 = arith.index_cast %get3A_533 : i32 to index
        %get3A_535 = arith.constant 48 : index
        %get3A_536 = tpu.vector_load %arg10[%get3A_534, %get3A_535] {strides = array<i32>} : memref<8x125xi32, #tpu.memory_space<vmem>>, vector<16xi32>,
        tpu.vector_store_idx %arg18[%get3A_536], %broadcast_in_dim3A_12 {add = true} : memref<10240xf32, #tpu.memory_space<vmem>>[vector<16xi32>], vector<16xf32>,
        %get3A_537 = arith.constant 3 : i32
        %get3A_538 = arith.index_cast %get3A_537 : i32 to index
        %get3A_539 = arith.constant 64 : index
        %get3A_540 = tpu.vector_load %arg10[%get3A_538, %get3A_539] {strides = array<i32>} : memref<8x125xi32, #tpu.memory_space<vmem>>, vector<16xi32>,
        tpu.vector_store_idx %arg18[%get3A_540], %broadcast_in_dim3A_12 {add = true} : memref<10240xf32, #tpu.memory_space<vmem>>[vector<16xi32>], vector<16xf32>,
        %get3A_541 = arith.constant 3 : i32
        %get3A_542 = arith.index_cast %get3A_541 : i32 to index
        %get3A_543 = arith.constant 80 : index
        %get3A_544 = tpu.vector_load %arg10[%get3A_542, %get3A_543] {strides = array<i32>} : memref<8x125xi32, #tpu.memory_space<vmem>>, vector<16xi32>,
        tpu.vector_store_idx %arg18[%get3A_544], %broadcast_in_dim3A_12 {add = true} : memref<10240xf32, #tpu.memory_space<vmem>>[vector<16xi32>], vector<16xf32>,
        %get3A_545 = arith.constant 3 : i32
        %get3A_546 = arith.index_cast %get3A_545 : i32 to index
        %get3A_547 = arith.constant 96 : index
        %get3A_548 = tpu.vector_load %arg10[%get3A_546, %get3A_547] {strides = array<i32>} : memref<8x125xi32, #tpu.memory_space<vmem>>, vector<16xi32>,
        tpu.vector_store_idx %arg18[%get3A_548], %broadcast_in_dim3A_12 {add = true} : memref<10240xf32, #tpu.memory_space<vmem>>[vector<16xi32>], vector<16xf32>,
        %get3A_549 = arith.constant 3 : i32
        %get3A_550 = arith.index_cast %get3A_549 : i32 to index
        %get3A_551 = arith.constant 109 : index
        %get3A_552 = tpu.vector_load %arg10[%get3A_550, %get3A_551] {strides = array<i32>} : memref<8x125xi32, #tpu.memory_space<vmem>>, vector<16xi32>,
        tpu.vector_store_idx %arg18[%get3A_552], %broadcast_in_dim3A_12 masked %ge3A_14 {add = true} : memref<10240xf32, #tpu.memory_space<vmem>>[vector<16xi32>], vector<16xf32>, vector<16xi1>
      } else {
      }
      %mul3A_443 = arith.constant 16 : i32
      %mul3A_444 = arith.muli %mul3A_443, %scan3A_84 : i32
      %add3A_445 = arith.constant 13 : i32
      %add3A_446 = arith.addi %mul3A_444, %add3A_445 : i32
      %ge3A_447 = arith.constant 2 : i32
      %ge3A_448 = arith.cmpi sge, %add3A_446, %ge3A_447 : i32
      %convert_element_type3A_449 = arith.extui %ge3A_448 : i1 to i32
      %cond3A_450 = arith.constant 0 : i32
      %cond3A_451 = arith.cmpi ne, %convert_element_type3A_449, %cond3A_450 : i32
      scf.if %cond3A_451 {
        %dma_wait3A_521 = arith.constant 0 : i32
        %dma_wait3A_522 = arith.constant 0 : i32
        %dma_wait3A_523 = tpu.memref_slice %arg8[%dma_wait3A_521, %dma_wait3A_522] : memref<8x125xi32, #tpu.memory_space<vmem>> -> memref<1x125xi32, #tpu.memory_space<vmem>>
        %dma_wait3A_524 = tpu.memref_squeeze %dma_wait3A_523 : memref<1x125xi32, #tpu.memory_space<vmem>> -> memref<125xi32, #tpu.memory_space<vmem>>
        %dma_wait3A_525 = arith.constant 0 : i32
        %dma_wait3A_526 = arith.constant 0 : i32
        %dma_wait3A_527 = tpu.memref_slice %arg17[%dma_wait3A_525, %dma_wait3A_526] : memref<10240x128xf32, #tpu.memory_space<vmem_shared>> -> memref<10240x128xf32, #tpu.memory_space<vmem_shared>>
        tpu.wait_indirect_dma semaphore(%arg16 : memref<!tpu.dma_semaphore, #tpu.memory_space<semaphore_mem>>) src(%arg11 : memref<125x128xf32, #tpu.memory_space<vmem>>) dst(%dma_wait3A_527 : memref<10240x128xf32, #tpu.memory_space<vmem_shared>>)
      } else {
      }
      %dma_start3A_452 = arith.constant 5 : i32
      %dma_start3A_453 = arith.constant 0 : i32
      %dma_start3A_454 = tpu.memref_slice %arg9[%dma_start3A_452, %dma_start3A_453] : memref<8x125xi32, #tpu.memory_space<vmem>> -> memref<1x125xi32, #tpu.memory_space<vmem>>
      %dma_start3A_455 = tpu.memref_squeeze %dma_start3A_454 : memref<1x125xi32, #tpu.memory_space<vmem>> -> memref<125xi32, #tpu.memory_space<vmem>>
      %dma_start3A_456 = arith.constant 0 : i32
      %dma_start3A_457 = arith.constant 0 : i32
      %dma_start3A_458 = tpu.memref_slice %arg2[%dma_start3A_456, %dma_start3A_457] : memref<10240x128xf32, #tpu.memory_space<hbm>> -> memref<10240x128xf32, #tpu.memory_space<hbm>>
      tpu.enqueue_indirect_dma source(%dma_start3A_458 : memref<10240x128xf32, #tpu.memory_space<hbm>>) target(%arg12 : memref<125x128xf32, #tpu.memory_space<vmem>>) offsets(%dma_start3A_455 : memref<125xi32, #tpu.memory_space<vmem>>) semaphore(%arg14 : memref<!tpu.dma_semaphore, #tpu.memory_space<semaphore_mem>>)
      %ge3A_459 = arith.constant 1 : i32
      %ge3A_460 = arith.cmpi sge, %add3A_446, %ge3A_459 : i32
      %convert_element_type3A_461 = arith.extui %ge3A_460 : i1 to i32
      %cond3A_462 = arith.constant 0 : i32
      %cond3A_463 = arith.cmpi ne, %convert_element_type3A_461, %cond3A_462 : i32
      scf.if %cond3A_463 {
        %dma_wait3A_521 = arith.constant 0 : i32
        %dma_wait3A_522 = arith.constant 0 : i32
        %dma_wait3A_523 = tpu.memref_slice %arg7[%dma_wait3A_521, %dma_wait3A_522] : memref<8x125xi32, #tpu.memory_space<vmem>> -> memref<1x125xi32, #tpu.memory_space<vmem>>
        %dma_wait3A_524 = tpu.memref_squeeze %dma_wait3A_523 : memref<1x125xi32, #tpu.memory_space<vmem>> -> memref<125xi32, #tpu.memory_space<vmem>>
        %dma_wait3A_525 = arith.constant 0 : i32
        %dma_wait3A_526 = arith.constant 0 : i32
        %dma_wait3A_527 = tpu.memref_slice %arg2[%dma_wait3A_525, %dma_wait3A_526] : memref<10240x128xf32, #tpu.memory_space<hbm>> -> memref<10240x128xf32, #tpu.memory_space<hbm>>
        tpu.wait_indirect_dma semaphore(%arg13 : memref<!tpu.dma_semaphore, #tpu.memory_space<semaphore_mem>>) src(%dma_wait3A_527 : memref<10240x128xf32, #tpu.memory_space<hbm>>) dst(%arg11 : memref<125x128xf32, #tpu.memory_space<vmem>>)
        %dma_start3A_528 = arith.constant 4 : i32
        %dma_start3A_529 = arith.constant 0 : i32
        %dma_start3A_530 = tpu.memref_slice %arg10[%dma_start3A_528, %dma_start3A_529] : memref<8x125xi32, #tpu.memory_space<vmem>> -> memref<1x125xi32, #tpu.memory_space<vmem>>
        %dma_start3A_531 = tpu.memref_squeeze %dma_start3A_530 : memref<1x125xi32, #tpu.memory_space<vmem>> -> memref<125xi32, #tpu.memory_space<vmem>>
        %dma_start3A_532 = arith.constant 0 : i32
        %dma_start3A_533 = arith.constant 0 : i32
        %dma_start3A_534 = tpu.memref_slice %arg17[%dma_start3A_532, %dma_start3A_533] : memref<10240x128xf32, #tpu.memory_space<vmem_shared>> -> memref<10240x128xf32, #tpu.memory_space<vmem_shared>>
        tpu.enqueue_indirect_dma source(%arg11 : memref<125x128xf32, #tpu.memory_space<vmem>>) target(%dma_start3A_534 : memref<10240x128xf32, #tpu.memory_space<vmem_shared>>) offsets(%dma_start3A_531 : memref<125xi32, #tpu.memory_space<vmem>>) semaphore(%arg15 : memref<!tpu.dma_semaphore, #tpu.memory_space<semaphore_mem>>) {add = true}
      } else {
      }
      %ge3A_464 = arith.constant 1 : i32
      %ge3A_465 = arith.cmpi sge, %add3A_446, %ge3A_464 : i32
      %convert_element_type3A_466 = arith.extui %ge3A_465 : i1 to i32
      %cond3A_467 = arith.constant 0 : i32
      %cond3A_468 = arith.cmpi ne, %convert_element_type3A_466, %cond3A_467 : i32
      scf.if %cond3A_468 {
        %get3A_521 = arith.constant 4 : i32
        %get3A_522 = arith.index_cast %get3A_521 : i32 to index
        %get3A_523 = arith.constant 0 : index
        %get3A_524 = tpu.vector_load %arg10[%get3A_522, %get3A_523] {strides = array<i32>} : memref<8x125xi32, #tpu.memory_space<vmem>>, vector<16xi32>,
        tpu.vector_store_idx %arg18[%get3A_524], %broadcast_in_dim3A_12 {add = true} : memref<10240xf32, #tpu.memory_space<vmem>>[vector<16xi32>], vector<16xf32>,
        %get3A_525 = arith.constant 4 : i32
        %get3A_526 = arith.index_cast %get3A_525 : i32 to index
        %get3A_527 = arith.constant 16 : index
        %get3A_528 = tpu.vector_load %arg10[%get3A_526, %get3A_527] {strides = array<i32>} : memref<8x125xi32, #tpu.memory_space<vmem>>, vector<16xi32>,
        tpu.vector_store_idx %arg18[%get3A_528], %broadcast_in_dim3A_12 {add = true} : memref<10240xf32, #tpu.memory_space<vmem>>[vector<16xi32>], vector<16xf32>,
        %get3A_529 = arith.constant 4 : i32
        %get3A_530 = arith.index_cast %get3A_529 : i32 to index
        %get3A_531 = arith.constant 32 : index
        %get3A_532 = tpu.vector_load %arg10[%get3A_530, %get3A_531] {strides = array<i32>} : memref<8x125xi32, #tpu.memory_space<vmem>>, vector<16xi32>,
        tpu.vector_store_idx %arg18[%get3A_532], %broadcast_in_dim3A_12 {add = true} : memref<10240xf32, #tpu.memory_space<vmem>>[vector<16xi32>], vector<16xf32>,
        %get3A_533 = arith.constant 4 : i32
        %get3A_534 = arith.index_cast %get3A_533 : i32 to index
        %get3A_535 = arith.constant 48 : index
        %get3A_536 = tpu.vector_load %arg10[%get3A_534, %get3A_535] {strides = array<i32>} : memref<8x125xi32, #tpu.memory_space<vmem>>, vector<16xi32>,
        tpu.vector_store_idx %arg18[%get3A_536], %broadcast_in_dim3A_12 {add = true} : memref<10240xf32, #tpu.memory_space<vmem>>[vector<16xi32>], vector<16xf32>,
        %get3A_537 = arith.constant 4 : i32
        %get3A_538 = arith.index_cast %get3A_537 : i32 to index
        %get3A_539 = arith.constant 64 : index
        %get3A_540 = tpu.vector_load %arg10[%get3A_538, %get3A_539] {strides = array<i32>} : memref<8x125xi32, #tpu.memory_space<vmem>>, vector<16xi32>,
        tpu.vector_store_idx %arg18[%get3A_540], %broadcast_in_dim3A_12 {add = true} : memref<10240xf32, #tpu.memory_space<vmem>>[vector<16xi32>], vector<16xf32>,
        %get3A_541 = arith.constant 4 : i32
        %get3A_542 = arith.index_cast %get3A_541 : i32 to index
        %get3A_543 = arith.constant 80 : index
        %get3A_544 = tpu.vector_load %arg10[%get3A_542, %get3A_543] {strides = array<i32>} : memref<8x125xi32, #tpu.memory_space<vmem>>, vector<16xi32>,
        tpu.vector_store_idx %arg18[%get3A_544], %broadcast_in_dim3A_12 {add = true} : memref<10240xf32, #tpu.memory_space<vmem>>[vector<16xi32>], vector<16xf32>,
        %get3A_545 = arith.constant 4 : i32
        %get3A_546 = arith.index_cast %get3A_545 : i32 to index
        %get3A_547 = arith.constant 96 : index
        %get3A_548 = tpu.vector_load %arg10[%get3A_546, %get3A_547] {strides = array<i32>} : memref<8x125xi32, #tpu.memory_space<vmem>>, vector<16xi32>,
        tpu.vector_store_idx %arg18[%get3A_548], %broadcast_in_dim3A_12 {add = true} : memref<10240xf32, #tpu.memory_space<vmem>>[vector<16xi32>], vector<16xf32>,
        %get3A_549 = arith.constant 4 : i32
        %get3A_550 = arith.index_cast %get3A_549 : i32 to index
        %get3A_551 = arith.constant 109 : index
        %get3A_552 = tpu.vector_load %arg10[%get3A_550, %get3A_551] {strides = array<i32>} : memref<8x125xi32, #tpu.memory_space<vmem>>, vector<16xi32>,
        tpu.vector_store_idx %arg18[%get3A_552], %broadcast_in_dim3A_12 masked %ge3A_14 {add = true} : memref<10240xf32, #tpu.memory_space<vmem>>[vector<16xi32>], vector<16xf32>, vector<16xi1>
      } else {
      }
      %mul3A_469 = arith.constant 16 : i32
      %mul3A_470 = arith.muli %mul3A_469, %scan3A_84 : i32
      %add3A_471 = arith.constant 14 : i32
      %add3A_472 = arith.addi %mul3A_470, %add3A_471 : i32
      %ge3A_473 = arith.constant 2 : i32
      %ge3A_474 = arith.cmpi sge, %add3A_472, %ge3A_473 : i32
      %convert_element_type3A_475 = arith.extui %ge3A_474 : i1 to i32
      %cond3A_476 = arith.constant 0 : i32
      %cond3A_477 = arith.cmpi ne, %convert_element_type3A_475, %cond3A_476 : i32
      scf.if %cond3A_477 {
        %dma_wait3A_521 = arith.constant 0 : i32
        %dma_wait3A_522 = arith.constant 0 : i32
        %dma_wait3A_523 = tpu.memref_slice %arg8[%dma_wait3A_521, %dma_wait3A_522] : memref<8x125xi32, #tpu.memory_space<vmem>> -> memref<1x125xi32, #tpu.memory_space<vmem>>
        %dma_wait3A_524 = tpu.memref_squeeze %dma_wait3A_523 : memref<1x125xi32, #tpu.memory_space<vmem>> -> memref<125xi32, #tpu.memory_space<vmem>>
        %dma_wait3A_525 = arith.constant 0 : i32
        %dma_wait3A_526 = arith.constant 0 : i32
        %dma_wait3A_527 = tpu.memref_slice %arg17[%dma_wait3A_525, %dma_wait3A_526] : memref<10240x128xf32, #tpu.memory_space<vmem_shared>> -> memref<10240x128xf32, #tpu.memory_space<vmem_shared>>
        tpu.wait_indirect_dma semaphore(%arg15 : memref<!tpu.dma_semaphore, #tpu.memory_space<semaphore_mem>>) src(%arg11 : memref<125x128xf32, #tpu.memory_space<vmem>>) dst(%dma_wait3A_527 : memref<10240x128xf32, #tpu.memory_space<vmem_shared>>)
      } else {
      }
      %dma_start3A_478 = arith.constant 6 : i32
      %dma_start3A_479 = arith.constant 0 : i32
      %dma_start3A_480 = tpu.memref_slice %arg9[%dma_start3A_478, %dma_start3A_479] : memref<8x125xi32, #tpu.memory_space<vmem>> -> memref<1x125xi32, #tpu.memory_space<vmem>>
      %dma_start3A_481 = tpu.memref_squeeze %dma_start3A_480 : memref<1x125xi32, #tpu.memory_space<vmem>> -> memref<125xi32, #tpu.memory_space<vmem>>
      %dma_start3A_482 = arith.constant 0 : i32
      %dma_start3A_483 = arith.constant 0 : i32
      %dma_start3A_484 = tpu.memref_slice %arg2[%dma_start3A_482, %dma_start3A_483] : memref<10240x128xf32, #tpu.memory_space<hbm>> -> memref<10240x128xf32, #tpu.memory_space<hbm>>
      tpu.enqueue_indirect_dma source(%dma_start3A_484 : memref<10240x128xf32, #tpu.memory_space<hbm>>) target(%arg11 : memref<125x128xf32, #tpu.memory_space<vmem>>) offsets(%dma_start3A_481 : memref<125xi32, #tpu.memory_space<vmem>>) semaphore(%arg13 : memref<!tpu.dma_semaphore, #tpu.memory_space<semaphore_mem>>)
      %ge3A_485 = arith.constant 1 : i32
      %ge3A_486 = arith.cmpi sge, %add3A_472, %ge3A_485 : i32
      %convert_element_type3A_487 = arith.extui %ge3A_486 : i1 to i32
      %cond3A_488 = arith.constant 0 : i32
      %cond3A_489 = arith.cmpi ne, %convert_element_type3A_487, %cond3A_488 : i32
      scf.if %cond3A_489 {
        %dma_wait3A_521 = arith.constant 0 : i32
        %dma_wait3A_522 = arith.constant 0 : i32
        %dma_wait3A_523 = tpu.memref_slice %arg7[%dma_wait3A_521, %dma_wait3A_522] : memref<8x125xi32, #tpu.memory_space<vmem>> -> memref<1x125xi32, #tpu.memory_space<vmem>>
        %dma_wait3A_524 = tpu.memref_squeeze %dma_wait3A_523 : memref<1x125xi32, #tpu.memory_space<vmem>> -> memref<125xi32, #tpu.memory_space<vmem>>
        %dma_wait3A_525 = arith.constant 0 : i32
        %dma_wait3A_526 = arith.constant 0 : i32
        %dma_wait3A_527 = tpu.memref_slice %arg2[%dma_wait3A_525, %dma_wait3A_526] : memref<10240x128xf32, #tpu.memory_space<hbm>> -> memref<10240x128xf32, #tpu.memory_space<hbm>>
        tpu.wait_indirect_dma semaphore(%arg14 : memref<!tpu.dma_semaphore, #tpu.memory_space<semaphore_mem>>) src(%dma_wait3A_527 : memref<10240x128xf32, #tpu.memory_space<hbm>>) dst(%arg12 : memref<125x128xf32, #tpu.memory_space<vmem>>)
        %dma_start3A_528 = arith.constant 5 : i32
        %dma_start3A_529 = arith.constant 0 : i32
        %dma_start3A_530 = tpu.memref_slice %arg10[%dma_start3A_528, %dma_start3A_529] : memref<8x125xi32, #tpu.memory_space<vmem>> -> memref<1x125xi32, #tpu.memory_space<vmem>>
        %dma_start3A_531 = tpu.memref_squeeze %dma_start3A_530 : memref<1x125xi32, #tpu.memory_space<vmem>> -> memref<125xi32, #tpu.memory_space<vmem>>
        %dma_start3A_532 = arith.constant 0 : i32
        %dma_start3A_533 = arith.constant 0 : i32
        %dma_start3A_534 = tpu.memref_slice %arg17[%dma_start3A_532, %dma_start3A_533] : memref<10240x128xf32, #tpu.memory_space<vmem_shared>> -> memref<10240x128xf32, #tpu.memory_space<vmem_shared>>
        tpu.enqueue_indirect_dma source(%arg12 : memref<125x128xf32, #tpu.memory_space<vmem>>) target(%dma_start3A_534 : memref<10240x128xf32, #tpu.memory_space<vmem_shared>>) offsets(%dma_start3A_531 : memref<125xi32, #tpu.memory_space<vmem>>) semaphore(%arg16 : memref<!tpu.dma_semaphore, #tpu.memory_space<semaphore_mem>>) {add = true}
      } else {
      }
      %ge3A_490 = arith.constant 1 : i32
      %ge3A_491 = arith.cmpi sge, %add3A_472, %ge3A_490 : i32
      %convert_element_type3A_492 = arith.extui %ge3A_491 : i1 to i32
      %cond3A_493 = arith.constant 0 : i32
      %cond3A_494 = arith.cmpi ne, %convert_element_type3A_492, %cond3A_493 : i32
      scf.if %cond3A_494 {
        %get3A_521 = arith.constant 5 : i32
        %get3A_522 = arith.index_cast %get3A_521 : i32 to index
        %get3A_523 = arith.constant 0 : index
        %get3A_524 = tpu.vector_load %arg10[%get3A_522, %get3A_523] {strides = array<i32>} : memref<8x125xi32, #tpu.memory_space<vmem>>, vector<16xi32>,
        tpu.vector_store_idx %arg18[%get3A_524], %broadcast_in_dim3A_12 {add = true} : memref<10240xf32, #tpu.memory_space<vmem>>[vector<16xi32>], vector<16xf32>,
        %get3A_525 = arith.constant 5 : i32
        %get3A_526 = arith.index_cast %get3A_525 : i32 to index
        %get3A_527 = arith.constant 16 : index
        %get3A_528 = tpu.vector_load %arg10[%get3A_526, %get3A_527] {strides = array<i32>} : memref<8x125xi32, #tpu.memory_space<vmem>>, vector<16xi32>,
        tpu.vector_store_idx %arg18[%get3A_528], %broadcast_in_dim3A_12 {add = true} : memref<10240xf32, #tpu.memory_space<vmem>>[vector<16xi32>], vector<16xf32>,
        %get3A_529 = arith.constant 5 : i32
        %get3A_530 = arith.index_cast %get3A_529 : i32 to index
        %get3A_531 = arith.constant 32 : index
        %get3A_532 = tpu.vector_load %arg10[%get3A_530, %get3A_531] {strides = array<i32>} : memref<8x125xi32, #tpu.memory_space<vmem>>, vector<16xi32>,
        tpu.vector_store_idx %arg18[%get3A_532], %broadcast_in_dim3A_12 {add = true} : memref<10240xf32, #tpu.memory_space<vmem>>[vector<16xi32>], vector<16xf32>,
        %get3A_533 = arith.constant 5 : i32
        %get3A_534 = arith.index_cast %get3A_533 : i32 to index
        %get3A_535 = arith.constant 48 : index
        %get3A_536 = tpu.vector_load %arg10[%get3A_534, %get3A_535] {strides = array<i32>} : memref<8x125xi32, #tpu.memory_space<vmem>>, vector<16xi32>,
        tpu.vector_store_idx %arg18[%get3A_536], %broadcast_in_dim3A_12 {add = true} : memref<10240xf32, #tpu.memory_space<vmem>>[vector<16xi32>], vector<16xf32>,
        %get3A_537 = arith.constant 5 : i32
        %get3A_538 = arith.index_cast %get3A_537 : i32 to index
        %get3A_539 = arith.constant 64 : index
        %get3A_540 = tpu.vector_load %arg10[%get3A_538, %get3A_539] {strides = array<i32>} : memref<8x125xi32, #tpu.memory_space<vmem>>, vector<16xi32>,
        tpu.vector_store_idx %arg18[%get3A_540], %broadcast_in_dim3A_12 {add = true} : memref<10240xf32, #tpu.memory_space<vmem>>[vector<16xi32>], vector<16xf32>,
        %get3A_541 = arith.constant 5 : i32
        %get3A_542 = arith.index_cast %get3A_541 : i32 to index
        %get3A_543 = arith.constant 80 : index
        %get3A_544 = tpu.vector_load %arg10[%get3A_542, %get3A_543] {strides = array<i32>} : memref<8x125xi32, #tpu.memory_space<vmem>>, vector<16xi32>,
        tpu.vector_store_idx %arg18[%get3A_544], %broadcast_in_dim3A_12 {add = true} : memref<10240xf32, #tpu.memory_space<vmem>>[vector<16xi32>], vector<16xf32>,
        %get3A_545 = arith.constant 5 : i32
        %get3A_546 = arith.index_cast %get3A_545 : i32 to index
        %get3A_547 = arith.constant 96 : index
        %get3A_548 = tpu.vector_load %arg10[%get3A_546, %get3A_547] {strides = array<i32>} : memref<8x125xi32, #tpu.memory_space<vmem>>, vector<16xi32>,
        tpu.vector_store_idx %arg18[%get3A_548], %broadcast_in_dim3A_12 {add = true} : memref<10240xf32, #tpu.memory_space<vmem>>[vector<16xi32>], vector<16xf32>,
        %get3A_549 = arith.constant 5 : i32
        %get3A_550 = arith.index_cast %get3A_549 : i32 to index
        %get3A_551 = arith.constant 109 : index
        %get3A_552 = tpu.vector_load %arg10[%get3A_550, %get3A_551] {strides = array<i32>} : memref<8x125xi32, #tpu.memory_space<vmem>>, vector<16xi32>,
        tpu.vector_store_idx %arg18[%get3A_552], %broadcast_in_dim3A_12 masked %ge3A_14 {add = true} : memref<10240xf32, #tpu.memory_space<vmem>>[vector<16xi32>], vector<16xf32>, vector<16xi1>
      } else {
      }
      %mul3A_495 = arith.constant 16 : i32
      %mul3A_496 = arith.muli %mul3A_495, %scan3A_84 : i32
      %add3A_497 = arith.constant 15 : i32
      %add3A_498 = arith.addi %mul3A_496, %add3A_497 : i32
      %ge3A_499 = arith.constant 2 : i32
      %ge3A_500 = arith.cmpi sge, %add3A_498, %ge3A_499 : i32
      %convert_element_type3A_501 = arith.extui %ge3A_500 : i1 to i32
      %cond3A_502 = arith.constant 0 : i32
      %cond3A_503 = arith.cmpi ne, %convert_element_type3A_501, %cond3A_502 : i32
      scf.if %cond3A_503 {
        %dma_wait3A_521 = arith.constant 0 : i32
        %dma_wait3A_522 = arith.constant 0 : i32
        %dma_wait3A_523 = tpu.memref_slice %arg8[%dma_wait3A_521, %dma_wait3A_522] : memref<8x125xi32, #tpu.memory_space<vmem>> -> memref<1x125xi32, #tpu.memory_space<vmem>>
        %dma_wait3A_524 = tpu.memref_squeeze %dma_wait3A_523 : memref<1x125xi32, #tpu.memory_space<vmem>> -> memref<125xi32, #tpu.memory_space<vmem>>
        %dma_wait3A_525 = arith.constant 0 : i32
        %dma_wait3A_526 = arith.constant 0 : i32
        %dma_wait3A_527 = tpu.memref_slice %arg17[%dma_wait3A_525, %dma_wait3A_526] : memref<10240x128xf32, #tpu.memory_space<vmem_shared>> -> memref<10240x128xf32, #tpu.memory_space<vmem_shared>>
        tpu.wait_indirect_dma semaphore(%arg16 : memref<!tpu.dma_semaphore, #tpu.memory_space<semaphore_mem>>) src(%arg11 : memref<125x128xf32, #tpu.memory_space<vmem>>) dst(%dma_wait3A_527 : memref<10240x128xf32, #tpu.memory_space<vmem_shared>>)
      } else {
      }
      %dma_start3A_504 = arith.constant 7 : i32
      %dma_start3A_505 = arith.constant 0 : i32
      %dma_start3A_506 = tpu.memref_slice %arg9[%dma_start3A_504, %dma_start3A_505] : memref<8x125xi32, #tpu.memory_space<vmem>> -> memref<1x125xi32, #tpu.memory_space<vmem>>
      %dma_start3A_507 = tpu.memref_squeeze %dma_start3A_506 : memref<1x125xi32, #tpu.memory_space<vmem>> -> memref<125xi32, #tpu.memory_space<vmem>>
      %dma_start3A_508 = arith.constant 0 : i32
      %dma_start3A_509 = arith.constant 0 : i32
      %dma_start3A_510 = tpu.memref_slice %arg2[%dma_start3A_508, %dma_start3A_509] : memref<10240x128xf32, #tpu.memory_space<hbm>> -> memref<10240x128xf32, #tpu.memory_space<hbm>>
      tpu.enqueue_indirect_dma source(%dma_start3A_510 : memref<10240x128xf32, #tpu.memory_space<hbm>>) target(%arg12 : memref<125x128xf32, #tpu.memory_space<vmem>>) offsets(%dma_start3A_507 : memref<125xi32, #tpu.memory_space<vmem>>) semaphore(%arg14 : memref<!tpu.dma_semaphore, #tpu.memory_space<semaphore_mem>>)
      %ge3A_511 = arith.constant 1 : i32
      %ge3A_512 = arith.cmpi sge, %add3A_498, %ge3A_511 : i32
      %convert_element_type3A_513 = arith.extui %ge3A_512 : i1 to i32
      %cond3A_514 = arith.constant 0 : i32
      %cond3A_515 = arith.cmpi ne, %convert_element_type3A_513, %cond3A_514 : i32
      scf.if %cond3A_515 {
        %dma_wait3A_521 = arith.constant 0 : i32
        %dma_wait3A_522 = arith.constant 0 : i32
        %dma_wait3A_523 = tpu.memref_slice %arg7[%dma_wait3A_521, %dma_wait3A_522] : memref<8x125xi32, #tpu.memory_space<vmem>> -> memref<1x125xi32, #tpu.memory_space<vmem>>
        %dma_wait3A_524 = tpu.memref_squeeze %dma_wait3A_523 : memref<1x125xi32, #tpu.memory_space<vmem>> -> memref<125xi32, #tpu.memory_space<vmem>>
        %dma_wait3A_525 = arith.constant 0 : i32
        %dma_wait3A_526 = arith.constant 0 : i32
        %dma_wait3A_527 = tpu.memref_slice %arg2[%dma_wait3A_525, %dma_wait3A_526] : memref<10240x128xf32, #tpu.memory_space<hbm>> -> memref<10240x128xf32, #tpu.memory_space<hbm>>
        tpu.wait_indirect_dma semaphore(%arg13 : memref<!tpu.dma_semaphore, #tpu.memory_space<semaphore_mem>>) src(%dma_wait3A_527 : memref<10240x128xf32, #tpu.memory_space<hbm>>) dst(%arg11 : memref<125x128xf32, #tpu.memory_space<vmem>>)
        %dma_start3A_528 = arith.constant 6 : i32
        %dma_start3A_529 = arith.constant 0 : i32
        %dma_start3A_530 = tpu.memref_slice %arg10[%dma_start3A_528, %dma_start3A_529] : memref<8x125xi32, #tpu.memory_space<vmem>> -> memref<1x125xi32, #tpu.memory_space<vmem>>
        %dma_start3A_531 = tpu.memref_squeeze %dma_start3A_530 : memref<1x125xi32, #tpu.memory_space<vmem>> -> memref<125xi32, #tpu.memory_space<vmem>>
        %dma_start3A_532 = arith.constant 0 : i32
        %dma_start3A_533 = arith.constant 0 : i32
        %dma_start3A_534 = tpu.memref_slice %arg17[%dma_start3A_532, %dma_start3A_533] : memref<10240x128xf32, #tpu.memory_space<vmem_shared>> -> memref<10240x128xf32, #tpu.memory_space<vmem_shared>>
        tpu.enqueue_indirect_dma source(%arg11 : memref<125x128xf32, #tpu.memory_space<vmem>>) target(%dma_start3A_534 : memref<10240x128xf32, #tpu.memory_space<vmem_shared>>) offsets(%dma_start3A_531 : memref<125xi32, #tpu.memory_space<vmem>>) semaphore(%arg15 : memref<!tpu.dma_semaphore, #tpu.memory_space<semaphore_mem>>) {add = true}
      } else {
      }
      %ge3A_516 = arith.constant 1 : i32
      %ge3A_517 = arith.cmpi sge, %add3A_498, %ge3A_516 : i32
      %convert_element_type3A_518 = arith.extui %ge3A_517 : i1 to i32
      %cond3A_519 = arith.constant 0 : i32
      %cond3A_520 = arith.cmpi ne, %convert_element_type3A_518, %cond3A_519 : i32
      scf.if %cond3A_520 {
        %get3A_521 = arith.constant 6 : i32
        %get3A_522 = arith.index_cast %get3A_521 : i32 to index
        %get3A_523 = arith.constant 0 : index
        %get3A_524 = tpu.vector_load %arg10[%get3A_522, %get3A_523] {strides = array<i32>} : memref<8x125xi32, #tpu.memory_space<vmem>>, vector<16xi32>,
        tpu.vector_store_idx %arg18[%get3A_524], %broadcast_in_dim3A_12 {add = true} : memref<10240xf32, #tpu.memory_space<vmem>>[vector<16xi32>], vector<16xf32>,
        %get3A_525 = arith.constant 6 : i32
        %get3A_526 = arith.index_cast %get3A_525 : i32 to index
        %get3A_527 = arith.constant 16 : index
        %get3A_528 = tpu.vector_load %arg10[%get3A_526, %get3A_527] {strides = array<i32>} : memref<8x125xi32, #tpu.memory_space<vmem>>, vector<16xi32>,
        tpu.vector_store_idx %arg18[%get3A_528], %broadcast_in_dim3A_12 {add = true} : memref<10240xf32, #tpu.memory_space<vmem>>[vector<16xi32>], vector<16xf32>,
        %get3A_529 = arith.constant 6 : i32
        %get3A_530 = arith.index_cast %get3A_529 : i32 to index
        %get3A_531 = arith.constant 32 : index
        %get3A_532 = tpu.vector_load %arg10[%get3A_530, %get3A_531] {strides = array<i32>} : memref<8x125xi32, #tpu.memory_space<vmem>>, vector<16xi32>,
        tpu.vector_store_idx %arg18[%get3A_532], %broadcast_in_dim3A_12 {add = true} : memref<10240xf32, #tpu.memory_space<vmem>>[vector<16xi32>], vector<16xf32>,
        %get3A_533 = arith.constant 6 : i32
        %get3A_534 = arith.index_cast %get3A_533 : i32 to index
        %get3A_535 = arith.constant 48 : index
        %get3A_536 = tpu.vector_load %arg10[%get3A_534, %get3A_535] {strides = array<i32>} : memref<8x125xi32, #tpu.memory_space<vmem>>, vector<16xi32>,
        tpu.vector_store_idx %arg18[%get3A_536], %broadcast_in_dim3A_12 {add = true} : memref<10240xf32, #tpu.memory_space<vmem>>[vector<16xi32>], vector<16xf32>,
        %get3A_537 = arith.constant 6 : i32
        %get3A_538 = arith.index_cast %get3A_537 : i32 to index
        %get3A_539 = arith.constant 64 : index
        %get3A_540 = tpu.vector_load %arg10[%get3A_538, %get3A_539] {strides = array<i32>} : memref<8x125xi32, #tpu.memory_space<vmem>>, vector<16xi32>,
        tpu.vector_store_idx %arg18[%get3A_540], %broadcast_in_dim3A_12 {add = true} : memref<10240xf32, #tpu.memory_space<vmem>>[vector<16xi32>], vector<16xf32>,
        %get3A_541 = arith.constant 6 : i32
        %get3A_542 = arith.index_cast %get3A_541 : i32 to index
        %get3A_543 = arith.constant 80 : index
        %get3A_544 = tpu.vector_load %arg10[%get3A_542, %get3A_543] {strides = array<i32>} : memref<8x125xi32, #tpu.memory_space<vmem>>, vector<16xi32>,
        tpu.vector_store_idx %arg18[%get3A_544], %broadcast_in_dim3A_12 {add = true} : memref<10240xf32, #tpu.memory_space<vmem>>[vector<16xi32>], vector<16xf32>,
        %get3A_545 = arith.constant 6 : i32
        %get3A_546 = arith.index_cast %get3A_545 : i32 to index
        %get3A_547 = arith.constant 96 : index
        %get3A_548 = tpu.vector_load %arg10[%get3A_546, %get3A_547] {strides = array<i32>} : memref<8x125xi32, #tpu.memory_space<vmem>>, vector<16xi32>,
        tpu.vector_store_idx %arg18[%get3A_548], %broadcast_in_dim3A_12 {add = true} : memref<10240xf32, #tpu.memory_space<vmem>>[vector<16xi32>], vector<16xf32>,
        %get3A_549 = arith.constant 6 : i32
        %get3A_550 = arith.index_cast %get3A_549 : i32 to index
        %get3A_551 = arith.constant 109 : index
        %get3A_552 = tpu.vector_load %arg10[%get3A_550, %get3A_551] {strides = array<i32>} : memref<8x125xi32, #tpu.memory_space<vmem>>, vector<16xi32>,
        tpu.vector_store_idx %arg18[%get3A_552], %broadcast_in_dim3A_12 masked %ge3A_14 {add = true} : memref<10240xf32, #tpu.memory_space<vmem>>[vector<16xi32>], vector<16xf32>, vector<16xi1>
      } else {
      }
    }
    %scan3A_20 = arith.constant 5 : i32
    %dma_wait3A = arith.constant 0 : i32
    %dma_wait3A_21 = arith.constant 0 : i32
    %dma_wait3A_22 = tpu.memref_slice %arg7[%dma_wait3A, %dma_wait3A_21] : memref<8x125xi32, #tpu.memory_space<vmem>> -> memref<1x125xi32, #tpu.memory_space<vmem>>
    %dma_wait3A_23 = tpu.memref_squeeze %dma_wait3A_22 : memref<1x125xi32, #tpu.memory_space<vmem>> -> memref<125xi32, #tpu.memory_space<vmem>>
    %dma_wait3A_24 = arith.constant 0 : i32
    %dma_wait3A_25 = arith.constant 0 : i32
    %dma_wait3A_26 = tpu.memref_slice %arg2[%dma_wait3A_24, %dma_wait3A_25] : memref<10240x128xf32, #tpu.memory_space<hbm>> -> memref<10240x128xf32, #tpu.memory_space<hbm>>
    tpu.wait_indirect_dma semaphore(%arg14 : memref<!tpu.dma_semaphore, #tpu.memory_space<semaphore_mem>>) src(%dma_wait3A_26 : memref<10240x128xf32, #tpu.memory_space<hbm>>) dst(%arg12 : memref<125x128xf32, #tpu.memory_space<vmem>>)
    %dma_start3A = arith.constant 7 : i32
    %dma_start3A_27 = arith.constant 0 : i32
    %dma_start3A_28 = tpu.memref_slice %arg10[%dma_start3A, %dma_start3A_27] : memref<8x125xi32, #tpu.memory_space<vmem>> -> memref<1x125xi32, #tpu.memory_space<vmem>>
    %dma_start3A_29 = tpu.memref_squeeze %dma_start3A_28 : memref<1x125xi32, #tpu.memory_space<vmem>> -> memref<125xi32, #tpu.memory_space<vmem>>
    %dma_start3A_30 = arith.constant 0 : i32
    %dma_start3A_31 = arith.constant 0 : i32
    %dma_start3A_32 = tpu.memref_slice %arg17[%dma_start3A_30, %dma_start3A_31] : memref<10240x128xf32, #tpu.memory_space<vmem_shared>> -> memref<10240x128xf32, #tpu.memory_space<vmem_shared>>
    tpu.enqueue_indirect_dma source(%arg12 : memref<125x128xf32, #tpu.memory_space<vmem>>) target(%dma_start3A_32 : memref<10240x128xf32, #tpu.memory_space<vmem_shared>>) offsets(%dma_start3A_29 : memref<125xi32, #tpu.memory_space<vmem>>) semaphore(%arg16 : memref<!tpu.dma_semaphore, #tpu.memory_space<semaphore_mem>>) {add = true}
    %get3A = arith.constant 7 : i32
    %get3A_33 = arith.index_cast %get3A : i32 to index
    %get3A_34 = arith.constant 0 : index
    %get3A_35 = tpu.vector_load %arg10[%get3A_33, %get3A_34] {strides = array<i32>} : memref<8x125xi32, #tpu.memory_space<vmem>>, vector<16xi32>,
    tpu.vector_store_idx %arg18[%get3A_35], %broadcast_in_dim3A_12 {add = true} : memref<10240xf32, #tpu.memory_space<vmem>>[vector<16xi32>], vector<16xf32>,
    %get3A_36 = arith.constant 7 : i32
    %get3A_37 = arith.index_cast %get3A_36 : i32 to index
    %get3A_38 = arith.constant 16 : index
    %get3A_39 = tpu.vector_load %arg10[%get3A_37, %get3A_38] {strides = array<i32>} : memref<8x125xi32, #tpu.memory_space<vmem>>, vector<16xi32>,
    tpu.vector_store_idx %arg18[%get3A_39], %broadcast_in_dim3A_12 {add = true} : memref<10240xf32, #tpu.memory_space<vmem>>[vector<16xi32>], vector<16xf32>,
    %get3A_40 = arith.constant 7 : i32
    %get3A_41 = arith.index_cast %get3A_40 : i32 to index
    %get3A_42 = arith.constant 32 : index
    %get3A_43 = tpu.vector_load %arg10[%get3A_41, %get3A_42] {strides = array<i32>} : memref<8x125xi32, #tpu.memory_space<vmem>>, vector<16xi32>,
    tpu.vector_store_idx %arg18[%get3A_43], %broadcast_in_dim3A_12 {add = true} : memref<10240xf32, #tpu.memory_space<vmem>>[vector<16xi32>], vector<16xf32>,
    %get3A_44 = arith.constant 7 : i32
    %get3A_45 = arith.index_cast %get3A_44 : i32 to index
    %get3A_46 = arith.constant 48 : index
    %get3A_47 = tpu.vector_load %arg10[%get3A_45, %get3A_46] {strides = array<i32>} : memref<8x125xi32, #tpu.memory_space<vmem>>, vector<16xi32>,
    tpu.vector_store_idx %arg18[%get3A_47], %broadcast_in_dim3A_12 {add = true} : memref<10240xf32, #tpu.memory_space<vmem>>[vector<16xi32>], vector<16xf32>,
    %get3A_48 = arith.constant 7 : i32
    %get3A_49 = arith.index_cast %get3A_48 : i32 to index
    %get3A_50 = arith.constant 64 : index
    %get3A_51 = tpu.vector_load %arg10[%get3A_49, %get3A_50] {strides = array<i32>} : memref<8x125xi32, #tpu.memory_space<vmem>>, vector<16xi32>,
    tpu.vector_store_idx %arg18[%get3A_51], %broadcast_in_dim3A_12 {add = true} : memref<10240xf32, #tpu.memory_space<vmem>>[vector<16xi32>], vector<16xf32>,
    %get3A_52 = arith.constant 7 : i32
    %get3A_53 = arith.index_cast %get3A_52 : i32 to index
    %get3A_54 = arith.constant 80 : index
    %get3A_55 = tpu.vector_load %arg10[%get3A_53, %get3A_54] {strides = array<i32>} : memref<8x125xi32, #tpu.memory_space<vmem>>, vector<16xi32>,
    tpu.vector_store_idx %arg18[%get3A_55], %broadcast_in_dim3A_12 {add = true} : memref<10240xf32, #tpu.memory_space<vmem>>[vector<16xi32>], vector<16xf32>,
    %get3A_56 = arith.constant 7 : i32
    %get3A_57 = arith.index_cast %get3A_56 : i32 to index
    %get3A_58 = arith.constant 96 : index
    %get3A_59 = tpu.vector_load %arg10[%get3A_57, %get3A_58] {strides = array<i32>} : memref<8x125xi32, #tpu.memory_space<vmem>>, vector<16xi32>,
    tpu.vector_store_idx %arg18[%get3A_59], %broadcast_in_dim3A_12 {add = true} : memref<10240xf32, #tpu.memory_space<vmem>>[vector<16xi32>], vector<16xf32>,
    %get3A_60 = arith.constant 7 : i32
    %get3A_61 = arith.index_cast %get3A_60 : i32 to index
    %get3A_62 = arith.constant 109 : index
    %get3A_63 = tpu.vector_load %arg10[%get3A_61, %get3A_62] {strides = array<i32>} : memref<8x125xi32, #tpu.memory_space<vmem>>, vector<16xi32>,
    tpu.vector_store_idx %arg18[%get3A_63], %broadcast_in_dim3A_12 masked %ge3A_14 {add = true} : memref<10240xf32, #tpu.memory_space<vmem>>[vector<16xi32>], vector<16xf32>, vector<16xi1>
    %dma_wait3A_64 = arith.constant 0 : i32
    %dma_wait3A_65 = arith.constant 0 : i32
    %dma_wait3A_66 = tpu.memref_slice %arg8[%dma_wait3A_64, %dma_wait3A_65] : memref<8x125xi32, #tpu.memory_space<vmem>> -> memref<1x125xi32, #tpu.memory_space<vmem>>
    %dma_wait3A_67 = tpu.memref_squeeze %dma_wait3A_66 : memref<1x125xi32, #tpu.memory_space<vmem>> -> memref<125xi32, #tpu.memory_space<vmem>>
    %dma_wait3A_68 = arith.constant 0 : i32
    %dma_wait3A_69 = arith.constant 0 : i32
    %dma_wait3A_70 = tpu.memref_slice %arg17[%dma_wait3A_68, %dma_wait3A_69] : memref<10240x128xf32, #tpu.memory_space<vmem_shared>> -> memref<10240x128xf32, #tpu.memory_space<vmem_shared>>
    tpu.wait_indirect_dma semaphore(%arg15 : memref<!tpu.dma_semaphore, #tpu.memory_space<semaphore_mem>>) src(%arg11 : memref<125x128xf32, #tpu.memory_space<vmem>>) dst(%dma_wait3A_70 : memref<10240x128xf32, #tpu.memory_space<vmem_shared>>)
    %dma_wait3A_71 = arith.constant 0 : i32
    %dma_wait3A_72 = arith.constant 0 : i32
    %dma_wait3A_73 = tpu.memref_slice %arg8[%dma_wait3A_71, %dma_wait3A_72] : memref<8x125xi32, #tpu.memory_space<vmem>> -> memref<1x125xi32, #tpu.memory_space<vmem>>
    %dma_wait3A_74 = tpu.memref_squeeze %dma_wait3A_73 : memref<1x125xi32, #tpu.memory_space<vmem>> -> memref<125xi32, #tpu.memory_space<vmem>>
    %dma_wait3A_75 = arith.constant 0 : i32
    %dma_wait3A_76 = arith.constant 0 : i32
    %dma_wait3A_77 = tpu.memref_slice %arg17[%dma_wait3A_75, %dma_wait3A_76] : memref<10240x128xf32, #tpu.memory_space<vmem_shared>> -> memref<10240x128xf32, #tpu.memory_space<vmem_shared>>
    tpu.wait_indirect_dma semaphore(%arg16 : memref<!tpu.dma_semaphore, #tpu.memory_space<semaphore_mem>>) src(%arg11 : memref<125x128xf32, #tpu.memory_space<vmem>>) dst(%dma_wait3A_77 : memref<10240x128xf32, #tpu.memory_space<vmem_shared>>)
    %barrier3A_78 = arith.constant 0 : index
    tpu.barrier barrier_id(%barrier3A_78)
    %mul3A_79 = arith.constant 10240 : i32
    %mul3A_80 = arith.muli %arg0, %mul3A_79 : i32
    %add3A_81 = arith.addi %mul3A_80, %mul3A_2 : i32
    "tpu.region"() ({
      %run_scoped3A = tpu.sem_alloc : memref<!tpu.dma_semaphore, #tpu.memory_space<semaphore_mem>>
      %dma_start3A_84 = arith.constant 0 : i32
      %dma_start3A_85 = tpu.memref_slice %arg5[%add3A_81, %dma_start3A_84] : memref<20480x128xf32, #tpu.memory_space<hbm>> -> memref<640x128xf32, #tpu.memory_space<hbm>>
      %dma_start3A_86 = arith.constant 0 : i32
      %dma_start3A_87 = tpu.memref_slice %arg17[%mul3A_2, %dma_start3A_86] : memref<10240x128xf32, #tpu.memory_space<vmem_shared>> -> memref<640x128xf32, #tpu.memory_space<vmem_shared>>
      tpu.enqueue_dma source(%dma_start3A_87 : memref<640x128xf32, #tpu.memory_space<vmem_shared>>) target(%dma_start3A_85 : memref<640x128xf32, #tpu.memory_space<hbm>>) target_semaphore(%run_scoped3A : memref<!tpu.dma_semaphore, #tpu.memory_space<semaphore_mem>>)
      %dma_wait3A_88 = arith.constant 0 : i32
      %dma_wait3A_89 = tpu.memref_slice %arg5[%add3A_81, %dma_wait3A_88] : memref<20480x128xf32, #tpu.memory_space<hbm>> -> memref<640x128xf32, #tpu.memory_space<hbm>>
      %dma_wait3A_90 = arith.constant 0 : i32
      %dma_wait3A_91 = tpu.memref_slice %arg17[%mul3A_2, %dma_wait3A_90] : memref<10240x128xf32, #tpu.memory_space<vmem_shared>> -> memref<640x128xf32, #tpu.memory_space<vmem_shared>>
      tpu.wait_dma2 semaphore(%run_scoped3A : memref<!tpu.dma_semaphore, #tpu.memory_space<semaphore_mem>>) src(%dma_wait3A_91 : memref<640x128xf32, #tpu.memory_space<vmem_shared>>) dst(%dma_wait3A_89 : memref<640x128xf32, #tpu.memory_space<hbm>>)
      tpu.yield
    }) : () -> ()
    %mul3A_82 = arith.constant 10240 : i32
    %mul3A_83 = arith.muli %add3A, %mul3A_82 : i32
    "tpu.region"() ({
      %run_scoped3A = tpu.sem_alloc : memref<!tpu.dma_semaphore, #tpu.memory_space<semaphore_mem>>
      %dma_start3A_84 = tpu.memref_slice %arg6[%mul3A_83] : memref<327680xf32, #tpu.memory_space<hbm>> -> memref<10240xf32, #tpu.memory_space<hbm>>
      %dma_start3A_85 = tpu.memref_slice %arg6[%mul3A_83] : memref<327680xf32, #tpu.memory_space<hbm>> -> memref<10240xf32, #tpu.memory_space<hbm>>
      tpu.enqueue_dma source(%arg18 : memref<10240xf32, #tpu.memory_space<vmem>>) target(%dma_start3A_85 : memref<10240xf32, #tpu.memory_space<hbm>>) target_semaphore(%run_scoped3A : memref<!tpu.dma_semaphore, #tpu.memory_space<semaphore_mem>>)
      %dma_wait3A_86 = tpu.memref_slice %arg6[%mul3A_83] : memref<327680xf32, #tpu.memory_space<hbm>> -> memref<10240xf32, #tpu.memory_space<hbm>>
      %dma_wait3A_87 = tpu.memref_slice %arg6[%mul3A_83] : memref<327680xf32, #tpu.memory_space<hbm>> -> memref<10240xf32, #tpu.memory_space<hbm>>
      tpu.wait_dma2 semaphore(%run_scoped3A : memref<!tpu.dma_semaphore, #tpu.memory_space<semaphore_mem>>) src(%arg18 : memref<10240xf32, #tpu.memory_space<vmem>>) dst(%dma_wait3A_87 : memref<10240xf32, #tpu.memory_space<hbm>>)
      tpu.yield
    }) : () -> ()
    return
  }
}

module attributes {stable_mosaic.version = 14 : i64} {
  func.func @_pre_body(%arg0: i32, %arg1: memref<2048x128xf32, #tpu.memory_space<vmem>>, %arg2: memref<8x128xi32, #tpu.memory_space<vmem>>, %arg3: memref<128x128xf32, #tpu.memory_space<vmem>>, %arg4: memref<128x128xf32, #tpu.memory_space<vmem>>, %arg5: memref<1x128xf32, #tpu.memory_space<vmem>>, %arg6: memref<2048x128xf32, #tpu.memory_space<vmem>>) attributes {dimension_semantics = [#tpu.dimension_semantics<arbitrary>], iteration_bounds = array<i64: 5>, scalar_prefetch = 0 : i64, scratch_operands = 0 : i64, tpu.core_type = #tpu.core_type<tc>, window_params = [{transform_indices = @transform_0, window_bounds = array<i64: 2048, 128>}, {pipeline_mode = #tpu.pipeline_mode<synchronous>, transform_indices = @transform_1, window_bounds = array<i64: 8, 128>}, {pipeline_mode = #tpu.pipeline_mode<synchronous>, transform_indices = @transform_2, window_bounds = array<i64: 128, 128>}, {pipeline_mode = #tpu.pipeline_mode<synchronous>, transform_indices = @transform_3, window_bounds = array<i64: 128, 128>}, {pipeline_mode = #tpu.pipeline_mode<synchronous>, transform_indices = @transform_4, window_bounds = array<i64: 1, 128>}, {transform_indices = @transform_5, window_bounds = array<i64: 2048, 128>}]} {
    %get3A = arith.constant 0 : index
    %get3A_0 = arith.constant 0 : index
    %get3A_1 = vector.load %arg1[%get3A, %get3A_0] : memref<2048x128xf32, #tpu.memory_space<vmem>>, vector<2048x128xf32>
    %get3A_2 = arith.constant 0 : index
    %get3A_3 = arith.constant 0 : index
    %get3A_4 = vector.load %arg3[%get3A_2, %get3A_3] : memref<128x128xf32, #tpu.memory_space<vmem>>, vector<128x128xf32>
    %dot_general3A = arith.constant dense<0.000000e+00> : vector<2048x128xf32>
    %dot_general3A_5 = tpu.matmul %get3A_1, %get3A_4, %dot_general3A {dimension_numbers = #tpu.dot_dimension_numbers<[1], [0], [0], [1], [0, 0, 1, 1], [], []>, transpose_lhs_hint = false} : vector<2048x128xf32>, vector<128x128xf32>, vector<2048x128xf32> -> vector<2048x128xf32>
    %get3A_6 = arith.constant 0 : index
    %get3A_7 = arith.constant 0 : index
    %get3A_8 = vector.load %arg4[%get3A_6, %get3A_7] : memref<128x128xf32, #tpu.memory_space<vmem>>, vector<128x128xf32>
    %dot_general3A_9 = arith.constant dense<0.000000e+00> : vector<2048x128xf32>
    %dot_general3A_10 = tpu.matmul %get3A_1, %get3A_8, %dot_general3A_9 {dimension_numbers = #tpu.dot_dimension_numbers<[1], [0], [0], [1], [0, 0, 1, 1], [], []>, transpose_lhs_hint = false} : vector<2048x128xf32>, vector<128x128xf32>, vector<2048x128xf32> -> vector<2048x128xf32>
    %mul3A = arith.constant 2048 : i32
    %mul3A_11 = arith.muli %arg0, %mul3A : i32
    %iota3A = tpu.iota {dimensions = array<i32: 0>} : vector<2048x1xi32>
    %add3A = vector.broadcast %mul3A_11 : i32 to vector<2048x1xi32>
    %add3A_12 = arith.addi %add3A, %iota3A : vector<2048x1xi32>
    %get3A_13 = arith.constant 0 : index
    %get3A_14 = arith.constant 0 : index
    %get3A_15 = vector.load %arg2[%get3A_13, %get3A_14] : memref<8x128xi32, #tpu.memory_space<vmem>>, vector<1x128xi32>
    %get3A_16 = vector.shape_cast %get3A_15 : vector<1x128xi32> to vector<128xi32>
    %broadcast_in_dim3A = vector.shape_cast %get3A_16 : vector<128xi32> to vector<1x128xi32>
    %eq3A = vector.broadcast %add3A_12 : vector<2048x1xi32> to vector<2048x128xi32>
    %eq3A_17 = vector.broadcast %broadcast_in_dim3A : vector<1x128xi32> to vector<2048x128xi32>
    %eq3A_18 = arith.cmpi eq, %eq3A, %eq3A_17 : vector<2048x128xi32>
    %reduce_or3A = arith.constant 1.000000e+00 : f32
    %reduce_or3A_19 = arith.constant 0.000000e+00 : f32
    %reduce_or3A_20 = vector.broadcast %reduce_or3A : f32 to vector<2048x128xf32>
    %reduce_or3A_21 = vector.broadcast %reduce_or3A_19 : f32 to vector<2048x128xf32>
    %reduce_or3A_22 = arith.select %eq3A_18, %reduce_or3A_20, %reduce_or3A_21 : vector<2048x128xi1>, vector<2048x128xf32>
    %reduce_or3A_23 = arith.constant dense<0xFF800000> : vector<2048xf32>
    %reduce_or3A_24 = vector.multi_reduction <maximumf>, %reduce_or3A_22, %reduce_or3A_23 [1] : vector<2048x128xf32> to vector<2048xf32>
    %reduce_or3A_25 = arith.constant 0.000000e+00 : f32
    %reduce_or3A_26 = vector.broadcast %reduce_or3A_25 : f32 to vector<2048xf32>
    %reduce_or3A_27 = arith.cmpf ogt, %reduce_or3A_24, %reduce_or3A_26 : vector<2048xf32>
    %broadcast_in_dim3A_28 = vector.shape_cast %reduce_or3A_27 : vector<2048xi1> to vector<2048x1xi1>
    %get3A_29 = arith.constant 1 : index
    %get3A_30 = arith.constant 0 : index
    %get3A_31 = vector.load %arg2[%get3A_29, %get3A_30] : memref<8x128xi32, #tpu.memory_space<vmem>>, vector<1x128xi32>
    %get3A_32 = vector.shape_cast %get3A_31 : vector<1x128xi32> to vector<128xi32>
    %broadcast_in_dim3A_33 = vector.shape_cast %get3A_32 : vector<128xi32> to vector<1x128xi32>
    %eq3A_34 = vector.broadcast %add3A_12 : vector<2048x1xi32> to vector<2048x128xi32>
    %eq3A_35 = vector.broadcast %broadcast_in_dim3A_33 : vector<1x128xi32> to vector<2048x128xi32>
    %eq3A_36 = arith.cmpi eq, %eq3A_34, %eq3A_35 : vector<2048x128xi32>
    %reduce_or3A_37 = arith.constant 1.000000e+00 : f32
    %reduce_or3A_38 = arith.constant 0.000000e+00 : f32
    %reduce_or3A_39 = vector.broadcast %reduce_or3A_37 : f32 to vector<2048x128xf32>
    %reduce_or3A_40 = vector.broadcast %reduce_or3A_38 : f32 to vector<2048x128xf32>
    %reduce_or3A_41 = arith.select %eq3A_36, %reduce_or3A_39, %reduce_or3A_40 : vector<2048x128xi1>, vector<2048x128xf32>
    %reduce_or3A_42 = arith.constant dense<0xFF800000> : vector<2048xf32>
    %reduce_or3A_43 = vector.multi_reduction <maximumf>, %reduce_or3A_41, %reduce_or3A_42 [1] : vector<2048x128xf32> to vector<2048xf32>
    %reduce_or3A_44 = arith.constant 0.000000e+00 : f32
    %reduce_or3A_45 = vector.broadcast %reduce_or3A_44 : f32 to vector<2048xf32>
    %reduce_or3A_46 = arith.cmpf ogt, %reduce_or3A_43, %reduce_or3A_45 : vector<2048xf32>
    %broadcast_in_dim3A_47 = vector.shape_cast %reduce_or3A_46 : vector<2048xi1> to vector<2048x1xi1>
    %or3A = arith.ori %broadcast_in_dim3A_28, %broadcast_in_dim3A_47 : vector<2048x1xi1>
    %get3A_48 = arith.constant 2 : index
    %get3A_49 = arith.constant 0 : index
    %get3A_50 = vector.load %arg2[%get3A_48, %get3A_49] : memref<8x128xi32, #tpu.memory_space<vmem>>, vector<1x128xi32>
    %get3A_51 = vector.shape_cast %get3A_50 : vector<1x128xi32> to vector<128xi32>
    %broadcast_in_dim3A_52 = vector.shape_cast %get3A_51 : vector<128xi32> to vector<1x128xi32>
    %eq3A_53 = vector.broadcast %add3A_12 : vector<2048x1xi32> to vector<2048x128xi32>
    %eq3A_54 = vector.broadcast %broadcast_in_dim3A_52 : vector<1x128xi32> to vector<2048x128xi32>
    %eq3A_55 = arith.cmpi eq, %eq3A_53, %eq3A_54 : vector<2048x128xi32>
    %reduce_or3A_56 = arith.constant 1.000000e+00 : f32
    %reduce_or3A_57 = arith.constant 0.000000e+00 : f32
    %reduce_or3A_58 = vector.broadcast %reduce_or3A_56 : f32 to vector<2048x128xf32>
    %reduce_or3A_59 = vector.broadcast %reduce_or3A_57 : f32 to vector<2048x128xf32>
    %reduce_or3A_60 = arith.select %eq3A_55, %reduce_or3A_58, %reduce_or3A_59 : vector<2048x128xi1>, vector<2048x128xf32>
    %reduce_or3A_61 = arith.constant dense<0xFF800000> : vector<2048xf32>
    %reduce_or3A_62 = vector.multi_reduction <maximumf>, %reduce_or3A_60, %reduce_or3A_61 [1] : vector<2048x128xf32> to vector<2048xf32>
    %reduce_or3A_63 = arith.constant 0.000000e+00 : f32
    %reduce_or3A_64 = vector.broadcast %reduce_or3A_63 : f32 to vector<2048xf32>
    %reduce_or3A_65 = arith.cmpf ogt, %reduce_or3A_62, %reduce_or3A_64 : vector<2048xf32>
    %broadcast_in_dim3A_66 = vector.shape_cast %reduce_or3A_65 : vector<2048xi1> to vector<2048x1xi1>
    %or3A_67 = arith.ori %or3A, %broadcast_in_dim3A_66 : vector<2048x1xi1>
    %get3A_68 = arith.constant 3 : index
    %get3A_69 = arith.constant 0 : index
    %get3A_70 = vector.load %arg2[%get3A_68, %get3A_69] : memref<8x128xi32, #tpu.memory_space<vmem>>, vector<1x128xi32>
    %get3A_71 = vector.shape_cast %get3A_70 : vector<1x128xi32> to vector<128xi32>
    %broadcast_in_dim3A_72 = vector.shape_cast %get3A_71 : vector<128xi32> to vector<1x128xi32>
    %eq3A_73 = vector.broadcast %add3A_12 : vector<2048x1xi32> to vector<2048x128xi32>
    %eq3A_74 = vector.broadcast %broadcast_in_dim3A_72 : vector<1x128xi32> to vector<2048x128xi32>
    %eq3A_75 = arith.cmpi eq, %eq3A_73, %eq3A_74 : vector<2048x128xi32>
    %reduce_or3A_76 = arith.constant 1.000000e+00 : f32
    %reduce_or3A_77 = arith.constant 0.000000e+00 : f32
    %reduce_or3A_78 = vector.broadcast %reduce_or3A_76 : f32 to vector<2048x128xf32>
    %reduce_or3A_79 = vector.broadcast %reduce_or3A_77 : f32 to vector<2048x128xf32>
    %reduce_or3A_80 = arith.select %eq3A_75, %reduce_or3A_78, %reduce_or3A_79 : vector<2048x128xi1>, vector<2048x128xf32>
    %reduce_or3A_81 = arith.constant dense<0xFF800000> : vector<2048xf32>
    %reduce_or3A_82 = vector.multi_reduction <maximumf>, %reduce_or3A_80, %reduce_or3A_81 [1] : vector<2048x128xf32> to vector<2048xf32>
    %reduce_or3A_83 = arith.constant 0.000000e+00 : f32
    %reduce_or3A_84 = vector.broadcast %reduce_or3A_83 : f32 to vector<2048xf32>
    %reduce_or3A_85 = arith.cmpf ogt, %reduce_or3A_82, %reduce_or3A_84 : vector<2048xf32>
    %broadcast_in_dim3A_86 = vector.shape_cast %reduce_or3A_85 : vector<2048xi1> to vector<2048x1xi1>
    %or3A_87 = arith.ori %or3A_67, %broadcast_in_dim3A_86 : vector<2048x1xi1>
    %get3A_88 = arith.constant 4 : index
    %get3A_89 = arith.constant 0 : index
    %get3A_90 = vector.load %arg2[%get3A_88, %get3A_89] : memref<8x128xi32, #tpu.memory_space<vmem>>, vector<1x128xi32>
    %get3A_91 = vector.shape_cast %get3A_90 : vector<1x128xi32> to vector<128xi32>
    %broadcast_in_dim3A_92 = vector.shape_cast %get3A_91 : vector<128xi32> to vector<1x128xi32>
    %eq3A_93 = vector.broadcast %add3A_12 : vector<2048x1xi32> to vector<2048x128xi32>
    %eq3A_94 = vector.broadcast %broadcast_in_dim3A_92 : vector<1x128xi32> to vector<2048x128xi32>
    %eq3A_95 = arith.cmpi eq, %eq3A_93, %eq3A_94 : vector<2048x128xi32>
    %reduce_or3A_96 = arith.constant 1.000000e+00 : f32
    %reduce_or3A_97 = arith.constant 0.000000e+00 : f32
    %reduce_or3A_98 = vector.broadcast %reduce_or3A_96 : f32 to vector<2048x128xf32>
    %reduce_or3A_99 = vector.broadcast %reduce_or3A_97 : f32 to vector<2048x128xf32>
    %reduce_or3A_100 = arith.select %eq3A_95, %reduce_or3A_98, %reduce_or3A_99 : vector<2048x128xi1>, vector<2048x128xf32>
    %reduce_or3A_101 = arith.constant dense<0xFF800000> : vector<2048xf32>
    %reduce_or3A_102 = vector.multi_reduction <maximumf>, %reduce_or3A_100, %reduce_or3A_101 [1] : vector<2048x128xf32> to vector<2048xf32>
    %reduce_or3A_103 = arith.constant 0.000000e+00 : f32
    %reduce_or3A_104 = vector.broadcast %reduce_or3A_103 : f32 to vector<2048xf32>
    %reduce_or3A_105 = arith.cmpf ogt, %reduce_or3A_102, %reduce_or3A_104 : vector<2048xf32>
    %broadcast_in_dim3A_106 = vector.shape_cast %reduce_or3A_105 : vector<2048xi1> to vector<2048x1xi1>
    %or3A_107 = arith.ori %or3A_87, %broadcast_in_dim3A_106 : vector<2048x1xi1>
    %get3A_108 = arith.constant 5 : index
    %get3A_109 = arith.constant 0 : index
    %get3A_110 = vector.load %arg2[%get3A_108, %get3A_109] : memref<8x128xi32, #tpu.memory_space<vmem>>, vector<1x128xi32>
    %get3A_111 = vector.shape_cast %get3A_110 : vector<1x128xi32> to vector<128xi32>
    %broadcast_in_dim3A_112 = vector.shape_cast %get3A_111 : vector<128xi32> to vector<1x128xi32>
    %eq3A_113 = vector.broadcast %add3A_12 : vector<2048x1xi32> to vector<2048x128xi32>
    %eq3A_114 = vector.broadcast %broadcast_in_dim3A_112 : vector<1x128xi32> to vector<2048x128xi32>
    %eq3A_115 = arith.cmpi eq, %eq3A_113, %eq3A_114 : vector<2048x128xi32>
    %reduce_or3A_116 = arith.constant 1.000000e+00 : f32
    %reduce_or3A_117 = arith.constant 0.000000e+00 : f32
    %reduce_or3A_118 = vector.broadcast %reduce_or3A_116 : f32 to vector<2048x128xf32>
    %reduce_or3A_119 = vector.broadcast %reduce_or3A_117 : f32 to vector<2048x128xf32>
    %reduce_or3A_120 = arith.select %eq3A_115, %reduce_or3A_118, %reduce_or3A_119 : vector<2048x128xi1>, vector<2048x128xf32>
    %reduce_or3A_121 = arith.constant dense<0xFF800000> : vector<2048xf32>
    %reduce_or3A_122 = vector.multi_reduction <maximumf>, %reduce_or3A_120, %reduce_or3A_121 [1] : vector<2048x128xf32> to vector<2048xf32>
    %reduce_or3A_123 = arith.constant 0.000000e+00 : f32
    %reduce_or3A_124 = vector.broadcast %reduce_or3A_123 : f32 to vector<2048xf32>
    %reduce_or3A_125 = arith.cmpf ogt, %reduce_or3A_122, %reduce_or3A_124 : vector<2048xf32>
    %broadcast_in_dim3A_126 = vector.shape_cast %reduce_or3A_125 : vector<2048xi1> to vector<2048x1xi1>
    %or3A_127 = arith.ori %or3A_107, %broadcast_in_dim3A_126 : vector<2048x1xi1>
    %get3A_128 = arith.constant 6 : index
    %get3A_129 = arith.constant 0 : index
    %get3A_130 = vector.load %arg2[%get3A_128, %get3A_129] : memref<8x128xi32, #tpu.memory_space<vmem>>, vector<1x128xi32>
    %get3A_131 = vector.shape_cast %get3A_130 : vector<1x128xi32> to vector<128xi32>
    %broadcast_in_dim3A_132 = vector.shape_cast %get3A_131 : vector<128xi32> to vector<1x128xi32>
    %eq3A_133 = vector.broadcast %add3A_12 : vector<2048x1xi32> to vector<2048x128xi32>
    %eq3A_134 = vector.broadcast %broadcast_in_dim3A_132 : vector<1x128xi32> to vector<2048x128xi32>
    %eq3A_135 = arith.cmpi eq, %eq3A_133, %eq3A_134 : vector<2048x128xi32>
    %reduce_or3A_136 = arith.constant 1.000000e+00 : f32
    %reduce_or3A_137 = arith.constant 0.000000e+00 : f32
    %reduce_or3A_138 = vector.broadcast %reduce_or3A_136 : f32 to vector<2048x128xf32>
    %reduce_or3A_139 = vector.broadcast %reduce_or3A_137 : f32 to vector<2048x128xf32>
    %reduce_or3A_140 = arith.select %eq3A_135, %reduce_or3A_138, %reduce_or3A_139 : vector<2048x128xi1>, vector<2048x128xf32>
    %reduce_or3A_141 = arith.constant dense<0xFF800000> : vector<2048xf32>
    %reduce_or3A_142 = vector.multi_reduction <maximumf>, %reduce_or3A_140, %reduce_or3A_141 [1] : vector<2048x128xf32> to vector<2048xf32>
    %reduce_or3A_143 = arith.constant 0.000000e+00 : f32
    %reduce_or3A_144 = vector.broadcast %reduce_or3A_143 : f32 to vector<2048xf32>
    %reduce_or3A_145 = arith.cmpf ogt, %reduce_or3A_142, %reduce_or3A_144 : vector<2048xf32>
    %broadcast_in_dim3A_146 = vector.shape_cast %reduce_or3A_145 : vector<2048xi1> to vector<2048x1xi1>
    %or3A_147 = arith.ori %or3A_127, %broadcast_in_dim3A_146 : vector<2048x1xi1>
    %get3A_148 = arith.constant 7 : index
    %get3A_149 = arith.constant 0 : index
    %get3A_150 = vector.load %arg2[%get3A_148, %get3A_149] : memref<8x128xi32, #tpu.memory_space<vmem>>, vector<1x128xi32>
    %get3A_151 = vector.shape_cast %get3A_150 : vector<1x128xi32> to vector<128xi32>
    %broadcast_in_dim3A_152 = vector.shape_cast %get3A_151 : vector<128xi32> to vector<1x128xi32>
    %eq3A_153 = vector.broadcast %add3A_12 : vector<2048x1xi32> to vector<2048x128xi32>
    %eq3A_154 = vector.broadcast %broadcast_in_dim3A_152 : vector<1x128xi32> to vector<2048x128xi32>
    %eq3A_155 = arith.cmpi eq, %eq3A_153, %eq3A_154 : vector<2048x128xi32>
    %reduce_or3A_156 = arith.constant 1.000000e+00 : f32
    %reduce_or3A_157 = arith.constant 0.000000e+00 : f32
    %reduce_or3A_158 = vector.broadcast %reduce_or3A_156 : f32 to vector<2048x128xf32>
    %reduce_or3A_159 = vector.broadcast %reduce_or3A_157 : f32 to vector<2048x128xf32>
    %reduce_or3A_160 = arith.select %eq3A_155, %reduce_or3A_158, %reduce_or3A_159 : vector<2048x128xi1>, vector<2048x128xf32>
    %reduce_or3A_161 = arith.constant dense<0xFF800000> : vector<2048xf32>
    %reduce_or3A_162 = vector.multi_reduction <maximumf>, %reduce_or3A_160, %reduce_or3A_161 [1] : vector<2048x128xf32> to vector<2048xf32>
    %reduce_or3A_163 = arith.constant 0.000000e+00 : f32
    %reduce_or3A_164 = vector.broadcast %reduce_or3A_163 : f32 to vector<2048xf32>
    %reduce_or3A_165 = arith.cmpf ogt, %reduce_or3A_162, %reduce_or3A_164 : vector<2048xf32>
    %broadcast_in_dim3A_166 = vector.shape_cast %reduce_or3A_165 : vector<2048xi1> to vector<2048x1xi1>
    %or3A_167 = arith.ori %or3A_147, %broadcast_in_dim3A_166 : vector<2048x1xi1>
    %broadcast_in_dim3A_168 = vector.shape_cast %or3A_167 : vector<2048x1xi1> to vector<2048x1xi1>
    %broadcast_in_dim3A_169 = vector.broadcast %broadcast_in_dim3A_168 : vector<2048x1xi1> to vector<2048x128xi1>
    %select_n3A = arith.select %broadcast_in_dim3A_169, %dot_general3A_10, %dot_general3A_5 : vector<2048x128xi1>, vector<2048x128xf32>
    %get3A_170 = arith.constant 0 : index
    %get3A_171 = arith.constant 0 : index
    %get3A_172 = vector.load %arg5[%get3A_170, %get3A_171] : memref<1x128xf32, #tpu.memory_space<vmem>>, vector<1x128xf32>
    %add3A_173 = vector.broadcast %get3A_172 : vector<1x128xf32> to vector<2048x128xf32>
    %add3A_174 = arith.addf %select_n3A, %add3A_173 : vector<2048x128xf32>
    %swap3A = arith.constant 0 : index
    %swap3A_175 = arith.constant 0 : index
    %swap3A_176 = vector.load %arg6[%swap3A, %swap3A_175] : memref<2048x128xf32, #tpu.memory_space<vmem>>, vector<2048x128xf32>
    tpu.vector_store %arg6[%swap3A, %swap3A_175], %add3A_174 {strides = array<i32>} : memref<2048x128xf32, #tpu.memory_space<vmem>>, vector<2048x128xf32>,
    return
  }
  func.func @transform_0(%arg0: i32) -> (i32, i32) {
    %c0_i32 = arith.constant 0 : i32
    %c0_i32_0 = arith.constant 0 : i32
    return %arg0, %c0_i32 : i32, i32
  }
  func.func @transform_1(%arg0: i32) -> (i32, i32) {
    %c0_i32 = arith.constant 0 : i32
    %c0_i32_0 = arith.constant 0 : i32
    %c0_i32_1 = arith.constant 0 : i32
    return %c0_i32, %c0_i32_0 : i32, i32
  }
  func.func @transform_2(%arg0: i32) -> (i32, i32) {
    %c0_i32 = arith.constant 0 : i32
    %c0_i32_0 = arith.constant 0 : i32
    %c0_i32_1 = arith.constant 0 : i32
    return %c0_i32, %c0_i32_0 : i32, i32
  }
  func.func @transform_3(%arg0: i32) -> (i32, i32) {
    %c0_i32 = arith.constant 0 : i32
    %c0_i32_0 = arith.constant 0 : i32
    %c0_i32_1 = arith.constant 0 : i32
    return %c0_i32, %c0_i32_0 : i32, i32
  }
  func.func @transform_4(%arg0: i32) -> (i32, i32) {
    %c0_i32 = arith.constant 0 : i32
    %c0_i32_0 = arith.constant 0 : i32
    %c0_i32_1 = arith.constant 0 : i32
    return %c0_i32, %c0_i32_0 : i32, i32
  }
  func.func @transform_5(%arg0: i32) -> (i32, i32) {
    %c0_i32 = arith.constant 0 : i32
    %c0_i32_0 = arith.constant 0 : i32
    return %arg0, %c0_i32 : i32, i32
  }
}

module attributes {stable_mosaic.version = 14 : i64} {
  func.func @_post_body(%arg0: i32, %arg1: memref<2048x128xf32, #tpu.memory_space<vmem>>, %arg2: memref<2x2048x128xf32, #tpu.memory_space<vmem>>, %arg3: memref<32x2048xf32, #tpu.memory_space<vmem>>, %arg4: memref<128x128xf32, #tpu.memory_space<vmem>>, %arg5: memref<2048x128xf32, #tpu.memory_space<vmem>>) attributes {dimension_semantics = [#tpu.dimension_semantics<arbitrary>], iteration_bounds = array<i64: 5>, scalar_prefetch = 0 : i64, scratch_operands = 0 : i64, tpu.core_type = #tpu.core_type<tc>, window_params = [{transform_indices = @transform_0, window_bounds = array<i64: 2048, 128>}, {transform_indices = @transform_1, window_bounds = array<i64: 2, 2048, 128>}, {transform_indices = @transform_2, window_bounds = array<i64: 32, 2048>}, {pipeline_mode = #tpu.pipeline_mode<synchronous>, transform_indices = @transform_3, window_bounds = array<i64: 128, 128>}, {transform_indices = @transform_4, window_bounds = array<i64: 2048, 128>}]} {
    %get3A = arith.constant 0 : index
    %get3A_0 = arith.constant 0 : index
    %get3A_1 = arith.constant 0 : index
    %get3A_2 = vector.load %arg2[%get3A, %get3A_0, %get3A_1] : memref<2x2048x128xf32, #tpu.memory_space<vmem>>, vector<1x2048x128xf32>
    %get3A_3 = vector.shape_cast %get3A_2 : vector<1x2048x128xf32> to vector<2048x128xf32>
    %get3A_4 = arith.constant 1 : index
    %get3A_5 = arith.constant 0 : index
    %get3A_6 = arith.constant 0 : index
    %get3A_7 = vector.load %arg2[%get3A_4, %get3A_5, %get3A_6] : memref<2x2048x128xf32, #tpu.memory_space<vmem>>, vector<1x2048x128xf32>
    %get3A_8 = vector.shape_cast %get3A_7 : vector<1x2048x128xf32> to vector<2048x128xf32>
    %add3A = arith.addf %get3A_3, %get3A_8 : vector<2048x128xf32>
    %get3A_9 = arith.constant 0 : index
    %get3A_10 = arith.constant 0 : index
    %get3A_11 = vector.load %arg3[%get3A_9, %get3A_10] : memref<32x2048xf32, #tpu.memory_space<vmem>>, vector<32x2048xf32>
    %broadcast_in_dim3A = arith.constant 1.000000e+00 : f32
    %broadcast_in_dim3A_12 = vector.broadcast %broadcast_in_dim3A : f32 to vector<32x1xf32>
    %dot_general3A = arith.constant dense<0.000000e+00> : vector<2048x1xf32>
    %dot_general3A_13 = tpu.matmul %get3A_11, %broadcast_in_dim3A_12, %dot_general3A {dimension_numbers = #tpu.dot_dimension_numbers<[0], [0], [1], [1], [0, 1, 1, 1], [], []>, transpose_lhs_hint = false} : vector<32x2048xf32>, vector<32x1xf32>, vector<2048x1xf32> -> vector<2048x1xf32>
    %max3A = arith.constant 1.000000e+00 : f32
    %max3A_14 = vector.broadcast %max3A : f32 to vector<2048x1xf32>
    %max3A_15 = arith.maximumf %dot_general3A_13, %max3A_14 : vector<2048x1xf32>
    %div3A = vector.broadcast %max3A_15 : vector<2048x1xf32> to vector<2048x128xf32>
    %div3A_16 = arith.divf %add3A, %div3A : vector<2048x128xf32>
    %get3A_17 = arith.constant 0 : index
    %get3A_18 = arith.constant 0 : index
    %get3A_19 = vector.load %arg4[%get3A_17, %get3A_18] : memref<128x128xf32, #tpu.memory_space<vmem>>, vector<128x128xf32>
    %dot_general3A_20 = arith.constant dense<0.000000e+00> : vector<2048x128xf32>
    %dot_general3A_21 = tpu.matmul %div3A_16, %get3A_19, %dot_general3A_20 {dimension_numbers = #tpu.dot_dimension_numbers<[1], [0], [0], [1], [0, 0, 1, 1], [], []>, transpose_lhs_hint = false} : vector<2048x128xf32>, vector<128x128xf32>, vector<2048x128xf32> -> vector<2048x128xf32>
    %get3A_22 = arith.constant 0 : index
    %get3A_23 = arith.constant 0 : index
    %get3A_24 = vector.load %arg1[%get3A_22, %get3A_23] : memref<2048x128xf32, #tpu.memory_space<vmem>>, vector<2048x128xf32>
    %add3A_25 = arith.addf %get3A_24, %dot_general3A_21 : vector<2048x128xf32>
    %max3A_26 = arith.constant 0.000000e+00 : f32
    %max3A_27 = vector.broadcast %max3A_26 : f32 to vector<2048x128xf32>
    %max3A_28 = arith.maximumf %add3A_25, %max3A_27 : vector<2048x128xf32>
    %swap3A = arith.constant 0 : index
    %swap3A_29 = arith.constant 0 : index
    %swap3A_30 = vector.load %arg5[%swap3A, %swap3A_29] : memref<2048x128xf32, #tpu.memory_space<vmem>>, vector<2048x128xf32>
    tpu.vector_store %arg5[%swap3A, %swap3A_29], %max3A_28 {strides = array<i32>} : memref<2048x128xf32, #tpu.memory_space<vmem>>, vector<2048x128xf32>,
    return
  }
  func.func @transform_0(%arg0: i32) -> (i32, i32) {
    %c0_i32 = arith.constant 0 : i32
    %c0_i32_0 = arith.constant 0 : i32
    return %arg0, %c0_i32 : i32, i32
  }
  func.func @transform_1(%arg0: i32) -> (i32, i32, i32) {
    %c0_i32 = arith.constant 0 : i32
    %c0_i32_0 = arith.constant 0 : i32
    %c0_i32_1 = arith.constant 0 : i32
    return %c0_i32, %arg0, %c0_i32_0 : i32, i32, i32
  }
  func.func @transform_2(%arg0: i32) -> (i32, i32) {
    %c0_i32 = arith.constant 0 : i32
    %c0_i32_0 = arith.constant 0 : i32
    return %c0_i32, %arg0 : i32, i32
  }
  func.func @transform_3(%arg0: i32) -> (i32, i32) {
    %c0_i32 = arith.constant 0 : i32
    %c0_i32_0 = arith.constant 0 : i32
    %c0_i32_1 = arith.constant 0 : i32
    return %c0_i32, %c0_i32_0 : i32, i32
  }
  func.func @transform_4(%arg0: i32) -> (i32, i32) {
    %c0_i32 = arith.constant 0 : i32
    %c0_i32_0 = arith.constant 0 : i32
    return %arg0, %c0_i32 : i32, i32
  }
}

module attributes {stable_mosaic.version = 14 : i64} {
  func.func @_post_mlp_body(%arg0: i32, %arg1: memref<2048x128xf32, #tpu.memory_space<vmem>>, %arg2: memref<2x2048x128xf32, #tpu.memory_space<vmem>>, %arg3: memref<32x2048xf32, #tpu.memory_space<vmem>>, %arg4: memref<128x128xf32, #tpu.memory_space<vmem>>, %arg5: memref<128x256xf32, #tpu.memory_space<vmem>>, %arg6: memref<1x256xf32, #tpu.memory_space<vmem>>, %arg7: memref<256x128xf32, #tpu.memory_space<vmem>>, %arg8: memref<1x128xf32, #tpu.memory_space<vmem>>, %arg9: memref<2048x128xf32, #tpu.memory_space<vmem>>) attributes {dimension_semantics = [#tpu.dimension_semantics<arbitrary>], iteration_bounds = array<i64: 5>, scalar_prefetch = 0 : i64, scratch_operands = 0 : i64, tpu.core_type = #tpu.core_type<tc>, window_params = [{transform_indices = @transform_0, window_bounds = array<i64: 2048, 128>}, {transform_indices = @transform_1, window_bounds = array<i64: 2, 2048, 128>}, {transform_indices = @transform_2, window_bounds = array<i64: 32, 2048>}, {pipeline_mode = #tpu.pipeline_mode<synchronous>, transform_indices = @transform_3, window_bounds = array<i64: 128, 128>}, {pipeline_mode = #tpu.pipeline_mode<synchronous>, transform_indices = @transform_4, window_bounds = array<i64: 128, 256>}, {pipeline_mode = #tpu.pipeline_mode<synchronous>, transform_indices = @transform_5, window_bounds = array<i64: 1, 256>}, {pipeline_mode = #tpu.pipeline_mode<synchronous>, transform_indices = @transform_6, window_bounds = array<i64: 256, 128>}, {pipeline_mode = #tpu.pipeline_mode<synchronous>, transform_indices = @transform_7, window_bounds = array<i64: 1, 128>}, {transform_indices = @transform_8, window_bounds = array<i64: 2048, 128>}]} {
    %get3A = arith.constant 0 : index
    %get3A_0 = arith.constant 0 : index
    %get3A_1 = arith.constant 0 : index
    %get3A_2 = vector.load %arg2[%get3A, %get3A_0, %get3A_1] : memref<2x2048x128xf32, #tpu.memory_space<vmem>>, vector<1x2048x128xf32>
    %get3A_3 = vector.shape_cast %get3A_2 : vector<1x2048x128xf32> to vector<2048x128xf32>
    %get3A_4 = arith.constant 1 : index
    %get3A_5 = arith.constant 0 : index
    %get3A_6 = arith.constant 0 : index
    %get3A_7 = vector.load %arg2[%get3A_4, %get3A_5, %get3A_6] : memref<2x2048x128xf32, #tpu.memory_space<vmem>>, vector<1x2048x128xf32>
    %get3A_8 = vector.shape_cast %get3A_7 : vector<1x2048x128xf32> to vector<2048x128xf32>
    %add3A = arith.addf %get3A_3, %get3A_8 : vector<2048x128xf32>
    %get3A_9 = arith.constant 0 : index
    %get3A_10 = arith.constant 0 : index
    %get3A_11 = vector.load %arg3[%get3A_9, %get3A_10] : memref<32x2048xf32, #tpu.memory_space<vmem>>, vector<32x2048xf32>
    %broadcast_in_dim3A = arith.constant 1.000000e+00 : f32
    %broadcast_in_dim3A_12 = vector.broadcast %broadcast_in_dim3A : f32 to vector<32x1xf32>
    %dot_general3A = arith.constant dense<0.000000e+00> : vector<2048x1xf32>
    %dot_general3A_13 = tpu.matmul %get3A_11, %broadcast_in_dim3A_12, %dot_general3A {dimension_numbers = #tpu.dot_dimension_numbers<[0], [0], [1], [1], [0, 1, 1, 1], [], []>, transpose_lhs_hint = false} : vector<32x2048xf32>, vector<32x1xf32>, vector<2048x1xf32> -> vector<2048x1xf32>
    %max3A = arith.constant 1.000000e+00 : f32
    %max3A_14 = vector.broadcast %max3A : f32 to vector<2048x1xf32>
    %max3A_15 = arith.maximumf %dot_general3A_13, %max3A_14 : vector<2048x1xf32>
    %div3A = vector.broadcast %max3A_15 : vector<2048x1xf32> to vector<2048x128xf32>
    %div3A_16 = arith.divf %add3A, %div3A : vector<2048x128xf32>
    %get3A_17 = arith.constant 0 : index
    %get3A_18 = arith.constant 0 : index
    %get3A_19 = vector.load %arg4[%get3A_17, %get3A_18] : memref<128x128xf32, #tpu.memory_space<vmem>>, vector<128x128xf32>
    %dot_general3A_20 = arith.constant dense<0.000000e+00> : vector<2048x128xf32>
    %dot_general3A_21 = tpu.matmul %div3A_16, %get3A_19, %dot_general3A_20 {dimension_numbers = #tpu.dot_dimension_numbers<[1], [0], [0], [1], [0, 0, 1, 1], [], []>, transpose_lhs_hint = false} : vector<2048x128xf32>, vector<128x128xf32>, vector<2048x128xf32> -> vector<2048x128xf32>
    %get3A_22 = arith.constant 0 : index
    %get3A_23 = arith.constant 0 : index
    %get3A_24 = vector.load %arg1[%get3A_22, %get3A_23] : memref<2048x128xf32, #tpu.memory_space<vmem>>, vector<2048x128xf32>
    %add3A_25 = arith.addf %get3A_24, %dot_general3A_21 : vector<2048x128xf32>
    %max3A_26 = arith.constant 0.000000e+00 : f32
    %max3A_27 = vector.broadcast %max3A_26 : f32 to vector<2048x128xf32>
    %max3A_28 = arith.maximumf %add3A_25, %max3A_27 : vector<2048x128xf32>
    %get3A_29 = arith.constant 0 : index
    %get3A_30 = arith.constant 0 : index
    %get3A_31 = vector.load %arg5[%get3A_29, %get3A_30] : memref<128x256xf32, #tpu.memory_space<vmem>>, vector<128x256xf32>
    %dot_general3A_32 = arith.constant dense<0.000000e+00> : vector<2048x256xf32>
    %dot_general3A_33 = tpu.matmul %max3A_28, %get3A_31, %dot_general3A_32 {dimension_numbers = #tpu.dot_dimension_numbers<[1], [0], [0], [1], [0, 0, 1, 1], [], []>, transpose_lhs_hint = false} : vector<2048x128xf32>, vector<128x256xf32>, vector<2048x256xf32> -> vector<2048x256xf32>
    %get3A_34 = arith.constant 0 : index
    %get3A_35 = arith.constant 0 : index
    %get3A_36 = vector.load %arg6[%get3A_34, %get3A_35] : memref<1x256xf32, #tpu.memory_space<vmem>>, vector<1x256xf32>
    %add3A_37 = vector.broadcast %get3A_36 : vector<1x256xf32> to vector<2048x256xf32>
    %add3A_38 = arith.addf %dot_general3A_33, %add3A_37 : vector<2048x256xf32>
    %max3A_39 = arith.constant 0.000000e+00 : f32
    %max3A_40 = vector.broadcast %max3A_39 : f32 to vector<2048x256xf32>
    %max3A_41 = arith.maximumf %add3A_38, %max3A_40 : vector<2048x256xf32>
    %get3A_42 = arith.constant 0 : index
    %get3A_43 = arith.constant 0 : index
    %get3A_44 = vector.load %arg7[%get3A_42, %get3A_43] : memref<256x128xf32, #tpu.memory_space<vmem>>, vector<256x128xf32>
    %dot_general3A_45 = arith.constant dense<0.000000e+00> : vector<2048x128xf32>
    %dot_general3A_46 = tpu.matmul %max3A_41, %get3A_44, %dot_general3A_45 {dimension_numbers = #tpu.dot_dimension_numbers<[1], [0], [0], [1], [0, 0, 1, 1], [], []>, transpose_lhs_hint = false} : vector<2048x256xf32>, vector<256x128xf32>, vector<2048x128xf32> -> vector<2048x128xf32>
    %get3A_47 = arith.constant 0 : index
    %get3A_48 = arith.constant 0 : index
    %get3A_49 = vector.load %arg8[%get3A_47, %get3A_48] : memref<1x128xf32, #tpu.memory_space<vmem>>, vector<1x128xf32>
    %add3A_50 = vector.broadcast %get3A_49 : vector<1x128xf32> to vector<2048x128xf32>
    %add3A_51 = arith.addf %dot_general3A_46, %add3A_50 : vector<2048x128xf32>
    %swap3A = arith.constant 0 : index
    %swap3A_52 = arith.constant 0 : index
    %swap3A_53 = vector.load %arg9[%swap3A, %swap3A_52] : memref<2048x128xf32, #tpu.memory_space<vmem>>, vector<2048x128xf32>
    tpu.vector_store %arg9[%swap3A, %swap3A_52], %add3A_51 {strides = array<i32>} : memref<2048x128xf32, #tpu.memory_space<vmem>>, vector<2048x128xf32>,
    return
  }
  func.func @transform_0(%arg0: i32) -> (i32, i32) {
    %c0_i32 = arith.constant 0 : i32
    %c0_i32_0 = arith.constant 0 : i32
    return %arg0, %c0_i32 : i32, i32
  }
  func.func @transform_1(%arg0: i32) -> (i32, i32, i32) {
    %c0_i32 = arith.constant 0 : i32
    %c0_i32_0 = arith.constant 0 : i32
    %c0_i32_1 = arith.constant 0 : i32
    return %c0_i32, %arg0, %c0_i32_0 : i32, i32, i32
  }
  func.func @transform_2(%arg0: i32) -> (i32, i32) {
    %c0_i32 = arith.constant 0 : i32
    %c0_i32_0 = arith.constant 0 : i32
    return %c0_i32, %arg0 : i32, i32
  }
  func.func @transform_3(%arg0: i32) -> (i32, i32) {
    %c0_i32 = arith.constant 0 : i32
    %c0_i32_0 = arith.constant 0 : i32
    %c0_i32_1 = arith.constant 0 : i32
    return %c0_i32, %c0_i32_0 : i32, i32
  }
  func.func @transform_4(%arg0: i32) -> (i32, i32) {
    %c0_i32 = arith.constant 0 : i32
    %c0_i32_0 = arith.constant 0 : i32
    %c0_i32_1 = arith.constant 0 : i32
    return %c0_i32, %c0_i32_0 : i32, i32
  }
  func.func @transform_5(%arg0: i32) -> (i32, i32) {
    %c0_i32 = arith.constant 0 : i32
    %c0_i32_0 = arith.constant 0 : i32
    %c0_i32_1 = arith.constant 0 : i32
    return %c0_i32, %c0_i32_0 : i32, i32
  }
  func.func @transform_6(%arg0: i32) -> (i32, i32) {
    %c0_i32 = arith.constant 0 : i32
    %c0_i32_0 = arith.constant 0 : i32
    %c0_i32_1 = arith.constant 0 : i32
    return %c0_i32, %c0_i32_0 : i32, i32
  }
  func.func @transform_7(%arg0: i32) -> (i32, i32) {
    %c0_i32 = arith.constant 0 : i32
    %c0_i32_0 = arith.constant 0 : i32
    %c0_i32_1 = arith.constant 0 : i32
    return %c0_i32, %c0_i32_0 : i32, i32
  }
  func.func @transform_8(%arg0: i32) -> (i32, i32) {
    %c0_i32 = arith.constant 0 : i32
    %c0_i32_0 = arith.constant 0 : i32
    return %arg0, %c0_i32 : i32, i32
  }
}

</mosaic_0001>

<sc_bundles>
// kernel: kernel.11.cloned.1.call-start
scs
__scs_entry_jumppad:
0x0: {  	(pc) =	sbr.rel $0x88, $3  }
0x1: {  	(tag) =	ssettag $0x0;
	lr =	simm.s32 $0x1  }
0x2: {  	[smem:$0x3F92] =	sst lr;
	_ =	strace $0xD0000000  }
0x3: {  	_ = 	snop  }
0x4: {  	_ = 	snop  }
0x5: {  	_ = 	snop  }
0x6: {  	_ = 	snop  }
0x7: {  	_ = 	snop  }
__scs_overlays_trampoline_lowered:
0x8: {  	[smem:$0x3FA1] =	sst s0  }
0x9: {  	[smem:$0x3FA2] =	sst s1  }
0xa: {  	[smem:$0x3FA3] =	sst s2  }
0xb: {  	[smem:$0x3FA4] =	sst s3  }
0xc: {  	[smem:$0x3FA5] =	sst s4  }
0xd: {  	[smem:$0x3FA6] =	sst s5  }
0xe: {  	[smem:$0x3FA7] =	sst s6  }
0xf: {  	[smem:$0x3FA8] =	sst s7  }
0x10: {  	[smem:$0x3FA9] =	sst s8  }
0x11: {  	[smem:$0x3FAA] =	sst s9;
	s0 =	simm.s32 @!p0 $0x0  }
0x12: {  	s1 =	sld [smem:$0x3F90];
	s0 =	simm.s32 @p0 $0x1  }
0x13: {  	[smem:$0x3FAB] =	sst s0;
	s0 =	simm.s32 @!p1 $0x0  }
0x14: {  	s2 =	sld [smem:$0x3F8F];
	s0 =	simm.s32 @p1 $0x1  }
0x15: {  	[smem:$0x3FAC] =	sst s0;
	s0 =	simm.s32 @!p2 $0x0  }
0x16: {  	s3 =	sld [smem:$0x3FDB];
	s0 =	simm.s32 @p2 $0x1  }
0x17: {  	s4 =	simm.s32 $0x1BF5;
	[smem:$0x3FAE] =	sst s0  }
0x18: {  	s0 =	sld [smem:$0x3F91];
	_ =	swait.ge [sflag:s4], $0x0  }
0x19: {  	s7 =	sld [smem:$0x3F92]  }
0x1a: {  	s8 =	sadd.s32 $0xFFFFE003, lr  }
0x1b: {  	s9 =	sadd.s32 $0xFFFFFEF7, lr;
	s5 =	simm.s32 $0xFFFFFFFF;
	p2 =	slt.u32 s8, $0xFFFFF086  }
0x1c: {  	p1 =	slt.u32 s9, $0xF7A;
	s5 =	simm.s32 @!p2 $0x0  }
0x1d: {  	s5 =	simm.s32 @p1 $0x1;
	p0 =	seq.s32 s7, s2  }
0x1e: {  	s7 =	smul.u32 @!p0 $0xF7A, s2;
	p2 =	seq.s32 @!p0 s5, $0x0  }
0x1f: {  	s9 =	smul.u32 $0xF7A, s1;
	s8 =	simm.s32 @!p0 $0x1BF5;
	p2 =	por !p2, p0  }
0x20: {  	[sflag:s8] =	ssyncset.s32 @!p0 $0xFFFFF086;
	s6 =	sadd.s32 @!p0 s3, s7;
	s7 =	simm.s32 @!p0 $0x108  }
0x21: {  	s3 =	sadd.s32 s3, s9;
	s6 =	sadd.s32 @!p0 $0x88, s6;
	s7 =	simm.s32 @p2 $0x1082  }
0x22: {  	[simem:s7], [sflag:s8] =	dma.local @!p0 [hbm:s6], $0xF7A  }
0x23: {  	s9 =	sor.u32 $0xD0000000, s2;
	s6 =	simm.s32 $0x108;
	_ =	swait.ge @!p0 [sflag:s8], $0x0  }
0x24: {  	s3 =	sadd.s32 $0x88, s3;
	s6 =	simm.s32 @!p1 $0x1082;
	[sflag:s4] =	ssyncset.s32 $0xFFFFF086  }
0x25: {  	[simem:s6], [sflag:s4] =	dma.local [hbm:s3], $0xF7A  }
0x26: {  	[smem:$0x3F92] =	sst s1;
	(tag) =	ssettag s2;
	_ =	strace s9  }
0x27: {  	s1 =	sld [smem:$0x3FA2]  }
0x28: {  	s2 =	sld [smem:$0x3FA3]  }
0x29: {  	s4 =	sld [smem:$0x3FA5]  }
0x2a: {  	p0 =	seq.s32 s5, $0x0;
	s5 =	sld [smem:$0x3FA6]  }
0x2b: {  	s6 =	sld [smem:$0x3FA7]  }
0x2c: {  	s7 =	sld [smem:$0x3FA8]  }
0x2d: {  	s3 =	simm.s32 $0x108;
	s8 =	sld [smem:$0x3FA9]  }
0x2e: {  	s3 =	simm.s32 @!p0 $0x1082;
	s9 =	sld [smem:$0x3FAA]  }
0x2f: {  	lr =	sadd.s32 s0, s3;
	s0 =	sld [smem:$0x3FA1]  }
0x30: {  	s3 =	sld [smem:$0x3FA4]  }
0x31: {  	[smem:$0x3FAD] =	sst s10  }
0x32: {  	s10 =	sld [smem:$0x3FAB];
	_ =	sdelay $0x3  }
0x33: {  	p0 =	seq.s32 s10, $0x1;
	s10 =	sld [smem:$0x3FAD];
	_ =	sdelay $0x3  }
0x34: {  	[smem:$0x3FAD] =	sst s10  }
0x35: {  	s10 =	sld [smem:$0x3FAC];
	_ =	sdelay $0x3  }
0x36: {  	p1 =	seq.s32 s10, $0x1;
	s10 =	sld [smem:$0x3FAD];
	_ =	sdelay $0x3  }
0x37: {  	[smem:$0x3FAD] =	sst s10  }
0x38: {  	s10 =	sld [smem:$0x3FAE]  }
0x39: {  	_ = 	snop;
	(pc) =	sbr.ind lr, $3  }
0x3a: {  	_ = 	snop  }
0x3b: {  	_ = 	snop  }
0x3c: {  	p2 =	seq.s32 s10, $0x1;
	s10 =	sld [smem:$0x3FAD]  }
0x3d: {  	_ =	shalt  }
0x3e: {  	_ =	shalt  }
0x3f: {  	_ =	shalt  }
0x40: {  	_ =	shalt  }
0x41: {  	_ =	shalt  }
0x42: {  	_ =	shalt  }
0x43: {  	_ =	shalt  }
0x44: {  	_ =	shalt  }
0x45: {  	_ =	shalt  }
0x46: {  	_ =	shalt  }
0x47: {  	_ =	shalt  }
0x48: {  	_ =	shalt  }
0x49: {  	_ =	shalt  }
0x4a: {  	_ =	shalt  }
0x4b: {  	_ =	shalt  }
0x4c: {  	_ =	shalt  }
0x4d: {  	_ =	shalt  }
0x4e: {  	_ =	shalt  }
0x4f: {  	_ =	shalt  }
0x50: {  	_ =	shalt  }
0x51: {  	_ =	shalt  }
0x52: {  	_ =	shalt  }
0x53: {  	_ =	shalt  }
0x54: {  	_ =	shalt  }
0x55: {  	_ =	shalt  }
0x56: {  	_ =	shalt  }
0x57: {  	_ =	shalt  }
0x58: {  	_ =	shalt  }
0x59: {  	_ =	shalt  }
0x5a: {  	_ =	shalt  }
0x5b: {  	_ =	shalt  }
0x5c: {  	_ =	shalt  }
0x5d: {  	_ =	shalt  }
0x5e: {  	_ =	shalt  }
0x5f: {  	_ =	shalt  }
0x60: {  	_ =	shalt  }
0x61: {  	_ =	shalt  }
0x62: {  	_ =	shalt  }
0x63: {  	_ =	shalt  }
0x64: {  	_ =	shalt  }
0x65: {  	_ =	shalt  }
0x66: {  	_ =	shalt  }
0x67: {  	_ =	shalt  }
0x68: {  	_ =	shalt  }
0x69: {  	_ =	shalt  }
0x6a: {  	_ =	shalt  }
0x6b: {  	_ =	shalt  }
0x6c: {  	_ =	shalt  }
0x6d: {  	_ =	shalt  }
0x6e: {  	_ =	shalt  }
0x6f: {  	_ =	shalt  }
0x70: {  	_ =	shalt  }
0x71: {  	_ =	shalt  }
0x72: {  	_ =	shalt  }
0x73: {  	_ =	shalt  }
0x74: {  	_ =	shalt  }
0x75: {  	_ =	shalt  }
0x76: {  	_ =	shalt  }
0x77: {  	_ =	shalt  }
0x78: {  	_ =	shalt  }
0x79: {  	_ =	shalt  }
0x7a: {  	_ =	shalt  }
0x7b: {  	_ =	shalt  }
0x7c: {  	_ =	shalt  }
0x7d: {  	_ =	shalt  }
0x7e: {  	_ =	shalt  }
0x7f: {  	_ =	shalt  }
0x80: {  	_ =	shalt  }
0x81: {  	_ =	shalt  }
0x82: {  	_ =	shalt  }
0x83: {  	_ =	shalt  }
0x84: {  	_ =	shalt  }
0x85: {  	_ =	shalt  }
0x86: {  	_ =	shalt  }
0x87: {  	_ =	shalt  }
.Lfunc_end0:
.L_simem_size_0:
called_computation.1_lowered:
.L_overlay_start_0:
0x88: {  	s2 =	sld [smem:$0x3FD9]  }
0x89: {  	s3 =	sld [smem:$0x3FFE];
	_ =	sdelay $0x1  }
0x8a: {  	s1 =	srdreg.scid  }
0x8b: {  	s0 =	sand.u32 $0x1, s1  }
0x8c: {  	s16 =	sshll.u32 s0, $0xA;
	s2 =	sadd.s32 s3, s2  }
0x8d: {  	s2 =	sadd.s32 s2, s16  }
0x8e: {  	[smem:$0x3FB9] =	sst s2  }
0x8f: {  	_ = 	snop  }
0x90: {  	(tm) =	ssettm $0x1  }
0x91: {  	s17 =	sld [smem:$0x3FFB];
	_ =	sdelay $0x3  }
0x92: {  	_ =	strace s17  }
0x93: {  	s2 =	sld [smem:$0x3FFC];
	_ =	sdelay $0x3  }
0x94: {  	_ =	strace s2  }
0x95: {  	s2 =	sld [smem:$0x3FFD];
	_ =	sdelay $0x3  }
0x96: {  	_ =	strace s2  }
0x97: {  	_ =	strace $0x8FFFFFFF  }
0x98: {  	s18 =	sld [smem:$0x3FDB];
	_ =	sdelay $0x1  }
0x99: {  	s19 =	simm.s32 $_scs_section_size  }
0x9a: {  	s4 =	simm.s32 $_size__tile_overlayer_lowered;
	s5 =	simm.s32 $_tile_overlayer_lowered  }
0x9b: {  	s22 =	simm.s32 $0x1BFF;
	s21 =	sshll.u32 s5, $0x1;
	s2 =	sadd.s32 s19, s18  }
0x9c: {  	s6 =	simm.s32 $0x0;
	s20 =	sshll.u32 s4, $0x1;
	s4 =	sadd.s32 s21, s2  }
0x9d: {  	[timem:s6], [sflag:s22] =	dma.local [hbm:s4], s20  }
0x9e: {  	_ =	swait.ge [sflag:s22], s20  }
0x9f: {  	s3 =	ssub.s32 $0x0, s20;
	[sflag:s22] =	ssyncset.done $0x0  }
0xa0: {  	[sflag:s22] =	ssyncadd.s32 s3;
	_ =	sdelay $0x1  }
0xa1: {  	s23 =	simm.s32 $0x1B8B  }
0xa2: {  	_ =	swait.ge [sflag:s23], $0x1  }
0xa3: {  	[sflag:s23] =	ssyncset.done $0x0  }
0xa4: {  	s25 =	simm.s32 $0x1B8E;
	s24 =	sld [smem:$0x3FFE];
	[sflag:s23] =	ssyncadd.s32 $0xFFFFFFFF  }
0xa5: {  	s26 =	simm.s32 $execute0_lowered;
	[smem:$0x3FD2] =	sst s25  }
0xa6: {  	s4 =	sshll.u32 s26, $0x1;
	_ =	strace $0x80000049;
	[dreg:$0x1] =	wrdreg $0xFFFFFFFF  }
0xa7: {  	s28 =	simm.s32 $_size_execute0_lowered;
	s2 =	sadd.s32 s2, s4;
	[dreg:$0x0] =	wrdreg $0x0  }
0xa8: {  	s4 =	sshll.u32 s28, $0x1;
	[dreg:$0x2] =	wrdreg s2  }
0xa9: {  	[dreg:$0x3] =	wrdreg s4  }
0xaa: {  	[dreg:$0x4] =	wrdreg $0xC0  }
0xab: {  	_ =	task [dreg:s6], $0x5FFFF  }
0xac: {  	[dreg:$0x1] =	wrdreg $0xFFFFFFFF  }
0xad: {  	[dreg:$0x0] =	wrdreg $0x60  }
0xae: {  	[dreg:$0x2] =	wrdreg s24  }
0xaf: {  	[dreg:$0x3] =	wrdreg $0x90000  }
0xb0: {  	[dreg:$0x4] =	wrdreg $0x9  }
0xb1: {  	_ =	task.clear_ibuf [dreg:s6], $0x5FFFF;
	_ =	strace $0x90000049  }
0xb2: {  	s29 =	simm.s32 $0x9;
	_ =	strace $0x8000004B  }
0xb3: {  	_ =	swait.ge [sflag:s29], $0x1  }
0xb4: {  	[sflag:s29] =	ssyncadd.s32 $0xFFFFFFFF  }
0xb5: {  	_ =	strace $0x9000004B  }
0xb6: {  	_ =	sfence  }
0xb7: {  	s30 =	sld [smem:$0x0];
	_ =	sdelay $0x2  }
0xb8: {  	s31 =	sshll.u32 s1, $0xD;
	s1 =	sshrl.u32 s1, $0x2  }
0xb9: {  	s3 =	sand.u32 $0x4000, s31;
	s1 =	sadd.s32 s1, s30  }
0xba: {  	s0 =	sor.u32 s3, s0;
	s1 =	sshll.u32 s1, $0x11  }
0xbb: {  	s0 =	sor.u32 s1, s0  }
0xbc: {  	s0 =	sadd.s32 $0x8F2B, s0  }
0xbd: {  	[sflag:s0] =	ssyncadd.remote.s32 $0x1  }
0xbe: {  	_ =	sfence.sel $0xFFFF  }
0xbf: {  	[dreg:$0x0] =	wrdreg $0xFFFFFFFF;
	(pc) =	sbr.abs _section_cstart, $3  }
0xc0: {  	[dreg:$0x1] =	wrdreg $0xFFFFFFFF  }
0xc1: {  	_ =	task.clear_ibuf [dreg:s6], $0x2FFFF;
	_ =	strace $0x9FFFFFFF  }
0xc2: {  	(tm) =	ssettm $0x7FFFFFFF  }
0xc3: {  	_ =	shalt  }
tec
execute0_lowered:
.L_overlay_start_1:
0x0: {  	(tag) =	ssettag $0x1  }
0x1: {  	s5 =	rddreg [dreg:$0x0]  }
0x2: {  	s2 =	rddreg [dreg:$0x1];
	s3 =	simm.s32 $0x0  }
0x3: {  	s12 =	simm.s32 $0x80;
	[smem:$0x7FF] =	sst s3  }
0x4: {  	s14 =	simm.s32 $0x100;
	_ =	strace $0x8000004A;
	[dreg:$0x4] =	wrdreg s12  }
0x5: {  	s15 =	simm.s32 $0x480;
	[dreg:$0x5] =	wrdreg s14  }
0x6: {  	s17 =	simm.s32 $0x180;
	[dreg:$0x6] =	wrdreg s15  }
0x7: {  	s0 =	stileid.u32;
	s18 =	simm.s32 $0x500;
	[dreg:$0x7] =	wrdreg s17  }
0x8: {  	s1 =	srdreg.scid;
	s20 =	simm.s32 $0x200;
	[dreg:$0x8] =	wrdreg s18  }
0x9: {  	s21 =	simm.s32 $0x580;
	s22 =	simm.s32 $0x280;
	[dreg:$0x9] =	wrdreg s20  }
0xa: {  	s24 =	simm.s32 $0x600;
	s25 =	simm.s32 $0x300;
	[dreg:$0xa] =	wrdreg s21  }
0xb: {  	s26 =	simm.s32 $0x680;
	s28 =	simm.s32 $0x380;
	[dreg:$0xb] =	wrdreg s22  }
0xc: {  	s29 =	simm.s32 $0x700;
	s4 =	smul.u32 $0xA00, s0;
	[dreg:$0xc] =	wrdreg s24  }
0xd: {  	s30 =	simm.s32 $0x780;
	s6 =	smul.u32 $0x2800, s0;
	[dreg:$0xd] =	wrdreg s25  }
0xe: {  	s7 =	sand.u32 $0x1, s1;
	s16 =	smul.u32 $0x50000, s0;
	[dreg:$0xe] =	wrdreg s26  }
0xf: {  	s31 =	simm.s32 $0xB00;
	s8 =	smul.u32 $0x500, s7;
	[dreg:$0xf] =	wrdreg s28  }
0x10: {  	s23 =	sshll.u32 s0, $0x6;
	s10 =	smul.u32 $0x28000, s7;
	[dreg:$0x10] =	wrdreg s29  }
0x11: {  	s13 =	ssub.s32 $0x2, s7;
	[dreg:$0x11] =	wrdreg s30;
	s14 =	simm.s32 $0x900  }
0x12: {  	s15 =	simm.s32 $0xC80;
	s17 =	simm.s32 $0xD00;
	s18 =	simm.s32 $0xA00  }
0x13: {  	s20 =	simm.s32 $0xA80;
	s21 =	simm.s32 $0xE00;
	[dreg:$0x1b] =	wrdreg s31  }
0x14: {  	s22 =	simm.s32 $0xB80;
	s24 =	simm.s32 $0xF80;
	s25 =	simm.s32 $0x0  }
0x15: {  	s9 =	sadd.s32 s4, s5;
	s4 =	sadd.s32 $0x17400, s5;
	[dreg:$0x13] =	wrdreg s14  }
0x16: {  	s1 =	sadd.s32 s6, s5;
	s7 =	sshrl.u32 s13, $0x1;
	[dreg:$0x14] =	wrdreg s15  }
0x17: {  	s19 =	sshrl.u32 s16, $0x2;
	s14 =	simm.s32 $0x1;
	[dreg:$0x16] =	wrdreg s17  }
0x18: {  	s16 =	simm.s32 $0x980;
	s15 =	simm.s32 $0x1000;
	[dreg:$0x17] =	wrdreg s18  }
0x19: {  	s17 =	simm.s32 $0x2;
	s18 =	simm.s32 $0x4;
	[dreg:$0x19] =	wrdreg s20  }
0x1a: {  	s20 =	simm.s32 $0xC00;
	[dreg:$0x1a] =	wrdreg s21;
	s21 =	simm.s32 $0xE80  }
0x1b: {  	s8 =	sadd.s32 s8, s9;
	s6 =	sadd.s32 s6, s10;
	s11 =	ssub.s32 s13, s7  }
0x1c: {  	s12 =	sadd.s32 s19, s2;
	s13 =	simm.s32 $0x880;
	[dreg:$0x15] =	wrdreg s16  }
0x1d: {  	s16 =	simm.s32 $0x3;
	s19 =	simm.s32 $0xD80;
	s8 =	sadd.s32 $0x3400, s8  }
0x1e: {  	s10 =	sadd.s32 s6, s5;
	s5 =	sadd.s32 $0x3F400, s1;
	s6 =	sor.u32 $0x1C05, s23  }
0x1f: {  	s9 =	sshrl.u32 s12, $0x3;
	s12 =	simm.s32 $0x7D;
	[dreg:$0x12] =	wrdreg s13  }
0x20: {  	s13 =	simm.s32 $0x5000;
	[dreg:$0x18] =	wrdreg s19;
	s19 =	simm.s32 $0x800  }
0x21: {  	s23 =	simm.s32 $0xF00;
	[dreg:$0x3] =	wrdreg s8;
	s7 =	sadd.s32 $0x67400, s10  }
0x22: {  	s8 =	smax.u32 s11, $0x1;
	s10 =	simm.s32 $0x5;
	s11 =	simm.s32 $0x400  }
.LBB2_1:
0x23: {  	[spmem:s9], [sflag:s6] =	dma.local [hbm:s5], $0x2800  }
0x24: {  	_ =	swait.ge [sflag:s10], $0x2800  }
0x25: {  	[sflag:s10] =	ssyncset.done $0x0  }
0x26: {  	[sflag:s10] =	ssyncadd.s32 $0xFFFFD800  }
0x27: {  	[bflag:$0x0] =	sbarrier.arrive $0xFFFF  }
0x28: {  	s26 =	rddreg [dreg:$0x3]  }
0x29: {  	s26 =	sadd.s32 $0x0, s26  }
0x2a: {  	[tilespmem:s3], [sflag:$0x5] =	stream.linear.gather [hbm4b:s26+s3], $0x400, $0x38;
	[tilespmem:$0x1D000] =	vst v63  }
0x2b: {  	_ =	swait.ge [sflag:s10], $0x400  }
0x2c: {  	[sflag:s10] =	ssyncset.done $0x0  }
0x2d: {  	s28 =	sadd.s32 $0xA000, s26;
	[sflag:s10] =	ssyncadd.s32 $0xFFFFFC00  }
0x2e: {  	[tilespmem:s11], [sflag:$0x5] =	stream.linear.gather [hbm4b:s28+s3], $0x400, $0x38;
	[tilespmem:$0x1D000] =	vst v63  }
0x2f: {  	_ =	swait.ge [sflag:s10], $0x400  }
0x30: {  	p0 =	por $0x0, $0x0;
	[sflag:s10] =	ssyncset.done $0x0  }
0x31: {  	s28 =	simm.s32 @p0 $0x3;
	[sflag:s10] =	ssyncadd.s32 $0xFFFFFC00  }
0x32: {  	_ =	swait.ge @p0 [sflag:s28], $0x3E80  }
0x33: {  	s29 =	simm.s32 @p0 $0x1000;
	s30 =	simm.s32 @p0 $0x2;
	[sflag:s28] =	ssyncset.done @p0 $0x0  }
0x34: {  	s31 =	simm.s32 @p0 $0x0;
	[sflag:s28] =	ssyncadd.s32 @p0 $0xFFFFC180;
	s28 =	simm.s32 @p0 $0x7D  }
0x35: {  	[tilespmem:s29], [sflag:$0x1] =	stream.indirect.gather @p0 [hbm4b:s4+s28], $0x80, s31, s28, $0xb8;
	[tilespmem:$0x1D000] =	vst v63  }
0x36: {  	_ =	swait.ge @p0 [sflag:s30], $0x3E80  }
0x37: {  	s29 =	simm.s32 @p0 $0x4;
	[sflag:s30] =	ssyncset.done @p0 $0x0  }
0x38: {  	s31 =	simm.s32 @p0 $0x5000;
	[sflag:s30] =	ssyncadd.s32 @p0 $0xFFFFC180;
	s30 =	simm.s32 @p0 $0xF80  }
0x39: {  	[spmem:s2] =	stream.indirect.scatter.add.f32 @p0 [tilespmem:s31], [sflag:$0x4], $0x80, s30, s28, $0xb8;
	[tilespmem:$0x1D000] =	vst v63  }
0x3a: {  	_ =	swait.ge @p0 [sflag:s29], $0x3E80  }
0x3b: {  	s28 =	simm.s32 @!p0 $0x0;
	[sflag:s29] =	ssyncset.done @p0 $0x0  }
0x3c: {  	s30 =	simm.s32 @!p0 $0x1000;
	[sflag:s29] =	ssyncadd.s32 @p0 $0xFFFFC180;
	s29 =	simm.s32 @!p0 $0x7D  }
0x3d: {  	[tilespmem:s30], [sflag:$0x1] =	stream.indirect.gather @!p0 [hbm4b:s4+s29], $0x80, s28, s29, $0xb8;
	[tilespmem:$0x1D000] =	vst v63  }
0x3e: {  	s0 =	rddreg [dreg:$0x4]  }
0x3f: {  	[tilespmem:s13], [sflag:$0x2] =	stream.indirect.gather [hbm4b:s4+s12], $0x80, s0, s12, $0xb8;
	[tilespmem:$0x1D000] =	vst v63  }
0x40: {  	_ =	swait.ge [sflag:s14], $0x3E80  }
0x41: {  	[sflag:s14] =	ssyncset.done $0x0  }
0x42: {  	[sflag:s14] =	ssyncadd.s32 $0xFFFFC180  }
0x43: {  	[spmem:s2] =	stream.indirect.scatter.add.f32 [tilespmem:s15], [sflag:$0x3], $0x80, s11, s12, $0xb8;
	[tilespmem:$0x1D000] =	vst v63  }
0x44: {  	_ =	swait.ge [sflag:s16], $0x3E80  }
0x45: {  	[sflag:s16] =	ssyncset.done $0x0  }
0x46: {  	s28 =	rddreg [dreg:$0x5];
	[sflag:s16] =	ssyncadd.s32 $0xFFFFC180  }
0x47: {  	[tilespmem:s15], [sflag:$0x1] =	stream.indirect.gather [hbm4b:s4+s12], $0x80, s28, s12, $0xb8;
	[tilespmem:$0x1D000] =	vst v63  }
0x48: {  	_ =	swait.ge [sflag:s17], $0x3E80  }
0x49: {  	[sflag:s17] =	ssyncset.done $0x0  }
0x4a: {  	s28 =	rddreg [dreg:$0x6];
	[sflag:s17] =	ssyncadd.s32 $0xFFFFC180  }
0x4b: {  	[spmem:s2] =	stream.indirect.scatter.add.f32 [tilespmem:s13], [sflag:$0x4], $0x80, s28, s12, $0xb8;
	[tilespmem:$0x1D000] =	vst v63  }
0x4c: {  	_ =	swait.ge [sflag:s18], $0x3E80  }
0x4d: {  	[sflag:s18] =	ssyncset.done $0x0  }
0x4e: {  	s28 =	rddreg [dreg:$0x7];
	[sflag:s18] =	ssyncadd.s32 $0xFFFFC180  }
0x4f: {  	[tilespmem:s13], [sflag:$0x2] =	stream.indirect.gather [hbm4b:s4+s12], $0x80, s28, s12, $0xb8;
	[tilespmem:$0x1D000] =	vst v63  }
0x50: {  	_ =	swait.ge [sflag:s14], $0x3E80  }
0x51: {  	[sflag:s14] =	ssyncset.done $0x0  }
0x52: {  	s28 =	rddreg [dreg:$0x8];
	[sflag:s14] =	ssyncadd.s32 $0xFFFFC180  }
0x53: {  	[spmem:s2] =	stream.indirect.scatter.add.f32 [tilespmem:s15], [sflag:$0x3], $0x80, s28, s12, $0xb8;
	[tilespmem:$0x1D000] =	vst v63  }
0x54: {  	_ =	swait.ge [sflag:s16], $0x3E80  }
0x55: {  	[sflag:s16] =	ssyncset.done $0x0  }
0x56: {  	s28 =	rddreg [dreg:$0x9];
	[sflag:s16] =	ssyncadd.s32 $0xFFFFC180  }
0x57: {  	[tilespmem:s15], [sflag:$0x1] =	stream.indirect.gather [hbm4b:s4+s12], $0x80, s28, s12, $0xb8;
	[tilespmem:$0x1D000] =	vst v63  }
0x58: {  	_ =	swait.ge [sflag:s17], $0x3E80  }
0x59: {  	[sflag:s17] =	ssyncset.done $0x0  }
0x5a: {  	s28 =	rddreg [dreg:$0xa];
	[sflag:s17] =	ssyncadd.s32 $0xFFFFC180  }
0x5b: {  	[spmem:s2] =	stream.indirect.scatter.add.f32 [tilespmem:s13], [sflag:$0x4], $0x80, s28, s12, $0xb8;
	[tilespmem:$0x1D000] =	vst v63  }
0x5c: {  	_ =	swait.ge [sflag:s18], $0x3E80  }
0x5d: {  	[sflag:s18] =	ssyncset.done $0x0  }
0x5e: {  	s28 =	rddreg [dreg:$0xb];
	[sflag:s18] =	ssyncadd.s32 $0xFFFFC180  }
0x5f: {  	[tilespmem:s13], [sflag:$0x2] =	stream.indirect.gather [hbm4b:s4+s12], $0x80, s28, s12, $0xb8;
	[tilespmem:$0x1D000] =	vst v63  }
0x60: {  	_ =	swait.ge [sflag:s14], $0x3E80  }
0x61: {  	[sflag:s14] =	ssyncset.done $0x0  }
0x62: {  	s28 =	rddreg [dreg:$0xc];
	[sflag:s14] =	ssyncadd.s32 $0xFFFFC180  }
0x63: {  	[spmem:s2] =	stream.indirect.scatter.add.f32 [tilespmem:s15], [sflag:$0x3], $0x80, s28, s12, $0xb8;
	[tilespmem:$0x1D000] =	vst v63  }
0x64: {  	_ =	swait.ge [sflag:s16], $0x3E80  }
0x65: {  	[sflag:s16] =	ssyncset.done $0x0  }
0x66: {  	s28 =	rddreg [dreg:$0xd];
	[sflag:s16] =	ssyncadd.s32 $0xFFFFC180  }
0x67: {  	[tilespmem:s15], [sflag:$0x1] =	stream.indirect.gather [hbm4b:s4+s12], $0x80, s28, s12, $0xb8;
	[tilespmem:$0x1D000] =	vst v63  }
0x68: {  	_ =	swait.ge [sflag:s17], $0x3E80  }
0x69: {  	[sflag:s17] =	ssyncset.done $0x0  }
0x6a: {  	s28 =	rddreg [dreg:$0xe];
	[sflag:s17] =	ssyncadd.s32 $0xFFFFC180  }
0x6b: {  	[spmem:s2] =	stream.indirect.scatter.add.f32 [tilespmem:s13], [sflag:$0x4], $0x80, s28, s12, $0xb8;
	[tilespmem:$0x1D000] =	vst v63  }
0x6c: {  	_ =	swait.ge [sflag:s18], $0x3E80  }
0x6d: {  	[sflag:s18] =	ssyncset.done $0x0  }
0x6e: {  	s28 =	rddreg [dreg:$0xf];
	[sflag:s18] =	ssyncadd.s32 $0xFFFFC180  }
0x6f: {  	[tilespmem:s13], [sflag:$0x2] =	stream.indirect.gather [hbm4b:s4+s12], $0x80, s28, s12, $0xb8;
	[tilespmem:$0x1D000] =	vst v63  }
0x70: {  	_ =	swait.ge [sflag:s14], $0x3E80  }
0x71: {  	[sflag:s14] =	ssyncset.done $0x0  }
0x72: {  	s28 =	rddreg [dreg:$0x10];
	[sflag:s14] =	ssyncadd.s32 $0xFFFFC180  }
0x73: {  	[spmem:s2] =	stream.indirect.scatter.add.f32 [tilespmem:s15], [sflag:$0x3], $0x80, s28, s12, $0xb8;
	[tilespmem:$0x1D000] =	vst v63  }
0x74: {  	s28 =	sadd.s32 $0x80, s26  }
0x75: {  	[tilespmem:s19], [sflag:$0x5] =	stream.linear.gather [hbm4b:s28+s3], $0x400, $0x38;
	[tilespmem:$0x1D000] =	vst v63  }
0x76: {  	_ =	swait.ge [sflag:s10], $0x400  }
0x77: {  	[sflag:s10] =	ssyncset.done $0x0  }
0x78: {  	s26 =	sadd.s32 $0xA080, s26;
	[sflag:s10] =	ssyncadd.s32 $0xFFFFFC00  }
0x79: {  	[tilespmem:s20], [sflag:$0x5] =	stream.linear.gather [hbm4b:s26+s3], $0x400, $0x38;
	[tilespmem:$0x1D000] =	vst v63  }
0x7a: {  	_ =	swait.ge [sflag:s10], $0x400  }
0x7b: {  	[sflag:s10] =	ssyncset.done $0x0  }
0x7c: {  	[sflag:s10] =	ssyncadd.s32 $0xFFFFFC00  }
0x7d: {  	_ =	swait.ge [sflag:s16], $0x3E80  }
0x7e: {  	[sflag:s16] =	ssyncset.done $0x0  }
0x7f: {  	[sflag:s16] =	ssyncadd.s32 $0xFFFFC180  }
0x80: {  	[tilespmem:s15], [sflag:$0x1] =	stream.indirect.gather [hbm4b:s4+s12], $0x80, s19, s12, $0xb8;
	[tilespmem:$0x1D000] =	vst v63  }
0x81: {  	_ =	swait.ge [sflag:s17], $0x3E80  }
0x82: {  	[sflag:s17] =	ssyncset.done $0x0  }
0x83: {  	s1 =	rddreg [dreg:$0x11];
	[sflag:s17] =	ssyncadd.s32 $0xFFFFC180  }
0x84: {  	[spmem:s2] =	stream.indirect.scatter.add.f32 [tilespmem:s13], [sflag:$0x4], $0x80, s1, s12, $0xb8;
	[tilespmem:$0x1D000] =	vst v63  }
0x85: {  	_ =	swait.ge [sflag:s18], $0x3E80  }
0x86: {  	[sflag:s18] =	ssyncset.done $0x0  }
0x87: {  	s30 =	rddreg [dreg:$0x12];
	[sflag:s18] =	ssyncadd.s32 $0xFFFFC180  }
0x88: {  	[tilespmem:s13], [sflag:$0x2] =	stream.indirect.gather [hbm4b:s4+s12], $0x80, s30, s12, $0xb8;
	[tilespmem:$0x1D000] =	vst v63  }
0x89: {  	_ =	swait.ge [sflag:s14], $0x3E80  }
0x8a: {  	[sflag:s14] =	ssyncset.done $0x0  }
0x8b: {  	[sflag:s14] =	ssyncadd.s32 $0xFFFFC180  }
0x8c: {  	[spmem:s2] =	stream.indirect.scatter.add.f32 [tilespmem:s15], [sflag:$0x3], $0x80, s20, s12, $0xb8;
	[tilespmem:$0x1D000] =	vst v63  }
0x8d: {  	_ =	swait.ge [sflag:s16], $0x3E80  }
0x8e: {  	[sflag:s16] =	ssyncset.done $0x0  }
0x8f: {  	s31 =	rddreg [dreg:$0x13];
	[sflag:s16] =	ssyncadd.s32 $0xFFFFC180  }
0x90: {  	[tilespmem:s15], [sflag:$0x1] =	stream.indirect.gather [hbm4b:s4+s12], $0x80, s31, s12, $0xb8;
	[tilespmem:$0x1D000] =	vst v63  }
0x91: {  	_ =	swait.ge [sflag:s17], $0x3E80  }
0x92: {  	[sflag:s17] =	ssyncset.done $0x0  }
0x93: {  	s0 =	rddreg [dreg:$0x14];
	[sflag:s17] =	ssyncadd.s32 $0xFFFFC180  }
0x94: {  	[spmem:s2] =	stream.indirect.scatter.add.f32 [tilespmem:s13], [sflag:$0x4], $0x80, s0, s12, $0xb8;
	[tilespmem:$0x1D000] =	vst v63  }
0x95: {  	_ =	swait.ge [sflag:s18], $0x3E80  }
0x96: {  	[sflag:s18] =	ssyncset.done $0x0  }
0x97: {  	s1 =	rddreg [dreg:$0x15];
	[sflag:s18] =	ssyncadd.s32 $0xFFFFC180  }
0x98: {  	[tilespmem:s13], [sflag:$0x2] =	stream.indirect.gather [hbm4b:s4+s12], $0x80, s1, s12, $0xb8;
	[tilespmem:$0x1D000] =	vst v63  }
0x99: {  	_ =	swait.ge [sflag:s14], $0x3E80  }
0x9a: {  	[sflag:s14] =	ssyncset.done $0x0  }
0x9b: {  	s30 =	rddreg [dreg:$0x16];
	[sflag:s14] =	ssyncadd.s32 $0xFFFFC180  }
0x9c: {  	[spmem:s2] =	stream.indirect.scatter.add.f32 [tilespmem:s15], [sflag:$0x3], $0x80, s30, s12, $0xb8;
	[tilespmem:$0x1D000] =	vst v63  }
0x9d: {  	_ =	swait.ge [sflag:s16], $0x3E80  }
0x9e: {  	[sflag:s16] =	ssyncset.done $0x0  }
0x9f: {  	s31 =	rddreg [dreg:$0x17];
	[sflag:s16] =	ssyncadd.s32 $0xFFFFC180  }
0xa0: {  	[tilespmem:s15], [sflag:$0x1] =	stream.indirect.gather [hbm4b:s4+s12], $0x80, s31, s12, $0xb8;
	[tilespmem:$0x1D000] =	vst v63  }
0xa1: {  	_ =	swait.ge [sflag:s17], $0x3E80  }
0xa2: {  	[sflag:s17] =	ssyncset.done $0x0  }
0xa3: {  	s0 =	rddreg [dreg:$0x18];
	[sflag:s17] =	ssyncadd.s32 $0xFFFFC180  }
0xa4: {  	[spmem:s2] =	stream.indirect.scatter.add.f32 [tilespmem:s13], [sflag:$0x4], $0x80, s0, s12, $0xb8;
	[tilespmem:$0x1D000] =	vst v63  }
0xa5: {  	_ =	swait.ge [sflag:s18], $0x3E80  }
0xa6: {  	[sflag:s18] =	ssyncset.done $0x0  }
0xa7: {  	s1 =	rddreg [dreg:$0x19];
	[sflag:s18] =	ssyncadd.s32 $0xFFFFC180  }
0xa8: {  	[tilespmem:s13], [sflag:$0x2] =	stream.indirect.gather [hbm4b:s4+s12], $0x80, s1, s12, $0xb8;
	[tilespmem:$0x1D000] =	vst v63  }
0xa9: {  	_ =	swait.ge [sflag:s14], $0x3E80  }
0xaa: {  	[sflag:s14] =	ssyncset.done $0x0  }
0xab: {  	s30 =	rddreg [dreg:$0x1a];
	[sflag:s14] =	ssyncadd.s32 $0xFFFFC180  }
0xac: {  	[spmem:s2] =	stream.indirect.scatter.add.f32 [tilespmem:s15], [sflag:$0x3], $0x80, s30, s12, $0xb8;
	[tilespmem:$0x1D000] =	vst v63  }
0xad: {  	_ =	swait.ge [sflag:s16], $0x3E80  }
0xae: {  	[sflag:s16] =	ssyncset.done $0x0  }
0xaf: {  	s31 =	rddreg [dreg:$0x1b];
	[sflag:s16] =	ssyncadd.s32 $0xFFFFC180  }
0xb0: {  	[tilespmem:s15], [sflag:$0x1] =	stream.indirect.gather [hbm4b:s4+s12], $0x80, s31, s12, $0xb8;
	[tilespmem:$0x1D000] =	vst v63  }
0xb1: {  	_ =	swait.ge [sflag:s17], $0x3E80  }
0xb2: {  	[sflag:s17] =	ssyncset.done $0x0  }
0xb3: {  	[sflag:s17] =	ssyncadd.s32 $0xFFFFC180  }
0xb4: {  	[spmem:s2] =	stream.indirect.scatter.add.f32 [tilespmem:s13], [sflag:$0x4], $0x80, s21, s12, $0xb8;
	[tilespmem:$0x1D000] =	vst v63  }
0xb5: {  	_ =	swait.ge [sflag:s18], $0x3E80  }
0xb6: {  	[sflag:s18] =	ssyncset.done $0x0  }
0xb7: {  	[sflag:s18] =	ssyncadd.s32 $0xFFFFC180  }
0xb8: {  	[tilespmem:s13], [sflag:$0x2] =	stream.indirect.gather [hbm4b:s4+s12], $0x80, s22, s12, $0xb8;
	[tilespmem:$0x1D000] =	vst v63  }
0xb9: {  	_ =	swait.ge [sflag:s14], $0x3E80  }
0xba: {  	s28 =	simm.s32 $0x200;
	[sflag:s14] =	ssyncset.done $0x0  }
0xbb: {  	s26 =	simm.s32 $0x100;
	s29 =	rddreg [dreg:$0x3];
	[sflag:s14] =	ssyncadd.s32 $0xFFFFC180  }
.LBB2_2:
0xbc: {  	[spmem:s2] =	stream.indirect.scatter.add.f32 [tilespmem:s15], [sflag:$0x3], $0x80, s23, s12, $0xb8;
	[tilespmem:$0x1D000] =	vst v63  }
0xbd: {  	s29 =	sadd.s32 s26, s29  }
0xbe: {  	[tilespmem:s3], [sflag:$0x5] =	stream.linear.gather [hbm4b:s29+s3], $0x400, $0x38;
	[tilespmem:$0x1D000] =	vst v63  }
0xbf: {  	_ =	swait.ge [sflag:s10], $0x400  }
0xc0: {  	[sflag:s10] =	ssyncset.done $0x0  }
0xc1: {  	s31 =	sadd.s32 $0xA000, s29;
	[sflag:s10] =	ssyncadd.s32 $0xFFFFFC00  }
0xc2: {  	[tilespmem:s11], [sflag:$0x5] =	stream.linear.gather [hbm4b:s31+s3], $0x400, $0x38;
	[tilespmem:$0x1D000] =	vst v63  }
0xc3: {  	_ =	swait.ge [sflag:s10], $0x400  }
0xc4: {  	s30 =	smov.u32 s28;
	p1 =	sne.s32 s26, $0x0;
	[sflag:s10] =	ssyncset.done $0x0  }
0xc5: {  	s26 =	smov.u32 s30;
	s30 =	simm.s32 @p1 $0x3;
	[sflag:s10] =	ssyncadd.s32 $0xFFFFFC00  }
0xc6: {  	_ =	swait.ge @p1 [sflag:s30], $0x3E80  }
0xc7: {  	s1 =	simm.s32 @p1 $0x2;
	s0 =	simm.s32 @p1 $0x0;
	[sflag:s30] =	ssyncset.done @p1 $0x0  }
0xc8: {  	s31 =	simm.s32 @p1 $0x1000;
	[sflag:s30] =	ssyncadd.s32 @p1 $0xFFFFC180;
	s30 =	simm.s32 @p1 $0x7D  }
0xc9: {  	[tilespmem:s31], [sflag:$0x1] =	stream.indirect.gather @p1 [hbm4b:s4+s30], $0x80, s0, s30, $0xb8;
	[tilespmem:$0x1D000] =	vst v63  }
0xca: {  	_ =	swait.ge @p1 [sflag:s1], $0x3E80  }
0xcb: {  	s0 =	simm.s32 @p1 $0x4;
	[sflag:s1] =	ssyncset.done @p1 $0x0  }
0xcc: {  	s31 =	simm.s32 @p1 $0x5000;
	[sflag:s1] =	ssyncadd.s32 @p1 $0xFFFFC180;
	s1 =	simm.s32 @p1 $0xF80  }
0xcd: {  	[spmem:s2] =	stream.indirect.scatter.add.f32 @p1 [tilespmem:s31], [sflag:$0x4], $0x80, s1, s30, $0xb8;
	[tilespmem:$0x1D000] =	vst v63  }
0xce: {  	_ =	swait.ge @p1 [sflag:s0], $0x3E80  }
0xcf: {  	s1 =	simm.s32 @!p1 $0x0;
	[sflag:s0] =	ssyncset.done @p1 $0x0  }
0xd0: {  	s30 =	simm.s32 @!p1 $0x1000;
	[sflag:s0] =	ssyncadd.s32 @p1 $0xFFFFC180;
	s0 =	simm.s32 @!p1 $0x7D  }
0xd1: {  	[tilespmem:s30], [sflag:$0x1] =	stream.indirect.gather @!p1 [hbm4b:s4+s0], $0x80, s1, s0, $0xb8;
	[tilespmem:$0x1D000] =	vst v63  }
0xd2: {  	s31 =	rddreg [dreg:$0x4]  }
0xd3: {  	[tilespmem:s13], [sflag:$0x2] =	stream.indirect.gather [hbm4b:s4+s12], $0x80, s31, s12, $0xb8;
	[tilespmem:$0x1D000] =	vst v63  }
0xd4: {  	_ =	swait.ge [sflag:s14], $0x3E80  }
0xd5: {  	[sflag:s14] =	ssyncset.done $0x0  }
0xd6: {  	[sflag:s14] =	ssyncadd.s32 $0xFFFFC180  }
0xd7: {  	[spmem:s2] =	stream.indirect.scatter.add.f32 [tilespmem:s15], [sflag:$0x3], $0x80, s11, s12, $0xb8;
	[tilespmem:$0x1D000] =	vst v63  }
0xd8: {  	_ =	swait.ge [sflag:s16], $0x3E80  }
0xd9: {  	[sflag:s16] =	ssyncset.done $0x0  }
0xda: {  	s31 =	rddreg [dreg:$0x5];
	[sflag:s16] =	ssyncadd.s32 $0xFFFFC180  }
0xdb: {  	[tilespmem:s15], [sflag:$0x1] =	stream.indirect.gather [hbm4b:s4+s12], $0x80, s31, s12, $0xb8;
	[tilespmem:$0x1D000] =	vst v63  }
0xdc: {  	_ =	swait.ge [sflag:s17], $0x3E80  }
0xdd: {  	[sflag:s17] =	ssyncset.done $0x0  }
0xde: {  	s1 =	rddreg [dreg:$0x6];
	[sflag:s17] =	ssyncadd.s32 $0xFFFFC180  }
0xdf: {  	[spmem:s2] =	stream.indirect.scatter.add.f32 [tilespmem:s13], [sflag:$0x4], $0x80, s1, s12, $0xb8;
	[tilespmem:$0x1D000] =	vst v63  }
0xe0: {  	_ =	swait.ge [sflag:s18], $0x3E80  }
0xe1: {  	[sflag:s18] =	ssyncset.done $0x0  }
0xe2: {  	s30 =	rddreg [dreg:$0x7];
	[sflag:s18] =	ssyncadd.s32 $0xFFFFC180  }
0xe3: {  	[tilespmem:s13], [sflag:$0x2] =	stream.indirect.gather [hbm4b:s4+s12], $0x80, s30, s12, $0xb8;
	[tilespmem:$0x1D000] =	vst v63  }
0xe4: {  	_ =	swait.ge [sflag:s14], $0x3E80  }
0xe5: {  	[sflag:s14] =	ssyncset.done $0x0  }
0xe6: {  	s31 =	rddreg [dreg:$0x8];
	[sflag:s14] =	ssyncadd.s32 $0xFFFFC180  }
0xe7: {  	[spmem:s2] =	stream.indirect.scatter.add.f32 [tilespmem:s15], [sflag:$0x3], $0x80, s31, s12, $0xb8;
	[tilespmem:$0x1D000] =	vst v63  }
0xe8: {  	_ =	swait.ge [sflag:s16], $0x3E80  }
0xe9: {  	[sflag:s16] =	ssyncset.done $0x0  }
0xea: {  	s1 =	rddreg [dreg:$0x9];
	[sflag:s16] =	ssyncadd.s32 $0xFFFFC180  }
0xeb: {  	[tilespmem:s15], [sflag:$0x1] =	stream.indirect.gather [hbm4b:s4+s12], $0x80, s1, s12, $0xb8;
	[tilespmem:$0x1D000] =	vst v63  }
0xec: {  	_ =	swait.ge [sflag:s17], $0x3E80  }
0xed: {  	[sflag:s17] =	ssyncset.done $0x0  }
0xee: {  	s30 =	rddreg [dreg:$0xa];
	[sflag:s17] =	ssyncadd.s32 $0xFFFFC180  }
0xef: {  	[spmem:s2] =	stream.indirect.scatter.add.f32 [tilespmem:s13], [sflag:$0x4], $0x80, s30, s12, $0xb8;
	[tilespmem:$0x1D000] =	vst v63  }
0xf0: {  	_ =	swait.ge [sflag:s18], $0x3E80  }
0xf1: {  	[sflag:s18] =	ssyncset.done $0x0  }
0xf2: {  	s31 =	rddreg [dreg:$0xb];
	[sflag:s18] =	ssyncadd.s32 $0xFFFFC180  }
0xf3: {  	[tilespmem:s13], [sflag:$0x2] =	stream.indirect.gather [hbm4b:s4+s12], $0x80, s31, s12, $0xb8;
	[tilespmem:$0x1D000] =	vst v63  }
0xf4: {  	_ =	swait.ge [sflag:s14], $0x3E80  }
0xf5: {  	[sflag:s14] =	ssyncset.done $0x0  }
0xf6: {  	s1 =	rddreg [dreg:$0xc];
	[sflag:s14] =	ssyncadd.s32 $0xFFFFC180  }
0xf7: {  	[spmem:s2] =	stream.indirect.scatter.add.f32 [tilespmem:s15], [sflag:$0x3], $0x80, s1, s12, $0xb8;
	[tilespmem:$0x1D000] =	vst v63  }
0xf8: {  	_ =	swait.ge [sflag:s16], $0x3E80  }
0xf9: {  	[sflag:s16] =	ssyncset.done $0x0  }
0xfa: {  	s30 =	rddreg [dreg:$0xd];
	[sflag:s16] =	ssyncadd.s32 $0xFFFFC180  }
0xfb: {  	[tilespmem:s15], [sflag:$0x1] =	stream.indirect.gather [hbm4b:s4+s12], $0x80, s30, s12, $0xb8;
	[tilespmem:$0x1D000] =	vst v63  }
0xfc: {  	_ =	swait.ge [sflag:s17], $0x3E80  }
0xfd: {  	[sflag:s17] =	ssyncset.done $0x0  }
0xfe: {  	s31 =	rddreg [dreg:$0xe];
	[sflag:s17] =	ssyncadd.s32 $0xFFFFC180  }
0xff: {  	[spmem:s2] =	stream.indirect.scatter.add.f32 [tilespmem:s13], [sflag:$0x4], $0x80, s31, s12, $0xb8;
	[tilespmem:$0x1D000] =	vst v63  }
0x100: {  	_ =	swait.ge [sflag:s18], $0x3E80  }
0x101: {  	[sflag:s18] =	ssyncset.done $0x0  }
0x102: {  	s1 =	rddreg [dreg:$0xf];
	[sflag:s18] =	ssyncadd.s32 $0xFFFFC180  }
0x103: {  	[tilespmem:s13], [sflag:$0x2] =	stream.indirect.gather [hbm4b:s4+s12], $0x80, s1, s12, $0xb8;
	[tilespmem:$0x1D000] =	vst v63  }
0x104: {  	_ =	swait.ge [sflag:s14], $0x3E80  }
0x105: {  	[sflag:s14] =	ssyncset.done $0x0  }
0x106: {  	s30 =	rddreg [dreg:$0x10];
	[sflag:s14] =	ssyncadd.s32 $0xFFFFC180  }
0x107: {  	[spmem:s2] =	stream.indirect.scatter.add.f32 [tilespmem:s15], [sflag:$0x3], $0x80, s30, s12, $0xb8;
	[tilespmem:$0x1D000] =	vst v63  }
0x108: {  	s31 =	sadd.s32 $0x80, s29  }
0x109: {  	[tilespmem:s19], [sflag:$0x5] =	stream.linear.gather [hbm4b:s31+s3], $0x400, $0x38;
	[tilespmem:$0x1D000] =	vst v63  }
0x10a: {  	_ =	swait.ge [sflag:s10], $0x400  }
0x10b: {  	[sflag:s10] =	ssyncset.done $0x0  }
0x10c: {  	s1 =	sadd.s32 $0xA080, s29;
	[sflag:s10] =	ssyncadd.s32 $0xFFFFFC00  }
0x10d: {  	[tilespmem:s20], [sflag:$0x5] =	stream.linear.gather [hbm4b:s1+s3], $0x400, $0x38;
	[tilespmem:$0x1D000] =	vst v63  }
0x10e: {  	_ =	swait.ge [sflag:s10], $0x400  }
0x10f: {  	[sflag:s10] =	ssyncset.done $0x0  }
0x110: {  	[sflag:s10] =	ssyncadd.s32 $0xFFFFFC00  }
0x111: {  	_ =	swait.ge [sflag:s16], $0x3E80  }
0x112: {  	[sflag:s16] =	ssyncset.done $0x0  }
0x113: {  	[sflag:s16] =	ssyncadd.s32 $0xFFFFC180  }
0x114: {  	[tilespmem:s15], [sflag:$0x1] =	stream.indirect.gather [hbm4b:s4+s12], $0x80, s19, s12, $0xb8;
	[tilespmem:$0x1D000] =	vst v63  }
0x115: {  	_ =	swait.ge [sflag:s17], $0x3E80  }
0x116: {  	[sflag:s17] =	ssyncset.done $0x0  }
0x117: {  	s30 =	rddreg [dreg:$0x11];
	[sflag:s17] =	ssyncadd.s32 $0xFFFFC180  }
0x118: {  	[spmem:s2] =	stream.indirect.scatter.add.f32 [tilespmem:s13], [sflag:$0x4], $0x80, s30, s12, $0xb8;
	[tilespmem:$0x1D000] =	vst v63  }
0x119: {  	_ =	swait.ge [sflag:s18], $0x3E80  }
0x11a: {  	[sflag:s18] =	ssyncset.done $0x0  }
0x11b: {  	s31 =	rddreg [dreg:$0x12];
	[sflag:s18] =	ssyncadd.s32 $0xFFFFC180  }
0x11c: {  	[tilespmem:s13], [sflag:$0x2] =	stream.indirect.gather [hbm4b:s4+s12], $0x80, s31, s12, $0xb8;
	[tilespmem:$0x1D000] =	vst v63  }
0x11d: {  	_ =	swait.ge [sflag:s14], $0x3E80  }
0x11e: {  	[sflag:s14] =	ssyncset.done $0x0  }
0x11f: {  	[sflag:s14] =	ssyncadd.s32 $0xFFFFC180  }
0x120: {  	[spmem:s2] =	stream.indirect.scatter.add.f32 [tilespmem:s15], [sflag:$0x3], $0x80, s20, s12, $0xb8;
	[tilespmem:$0x1D000] =	vst v63  }
0x121: {  	_ =	swait.ge [sflag:s16], $0x3E80  }
0x122: {  	[sflag:s16] =	ssyncset.done $0x0  }
0x123: {  	s1 =	rddreg [dreg:$0x13];
	[sflag:s16] =	ssyncadd.s32 $0xFFFFC180  }
0x124: {  	[tilespmem:s15], [sflag:$0x1] =	stream.indirect.gather [hbm4b:s4+s12], $0x80, s1, s12, $0xb8;
	[tilespmem:$0x1D000] =	vst v63  }
0x125: {  	_ =	swait.ge [sflag:s17], $0x3E80  }
0x126: {  	[sflag:s17] =	ssyncset.done $0x0  }
0x127: {  	s30 =	rddreg [dreg:$0x14];
	[sflag:s17] =	ssyncadd.s32 $0xFFFFC180  }
0x128: {  	[spmem:s2] =	stream.indirect.scatter.add.f32 [tilespmem:s13], [sflag:$0x4], $0x80, s30, s12, $0xb8;
	[tilespmem:$0x1D000] =	vst v63  }
0x129: {  	_ =	swait.ge [sflag:s18], $0x3E80  }
0x12a: {  	[sflag:s18] =	ssyncset.done $0x0  }
0x12b: {  	s31 =	rddreg [dreg:$0x15];
	[sflag:s18] =	ssyncadd.s32 $0xFFFFC180  }
0x12c: {  	[tilespmem:s13], [sflag:$0x2] =	stream.indirect.gather [hbm4b:s4+s12], $0x80, s31, s12, $0xb8;
	[tilespmem:$0x1D000] =	vst v63  }
0x12d: {  	_ =	swait.ge [sflag:s14], $0x3E80  }
0x12e: {  	[sflag:s14] =	ssyncset.done $0x0  }
0x12f: {  	s1 =	rddreg [dreg:$0x16];
	[sflag:s14] =	ssyncadd.s32 $0xFFFFC180  }
0x130: {  	[spmem:s2] =	stream.indirect.scatter.add.f32 [tilespmem:s15], [sflag:$0x3], $0x80, s1, s12, $0xb8;
	[tilespmem:$0x1D000] =	vst v63  }
0x131: {  	_ =	swait.ge [sflag:s16], $0x3E80  }
0x132: {  	[sflag:s16] =	ssyncset.done $0x0  }
0x133: {  	s30 =	rddreg [dreg:$0x17];
	[sflag:s16] =	ssyncadd.s32 $0xFFFFC180  }
0x134: {  	[tilespmem:s15], [sflag:$0x1] =	stream.indirect.gather [hbm4b:s4+s12], $0x80, s30, s12, $0xb8;
	[tilespmem:$0x1D000] =	vst v63  }
0x135: {  	_ =	swait.ge [sflag:s17], $0x3E80  }
0x136: {  	[sflag:s17] =	ssyncset.done $0x0  }
0x137: {  	s31 =	rddreg [dreg:$0x18];
	[sflag:s17] =	ssyncadd.s32 $0xFFFFC180  }
0x138: {  	[spmem:s2] =	stream.indirect.scatter.add.f32 [tilespmem:s13], [sflag:$0x4], $0x80, s31, s12, $0xb8;
	[tilespmem:$0x1D000] =	vst v63  }
0x139: {  	_ =	swait.ge [sflag:s18], $0x3E80  }
0x13a: {  	[sflag:s18] =	ssyncset.done $0x0  }
0x13b: {  	s1 =	rddreg [dreg:$0x19];
	[sflag:s18] =	ssyncadd.s32 $0xFFFFC180  }
0x13c: {  	[tilespmem:s13], [sflag:$0x2] =	stream.indirect.gather [hbm4b:s4+s12], $0x80, s1, s12, $0xb8;
	[tilespmem:$0x1D000] =	vst v63  }
0x13d: {  	_ =	swait.ge [sflag:s14], $0x3E80  }
0x13e: {  	[sflag:s14] =	ssyncset.done $0x0  }
0x13f: {  	s30 =	rddreg [dreg:$0x1a];
	[sflag:s14] =	ssyncadd.s32 $0xFFFFC180  }
0x140: {  	[spmem:s2] =	stream.indirect.scatter.add.f32 [tilespmem:s15], [sflag:$0x3], $0x80, s30, s12, $0xb8;
	[tilespmem:$0x1D000] =	vst v63  }
0x141: {  	_ =	swait.ge [sflag:s16], $0x3E80  }
0x142: {  	[sflag:s16] =	ssyncset.done $0x0  }
0x143: {  	s31 =	rddreg [dreg:$0x1b];
	[sflag:s16] =	ssyncadd.s32 $0xFFFFC180  }
0x144: {  	[tilespmem:s15], [sflag:$0x1] =	stream.indirect.gather [hbm4b:s4+s12], $0x80, s31, s12, $0xb8;
	[tilespmem:$0x1D000] =	vst v63  }
0x145: {  	_ =	swait.ge [sflag:s17], $0x3E80  }
0x146: {  	[sflag:s17] =	ssyncset.done $0x0  }
0x147: {  	[sflag:s17] =	ssyncadd.s32 $0xFFFFC180  }
0x148: {  	[spmem:s2] =	stream.indirect.scatter.add.f32 [tilespmem:s13], [sflag:$0x4], $0x80, s21, s12, $0xb8;
	[tilespmem:$0x1D000] =	vst v63  }
0x149: {  	s28 =	sadd.s32 $0x100, s28;
	_ =	swait.ge [sflag:s18], $0x3E80  }
0x14a: {  	p0 =	sne.s32 s28, $0x500;
	[sflag:s18] =	ssyncset.done $0x0  }
.Ltmp0:
0x14b: {  	[sflag:s18] =	ssyncadd.s32 $0xFFFFC180;
	(pc) =	sbr.rel @p0 .LBB2_2-.Ltmp0, $4  }
0x14c: {  	[tilespmem:s13], [sflag:$0x2] =	stream.indirect.gather [hbm4b:s4+s12], $0x80, s22, s12, $0xb8;
	[tilespmem:$0x1D000] =	vst v63  }
0x14d: {  	_ =	swait.ge [sflag:s14], $0x3E80  }
0x14e: {  	[sflag:s14] =	ssyncset.done $0x0  }
0x14f: {  	s29 =	rddreg [dreg:$0x3];
	[sflag:s14] =	ssyncadd.s32 $0xFFFFC180  }
0x150: {  	[spmem:s2] =	stream.indirect.scatter.add.f32 [tilespmem:s15], [sflag:$0x3], $0x80, s23, s12, $0xb8;
	[tilespmem:$0x1D000] =	vst v63  }
0x151: {  	s28 =	sadd.s32 s26, s29  }
0x152: {  	[tilespmem:s3], [sflag:$0x5] =	stream.linear.gather [hbm4b:s28+s3], $0x400, $0x38;
	[tilespmem:$0x1D000] =	vst v63  }
0x153: {  	_ =	swait.ge [sflag:s10], $0x400  }
0x154: {  	[sflag:s10] =	ssyncset.done $0x0  }
0x155: {  	s0 =	sadd.s32 $0xA000, s28;
	[sflag:s10] =	ssyncadd.s32 $0xFFFFFC00  }
0x156: {  	[tilespmem:s11], [sflag:$0x5] =	stream.linear.gather [hbm4b:s0+s3], $0x400, $0x38;
	[tilespmem:$0x1D000] =	vst v63  }
0x157: {  	_ =	swait.ge [sflag:s10], $0x400  }
0x158: {  	p0 =	sne.s32 s26, $0x0;
	[sflag:s10] =	ssyncset.done $0x0  }
0x159: {  	s0 =	simm.s32 @p0 $0x3;
	[sflag:s10] =	ssyncadd.s32 $0xFFFFFC00  }
0x15a: {  	_ =	swait.ge @p0 [sflag:s0], $0x3E80  }
0x15b: {  	s1 =	simm.s32 @p0 $0x1000;
	s26 =	simm.s32 @p0 $0x2;
	[sflag:s0] =	ssyncset.done @p0 $0x0  }
0x15c: {  	s29 =	simm.s32 @p0 $0x0;
	[sflag:s0] =	ssyncadd.s32 @p0 $0xFFFFC180;
	s0 =	simm.s32 @p0 $0x7D  }
0x15d: {  	[tilespmem:s1], [sflag:$0x1] =	stream.indirect.gather @p0 [hbm4b:s4+s0], $0x80, s29, s0, $0xb8;
	[tilespmem:$0x1D000] =	vst v63  }
0x15e: {  	_ =	swait.ge @p0 [sflag:s26], $0x3E80  }
0x15f: {  	s1 =	simm.s32 @p0 $0x4;
	[sflag:s26] =	ssyncset.done @p0 $0x0  }
0x160: {  	s29 =	simm.s32 @p0 $0x5000;
	[sflag:s26] =	ssyncadd.s32 @p0 $0xFFFFC180;
	s26 =	simm.s32 @p0 $0xF80  }
0x161: {  	[spmem:s2] =	stream.indirect.scatter.add.f32 @p0 [tilespmem:s29], [sflag:$0x4], $0x80, s26, s0, $0xb8;
	[tilespmem:$0x1D000] =	vst v63  }
0x162: {  	_ =	swait.ge @p0 [sflag:s1], $0x3E80  }
0x163: {  	s0 =	simm.s32 @!p0 $0x0;
	[sflag:s1] =	ssyncset.done @p0 $0x0  }
0x164: {  	s26 =	simm.s32 @!p0 $0x1000;
	[sflag:s1] =	ssyncadd.s32 @p0 $0xFFFFC180;
	s1 =	simm.s32 @!p0 $0x7D  }
0x165: {  	[tilespmem:s26], [sflag:$0x1] =	stream.indirect.gather @!p0 [hbm4b:s4+s1], $0x80, s0, s1, $0xb8;
	[tilespmem:$0x1D000] =	vst v63  }
0x166: {  	s31 =	rddreg [dreg:$0x4]  }
0x167: {  	[tilespmem:s13], [sflag:$0x2] =	stream.indirect.gather [hbm4b:s4+s12], $0x80, s31, s12, $0xb8;
	[tilespmem:$0x1D000] =	vst v63  }
0x168: {  	_ =	swait.ge [sflag:s14], $0x3E80  }
0x169: {  	[sflag:s14] =	ssyncset.done $0x0  }
0x16a: {  	[sflag:s14] =	ssyncadd.s32 $0xFFFFC180  }
0x16b: {  	[spmem:s2] =	stream.indirect.scatter.add.f32 [tilespmem:s15], [sflag:$0x3], $0x80, s11, s12, $0xb8;
	[tilespmem:$0x1D000] =	vst v63  }
0x16c: {  	_ =	swait.ge [sflag:s16], $0x3E80  }
0x16d: {  	[sflag:s16] =	ssyncset.done $0x0  }
0x16e: {  	s29 =	rddreg [dreg:$0x5];
	[sflag:s16] =	ssyncadd.s32 $0xFFFFC180  }
0x16f: {  	[tilespmem:s15], [sflag:$0x1] =	stream.indirect.gather [hbm4b:s4+s12], $0x80, s29, s12, $0xb8;
	[tilespmem:$0x1D000] =	vst v63  }
0x170: {  	_ =	swait.ge [sflag:s17], $0x3E80  }
0x171: {  	[sflag:s17] =	ssyncset.done $0x0  }
0x172: {  	s30 =	rddreg [dreg:$0x6];
	[sflag:s17] =	ssyncadd.s32 $0xFFFFC180  }
0x173: {  	[spmem:s2] =	stream.indirect.scatter.add.f32 [tilespmem:s13], [sflag:$0x4], $0x80, s30, s12, $0xb8;
	[tilespmem:$0x1D000] =	vst v63  }
0x174: {  	_ =	swait.ge [sflag:s18], $0x3E80  }
0x175: {  	[sflag:s18] =	ssyncset.done $0x0  }
0x176: {  	s31 =	rddreg [dreg:$0x7];
	[sflag:s18] =	ssyncadd.s32 $0xFFFFC180  }
0x177: {  	[tilespmem:s13], [sflag:$0x2] =	stream.indirect.gather [hbm4b:s4+s12], $0x80, s31, s12, $0xb8;
	[tilespmem:$0x1D000] =	vst v63  }
0x178: {  	_ =	swait.ge [sflag:s14], $0x3E80  }
0x179: {  	[sflag:s14] =	ssyncset.done $0x0  }
0x17a: {  	s1 =	rddreg [dreg:$0x8];
	[sflag:s14] =	ssyncadd.s32 $0xFFFFC180  }
0x17b: {  	[spmem:s2] =	stream.indirect.scatter.add.f32 [tilespmem:s15], [sflag:$0x3], $0x80, s1, s12, $0xb8;
	[tilespmem:$0x1D000] =	vst v63  }
0x17c: {  	_ =	swait.ge [sflag:s16], $0x3E80  }
0x17d: {  	[sflag:s16] =	ssyncset.done $0x0  }
0x17e: {  	s26 =	rddreg [dreg:$0x9];
	[sflag:s16] =	ssyncadd.s32 $0xFFFFC180  }
0x17f: {  	[tilespmem:s15], [sflag:$0x1] =	stream.indirect.gather [hbm4b:s4+s12], $0x80, s26, s12, $0xb8;
	[tilespmem:$0x1D000] =	vst v63  }
0x180: {  	_ =	swait.ge [sflag:s17], $0x3E80  }
0x181: {  	[sflag:s17] =	ssyncset.done $0x0  }
0x182: {  	s29 =	rddreg [dreg:$0xa];
	[sflag:s17] =	ssyncadd.s32 $0xFFFFC180  }
0x183: {  	[spmem:s2] =	stream.indirect.scatter.add.f32 [tilespmem:s13], [sflag:$0x4], $0x80, s29, s12, $0xb8;
	[tilespmem:$0x1D000] =	vst v63  }
0x184: {  	_ =	swait.ge [sflag:s18], $0x3E80  }
0x185: {  	[sflag:s18] =	ssyncset.done $0x0  }
0x186: {  	s30 =	rddreg [dreg:$0xb];
	[sflag:s18] =	ssyncadd.s32 $0xFFFFC180  }
0x187: {  	[tilespmem:s13], [sflag:$0x2] =	stream.indirect.gather [hbm4b:s4+s12], $0x80, s30, s12, $0xb8;
	[tilespmem:$0x1D000] =	vst v63  }
0x188: {  	_ =	swait.ge [sflag:s14], $0x3E80  }
0x189: {  	[sflag:s14] =	ssyncset.done $0x0  }
0x18a: {  	s31 =	rddreg [dreg:$0xc];
	[sflag:s14] =	ssyncadd.s32 $0xFFFFC180  }
0x18b: {  	[spmem:s2] =	stream.indirect.scatter.add.f32 [tilespmem:s15], [sflag:$0x3], $0x80, s31, s12, $0xb8;
	[tilespmem:$0x1D000] =	vst v63  }
0x18c: {  	_ =	swait.ge [sflag:s16], $0x3E80  }
0x18d: {  	[sflag:s16] =	ssyncset.done $0x0  }
0x18e: {  	s1 =	rddreg [dreg:$0xd];
	[sflag:s16] =	ssyncadd.s32 $0xFFFFC180  }
0x18f: {  	[tilespmem:s15], [sflag:$0x1] =	stream.indirect.gather [hbm4b:s4+s12], $0x80, s1, s12, $0xb8;
	[tilespmem:$0x1D000] =	vst v63  }
0x190: {  	_ =	swait.ge [sflag:s17], $0x3E80  }
0x191: {  	[sflag:s17] =	ssyncset.done $0x0  }
0x192: {  	s26 =	rddreg [dreg:$0xe];
	[sflag:s17] =	ssyncadd.s32 $0xFFFFC180  }
0x193: {  	[spmem:s2] =	stream.indirect.scatter.add.f32 [tilespmem:s13], [sflag:$0x4], $0x80, s26, s12, $0xb8;
	[tilespmem:$0x1D000] =	vst v63  }
0x194: {  	_ =	swait.ge [sflag:s18], $0x3E80  }
0x195: {  	[sflag:s18] =	ssyncset.done $0x0  }
0x196: {  	s29 =	rddreg [dreg:$0xf];
	[sflag:s18] =	ssyncadd.s32 $0xFFFFC180  }
0x197: {  	[tilespmem:s13], [sflag:$0x2] =	stream.indirect.gather [hbm4b:s4+s12], $0x80, s29, s12, $0xb8;
	[tilespmem:$0x1D000] =	vst v63  }
0x198: {  	_ =	swait.ge [sflag:s14], $0x3E80  }
0x199: {  	[sflag:s14] =	ssyncset.done $0x0  }
0x19a: {  	s30 =	rddreg [dreg:$0x10];
	[sflag:s14] =	ssyncadd.s32 $0xFFFFC180  }
0x19b: {  	[spmem:s2] =	stream.indirect.scatter.add.f32 [tilespmem:s15], [sflag:$0x3], $0x80, s30, s12, $0xb8;
	[tilespmem:$0x1D000] =	vst v63  }
0x19c: {  	s31 =	sadd.s32 $0x80, s28  }
0x19d: {  	[tilespmem:s19], [sflag:$0x5] =	stream.linear.gather [hbm4b:s31+s3], $0x400, $0x38;
	[tilespmem:$0x1D000] =	vst v63  }
0x19e: {  	_ =	swait.ge [sflag:s10], $0x400  }
0x19f: {  	[sflag:s10] =	ssyncset.done $0x0  }
0x1a0: {  	s1 =	sadd.s32 $0xA080, s28;
	[sflag:s10] =	ssyncadd.s32 $0xFFFFFC00  }
0x1a1: {  	[tilespmem:s20], [sflag:$0x5] =	stream.linear.gather [hbm4b:s1+s3], $0x400, $0x38;
	[tilespmem:$0x1D000] =	vst v63  }
0x1a2: {  	_ =	swait.ge [sflag:s10], $0x400  }
0x1a3: {  	[sflag:s10] =	ssyncset.done $0x0  }
0x1a4: {  	[sflag:s10] =	ssyncadd.s32 $0xFFFFFC00  }
0x1a5: {  	_ =	swait.ge [sflag:s16], $0x3E80  }
0x1a6: {  	[sflag:s16] =	ssyncset.done $0x0  }
0x1a7: {  	[sflag:s16] =	ssyncadd.s32 $0xFFFFC180  }
0x1a8: {  	[tilespmem:s15], [sflag:$0x1] =	stream.indirect.gather [hbm4b:s4+s12], $0x80, s19, s12, $0xb8;
	[tilespmem:$0x1D000] =	vst v63  }
0x1a9: {  	_ =	swait.ge [sflag:s17], $0x3E80  }
0x1aa: {  	[sflag:s17] =	ssyncset.done $0x0  }
0x1ab: {  	s26 =	rddreg [dreg:$0x11];
	[sflag:s17] =	ssyncadd.s32 $0xFFFFC180  }
0x1ac: {  	[spmem:s2] =	stream.indirect.scatter.add.f32 [tilespmem:s13], [sflag:$0x4], $0x80, s26, s12, $0xb8;
	[tilespmem:$0x1D000] =	vst v63  }
0x1ad: {  	_ =	swait.ge [sflag:s18], $0x3E80  }
0x1ae: {  	[sflag:s18] =	ssyncset.done $0x0  }
0x1af: {  	s28 =	rddreg [dreg:$0x12];
	[sflag:s18] =	ssyncadd.s32 $0xFFFFC180  }
0x1b0: {  	[tilespmem:s13], [sflag:$0x2] =	stream.indirect.gather [hbm4b:s4+s12], $0x80, s28, s12, $0xb8;
	[tilespmem:$0x1D000] =	vst v63  }
0x1b1: {  	_ =	swait.ge [sflag:s14], $0x3E80  }
0x1b2: {  	[sflag:s14] =	ssyncset.done $0x0  }
0x1b3: {  	[sflag:s14] =	ssyncadd.s32 $0xFFFFC180  }
0x1b4: {  	[spmem:s2] =	stream.indirect.scatter.add.f32 [tilespmem:s15], [sflag:$0x3], $0x80, s20, s12, $0xb8;
	[tilespmem:$0x1D000] =	vst v63  }
0x1b5: {  	_ =	swait.ge [sflag:s16], $0x3E80  }
0x1b6: {  	[sflag:s16] =	ssyncset.done $0x0  }
0x1b7: {  	s29 =	rddreg [dreg:$0x13];
	[sflag:s16] =	ssyncadd.s32 $0xFFFFC180  }
0x1b8: {  	[tilespmem:s15], [sflag:$0x1] =	stream.indirect.gather [hbm4b:s4+s12], $0x80, s29, s12, $0xb8;
	[tilespmem:$0x1D000] =	vst v63  }
0x1b9: {  	_ =	swait.ge [sflag:s17], $0x3E80  }
0x1ba: {  	[sflag:s17] =	ssyncset.done $0x0  }
0x1bb: {  	s30 =	rddreg [dreg:$0x14];
	[sflag:s17] =	ssyncadd.s32 $0xFFFFC180  }
0x1bc: {  	[spmem:s2] =	stream.indirect.scatter.add.f32 [tilespmem:s13], [sflag:$0x4], $0x80, s30, s12, $0xb8;
	[tilespmem:$0x1D000] =	vst v63  }
0x1bd: {  	_ =	swait.ge [sflag:s18], $0x3E80  }
0x1be: {  	[sflag:s18] =	ssyncset.done $0x0  }
0x1bf: {  	s31 =	rddreg [dreg:$0x15];
	[sflag:s18] =	ssyncadd.s32 $0xFFFFC180  }
0x1c0: {  	[tilespmem:s13], [sflag:$0x2] =	stream.indirect.gather [hbm4b:s4+s12], $0x80, s31, s12, $0xb8;
	[tilespmem:$0x1D000] =	vst v63  }
0x1c1: {  	_ =	swait.ge [sflag:s14], $0x3E80  }
0x1c2: {  	[sflag:s14] =	ssyncset.done $0x0  }
0x1c3: {  	s1 =	rddreg [dreg:$0x16];
	[sflag:s14] =	ssyncadd.s32 $0xFFFFC180  }
0x1c4: {  	[spmem:s2] =	stream.indirect.scatter.add.f32 [tilespmem:s15], [sflag:$0x3], $0x80, s1, s12, $0xb8;
	[tilespmem:$0x1D000] =	vst v63  }
0x1c5: {  	_ =	swait.ge [sflag:s16], $0x3E80  }
0x1c6: {  	[sflag:s16] =	ssyncset.done $0x0  }
0x1c7: {  	s26 =	rddreg [dreg:$0x17];
	[sflag:s16] =	ssyncadd.s32 $0xFFFFC180  }
0x1c8: {  	[tilespmem:s15], [sflag:$0x1] =	stream.indirect.gather [hbm4b:s4+s12], $0x80, s26, s12, $0xb8;
	[tilespmem:$0x1D000] =	vst v63  }
0x1c9: {  	_ =	swait.ge [sflag:s17], $0x3E80  }
0x1ca: {  	[sflag:s17] =	ssyncset.done $0x0  }
0x1cb: {  	s28 =	rddreg [dreg:$0x18];
	[sflag:s17] =	ssyncadd.s32 $0xFFFFC180  }
0x1cc: {  	[spmem:s2] =	stream.indirect.scatter.add.f32 [tilespmem:s13], [sflag:$0x4], $0x80, s28, s12, $0xb8;
	[tilespmem:$0x1D000] =	vst v63  }
0x1cd: {  	_ =	swait.ge [sflag:s18], $0x3E80  }
0x1ce: {  	[sflag:s18] =	ssyncset.done $0x0  }
0x1cf: {  	s29 =	rddreg [dreg:$0x19];
	[sflag:s18] =	ssyncadd.s32 $0xFFFFC180  }
0x1d0: {  	[tilespmem:s13], [sflag:$0x2] =	stream.indirect.gather [hbm4b:s4+s12], $0x80, s29, s12, $0xb8;
	[tilespmem:$0x1D000] =	vst v63  }
0x1d1: {  	_ =	swait.ge [sflag:s14], $0x3E80  }
0x1d2: {  	[sflag:s14] =	ssyncset.done $0x0  }
0x1d3: {  	s30 =	rddreg [dreg:$0x1a];
	[sflag:s14] =	ssyncadd.s32 $0xFFFFC180  }
0x1d4: {  	[spmem:s2] =	stream.indirect.scatter.add.f32 [tilespmem:s15], [sflag:$0x3], $0x80, s30, s12, $0xb8;
	[tilespmem:$0x1D000] =	vst v63  }
0x1d5: {  	_ =	swait.ge [sflag:s16], $0x3E80  }
0x1d6: {  	[sflag:s16] =	ssyncset.done $0x0  }
0x1d7: {  	s31 =	rddreg [dreg:$0x1b];
	[sflag:s16] =	ssyncadd.s32 $0xFFFFC180  }
0x1d8: {  	[tilespmem:s15], [sflag:$0x1] =	stream.indirect.gather [hbm4b:s4+s12], $0x80, s31, s12, $0xb8;
	[tilespmem:$0x1D000] =	vst v63  }
0x1d9: {  	_ =	swait.ge [sflag:s17], $0x3E80  }
0x1da: {  	[sflag:s17] =	ssyncset.done $0x0  }
0x1db: {  	[sflag:s17] =	ssyncadd.s32 $0xFFFFC180  }
0x1dc: {  	[spmem:s2] =	stream.indirect.scatter.add.f32 [tilespmem:s13], [sflag:$0x4], $0x80, s21, s12, $0xb8;
	[tilespmem:$0x1D000] =	vst v63  }
0x1dd: {  	_ =	swait.ge [sflag:s18], $0x3E80  }
0x1de: {  	[sflag:s18] =	ssyncset.done $0x0  }
0x1df: {  	[sflag:s18] =	ssyncadd.s32 $0xFFFFC180  }
0x1e0: {  	[tilespmem:s13], [sflag:$0x2] =	stream.indirect.gather [hbm4b:s4+s12], $0x80, s22, s12, $0xb8;
	[tilespmem:$0x1D000] =	vst v63  }
0x1e1: {  	_ =	swait.ge [sflag:s14], $0x3E80  }
0x1e2: {  	[sflag:s14] =	ssyncset.done $0x0  }
0x1e3: {  	[sflag:s14] =	ssyncadd.s32 $0xFFFFC180  }
0x1e4: {  	[spmem:s2] =	stream.indirect.scatter.add.f32 [tilespmem:s15], [sflag:$0x3], $0x80, s23, s12, $0xb8;
	[tilespmem:$0x1D000] =	vst v63  }
0x1e5: {  	_ =	swait.ge [sflag:s17], $0x3E80  }
0x1e6: {  	[sflag:s17] =	ssyncset.done $0x0  }
0x1e7: {  	[sflag:s17] =	ssyncadd.s32 $0xFFFFC180  }
0x1e8: {  	[spmem:s2] =	stream.indirect.scatter.add.f32 [tilespmem:s13], [sflag:$0x4], $0x80, s24, s12, $0xb8;
	[tilespmem:$0x1D000] =	vst v63  }
0x1e9: {  	_ =	swait.ge [sflag:s16], $0x3E80  }
0x1ea: {  	[sflag:s16] =	ssyncset.done $0x0  }
0x1eb: {  	[sflag:s16] =	ssyncadd.s32 $0xFFFFC180  }
0x1ec: {  	_ =	swait.ge [sflag:s18], $0x3E80  }
0x1ed: {  	s25 =	sadd.s32 $0x1, s25;
	[sflag:s18] =	ssyncset.done $0x0  }
0x1ee: {  	p0 =	sne.s32 s25, s8;
	[sflag:s18] =	ssyncadd.s32 $0xFFFFC180  }
.Ltmp1:
0x1ef: {  	[bflag:$0x0] =	sbarrier.arrive $0xFFFF;
	(pc) =	sbr.rel @p0 .LBB2_1-.Ltmp1, $4  }
0x1f0: {  	[hbm:s7], [sflag:s6] =	dma.local [spmem:s9], $0x2800  }
0x1f1: {  	_ =	swait.ge [sflag:s10], $0x2800  }
0x1f2: {  	[sflag:s10] =	ssyncset.done $0x0  }
0x1f3: {  	[sflag:s10] =	ssyncadd.s32 $0xFFFFD800  }
0x1f4: {  	_ =	sfence.sel $0x180000  }
0x1f5: {  	[bflag:$0x0] =	sbarrier.arrive $0xFFFF  }
0x1f6: {  	_ =	strace $0x9000004A  }
0x1f7: {  	s0 =	stileid.u32;
	[bflag:$0x2] =	sbarrier.arrive $0xFFFF  }
0x1f8: {  	p0 =	sne.s32 s0, $0x0;
	s0 =	rddreg [dreg:$0x2]  }
0x1f9: {  	s0 =	sadd.s32 @!p0 $0x100000, s0  }
0x1fa: {  	[sflag:s0] =	ssyncadd.tile.s32 @!p0 $0x1;
	_ =	shalt  }
.Lfunc_end2:
_tile_overlayer_lowered:
.L_overlay_start_2:
0x1fb: {  	(tag) =	ssettag $0x2  }
0x1fc: {  	s0 =	rddreg [dreg:$0x0];
	s2 =	stileid.u32  }
0x1fd: {  	s1 =	rddreg [dreg:$0x1];
	p0 =	sne.s32 s2, $0x0  }
0x1fe: {  	s3 =	rddreg [dreg:$0x2];
	[bflag:$0x3] =	sbarrier.arrive $0xFFFF;
	s2 =	simm.s32 @!p0 $0x1C05  }
0x1ff: {  	[timem:s3], [sflag:s2] =	dma.local @!p0 [hbm:s0], s1  }
0x200: {  	s0 =	simm.s32 @!p0 $0x5  }
0x201: {  	_ =	swait.ge @!p0 [sflag:s0], s1  }
0x202: {  	s1 =	ssub.s32 @!p0 $0x0, s1;
	[sflag:s0] =	ssyncset.done @!p0 $0x0  }
0x203: {  	[sflag:s0] =	ssyncadd.s32 @!p0 s1  }
0x204: {  	[bflag:$0x3] =	sbarrier.arrive $0xFFFF  }
0x205: {  	_ =	shalt  }

// kernel: kernel.8.cloned.1.call-start
scs
__scs_entry_jumppad:
0x0: {  	(pc) =	sbr.rel $0x88, $3  }
0x1: {  	(tag) =	ssettag $0x0;
	lr =	simm.s32 $0x1  }
0x2: {  	[smem:$0x3F92] =	sst lr;
	_ =	strace $0xD0000000  }
0x3: {  	_ = 	snop  }
0x4: {  	_ = 	snop  }
0x5: {  	_ = 	snop  }
0x6: {  	_ = 	snop  }
0x7: {  	_ = 	snop  }
__scs_overlays_trampoline_lowered:
0x8: {  	[smem:$0x3FA1] =	sst s0  }
0x9: {  	[smem:$0x3FA2] =	sst s1  }
0xa: {  	[smem:$0x3FA3] =	sst s2  }
0xb: {  	[smem:$0x3FA4] =	sst s3  }
0xc: {  	[smem:$0x3FA5] =	sst s4  }
0xd: {  	[smem:$0x3FA6] =	sst s5  }
0xe: {  	[smem:$0x3FA7] =	sst s6  }
0xf: {  	[smem:$0x3FA8] =	sst s7  }
0x10: {  	[smem:$0x3FA9] =	sst s8  }
0x11: {  	[smem:$0x3FAA] =	sst s9;
	s0 =	simm.s32 @!p0 $0x0  }
0x12: {  	s1 =	sld [smem:$0x3F90];
	s0 =	simm.s32 @p0 $0x1  }
0x13: {  	[smem:$0x3FAB] =	sst s0;
	s0 =	simm.s32 @!p1 $0x0  }
0x14: {  	s2 =	sld [smem:$0x3F8F];
	s0 =	simm.s32 @p1 $0x1  }
0x15: {  	[smem:$0x3FAC] =	sst s0;
	s0 =	simm.s32 @!p2 $0x0  }
0x16: {  	s3 =	sld [smem:$0x3FDB];
	s0 =	simm.s32 @p2 $0x1  }
0x17: {  	s4 =	simm.s32 $0x1BF5;
	[smem:$0x3FAE] =	sst s0  }
0x18: {  	s0 =	sld [smem:$0x3F91];
	_ =	swait.ge [sflag:s4], $0x0  }
0x19: {  	s7 =	sld [smem:$0x3F92]  }
0x1a: {  	s8 =	sadd.s32 $0xFFFFE003, lr  }
0x1b: {  	s9 =	sadd.s32 $0xFFFFFEF7, lr;
	s5 =	simm.s32 $0xFFFFFFFF;
	p2 =	slt.u32 s8, $0xFFFFF086  }
0x1c: {  	p1 =	slt.u32 s9, $0xF7A;
	s5 =	simm.s32 @!p2 $0x0  }
0x1d: {  	s5 =	simm.s32 @p1 $0x1;
	p0 =	seq.s32 s7, s2  }
0x1e: {  	s7 =	smul.u32 @!p0 $0xF7A, s2;
	p2 =	seq.s32 @!p0 s5, $0x0  }
0x1f: {  	s9 =	smul.u32 $0xF7A, s1;
	s8 =	simm.s32 @!p0 $0x1BF5;
	p2 =	por !p2, p0  }
0x20: {  	[sflag:s8] =	ssyncset.s32 @!p0 $0xFFFFF086;
	s6 =	sadd.s32 @!p0 s3, s7;
	s7 =	simm.s32 @!p0 $0x108  }
0x21: {  	s3 =	sadd.s32 s3, s9;
	s6 =	sadd.s32 @!p0 $0x88, s6;
	s7 =	simm.s32 @p2 $0x1082  }
0x22: {  	[simem:s7], [sflag:s8] =	dma.local @!p0 [hbm:s6], $0xF7A  }
0x23: {  	s9 =	sor.u32 $0xD0000000, s2;
	s6 =	simm.s32 $0x108;
	_ =	swait.ge @!p0 [sflag:s8], $0x0  }
0x24: {  	s3 =	sadd.s32 $0x88, s3;
	s6 =	simm.s32 @!p1 $0x1082;
	[sflag:s4] =	ssyncset.s32 $0xFFFFF086  }
0x25: {  	[simem:s6], [sflag:s4] =	dma.local [hbm:s3], $0xF7A  }
0x26: {  	[smem:$0x3F92] =	sst s1;
	(tag) =	ssettag s2;
	_ =	strace s9  }
0x27: {  	s1 =	sld [smem:$0x3FA2]  }
0x28: {  	s2 =	sld [smem:$0x3FA3]  }
0x29: {  	s4 =	sld [smem:$0x3FA5]  }
0x2a: {  	p0 =	seq.s32 s5, $0x0;
	s5 =	sld [smem:$0x3FA6]  }
0x2b: {  	s6 =	sld [smem:$0x3FA7]  }
0x2c: {  	s7 =	sld [smem:$0x3FA8]  }
0x2d: {  	s3 =	simm.s32 $0x108;
	s8 =	sld [smem:$0x3FA9]  }
0x2e: {  	s3 =	simm.s32 @!p0 $0x1082;
	s9 =	sld [smem:$0x3FAA]  }
0x2f: {  	lr =	sadd.s32 s0, s3;
	s0 =	sld [smem:$0x3FA1]  }
0x30: {  	s3 =	sld [smem:$0x3FA4]  }
0x31: {  	[smem:$0x3FAD] =	sst s10  }
0x32: {  	s10 =	sld [smem:$0x3FAB];
	_ =	sdelay $0x3  }
0x33: {  	p0 =	seq.s32 s10, $0x1;
	s10 =	sld [smem:$0x3FAD];
	_ =	sdelay $0x3  }
0x34: {  	[smem:$0x3FAD] =	sst s10  }
0x35: {  	s10 =	sld [smem:$0x3FAC];
	_ =	sdelay $0x3  }
0x36: {  	p1 =	seq.s32 s10, $0x1;
	s10 =	sld [smem:$0x3FAD];
	_ =	sdelay $0x3  }
0x37: {  	[smem:$0x3FAD] =	sst s10  }
0x38: {  	s10 =	sld [smem:$0x3FAE]  }
0x39: {  	_ = 	snop;
	(pc) =	sbr.ind lr, $3  }
0x3a: {  	_ = 	snop  }
0x3b: {  	_ = 	snop  }
0x3c: {  	p2 =	seq.s32 s10, $0x1;
	s10 =	sld [smem:$0x3FAD]  }
0x3d: {  	_ =	shalt  }
0x3e: {  	_ =	shalt  }
0x3f: {  	_ =	shalt  }
0x40: {  	_ =	shalt  }
0x41: {  	_ =	shalt  }
0x42: {  	_ =	shalt  }
0x43: {  	_ =	shalt  }
0x44: {  	_ =	shalt  }
0x45: {  	_ =	shalt  }
0x46: {  	_ =	shalt  }
0x47: {  	_ =	shalt  }
0x48: {  	_ =	shalt  }
0x49: {  	_ =	shalt  }
0x4a: {  	_ =	shalt  }
0x4b: {  	_ =	shalt  }
0x4c: {  	_ =	shalt  }
0x4d: {  	_ =	shalt  }
0x4e: {  	_ =	shalt  }
0x4f: {  	_ =	shalt  }
0x50: {  	_ =	shalt  }
0x51: {  	_ =	shalt  }
0x52: {  	_ =	shalt  }
0x53: {  	_ =	shalt  }
0x54: {  	_ =	shalt  }
0x55: {  	_ =	shalt  }
0x56: {  	_ =	shalt  }
0x57: {  	_ =	shalt  }
0x58: {  	_ =	shalt  }
0x59: {  	_ =	shalt  }
0x5a: {  	_ =	shalt  }
0x5b: {  	_ =	shalt  }
0x5c: {  	_ =	shalt  }
0x5d: {  	_ =	shalt  }
0x5e: {  	_ =	shalt  }
0x5f: {  	_ =	shalt  }
0x60: {  	_ =	shalt  }
0x61: {  	_ =	shalt  }
0x62: {  	_ =	shalt  }
0x63: {  	_ =	shalt  }
0x64: {  	_ =	shalt  }
0x65: {  	_ =	shalt  }
0x66: {  	_ =	shalt  }
0x67: {  	_ =	shalt  }
0x68: {  	_ =	shalt  }
0x69: {  	_ =	shalt  }
0x6a: {  	_ =	shalt  }
0x6b: {  	_ =	shalt  }
0x6c: {  	_ =	shalt  }
0x6d: {  	_ =	shalt  }
0x6e: {  	_ =	shalt  }
0x6f: {  	_ =	shalt  }
0x70: {  	_ =	shalt  }
0x71: {  	_ =	shalt  }
0x72: {  	_ =	shalt  }
0x73: {  	_ =	shalt  }
0x74: {  	_ =	shalt  }
0x75: {  	_ =	shalt  }
0x76: {  	_ =	shalt  }
0x77: {  	_ =	shalt  }
0x78: {  	_ =	shalt  }
0x79: {  	_ =	shalt  }
0x7a: {  	_ =	shalt  }
0x7b: {  	_ =	shalt  }
0x7c: {  	_ =	shalt  }
0x7d: {  	_ =	shalt  }
0x7e: {  	_ =	shalt  }
0x7f: {  	_ =	shalt  }
0x80: {  	_ =	shalt  }
0x81: {  	_ =	shalt  }
0x82: {  	_ =	shalt  }
0x83: {  	_ =	shalt  }
0x84: {  	_ =	shalt  }
0x85: {  	_ =	shalt  }
0x86: {  	_ =	shalt  }
0x87: {  	_ =	shalt  }
.Lfunc_end0:
.L_simem_size_0:
called_computation_lowered:
.L_overlay_start_0:
0x88: {  	s2 =	sld [smem:$0x3FD9]  }
0x89: {  	s3 =	sld [smem:$0x3FFE];
	_ =	sdelay $0x1  }
0x8a: {  	s1 =	srdreg.scid  }
0x8b: {  	s0 =	sand.u32 $0x1, s1  }
0x8c: {  	s16 =	sshll.u32 s0, $0xA;
	s2 =	sadd.s32 s3, s2  }
0x8d: {  	s2 =	sadd.s32 s2, s16  }
0x8e: {  	[smem:$0x3FB9] =	sst s2  }
0x8f: {  	_ = 	snop  }
0x90: {  	(tm) =	ssettm $0x1  }
0x91: {  	s17 =	sld [smem:$0x3FFB];
	_ =	sdelay $0x3  }
0x92: {  	_ =	strace s17  }
0x93: {  	s2 =	sld [smem:$0x3FFC];
	_ =	sdelay $0x3  }
0x94: {  	_ =	strace s2  }
0x95: {  	s2 =	sld [smem:$0x3FFD];
	_ =	sdelay $0x3  }
0x96: {  	_ =	strace s2  }
0x97: {  	_ =	strace $0x8FFFFFFF  }
0x98: {  	s18 =	sld [smem:$0x3FDB];
	_ =	sdelay $0x1  }
0x99: {  	s19 =	simm.s32 $_scs_section_size  }
0x9a: {  	s4 =	simm.s32 $_size__tile_overlayer_lowered;
	s5 =	simm.s32 $_tile_overlayer_lowered  }
0x9b: {  	s22 =	simm.s32 $0x1BFF;
	s21 =	sshll.u32 s5, $0x1;
	s2 =	sadd.s32 s19, s18  }
0x9c: {  	s6 =	simm.s32 $0x0;
	s20 =	sshll.u32 s4, $0x1;
	s4 =	sadd.s32 s21, s2  }
0x9d: {  	[timem:s6], [sflag:s22] =	dma.local [hbm:s4], s20  }
0x9e: {  	_ =	swait.ge [sflag:s22], s20  }
0x9f: {  	s3 =	ssub.s32 $0x0, s20;
	[sflag:s22] =	ssyncset.done $0x0  }
0xa0: {  	[sflag:s22] =	ssyncadd.s32 s3;
	_ =	sdelay $0x1  }
0xa1: {  	s23 =	simm.s32 $0x1B8B  }
0xa2: {  	_ =	swait.ge [sflag:s23], $0x1  }
0xa3: {  	[sflag:s23] =	ssyncset.done $0x0  }
0xa4: {  	s25 =	simm.s32 $0x1B8E;
	s24 =	sld [smem:$0x3FFE];
	[sflag:s23] =	ssyncadd.s32 $0xFFFFFFFF  }
0xa5: {  	s26 =	simm.s32 $execute0_lowered;
	[smem:$0x3FD2] =	sst s25  }
0xa6: {  	s4 =	sshll.u32 s26, $0x1;
	_ =	strace $0x80000046;
	[dreg:$0x1] =	wrdreg $0xFFFFFFFF  }
0xa7: {  	s28 =	simm.s32 $_size_execute0_lowered;
	s2 =	sadd.s32 s2, s4;
	[dreg:$0x0] =	wrdreg $0x0  }
0xa8: {  	s4 =	sshll.u32 s28, $0x1;
	[dreg:$0x2] =	wrdreg s2  }
0xa9: {  	[dreg:$0x3] =	wrdreg s4  }
0xaa: {  	[dreg:$0x4] =	wrdreg $0xC0  }
0xab: {  	_ =	task [dreg:s6], $0x5FFFF  }
0xac: {  	[dreg:$0x1] =	wrdreg $0xFFFFFFFF  }
0xad: {  	[dreg:$0x0] =	wrdreg $0x60  }
0xae: {  	[dreg:$0x2] =	wrdreg s24  }
0xaf: {  	[dreg:$0x3] =	wrdreg $0x90000  }
0xb0: {  	[dreg:$0x4] =	wrdreg $0x9  }
0xb1: {  	_ =	task.clear_ibuf [dreg:s6], $0x5FFFF;
	_ =	strace $0x90000046  }
0xb2: {  	s29 =	simm.s32 $0x9;
	_ =	strace $0x80000048  }
0xb3: {  	_ =	swait.ge [sflag:s29], $0x1  }
0xb4: {  	[sflag:s29] =	ssyncadd.s32 $0xFFFFFFFF  }
0xb5: {  	_ =	strace $0x90000048  }
0xb6: {  	_ =	sfence  }
0xb7: {  	s30 =	sld [smem:$0x0];
	_ =	sdelay $0x2  }
0xb8: {  	s31 =	sshll.u32 s1, $0xD;
	s1 =	sshrl.u32 s1, $0x2  }
0xb9: {  	s3 =	sand.u32 $0x4000, s31;
	s1 =	sadd.s32 s1, s30  }
0xba: {  	s0 =	sor.u32 s3, s0;
	s1 =	sshll.u32 s1, $0x11  }
0xbb: {  	s0 =	sor.u32 s1, s0  }
0xbc: {  	s0 =	sadd.s32 $0x8F2B, s0  }
0xbd: {  	[sflag:s0] =	ssyncadd.remote.s32 $0x1  }
0xbe: {  	_ =	sfence.sel $0xFFFF  }
0xbf: {  	[dreg:$0x0] =	wrdreg $0xFFFFFFFF;
	(pc) =	sbr.abs _section_cstart, $3  }
0xc0: {  	[dreg:$0x1] =	wrdreg $0xFFFFFFFF  }
0xc1: {  	_ =	task.clear_ibuf [dreg:s6], $0x2FFFF;
	_ =	strace $0x9FFFFFFF  }
0xc2: {  	(tm) =	ssettm $0x7FFFFFFF  }
0xc3: {  	_ =	shalt  }
tec
execute0_lowered:
.L_overlay_start_1:
0x0: {  	(tag) =	ssettag $0x1  }
0x1: {  	s5 =	rddreg [dreg:$0x0]  }
0x2: {  	s2 =	rddreg [dreg:$0x1]  }
0x3: {  	s1 =	stileid.u32;
	s3 =	simm.s32 $0x0;
	s4 =	srdreg.scid  }
0x4: {  	s0 =	simm.s32 $0x80;
	s14 =	simm.s32 $0x180;
	[smem:$0x7FF] =	sst s3  }
0x5: {  	s15 =	simm.s32 $0x500;
	_ =	strace $0x80000047;
	[dreg:$0x4] =	wrdreg s0  }
0x6: {  	s17 =	simm.s32 $0x200;
	s19 =	simm.s32 $0x580;
	[dreg:$0x7] =	wrdreg s14  }
0x7: {  	s21 =	simm.s32 $0x280;
	s22 =	simm.s32 $0x600;
	[dreg:$0x8] =	wrdreg s15  }
0x8: {  	s23 =	simm.s32 $0x300;
	s25 =	simm.s32 $0x680;
	[dreg:$0x9] =	wrdreg s17  }
0x9: {  	s26 =	simm.s32 $0x380;
	s28 =	simm.s32 $0x700;
	[dreg:$0xa] =	wrdreg s19  }
0xa: {  	s29 =	simm.s32 $0x780;
	s6 =	smul.u32 $0xA00, s1;
	[dreg:$0xb] =	wrdreg s21  }
0xb: {  	s30 =	simm.s32 $0x880;
	s7 =	smul.u32 $0x2800, s1;
	[dreg:$0xc] =	wrdreg s22  }
0xc: {  	s8 =	sand.u32 $0x1, s4;
	s4 =	sadd.s32 $0x17400, s5;
	[dreg:$0xd] =	wrdreg s23  }
0xd: {  	s12 =	sshll.u32 s1, $0x1;
	s16 =	smul.u32 $0x50000, s1;
	[dreg:$0xe] =	wrdreg s25  }
0xe: {  	s24 =	sshll.u32 s1, $0x6;
	s9 =	smul.u32 $0x500, s8;
	[dreg:$0xf] =	wrdreg s26  }
0xf: {  	s10 =	smul.u32 $0x28000, s8;
	s31 =	sor.u32 s8, s12;
	[dreg:$0x10] =	wrdreg s28  }
0x10: {  	s12 =	simm.s32 $0x480;
	s13 =	ssub.s32 $0x2, s8;
	[dreg:$0x11] =	wrdreg s29  }
0x11: {  	[dreg:$0x12] =	wrdreg s30;
	s14 =	simm.s32 $0x980;
	s15 =	simm.s32 $0xD00  }
0x12: {  	s17 =	simm.s32 $0xD80;
	s19 =	simm.s32 $0xE00;
	s21 =	simm.s32 $0xE80  }
0x13: {  	s23 =	simm.s32 $0xB80;
	s22 =	simm.s32 $0xC00;
	[dreg:$0x6] =	wrdreg s12  }
0x14: {  	s25 =	simm.s32 $0x0;
	s6 =	sadd.s32 s6, s5;
	[dreg:$0x15] =	wrdreg s14  }
0x15: {  	s11 =	sadd.s32 s7, s5;
	s8 =	sshrl.u32 s13, $0x1;
	[dreg:$0x16] =	wrdreg s15  }
0x16: {  	s20 =	sshrl.u32 s16, $0x2;
	s12 =	simm.s32 $0x400;
	[dreg:$0x18] =	wrdreg s17  }
0x17: {  	s14 =	simm.s32 $0x5000;
	s16 =	simm.s32 $0xA00;
	[dreg:$0x1a] =	wrdreg s19  }
0x18: {  	s15 =	simm.s32 $0x1;
	s17 =	simm.s32 $0x1D000;
	[dreg:$0x1c] =	wrdreg s21  }
0x19: {  	s19 =	simm.s32 $0x2;
	s21 =	simm.s32 $0x800;
	[dreg:$0x1d] =	wrdreg s23  }
0x1a: {  	s23 =	simm.s32 $0xF00;
	s6 =	sadd.s32 s9, s6;
	s7 =	sadd.s32 s7, s10  }
0x1b: {  	s9 =	smul.u32 $0x500, s31;
	s10 =	simm.s32 $0x100;
	s18 =	ssub.s32 s13, s8  }
0x1c: {  	s31 =	simm.s32 $0x900;
	s13 =	simm.s32 $0xC80;
	[dreg:$0x17] =	wrdreg s16  }
0x1d: {  	s16 =	simm.s32 $0x1000;
	s6 =	sadd.s32 $0x3400, s6;
	[dreg:$0x5] =	wrdreg s10  }
0x1e: {  	s7 =	sadd.s32 s7, s5;
	s10 =	sadd.s32 s20, s2;
	[dreg:$0x13] =	wrdreg s31  }
0x1f: {  	[dreg:$0x14] =	wrdreg s13;
	s13 =	simm.s32 $0x7D;
	s20 =	simm.s32 $0xB00  }
0x20: {  	[dreg:$0x3] =	wrdreg s6;
	s9 =	sadd.s32 s9, s5;
	s5 =	sadd.s32 $0x3F400, s11  }
0x21: {  	s6 =	sor.u32 $0x1C05, s24;
	s7 =	sadd.s32 $0x71400, s7;
	s10 =	sshrl.u32 s10, $0x3  }
0x22: {  	s11 =	simm.s32 $0x5;
	[dreg:$0x1b] =	wrdreg s20;
	s20 =	simm.s32 $0x4  }
0x23: {  	s8 =	sadd.s32 $0x67400, s9;
	s9 =	smax.u32 s18, $0x1;
	s18 =	simm.s32 $0xA80  }
0x24: {  	v0 =	vimm.f32 $0.0e+00;
	v1 =	vimm.f32 $1.000000000e+00;
	vm0 =	vcmask $0x3F0C;
	s24 =	simm.s32 $0xF80;
	[dreg:$0x19] =	wrdreg s18;
	s18 =	simm.s32 $0x3  }
.LBB2_1:
0x25: {  	[spmem:s10], [sflag:s6] =	dma.local [hbm:s5], $0x2800  }
0x26: {  	_ =	swait.ge [sflag:s11], $0x2800  }
0x27: {  	[sflag:s11] =	ssyncset.done $0x0  }
0x28: {  	s26 =	simm.s32 $0x40;
	s28 =	simm.s32 $0x0;
	[sflag:s11] =	ssyncadd.s32 $0xFFFFD800  }
.LBB2_2:
0x29: {  	p0 =	sne.s32 s26, $0x9FC0;
	[tilespmem:s28+$0x1D000] =	vst v0;
	s28 =	smov.u32 s26;
	s26 =	sadd.s32 $0x40, s26  }
.Ltmp0:
0x2a: {  	(pc) =	sbr.rel @p0 .LBB2_2-.Ltmp0, $2  }
0x2b: {  	_ =	sdelay $0x2  }
0x2c: {  	s28 =	sshra.s32 s28, $0x2  }
0x2d: {  	[tilespmem:s28+$0x1D000] =	vst v0  }
0x2e: {  	s26 =	simm.s32 $0x0;
	[bflag:$0x0] =	sbarrier.arrive $0xFFFF  }
.LBB2_4:
0x2f: {  	s28 =	rddreg [dreg:$0x3]  }
0x30: {  	s28 =	sadd.s32 s26, s28  }
0x31: {  	[tilespmem:s3], [sflag:$0x5] =	stream.linear.gather [hbm4b:s28+s3], $0x400, $0x38;
	[tilespmem:$0x1F800] =	vst v63  }
0x32: {  	_ =	swait.ge [sflag:s11], $0x400  }
0x33: {  	[sflag:s11] =	ssyncset.done $0x0  }
0x34: {  	s29 =	sadd.s32 $0xA000, s28;
	[sflag:s11] =	ssyncadd.s32 $0xFFFFFC00  }
0x35: {  	[tilespmem:s12], [sflag:$0x5] =	stream.linear.gather [hbm4b:s29+s3], $0x400, $0x38;
	[tilespmem:$0x1F800] =	vst v63  }
0x36: {  	_ =	swait.ge [sflag:s11], $0x400  }
0x37: {  	p0 =	sne.s32 s26, $0x0;
	[sflag:s11] =	ssyncset.done $0x0  }
0x38: {  	s29 =	simm.s32 @p0 $0x3;
	[sflag:s11] =	ssyncadd.s32 $0xFFFFFC00  }
0x39: {  	_ =	swait.ge @p0 [sflag:s29], $0x3E80  }
0x3a: {  	s30 =	simm.s32 @p0 $0x0;
	[sflag:s29] =	ssyncset.done @p0 $0x0  }
0x3b: {  	s31 =	simm.s32 @p0 $0x1000;
	[sflag:s29] =	ssyncadd.s32 @p0 $0xFFFFC180;
	s29 =	simm.s32 @p0 $0x7D  }
0x3c: {  	[tilespmem:s31], [sflag:$0x1] =	stream.indirect.gather @p0 [hbm4b:s4+s29], $0x80, s30, s29, $0xb8;
	[tilespmem:$0x1F800] =	vst v63  }
0x3d: {  	s30 =	simm.s32 @p0 $0x2  }
0x3e: {  	_ =	swait.ge @p0 [sflag:s30], $0x3E80  }
0x3f: {  	[sflag:s30] =	ssyncset.done @p0 $0x0  }
0x40: {  	s31 =	simm.s32 @p0 $0x5000;
	[sflag:s30] =	ssyncadd.s32 @p0 $0xFFFFC180;
	s30 =	simm.s32 @p0 $0xF80  }
0x41: {  	[spmem:s2] =	stream.indirect.scatter.add.f32 @p0 [tilespmem:s31], [sflag:$0x4], $0x80, s30, s29, $0xb8;
	[tilespmem:$0x1F800] =	vst v63  }
0x42: {  	v2 =	vld @p0 [tilespmem:$0xF80];
	_ =	sdelay $0x6  }
0x43: {  	v3 =	vimm.f32 @p0 $1.000000000e+00;
	s29 =	simm.s32 @p0 $0x1D000  }
0x44: {  	[tilespmem:v2+s29+$0x0] =	vst.idx.add.f32.msk @p0 $0xffff, v3  }
0x45: {  	v2 =	vld @p0 [tilespmem:$0xF90];
	_ =	sdelay $0x7  }
0x46: {  	[tilespmem:v2+s29+$0x0] =	vst.idx.add.f32.msk @p0 $0xffff, v3  }
0x47: {  	v2 =	vld @p0 [tilespmem:$0xFA0];
	_ =	sdelay $0x7  }
0x48: {  	[tilespmem:v2+s29+$0x0] =	vst.idx.add.f32.msk @p0 $0xffff, v3  }
0x49: {  	v2 =	vld @p0 [tilespmem:$0xFB0];
	_ =	sdelay $0x7  }
0x4a: {  	[tilespmem:v2+s29+$0x0] =	vst.idx.add.f32.msk @p0 $0xffff, v3  }
0x4b: {  	v2 =	vld @p0 [tilespmem:$0xFC0];
	_ =	sdelay $0x7  }
0x4c: {  	[tilespmem:v2+s29+$0x0] =	vst.idx.add.f32.msk @p0 $0xffff, v3  }
0x4d: {  	v2 =	vld @p0 [tilespmem:$0xFD0];
	_ =	sdelay $0x7  }
0x4e: {  	[tilespmem:v2+s29+$0x0] =	vst.idx.add.f32.msk @p0 $0xffff, v3  }
0x4f: {  	v2 =	vld @p0 [tilespmem:$0xFE0];
	_ =	sdelay $0x7  }
0x50: {  	[tilespmem:v2+s29+$0x0] =	vst.idx.add.f32.msk @p0 $0xffff, v3  }
0x51: {  	v2 =	vld @p0 [tilespmem:$0xFED];
	_ =	sdelay $0x1  }
0x52: {  	vm1 =	vcmask @p0 $0x3F0C;
	_ =	sdelay $0x5  }
0x53: {  	[tilespmem:v2+s29+$0x0] =	vst.idx.add.f32.msk @p0 vm1, v3;
	s29 =	simm.s32 @p0 $0x4  }
0x54: {  	_ =	swait.ge @p0 [sflag:s29], $0x3E80  }
0x55: {  	s30 =	simm.s32 @!p0 $0x0;
	[sflag:s29] =	ssyncset.done @p0 $0x0  }
0x56: {  	s31 =	simm.s32 @!p0 $0x1000;
	[sflag:s29] =	ssyncadd.s32 @p0 $0xFFFFC180;
	s29 =	simm.s32 @!p0 $0x7D  }
0x57: {  	[tilespmem:s31], [sflag:$0x1] =	stream.indirect.gather @!p0 [hbm4b:s4+s29], $0x80, s30, s29, $0xb8;
	[tilespmem:$0x1F800] =	vst v63  }
0x58: {  	s0 =	rddreg [dreg:$0x4]  }
0x59: {  	[tilespmem:s14], [sflag:$0x2] =	stream.indirect.gather [hbm4b:s4+s13], $0x80, s0, s13, $0xb8;
	[tilespmem:$0x1F800] =	vst v63  }
0x5a: {  	_ =	swait.ge [sflag:s15], $0x3E80  }
0x5b: {  	[sflag:s15] =	ssyncset.done $0x0  }
0x5c: {  	[sflag:s15] =	ssyncadd.s32 $0xFFFFC180  }
0x5d: {  	[spmem:s2] =	stream.indirect.scatter.add.f32 [tilespmem:s16], [sflag:$0x3], $0x80, s12, s13, $0xb8;
	[tilespmem:$0x1F800] =	vst v63  }
0x5e: {  	v2 =	vld [tilespmem:$0x400];
	_ =	sdelay $0x7  }
0x5f: {  	[tilespmem:v2+s17+$0x0] =	vst.idx.add.f32.msk $0xffff, v1  }
0x60: {  	v2 =	vld [tilespmem:$0x410];
	_ =	sdelay $0x7  }
0x61: {  	[tilespmem:v2+s17+$0x0] =	vst.idx.add.f32.msk $0xffff, v1  }
0x62: {  	v2 =	vld [tilespmem:$0x420];
	_ =	sdelay $0x7  }
0x63: {  	[tilespmem:v2+s17+$0x0] =	vst.idx.add.f32.msk $0xffff, v1  }
0x64: {  	v2 =	vld [tilespmem:$0x430];
	_ =	sdelay $0x7  }
0x65: {  	[tilespmem:v2+s17+$0x0] =	vst.idx.add.f32.msk $0xffff, v1  }
0x66: {  	v2 =	vld [tilespmem:$0x440];
	_ =	sdelay $0x7  }
0x67: {  	[tilespmem:v2+s17+$0x0] =	vst.idx.add.f32.msk $0xffff, v1  }
0x68: {  	v2 =	vld [tilespmem:$0x450];
	_ =	sdelay $0x7  }
0x69: {  	[tilespmem:v2+s17+$0x0] =	vst.idx.add.f32.msk $0xffff, v1  }
0x6a: {  	v2 =	vld [tilespmem:$0x460];
	_ =	sdelay $0x7  }
0x6b: {  	[tilespmem:v2+s17+$0x0] =	vst.idx.add.f32.msk $0xffff, v1  }
0x6c: {  	v2 =	vld [tilespmem:$0x46D];
	_ =	sdelay $0x7  }
0x6d: {  	[tilespmem:v2+s17+$0x0] =	vst.idx.add.f32.msk vm0, v1  }
0x6e: {  	_ =	swait.ge [sflag:s18], $0x3E80  }
0x6f: {  	[sflag:s18] =	ssyncset.done $0x0  }
0x70: {  	s29 =	rddreg [dreg:$0x5];
	[sflag:s18] =	ssyncadd.s32 $0xFFFFC180  }
0x71: {  	[tilespmem:s16], [sflag:$0x1] =	stream.indirect.gather [hbm4b:s4+s13], $0x80, s29, s13, $0xb8;
	[tilespmem:$0x1F800] =	vst v63  }
0x72: {  	_ =	swait.ge [sflag:s19], $0x3E80  }
0x73: {  	[sflag:s19] =	ssyncset.done $0x0  }
0x74: {  	s30 =	rddreg [dreg:$0x6];
	[sflag:s19] =	ssyncadd.s32 $0xFFFFC180  }
0x75: {  	[spmem:s2] =	stream.indirect.scatter.add.f32 [tilespmem:s14], [sflag:$0x4], $0x80, s30, s13, $0xb8;
	[tilespmem:$0x1F800] =	vst v63  }
0x76: {  	v2 =	vld [tilespmem:$0x480];
	_ =	sdelay $0x7  }
0x77: {  	[tilespmem:v2+s17+$0x0] =	vst.idx.add.f32.msk $0xffff, v1  }
0x78: {  	v2 =	vld [tilespmem:$0x490];
	_ =	sdelay $0x7  }
0x79: {  	[tilespmem:v2+s17+$0x0] =	vst.idx.add.f32.msk $0xffff, v1  }
0x7a: {  	v2 =	vld [tilespmem:$0x4A0];
	_ =	sdelay $0x7  }
0x7b: {  	[tilespmem:v2+s17+$0x0] =	vst.idx.add.f32.msk $0xffff, v1  }
0x7c: {  	v2 =	vld [tilespmem:$0x4B0];
	_ =	sdelay $0x7  }
0x7d: {  	[tilespmem:v2+s17+$0x0] =	vst.idx.add.f32.msk $0xffff, v1  }
0x7e: {  	v2 =	vld [tilespmem:$0x4C0];
	_ =	sdelay $0x7  }
0x7f: {  	[tilespmem:v2+s17+$0x0] =	vst.idx.add.f32.msk $0xffff, v1  }
0x80: {  	v2 =	vld [tilespmem:$0x4D0];
	_ =	sdelay $0x7  }
0x81: {  	[tilespmem:v2+s17+$0x0] =	vst.idx.add.f32.msk $0xffff, v1  }
0x82: {  	v2 =	vld [tilespmem:$0x4E0];
	_ =	sdelay $0x7  }
0x83: {  	[tilespmem:v2+s17+$0x0] =	vst.idx.add.f32.msk $0xffff, v1  }
0x84: {  	v2 =	vld [tilespmem:$0x4ED];
	_ =	sdelay $0x7  }
0x85: {  	[tilespmem:v2+s17+$0x0] =	vst.idx.add.f32.msk vm0, v1  }
0x86: {  	_ =	swait.ge [sflag:s20], $0x3E80  }
0x87: {  	[sflag:s20] =	ssyncset.done $0x0  }
0x88: {  	s31 =	rddreg [dreg:$0x7];
	[sflag:s20] =	ssyncadd.s32 $0xFFFFC180  }
0x89: {  	[tilespmem:s14], [sflag:$0x2] =	stream.indirect.gather [hbm4b:s4+s13], $0x80, s31, s13, $0xb8;
	[tilespmem:$0x1F800] =	vst v63  }
0x8a: {  	_ =	swait.ge [sflag:s15], $0x3E80  }
0x8b: {  	[sflag:s15] =	ssyncset.done $0x0  }
0x8c: {  	s29 =	rddreg [dreg:$0x8];
	[sflag:s15] =	ssyncadd.s32 $0xFFFFC180  }
0x8d: {  	[spmem:s2] =	stream.indirect.scatter.add.f32 [tilespmem:s16], [sflag:$0x3], $0x80, s29, s13, $0xb8;
	[tilespmem:$0x1F800] =	vst v63  }
0x8e: {  	v2 =	vld [tilespmem:$0x500];
	_ =	sdelay $0x7  }
0x8f: {  	[tilespmem:v2+s17+$0x0] =	vst.idx.add.f32.msk $0xffff, v1  }
0x90: {  	v2 =	vld [tilespmem:$0x510];
	_ =	sdelay $0x7  }
0x91: {  	[tilespmem:v2+s17+$0x0] =	vst.idx.add.f32.msk $0xffff, v1  }
0x92: {  	v2 =	vld [tilespmem:$0x520];
	_ =	sdelay $0x7  }
0x93: {  	[tilespmem:v2+s17+$0x0] =	vst.idx.add.f32.msk $0xffff, v1  }
0x94: {  	v2 =	vld [tilespmem:$0x530];
	_ =	sdelay $0x7  }
0x95: {  	[tilespmem:v2+s17+$0x0] =	vst.idx.add.f32.msk $0xffff, v1  }
0x96: {  	v2 =	vld [tilespmem:$0x540];
	_ =	sdelay $0x7  }
0x97: {  	[tilespmem:v2+s17+$0x0] =	vst.idx.add.f32.msk $0xffff, v1  }
0x98: {  	v2 =	vld [tilespmem:$0x550];
	_ =	sdelay $0x7  }
0x99: {  	[tilespmem:v2+s17+$0x0] =	vst.idx.add.f32.msk $0xffff, v1  }
0x9a: {  	v2 =	vld [tilespmem:$0x560];
	_ =	sdelay $0x7  }
0x9b: {  	[tilespmem:v2+s17+$0x0] =	vst.idx.add.f32.msk $0xffff, v1  }
0x9c: {  	v2 =	vld [tilespmem:$0x56D];
	_ =	sdelay $0x7  }
0x9d: {  	[tilespmem:v2+s17+$0x0] =	vst.idx.add.f32.msk vm0, v1  }
0x9e: {  	_ =	swait.ge [sflag:s18], $0x3E80  }
0x9f: {  	[sflag:s18] =	ssyncset.done $0x0  }
0xa0: {  	s30 =	rddreg [dreg:$0x9];
	[sflag:s18] =	ssyncadd.s32 $0xFFFFC180  }
0xa1: {  	[tilespmem:s16], [sflag:$0x1] =	stream.indirect.gather [hbm4b:s4+s13], $0x80, s30, s13, $0xb8;
	[tilespmem:$0x1F800] =	vst v63  }
0xa2: {  	_ =	swait.ge [sflag:s19], $0x3E80  }
0xa3: {  	[sflag:s19] =	ssyncset.done $0x0  }
0xa4: {  	s31 =	rddreg [dreg:$0xa];
	[sflag:s19] =	ssyncadd.s32 $0xFFFFC180  }
0xa5: {  	[spmem:s2] =	stream.indirect.scatter.add.f32 [tilespmem:s14], [sflag:$0x4], $0x80, s31, s13, $0xb8;
	[tilespmem:$0x1F800] =	vst v63  }
0xa6: {  	v2 =	vld [tilespmem:$0x580];
	_ =	sdelay $0x7  }
0xa7: {  	[tilespmem:v2+s17+$0x0] =	vst.idx.add.f32.msk $0xffff, v1  }
0xa8: {  	v2 =	vld [tilespmem:$0x590];
	_ =	sdelay $0x7  }
0xa9: {  	[tilespmem:v2+s17+$0x0] =	vst.idx.add.f32.msk $0xffff, v1  }
0xaa: {  	v2 =	vld [tilespmem:$0x5A0];
	_ =	sdelay $0x7  }
0xab: {  	[tilespmem:v2+s17+$0x0] =	vst.idx.add.f32.msk $0xffff, v1  }
0xac: {  	v2 =	vld [tilespmem:$0x5B0];
	_ =	sdelay $0x7  }
0xad: {  	[tilespmem:v2+s17+$0x0] =	vst.idx.add.f32.msk $0xffff, v1  }
0xae: {  	v2 =	vld [tilespmem:$0x5C0];
	_ =	sdelay $0x7  }
0xaf: {  	[tilespmem:v2+s17+$0x0] =	vst.idx.add.f32.msk $0xffff, v1  }
0xb0: {  	v2 =	vld [tilespmem:$0x5D0];
	_ =	sdelay $0x7  }
0xb1: {  	[tilespmem:v2+s17+$0x0] =	vst.idx.add.f32.msk $0xffff, v1  }
0xb2: {  	v2 =	vld [tilespmem:$0x5E0];
	_ =	sdelay $0x7  }
0xb3: {  	[tilespmem:v2+s17+$0x0] =	vst.idx.add.f32.msk $0xffff, v1  }
0xb4: {  	v2 =	vld [tilespmem:$0x5ED];
	_ =	sdelay $0x7  }
0xb5: {  	[tilespmem:v2+s17+$0x0] =	vst.idx.add.f32.msk vm0, v1  }
0xb6: {  	_ =	swait.ge [sflag:s20], $0x3E80  }
0xb7: {  	[sflag:s20] =	ssyncset.done $0x0  }
0xb8: {  	s29 =	rddreg [dreg:$0xb];
	[sflag:s20] =	ssyncadd.s32 $0xFFFFC180  }
0xb9: {  	[tilespmem:s14], [sflag:$0x2] =	stream.indirect.gather [hbm4b:s4+s13], $0x80, s29, s13, $0xb8;
	[tilespmem:$0x1F800] =	vst v63  }
0xba: {  	_ =	swait.ge [sflag:s15], $0x3E80  }
0xbb: {  	[sflag:s15] =	ssyncset.done $0x0  }
0xbc: {  	s30 =	rddreg [dreg:$0xc];
	[sflag:s15] =	ssyncadd.s32 $0xFFFFC180  }
0xbd: {  	[spmem:s2] =	stream.indirect.scatter.add.f32 [tilespmem:s16], [sflag:$0x3], $0x80, s30, s13, $0xb8;
	[tilespmem:$0x1F800] =	vst v63  }
0xbe: {  	v2 =	vld [tilespmem:$0x600];
	_ =	sdelay $0x7  }
0xbf: {  	[tilespmem:v2+s17+$0x0] =	vst.idx.add.f32.msk $0xffff, v1  }
0xc0: {  	v2 =	vld [tilespmem:$0x610];
	_ =	sdelay $0x7  }
0xc1: {  	[tilespmem:v2+s17+$0x0] =	vst.idx.add.f32.msk $0xffff, v1  }
0xc2: {  	v2 =	vld [tilespmem:$0x620];
	_ =	sdelay $0x7  }
0xc3: {  	[tilespmem:v2+s17+$0x0] =	vst.idx.add.f32.msk $0xffff, v1  }
0xc4: {  	v2 =	vld [tilespmem:$0x630];
	_ =	sdelay $0x7  }
0xc5: {  	[tilespmem:v2+s17+$0x0] =	vst.idx.add.f32.msk $0xffff, v1  }
0xc6: {  	v2 =	vld [tilespmem:$0x640];
	_ =	sdelay $0x7  }
0xc7: {  	[tilespmem:v2+s17+$0x0] =	vst.idx.add.f32.msk $0xffff, v1  }
0xc8: {  	v2 =	vld [tilespmem:$0x650];
	_ =	sdelay $0x7  }
0xc9: {  	[tilespmem:v2+s17+$0x0] =	vst.idx.add.f32.msk $0xffff, v1  }
0xca: {  	v2 =	vld [tilespmem:$0x660];
	_ =	sdelay $0x7  }
0xcb: {  	[tilespmem:v2+s17+$0x0] =	vst.idx.add.f32.msk $0xffff, v1  }
0xcc: {  	v2 =	vld [tilespmem:$0x66D];
	_ =	sdelay $0x7  }
0xcd: {  	[tilespmem:v2+s17+$0x0] =	vst.idx.add.f32.msk vm0, v1  }
0xce: {  	_ =	swait.ge [sflag:s18], $0x3E80  }
0xcf: {  	[sflag:s18] =	ssyncset.done $0x0  }
0xd0: {  	s31 =	rddreg [dreg:$0xd];
	[sflag:s18] =	ssyncadd.s32 $0xFFFFC180  }
0xd1: {  	[tilespmem:s16], [sflag:$0x1] =	stream.indirect.gather [hbm4b:s4+s13], $0x80, s31, s13, $0xb8;
	[tilespmem:$0x1F800] =	vst v63  }
0xd2: {  	_ =	swait.ge [sflag:s19], $0x3E80  }
0xd3: {  	[sflag:s19] =	ssyncset.done $0x0  }
0xd4: {  	s29 =	rddreg [dreg:$0xe];
	[sflag:s19] =	ssyncadd.s32 $0xFFFFC180  }
0xd5: {  	[spmem:s2] =	stream.indirect.scatter.add.f32 [tilespmem:s14], [sflag:$0x4], $0x80, s29, s13, $0xb8;
	[tilespmem:$0x1F800] =	vst v63  }
0xd6: {  	v2 =	vld [tilespmem:$0x680];
	_ =	sdelay $0x7  }
0xd7: {  	[tilespmem:v2+s17+$0x0] =	vst.idx.add.f32.msk $0xffff, v1  }
0xd8: {  	v2 =	vld [tilespmem:$0x690];
	_ =	sdelay $0x7  }
0xd9: {  	[tilespmem:v2+s17+$0x0] =	vst.idx.add.f32.msk $0xffff, v1  }
0xda: {  	v2 =	vld [tilespmem:$0x6A0];
	_ =	sdelay $0x7  }
0xdb: {  	[tilespmem:v2+s17+$0x0] =	vst.idx.add.f32.msk $0xffff, v1  }
0xdc: {  	v2 =	vld [tilespmem:$0x6B0];
	_ =	sdelay $0x7  }
0xdd: {  	[tilespmem:v2+s17+$0x0] =	vst.idx.add.f32.msk $0xffff, v1  }
0xde: {  	v2 =	vld [tilespmem:$0x6C0];
	_ =	sdelay $0x7  }
0xdf: {  	[tilespmem:v2+s17+$0x0] =	vst.idx.add.f32.msk $0xffff, v1  }
0xe0: {  	v2 =	vld [tilespmem:$0x6D0];
	_ =	sdelay $0x7  }
0xe1: {  	[tilespmem:v2+s17+$0x0] =	vst.idx.add.f32.msk $0xffff, v1  }
0xe2: {  	v2 =	vld [tilespmem:$0x6E0];
	_ =	sdelay $0x7  }
0xe3: {  	[tilespmem:v2+s17+$0x0] =	vst.idx.add.f32.msk $0xffff, v1  }
0xe4: {  	v2 =	vld [tilespmem:$0x6ED];
	_ =	sdelay $0x7  }
0xe5: {  	[tilespmem:v2+s17+$0x0] =	vst.idx.add.f32.msk vm0, v1  }
0xe6: {  	_ =	swait.ge [sflag:s20], $0x3E80  }
0xe7: {  	[sflag:s20] =	ssyncset.done $0x0  }
0xe8: {  	s30 =	rddreg [dreg:$0xf];
	[sflag:s20] =	ssyncadd.s32 $0xFFFFC180  }
0xe9: {  	[tilespmem:s14], [sflag:$0x2] =	stream.indirect.gather [hbm4b:s4+s13], $0x80, s30, s13, $0xb8;
	[tilespmem:$0x1F800] =	vst v63  }
0xea: {  	_ =	swait.ge [sflag:s15], $0x3E80  }
0xeb: {  	[sflag:s15] =	ssyncset.done $0x0  }
0xec: {  	s31 =	rddreg [dreg:$0x10];
	[sflag:s15] =	ssyncadd.s32 $0xFFFFC180  }
0xed: {  	[spmem:s2] =	stream.indirect.scatter.add.f32 [tilespmem:s16], [sflag:$0x3], $0x80, s31, s13, $0xb8;
	[tilespmem:$0x1F800] =	vst v63  }
0xee: {  	v2 =	vld [tilespmem:$0x700];
	_ =	sdelay $0x7  }
0xef: {  	[tilespmem:v2+s17+$0x0] =	vst.idx.add.f32.msk $0xffff, v1  }
0xf0: {  	v2 =	vld [tilespmem:$0x710];
	_ =	sdelay $0x7  }
0xf1: {  	[tilespmem:v2+s17+$0x0] =	vst.idx.add.f32.msk $0xffff, v1  }
0xf2: {  	v2 =	vld [tilespmem:$0x720];
	_ =	sdelay $0x7  }
0xf3: {  	[tilespmem:v2+s17+$0x0] =	vst.idx.add.f32.msk $0xffff, v1  }
0xf4: {  	v2 =	vld [tilespmem:$0x730];
	_ =	sdelay $0x7  }
0xf5: {  	[tilespmem:v2+s17+$0x0] =	vst.idx.add.f32.msk $0xffff, v1  }
0xf6: {  	v2 =	vld [tilespmem:$0x740];
	_ =	sdelay $0x7  }
0xf7: {  	[tilespmem:v2+s17+$0x0] =	vst.idx.add.f32.msk $0xffff, v1  }
0xf8: {  	v2 =	vld [tilespmem:$0x750];
	_ =	sdelay $0x7  }
0xf9: {  	[tilespmem:v2+s17+$0x0] =	vst.idx.add.f32.msk $0xffff, v1  }
0xfa: {  	v2 =	vld [tilespmem:$0x760];
	_ =	sdelay $0x7  }
0xfb: {  	[tilespmem:v2+s17+$0x0] =	vst.idx.add.f32.msk $0xffff, v1  }
0xfc: {  	v2 =	vld [tilespmem:$0x76D];
	_ =	sdelay $0x7  }
0xfd: {  	s29 =	sadd.s32 $0x80, s28;
	[tilespmem:v2+s17+$0x0] =	vst.idx.add.f32.msk vm0, v1  }
0xfe: {  	[tilespmem:s21], [sflag:$0x5] =	stream.linear.gather [hbm4b:s29+s3], $0x400, $0x38;
	[tilespmem:$0x1F800] =	vst v63  }
0xff: {  	_ =	swait.ge [sflag:s11], $0x400  }
0x100: {  	[sflag:s11] =	ssyncset.done $0x0  }
0x101: {  	s30 =	sadd.s32 $0xA080, s28;
	[sflag:s11] =	ssyncadd.s32 $0xFFFFFC00  }
0x102: {  	[tilespmem:s22], [sflag:$0x5] =	stream.linear.gather [hbm4b:s30+s3], $0x400, $0x38;
	[tilespmem:$0x1F800] =	vst v63  }
0x103: {  	_ =	swait.ge [sflag:s11], $0x400  }
0x104: {  	[sflag:s11] =	ssyncset.done $0x0  }
0x105: {  	[sflag:s11] =	ssyncadd.s32 $0xFFFFFC00  }
0x106: {  	_ =	swait.ge [sflag:s18], $0x3E80  }
0x107: {  	[sflag:s18] =	ssyncset.done $0x0  }
0x108: {  	[sflag:s18] =	ssyncadd.s32 $0xFFFFC180  }
0x109: {  	[tilespmem:s16], [sflag:$0x1] =	stream.indirect.gather [hbm4b:s4+s13], $0x80, s21, s13, $0xb8;
	[tilespmem:$0x1F800] =	vst v63  }
0x10a: {  	_ =	swait.ge [sflag:s19], $0x3E80  }
0x10b: {  	[sflag:s19] =	ssyncset.done $0x0  }
0x10c: {  	s31 =	rddreg [dreg:$0x11];
	[sflag:s19] =	ssyncadd.s32 $0xFFFFC180  }
0x10d: {  	[spmem:s2] =	stream.indirect.scatter.add.f32 [tilespmem:s14], [sflag:$0x4], $0x80, s31, s13, $0xb8;
	[tilespmem:$0x1F800] =	vst v63  }
0x10e: {  	v2 =	vld [tilespmem:$0x780];
	_ =	sdelay $0x7  }
0x10f: {  	[tilespmem:v2+s17+$0x0] =	vst.idx.add.f32.msk $0xffff, v1  }
0x110: {  	v2 =	vld [tilespmem:$0x790];
	_ =	sdelay $0x7  }
0x111: {  	[tilespmem:v2+s17+$0x0] =	vst.idx.add.f32.msk $0xffff, v1  }
0x112: {  	v2 =	vld [tilespmem:$0x7A0];
	_ =	sdelay $0x7  }
0x113: {  	[tilespmem:v2+s17+$0x0] =	vst.idx.add.f32.msk $0xffff, v1  }
0x114: {  	v2 =	vld [tilespmem:$0x7B0];
	_ =	sdelay $0x7  }
0x115: {  	[tilespmem:v2+s17+$0x0] =	vst.idx.add.f32.msk $0xffff, v1  }
0x116: {  	v2 =	vld [tilespmem:$0x7C0];
	_ =	sdelay $0x7  }
0x117: {  	[tilespmem:v2+s17+$0x0] =	vst.idx.add.f32.msk $0xffff, v1  }
0x118: {  	v2 =	vld [tilespmem:$0x7D0];
	_ =	sdelay $0x7  }
0x119: {  	[tilespmem:v2+s17+$0x0] =	vst.idx.add.f32.msk $0xffff, v1  }
0x11a: {  	v2 =	vld [tilespmem:$0x7E0];
	_ =	sdelay $0x7  }
0x11b: {  	[tilespmem:v2+s17+$0x0] =	vst.idx.add.f32.msk $0xffff, v1  }
0x11c: {  	v2 =	vld [tilespmem:$0x7ED];
	_ =	sdelay $0x7  }
0x11d: {  	[tilespmem:v2+s17+$0x0] =	vst.idx.add.f32.msk vm0, v1  }
0x11e: {  	_ =	swait.ge [sflag:s20], $0x3E80  }
0x11f: {  	[sflag:s20] =	ssyncset.done $0x0  }
0x120: {  	s28 =	rddreg [dreg:$0x12];
	[sflag:s20] =	ssyncadd.s32 $0xFFFFC180  }
0x121: {  	[tilespmem:s14], [sflag:$0x2] =	stream.indirect.gather [hbm4b:s4+s13], $0x80, s28, s13, $0xb8;
	[tilespmem:$0x1F800] =	vst v63  }
0x122: {  	_ =	swait.ge [sflag:s15], $0x3E80  }
0x123: {  	[sflag:s15] =	ssyncset.done $0x0  }
0x124: {  	[sflag:s15] =	ssyncadd.s32 $0xFFFFC180  }
0x125: {  	[spmem:s2] =	stream.indirect.scatter.add.f32 [tilespmem:s16], [sflag:$0x3], $0x80, s22, s13, $0xb8;
	[tilespmem:$0x1F800] =	vst v63  }
0x126: {  	v2 =	vld [tilespmem:$0xC00];
	_ =	sdelay $0x7  }
0x127: {  	[tilespmem:v2+s17+$0x0] =	vst.idx.add.f32.msk $0xffff, v1  }
0x128: {  	v2 =	vld [tilespmem:$0xC10];
	_ =	sdelay $0x7  }
0x129: {  	[tilespmem:v2+s17+$0x0] =	vst.idx.add.f32.msk $0xffff, v1  }
0x12a: {  	v2 =	vld [tilespmem:$0xC20];
	_ =	sdelay $0x7  }
0x12b: {  	[tilespmem:v2+s17+$0x0] =	vst.idx.add.f32.msk $0xffff, v1  }
0x12c: {  	v2 =	vld [tilespmem:$0xC30];
	_ =	sdelay $0x7  }
0x12d: {  	[tilespmem:v2+s17+$0x0] =	vst.idx.add.f32.msk $0xffff, v1  }
0x12e: {  	v2 =	vld [tilespmem:$0xC40];
	_ =	sdelay $0x7  }
0x12f: {  	[tilespmem:v2+s17+$0x0] =	vst.idx.add.f32.msk $0xffff, v1  }
0x130: {  	v2 =	vld [tilespmem:$0xC50];
	_ =	sdelay $0x7  }
0x131: {  	[tilespmem:v2+s17+$0x0] =	vst.idx.add.f32.msk $0xffff, v1  }
0x132: {  	v2 =	vld [tilespmem:$0xC60];
	_ =	sdelay $0x7  }
0x133: {  	[tilespmem:v2+s17+$0x0] =	vst.idx.add.f32.msk $0xffff, v1  }
0x134: {  	v2 =	vld [tilespmem:$0xC6D];
	_ =	sdelay $0x7  }
0x135: {  	[tilespmem:v2+s17+$0x0] =	vst.idx.add.f32.msk vm0, v1  }
0x136: {  	_ =	swait.ge [sflag:s18], $0x3E80  }
0x137: {  	[sflag:s18] =	ssyncset.done $0x0  }
0x138: {  	s29 =	rddreg [dreg:$0x13];
	[sflag:s18] =	ssyncadd.s32 $0xFFFFC180  }
0x139: {  	[tilespmem:s16], [sflag:$0x1] =	stream.indirect.gather [hbm4b:s4+s13], $0x80, s29, s13, $0xb8;
	[tilespmem:$0x1F800] =	vst v63  }
0x13a: {  	_ =	swait.ge [sflag:s19], $0x3E80  }
0x13b: {  	[sflag:s19] =	ssyncset.done $0x0  }
0x13c: {  	s30 =	rddreg [dreg:$0x14];
	[sflag:s19] =	ssyncadd.s32 $0xFFFFC180  }
0x13d: {  	[spmem:s2] =	stream.indirect.scatter.add.f32 [tilespmem:s14], [sflag:$0x4], $0x80, s30, s13, $0xb8;
	[tilespmem:$0x1F800] =	vst v63  }
0x13e: {  	v2 =	vld [tilespmem:$0xC80];
	_ =	sdelay $0x7  }
0x13f: {  	[tilespmem:v2+s17+$0x0] =	vst.idx.add.f32.msk $0xffff, v1  }
0x140: {  	v2 =	vld [tilespmem:$0xC90];
	_ =	sdelay $0x7  }
0x141: {  	[tilespmem:v2+s17+$0x0] =	vst.idx.add.f32.msk $0xffff, v1  }
0x142: {  	v2 =	vld [tilespmem:$0xCA0];
	_ =	sdelay $0x7  }
0x143: {  	[tilespmem:v2+s17+$0x0] =	vst.idx.add.f32.msk $0xffff, v1  }
0x144: {  	v2 =	vld [tilespmem:$0xCB0];
	_ =	sdelay $0x7  }
0x145: {  	[tilespmem:v2+s17+$0x0] =	vst.idx.add.f32.msk $0xffff, v1  }
0x146: {  	v2 =	vld [tilespmem:$0xCC0];
	_ =	sdelay $0x7  }
0x147: {  	[tilespmem:v2+s17+$0x0] =	vst.idx.add.f32.msk $0xffff, v1  }
0x148: {  	v2 =	vld [tilespmem:$0xCD0];
	_ =	sdelay $0x7  }
0x149: {  	[tilespmem:v2+s17+$0x0] =	vst.idx.add.f32.msk $0xffff, v1  }
0x14a: {  	v2 =	vld [tilespmem:$0xCE0];
	_ =	sdelay $0x7  }
0x14b: {  	[tilespmem:v2+s17+$0x0] =	vst.idx.add.f32.msk $0xffff, v1  }
0x14c: {  	v2 =	vld [tilespmem:$0xCED];
	_ =	sdelay $0x7  }
0x14d: {  	[tilespmem:v2+s17+$0x0] =	vst.idx.add.f32.msk vm0, v1  }
0x14e: {  	_ =	swait.ge [sflag:s20], $0x3E80  }
0x14f: {  	[sflag:s20] =	ssyncset.done $0x0  }
0x150: {  	s31 =	rddreg [dreg:$0x15];
	[sflag:s20] =	ssyncadd.s32 $0xFFFFC180  }
0x151: {  	[tilespmem:s14], [sflag:$0x2] =	stream.indirect.gather [hbm4b:s4+s13], $0x80, s31, s13, $0xb8;
	[tilespmem:$0x1F800] =	vst v63  }
0x152: {  	_ =	swait.ge [sflag:s15], $0x3E80  }
0x153: {  	[sflag:s15] =	ssyncset.done $0x0  }
0x154: {  	s28 =	rddreg [dreg:$0x16];
	[sflag:s15] =	ssyncadd.s32 $0xFFFFC180  }
0x155: {  	[spmem:s2] =	stream.indirect.scatter.add.f32 [tilespmem:s16], [sflag:$0x3], $0x80, s28, s13, $0xb8;
	[tilespmem:$0x1F800] =	vst v63  }
0x156: {  	v2 =	vld [tilespmem:$0xD00];
	_ =	sdelay $0x7  }
0x157: {  	[tilespmem:v2+s17+$0x0] =	vst.idx.add.f32.msk $0xffff, v1  }
0x158: {  	v2 =	vld [tilespmem:$0xD10];
	_ =	sdelay $0x7  }
0x159: {  	[tilespmem:v2+s17+$0x0] =	vst.idx.add.f32.msk $0xffff, v1  }
0x15a: {  	v2 =	vld [tilespmem:$0xD20];
	_ =	sdelay $0x7  }
0x15b: {  	[tilespmem:v2+s17+$0x0] =	vst.idx.add.f32.msk $0xffff, v1  }
0x15c: {  	v2 =	vld [tilespmem:$0xD30];
	_ =	sdelay $0x7  }
0x15d: {  	[tilespmem:v2+s17+$0x0] =	vst.idx.add.f32.msk $0xffff, v1  }
0x15e: {  	v2 =	vld [tilespmem:$0xD40];
	_ =	sdelay $0x7  }
0x15f: {  	[tilespmem:v2+s17+$0x0] =	vst.idx.add.f32.msk $0xffff, v1  }
0x160: {  	v2 =	vld [tilespmem:$0xD50];
	_ =	sdelay $0x7  }
0x161: {  	[tilespmem:v2+s17+$0x0] =	vst.idx.add.f32.msk $0xffff, v1  }
0x162: {  	v2 =	vld [tilespmem:$0xD60];
	_ =	sdelay $0x7  }
0x163: {  	[tilespmem:v2+s17+$0x0] =	vst.idx.add.f32.msk $0xffff, v1  }
0x164: {  	v2 =	vld [tilespmem:$0xD6D];
	_ =	sdelay $0x7  }
0x165: {  	[tilespmem:v2+s17+$0x0] =	vst.idx.add.f32.msk vm0, v1  }
0x166: {  	_ =	swait.ge [sflag:s18], $0x3E80  }
0x167: {  	[sflag:s18] =	ssyncset.done $0x0  }
0x168: {  	s29 =	rddreg [dreg:$0x17];
	[sflag:s18] =	ssyncadd.s32 $0xFFFFC180  }
0x169: {  	[tilespmem:s16], [sflag:$0x1] =	stream.indirect.gather [hbm4b:s4+s13], $0x80, s29, s13, $0xb8;
	[tilespmem:$0x1F800] =	vst v63  }
0x16a: {  	_ =	swait.ge [sflag:s19], $0x3E80  }
0x16b: {  	[sflag:s19] =	ssyncset.done $0x0  }
0x16c: {  	s30 =	rddreg [dreg:$0x18];
	[sflag:s19] =	ssyncadd.s32 $0xFFFFC180  }
0x16d: {  	[spmem:s2] =	stream.indirect.scatter.add.f32 [tilespmem:s14], [sflag:$0x4], $0x80, s30, s13, $0xb8;
	[tilespmem:$0x1F800] =	vst v63  }
0x16e: {  	v2 =	vld [tilespmem:$0xD80];
	_ =	sdelay $0x7  }
0x16f: {  	[tilespmem:v2+s17+$0x0] =	vst.idx.add.f32.msk $0xffff, v1  }
0x170: {  	v2 =	vld [tilespmem:$0xD90];
	_ =	sdelay $0x7  }
0x171: {  	[tilespmem:v2+s17+$0x0] =	vst.idx.add.f32.msk $0xffff, v1  }
0x172: {  	v2 =	vld [tilespmem:$0xDA0];
	_ =	sdelay $0x7  }
0x173: {  	[tilespmem:v2+s17+$0x0] =	vst.idx.add.f32.msk $0xffff, v1  }
0x174: {  	v2 =	vld [tilespmem:$0xDB0];
	_ =	sdelay $0x7  }
0x175: {  	[tilespmem:v2+s17+$0x0] =	vst.idx.add.f32.msk $0xffff, v1  }
0x176: {  	v2 =	vld [tilespmem:$0xDC0];
	_ =	sdelay $0x7  }
0x177: {  	[tilespmem:v2+s17+$0x0] =	vst.idx.add.f32.msk $0xffff, v1  }
0x178: {  	v2 =	vld [tilespmem:$0xDD0];
	_ =	sdelay $0x7  }
0x179: {  	[tilespmem:v2+s17+$0x0] =	vst.idx.add.f32.msk $0xffff, v1  }
0x17a: {  	v2 =	vld [tilespmem:$0xDE0];
	_ =	sdelay $0x7  }
0x17b: {  	[tilespmem:v2+s17+$0x0] =	vst.idx.add.f32.msk $0xffff, v1  }
0x17c: {  	v2 =	vld [tilespmem:$0xDED];
	_ =	sdelay $0x7  }
0x17d: {  	[tilespmem:v2+s17+$0x0] =	vst.idx.add.f32.msk vm0, v1  }
0x17e: {  	_ =	swait.ge [sflag:s20], $0x3E80  }
0x17f: {  	[sflag:s20] =	ssyncset.done $0x0  }
0x180: {  	s31 =	rddreg [dreg:$0x19];
	[sflag:s20] =	ssyncadd.s32 $0xFFFFC180  }
0x181: {  	[tilespmem:s14], [sflag:$0x2] =	stream.indirect.gather [hbm4b:s4+s13], $0x80, s31, s13, $0xb8;
	[tilespmem:$0x1F800] =	vst v63  }
0x182: {  	_ =	swait.ge [sflag:s15], $0x3E80  }
0x183: {  	[sflag:s15] =	ssyncset.done $0x0  }
0x184: {  	s28 =	rddreg [dreg:$0x1a];
	[sflag:s15] =	ssyncadd.s32 $0xFFFFC180  }
0x185: {  	[spmem:s2] =	stream.indirect.scatter.add.f32 [tilespmem:s16], [sflag:$0x3], $0x80, s28, s13, $0xb8;
	[tilespmem:$0x1F800] =	vst v63  }
0x186: {  	v2 =	vld [tilespmem:$0xE00];
	_ =	sdelay $0x7  }
0x187: {  	[tilespmem:v2+s17+$0x0] =	vst.idx.add.f32.msk $0xffff, v1  }
0x188: {  	v2 =	vld [tilespmem:$0xE10];
	_ =	sdelay $0x7  }
0x189: {  	[tilespmem:v2+s17+$0x0] =	vst.idx.add.f32.msk $0xffff, v1  }
0x18a: {  	v2 =	vld [tilespmem:$0xE20];
	_ =	sdelay $0x7  }
0x18b: {  	[tilespmem:v2+s17+$0x0] =	vst.idx.add.f32.msk $0xffff, v1  }
0x18c: {  	v2 =	vld [tilespmem:$0xE30];
	_ =	sdelay $0x7  }
0x18d: {  	[tilespmem:v2+s17+$0x0] =	vst.idx.add.f32.msk $0xffff, v1  }
0x18e: {  	v2 =	vld [tilespmem:$0xE40];
	_ =	sdelay $0x7  }
0x18f: {  	[tilespmem:v2+s17+$0x0] =	vst.idx.add.f32.msk $0xffff, v1  }
0x190: {  	v2 =	vld [tilespmem:$0xE50];
	_ =	sdelay $0x7  }
0x191: {  	[tilespmem:v2+s17+$0x0] =	vst.idx.add.f32.msk $0xffff, v1  }
0x192: {  	v2 =	vld [tilespmem:$0xE60];
	_ =	sdelay $0x7  }
0x193: {  	[tilespmem:v2+s17+$0x0] =	vst.idx.add.f32.msk $0xffff, v1  }
0x194: {  	v2 =	vld [tilespmem:$0xE6D];
	_ =	sdelay $0x7  }
0x195: {  	[tilespmem:v2+s17+$0x0] =	vst.idx.add.f32.msk vm0, v1  }
0x196: {  	_ =	swait.ge [sflag:s18], $0x3E80  }
0x197: {  	[sflag:s18] =	ssyncset.done $0x0  }
0x198: {  	s29 =	rddreg [dreg:$0x1b];
	[sflag:s18] =	ssyncadd.s32 $0xFFFFC180  }
0x199: {  	[tilespmem:s16], [sflag:$0x1] =	stream.indirect.gather [hbm4b:s4+s13], $0x80, s29, s13, $0xb8;
	[tilespmem:$0x1F800] =	vst v63  }
0x19a: {  	_ =	swait.ge [sflag:s19], $0x3E80  }
0x19b: {  	[sflag:s19] =	ssyncset.done $0x0  }
0x19c: {  	s30 =	rddreg [dreg:$0x1c];
	[sflag:s19] =	ssyncadd.s32 $0xFFFFC180  }
0x19d: {  	[spmem:s2] =	stream.indirect.scatter.add.f32 [tilespmem:s14], [sflag:$0x4], $0x80, s30, s13, $0xb8;
	[tilespmem:$0x1F800] =	vst v63  }
0x19e: {  	v2 =	vld [tilespmem:$0xE80];
	_ =	sdelay $0x7  }
0x19f: {  	[tilespmem:v2+s17+$0x0] =	vst.idx.add.f32.msk $0xffff, v1  }
0x1a0: {  	v2 =	vld [tilespmem:$0xE90];
	_ =	sdelay $0x7  }
0x1a1: {  	[tilespmem:v2+s17+$0x0] =	vst.idx.add.f32.msk $0xffff, v1  }
0x1a2: {  	v2 =	vld [tilespmem:$0xEA0];
	_ =	sdelay $0x7  }
0x1a3: {  	[tilespmem:v2+s17+$0x0] =	vst.idx.add.f32.msk $0xffff, v1  }
0x1a4: {  	v2 =	vld [tilespmem:$0xEB0];
	_ =	sdelay $0x7  }
0x1a5: {  	[tilespmem:v2+s17+$0x0] =	vst.idx.add.f32.msk $0xffff, v1  }
0x1a6: {  	v2 =	vld [tilespmem:$0xEC0];
	_ =	sdelay $0x7  }
0x1a7: {  	[tilespmem:v2+s17+$0x0] =	vst.idx.add.f32.msk $0xffff, v1  }
0x1a8: {  	v2 =	vld [tilespmem:$0xED0];
	_ =	sdelay $0x7  }
0x1a9: {  	[tilespmem:v2+s17+$0x0] =	vst.idx.add.f32.msk $0xffff, v1  }
0x1aa: {  	v2 =	vld [tilespmem:$0xEE0];
	_ =	sdelay $0x7  }
0x1ab: {  	[tilespmem:v2+s17+$0x0] =	vst.idx.add.f32.msk $0xffff, v1  }
0x1ac: {  	v2 =	vld [tilespmem:$0xEED];
	_ =	sdelay $0x7  }
0x1ad: {  	[tilespmem:v2+s17+$0x0] =	vst.idx.add.f32.msk vm0, v1  }
0x1ae: {  	_ =	swait.ge [sflag:s20], $0x3E80  }
0x1af: {  	[sflag:s20] =	ssyncset.done $0x0  }
0x1b0: {  	s31 =	rddreg [dreg:$0x1d];
	[sflag:s20] =	ssyncadd.s32 $0xFFFFC180  }
0x1b1: {  	[tilespmem:s14], [sflag:$0x2] =	stream.indirect.gather [hbm4b:s4+s13], $0x80, s31, s13, $0xb8;
	[tilespmem:$0x1F800] =	vst v63  }
0x1b2: {  	_ =	swait.ge [sflag:s15], $0x3E80  }
0x1b3: {  	[sflag:s15] =	ssyncset.done $0x0  }
0x1b4: {  	[sflag:s15] =	ssyncadd.s32 $0xFFFFC180  }
0x1b5: {  	[spmem:s2] =	stream.indirect.scatter.add.f32 [tilespmem:s16], [sflag:$0x3], $0x80, s23, s13, $0xb8;
	[tilespmem:$0x1F800] =	vst v63  }
0x1b6: {  	v2 =	vld [tilespmem:$0xF00];
	_ =	sdelay $0x7  }
0x1b7: {  	[tilespmem:v2+s17+$0x0] =	vst.idx.add.f32.msk $0xffff, v1  }
0x1b8: {  	v2 =	vld [tilespmem:$0xF10];
	_ =	sdelay $0x7  }
0x1b9: {  	[tilespmem:v2+s17+$0x0] =	vst.idx.add.f32.msk $0xffff, v1  }
0x1ba: {  	v2 =	vld [tilespmem:$0xF20];
	_ =	sdelay $0x7  }
0x1bb: {  	[tilespmem:v2+s17+$0x0] =	vst.idx.add.f32.msk $0xffff, v1  }
0x1bc: {  	v2 =	vld [tilespmem:$0xF30];
	_ =	sdelay $0x7  }
0x1bd: {  	[tilespmem:v2+s17+$0x0] =	vst.idx.add.f32.msk $0xffff, v1  }
0x1be: {  	v2 =	vld [tilespmem:$0xF40];
	_ =	sdelay $0x7  }
0x1bf: {  	[tilespmem:v2+s17+$0x0] =	vst.idx.add.f32.msk $0xffff, v1  }
0x1c0: {  	v2 =	vld [tilespmem:$0xF50];
	_ =	sdelay $0x7  }
0x1c1: {  	[tilespmem:v2+s17+$0x0] =	vst.idx.add.f32.msk $0xffff, v1  }
0x1c2: {  	v2 =	vld [tilespmem:$0xF60];
	_ =	sdelay $0x7  }
0x1c3: {  	[tilespmem:v2+s17+$0x0] =	vst.idx.add.f32.msk $0xffff, v1  }
0x1c4: {  	v2 =	vld [tilespmem:$0xF6D];
	_ =	sdelay $0x1  }
0x1c5: {  	s26 =	sadd.s32 $0x100, s26  }
0x1c6: {  	p0 =	sne.s32 s26, $0x500  }
.Ltmp1:
0x1c7: {  	_ = 	snop;
	(pc) =	sbr.rel @p0 .LBB2_4-.Ltmp1, $2  }
0x1c8: {  	_ =	sdelay $0x2  }
0x1c9: {  	[tilespmem:v2+s17+$0x0] =	vst.idx.add.f32.msk vm0, v1  }
0x1ca: {  	_ =	swait.ge [sflag:s19], $0x3E80  }
0x1cb: {  	[sflag:s19] =	ssyncset.done $0x0  }
0x1cc: {  	[sflag:s19] =	ssyncadd.s32 $0xFFFFC180  }
0x1cd: {  	[spmem:s2] =	stream.indirect.scatter.add.f32 [tilespmem:s14], [sflag:$0x4], $0x80, s24, s13, $0xb8;
	[tilespmem:$0x1F800] =	vst v63  }
0x1ce: {  	v2 =	vld [tilespmem:$0xF80];
	_ =	sdelay $0x7  }
0x1cf: {  	[tilespmem:v2+s17+$0x0] =	vst.idx.add.f32.msk $0xffff, v1  }
0x1d0: {  	v2 =	vld [tilespmem:$0xF90];
	_ =	sdelay $0x7  }
0x1d1: {  	[tilespmem:v2+s17+$0x0] =	vst.idx.add.f32.msk $0xffff, v1  }
0x1d2: {  	v2 =	vld [tilespmem:$0xFA0];
	_ =	sdelay $0x7  }
0x1d3: {  	[tilespmem:v2+s17+$0x0] =	vst.idx.add.f32.msk $0xffff, v1  }
0x1d4: {  	v2 =	vld [tilespmem:$0xFB0];
	_ =	sdelay $0x7  }
0x1d5: {  	[tilespmem:v2+s17+$0x0] =	vst.idx.add.f32.msk $0xffff, v1  }
0x1d6: {  	v2 =	vld [tilespmem:$0xFC0];
	_ =	sdelay $0x7  }
0x1d7: {  	[tilespmem:v2+s17+$0x0] =	vst.idx.add.f32.msk $0xffff, v1  }
0x1d8: {  	v2 =	vld [tilespmem:$0xFD0];
	_ =	sdelay $0x7  }
0x1d9: {  	[tilespmem:v2+s17+$0x0] =	vst.idx.add.f32.msk $0xffff, v1  }
0x1da: {  	v2 =	vld [tilespmem:$0xFE0];
	_ =	sdelay $0x7  }
0x1db: {  	[tilespmem:v2+s17+$0x0] =	vst.idx.add.f32.msk $0xffff, v1  }
0x1dc: {  	v2 =	vld [tilespmem:$0xFED];
	_ =	sdelay $0x7  }
0x1dd: {  	[tilespmem:v2+s17+$0x0] =	vst.idx.add.f32.msk vm0, v1  }
0x1de: {  	_ =	swait.ge [sflag:s18], $0x3E80  }
0x1df: {  	[sflag:s18] =	ssyncset.done $0x0  }
0x1e0: {  	[sflag:s18] =	ssyncadd.s32 $0xFFFFC180  }
0x1e1: {  	_ =	swait.ge [sflag:s20], $0x3E80  }
0x1e2: {  	[sflag:s20] =	ssyncset.done $0x0  }
0x1e3: {  	[sflag:s20] =	ssyncadd.s32 $0xFFFFC180  }
0x1e4: {  	[bflag:$0x0] =	sbarrier.arrive $0xFFFF  }
0x1e5: {  	[hbm:s7], [sflag:s6] =	dma.local [spmem:s10], $0x2800  }
0x1e6: {  	s25 =	sadd.s32 $0x1, s25;
	_ =	swait.ge [sflag:s11], $0x2800  }
0x1e7: {  	p0 =	sne.s32 s25, s9;
	[sflag:s11] =	ssyncset.done $0x0  }
.Ltmp2:
0x1e8: {  	[sflag:s11] =	ssyncadd.s32 $0xFFFFD800;
	(pc) =	sbr.rel @p0 .LBB2_1-.Ltmp2, $4  }
0x1e9: {  	[hbm4b:s8+s3] =	stream.linear.scatter [tilespmem:s17], [sflag:$0x5], $0x2800, $0x38;
	[tilespmem:$0x1F800] =	vst v63  }
0x1ea: {  	_ =	swait.ge [sflag:s11], $0x2800  }
0x1eb: {  	[sflag:s11] =	ssyncset.done $0x0  }
0x1ec: {  	[sflag:s11] =	ssyncadd.s32 $0xFFFFD800  }
0x1ed: {  	_ =	sfence.sel $0x180000  }
0x1ee: {  	[bflag:$0x0] =	sbarrier.arrive $0xFFFF  }
0x1ef: {  	_ =	strace $0x90000047  }
0x1f0: {  	[bflag:$0x2] =	sbarrier.arrive $0xFFFF  }
0x1f1: {  	p0 =	sne.s32 s1, $0x0;
	s0 =	rddreg [dreg:$0x2]  }
0x1f2: {  	s0 =	sadd.s32 @!p0 $0x100000, s0  }
0x1f3: {  	[sflag:s0] =	ssyncadd.tile.s32 @!p0 $0x1;
	_ =	shalt  }
.Lfunc_end2:
_tile_overlayer_lowered:
.L_overlay_start_2:
0x1f4: {  	(tag) =	ssettag $0x2  }
0x1f5: {  	s0 =	rddreg [dreg:$0x0];
	s2 =	stileid.u32  }
0x1f6: {  	s1 =	rddreg [dreg:$0x1];
	p0 =	sne.s32 s2, $0x0  }
0x1f7: {  	s3 =	rddreg [dreg:$0x2];
	[bflag:$0x3] =	sbarrier.arrive $0xFFFF;
	s2 =	simm.s32 @!p0 $0x1C05  }
0x1f8: {  	[timem:s3], [sflag:s2] =	dma.local @!p0 [hbm:s0], s1  }
0x1f9: {  	s0 =	simm.s32 @!p0 $0x5  }
0x1fa: {  	_ =	swait.ge @!p0 [sflag:s0], s1  }
0x1fb: {  	s1 =	ssub.s32 @!p0 $0x0, s1;
	[sflag:s0] =	ssyncset.done @!p0 $0x0  }
0x1fc: {  	[sflag:s0] =	ssyncadd.s32 @!p0 s1  }
0x1fd: {  	[bflag:$0x3] =	sbarrier.arrive $0xFFFF  }
0x1fe: {  	_ =	shalt  }

</sc_bundles>
